<compile_context>
chip_gen: v7x
topology: tpu7x:2x2x1
jax: 0.10.2.dev20260603
libtpu: 0.0.44.dev20260713+nightly
codegen_flags: <defaults>
</compile_context>

<pallas_src>
import functools

import jax
import jax.numpy as jnp
from jax import lax
from jax.experimental import pallas as pl
from jax.experimental.pallas import tpu as pltpu
from jax.experimental.pallas import tpu_sc as plsc

_N = 10000
_E = 320000
_G = 64
_D1 = 128
_D2 = 32

_NC, _NS = 2, 16
_NW = _NC * _NS
_CH = 128
_NCHUNKS = _E // _CH
_BASE_CHUNKS = _NCHUNKS // _NW
_EXTRA = _NCHUNKS % _NW
_SB = 13
_NSB = _BASE_CHUNKS // _SB
_ROWS_A = 632
_ROWS_B = 624
_ZR = 48

_BM = 1000


def _sc_mean_agg(table, eflat, d, tiled):
    mesh = plsc.VectorSubcoreMesh(core_axis_name="c", subcore_axis_name="s")

    @functools.partial(
        pl.kernel,
        mesh=mesh,
        compiler_params=pltpu.CompilerParams(use_tc_tiling_on_sc=tiled),
        out_type=jax.ShapeDtypeStruct((_NC, _N, d), jnp.float32),
        scratch_types=[
            pltpu.VMEM((_SB * _CH,), jnp.int32),
            pltpu.VMEM((_SB * _CH,), jnp.int32),
            pltpu.VMEM((_CH,), jnp.int32),
            pltpu.VMEM((_CH,), jnp.int32),
            pltpu.VMEM((_CH, d), jnp.float32),
            pltpu.VMEM((_CH, d), jnp.float32),
            pltpu.VMEM((_ZR, d), jnp.float32),
            pltpu.VMEM_SHARED((_N, d), jnp.float32),
            pltpu.SemaphoreType.DMA,
            pltpu.SemaphoreType.DMA,
            pltpu.SemaphoreType.DMA,
            pltpu.SemaphoreType.DMA,
            pltpu.SemaphoreType.DMA,
        ],
    )
    def k(table_hbm, e_hbm, out_hbm, sA_v, sB_v, d0_v, d1_v,
          r0_v, r1_v, z_v, acc_sh, g0, g1, isem, ds0, ds1):
        cid = lax.axis_index("c")
        sid = lax.axis_index("s")
        w = cid * _NS + sid

        @pl.loop(0, _ZR)
        def _(r):
            for j in range(d // 16):
                z_v[r, pl.ds(16 * j, 16)] = jnp.zeros((16,), jnp.float32)

        row0 = (sid * (_ROWS_B // 8) + jnp.minimum(sid, 2)) * 8

        @pl.loop(0, _ROWS_B // _ZR)
        def _(t):
            pltpu.sync_copy(z_v, acc_sh.at[pl.ds(row0 + t * _ZR, _ZR)])

        @pl.when(sid < 2)
        def _():
            pltpu.sync_copy(z_v.at[pl.ds(0, 8)],
                            acc_sh.at[pl.ds(row0 + _ROWS_B, 8)])

        plsc.subcore_barrier()

        cbase = _BASE_CHUNKS * w + jnp.minimum(w, _EXTRA)
        rows = (r0_v, r1_v)
        gsems = (g0, g1)
        dbufs = (d0_v, d1_v)
        dsems = (ds0, ds1)

        def prefetch_src(s_v, sb):
            pltpu.async_copy(
                e_hbm.at[pl.ds((cbase + sb * _SB) * _CH, _SB * _CH)],
                s_v, isem)

        def wait_src(s_v, sb):
            pltpu.make_async_copy(
                e_hbm.at[pl.ds((cbase + sb * _SB) * _CH, _SB * _CH)],
                s_v, isem).wait()

        def start_dst(c, b):
            pltpu.async_copy(e_hbm.at[pl.ds(_E + c * _CH, _CH)], dbufs[b],
                             dsems[b])

        def wait_dst(c, b):
            pltpu.make_async_copy(e_hbm.at[pl.ds(_E + c * _CH, _CH)],
                                  dbufs[b], dsems[b]).wait()

        def start_gather(s_v, j, b):
            pltpu.async_copy(table_hbm.at[s_v.at[pl.ds(j * _CH, _CH)]],
                             rows[b], gsems[b])

        def wait_gather(s_v, j, b):
            pltpu.make_async_copy(table_hbm.at[s_v.at[pl.ds(j * _CH, _CH)]],
                                  rows[b], gsems[b]).wait()

        def scatter(b):
            pltpu.sync_copy(rows[b], acc_sh.at[dbufs[b]], add=True)

        def run_superblock(s_v, s_next, sb):
            c0 = cbase + sb * _SB
            wait_src(s_v, sb)
            start_dst(c0, 0)
            start_gather(s_v, 0, 0)
            start_dst(c0 + 1, 1)
            start_gather(s_v, 1, 1)

            @pl.when(sb + 1 < _NSB)
            def _():
                prefetch_src(s_next, sb + 1)

            for j in range(_SB):
                b = j % 2
                wait_gather(s_v, j, b)
                wait_dst(c0 + j, b)
                scatter(b)
                if j + 2 < _SB:
                    start_dst(c0 + j + 2, b)
                    start_gather(s_v, j + 2, b)

        prefetch_src(sA_v, 0)

        @pl.loop(0, _NSB // 2)
        def _(u):
            run_superblock(sA_v, sB_v, 2 * u)
            run_superblock(sB_v, sA_v, 2 * u + 1)

        @pl.when(w < _EXTRA)
        def _():
            c0 = cbase + _BASE_CHUNKS
            pltpu.sync_copy(e_hbm.at[pl.ds(c0 * _CH, _CH)],
                            sA_v.at[pl.ds(0, _CH)])
            pltpu.sync_copy(e_hbm.at[pl.ds(_E + c0 * _CH, _CH)], d0_v)
            start_gather(sA_v, 0, 0)
            wait_gather(sA_v, 0, 0)
            scatter(0)

        plsc.subcore_barrier()

        @pl.when(sid < 2)
        def _():
            pltpu.sync_copy(acc_sh.at[pl.ds(row0, _ROWS_A)],
                            out_hbm.at[cid, pl.ds(row0, _ROWS_A)])

        @pl.when(sid >= 2)
        def _():
            pltpu.sync_copy(acc_sh.at[pl.ds(row0, _ROWS_B)],
                            out_hbm.at[cid, pl.ds(row0, _ROWS_B)])

    return k(table, eflat)


def _t1(x, w1):
    def body(x_ref, w_ref, o_ref):
        acc = jnp.dot(x_ref[...], w_ref[...],
                      preferred_element_type=jnp.float32)
        o_ref[...] = jnp.concatenate(
            [jnp.ones((_BM, 1), jnp.float32), acc,
             jnp.zeros((_BM, _D1 - 101), jnp.float32)], axis=1)

    return pl.pallas_call(
        body,
        grid=(_N // _BM,),
        in_specs=[pl.BlockSpec((_BM, 128), lambda i: (i, 0)),
                  pl.BlockSpec((128, 100), lambda i: (0, 0))],
        out_specs=pl.BlockSpec((_BM, _D1), lambda i: (i, 0)),
        out_shape=jax.ShapeDtypeStruct((_N, _D1), jnp.float32),
    )(x, w1)


def _t2(p1, b1, w2):
    def body(p_ref, b_ref, w_ref, o_ref):
        pa = p_ref[0] + p_ref[1]
        deg = jnp.maximum(pa[:, 0:1], 1.0)
        hd = jnp.maximum(pa[:, 1:101] / deg + b_ref[...], 0.0)
        t2d = jnp.dot(hd, w_ref[...], preferred_element_type=jnp.float32)
        o_ref[...] = jnp.concatenate(
            [jnp.ones((_BM, 1), jnp.float32), t2d,
             jnp.zeros((_BM, _D2 - 21), jnp.float32)], axis=1)

    return pl.pallas_call(
        body,
        grid=(_N // _BM,),
        in_specs=[pl.BlockSpec((_NC, _BM, _D1), lambda i: (0, i, 0)),
                  pl.BlockSpec((1, 100), lambda i: (0, 0)),
                  pl.BlockSpec((100, 20), lambda i: (0, 0))],
        out_specs=pl.BlockSpec((_BM, _D2), lambda i: (i, 0)),
        out_shape=jax.ShapeDtypeStruct((_N, _D2), jnp.float32),
    )(p1, b1, w2)


def _bn(z, g, b):
    m = jnp.mean(z, axis=0, keepdims=True)
    v = jnp.mean((z - m) ** 2, axis=0, keepdims=True)
    return g * (z - m) / jnp.sqrt(v + 1e-5) + b


def _t3(p2, gids, b2, self_feat, fc1_w, fc1_b, bn1_g, bn1_b,
        fc2_w, fc2_b, bn2_g, bn2_b, fc3_w, fc3_b):
    steps = _N // _BM

    def body(p_ref, g_ref, b2_ref, sf_ref, w1_ref, w1b_ref, g1_ref, bb1_ref,
             w2_ref, w2b_ref, g2_ref, bb2_ref, w3_ref, w3b_ref, o_ref,
             acc_ref):
        i = pl.program_id(0)

        @pl.when(i == 0)
        def _():
            acc_ref[...] = jnp.zeros_like(acc_ref)

        pa = p_ref[0] + p_ref[1]
        deg = jnp.maximum(pa[:, 0:1], 1.0)
        h2d = jnp.maximum(pa[:, 1:21] / deg + b2_ref[...], 0.0)
        h2 = jnp.concatenate(
            [jnp.ones((_BM, 1), jnp.float32), h2d], axis=1)
        seg = lax.broadcasted_iota(jnp.int32, (_G, _BM), 0)
        onehot = (g_ref[0] == seg).astype(jnp.float32)
        acc_ref[...] += jnp.dot(onehot, h2,
                                preferred_element_type=jnp.float32)

        @pl.when(i == steps - 1)
        def _():
            acc = acc_ref[...]
            cnt = jnp.maximum(acc[:, 0:1], 1.0)
            hg = acc[:, 1:21] / cnt
            c1 = jnp.concatenate([hg, sf_ref[...]], axis=1)
            z = jnp.dot(c1, w1_ref[...],
                        preferred_element_type=jnp.float32) + w1b_ref[...]
            o1 = jnp.maximum(_bn(z, g1_ref[...], bb1_ref[...]), 0.0)
            c2 = jnp.concatenate([o1, sf_ref[...]], axis=1)
            z2 = jnp.dot(c2, w2_ref[...],
                         preferred_element_type=jnp.float32) + w2b_ref[...]
            o2 = jnp.maximum(_bn(z2, g2_ref[...], bb2_ref[...]), 0.0)
            o_ref[...] = jnp.dot(o2, w3_ref[...],
                                 preferred_element_type=jnp.float32) + w3b_ref[...]

    def full(shape):
        return pl.BlockSpec(shape, lambda i: tuple(0 for _ in shape))

    return pl.pallas_call(
        body,
        grid=(steps,),
        in_specs=[pl.BlockSpec((_NC, _BM, _D2), lambda i: (0, i, 0)),
                  pl.BlockSpec((1, 1, _BM), lambda i: (i, 0, 0)),
                  full((1, 20)),
                  full((_G, 16)),
                  full((36, 256)), full((1, 256)), full((1, 256)), full((1, 256)),
                  full((272, 32)), full((1, 32)), full((1, 32)), full((1, 32)),
                  full((32, 10)), full((1, 10))],
        out_specs=pl.BlockSpec((_G, 10), lambda i: (0, 0)),
        out_shape=jax.ShapeDtypeStruct((_G, 10), jnp.float32),
        scratch_shapes=[pltpu.VMEM((_G, 21), jnp.float32)],
    )(p2, gids, b2, self_feat, fc1_w, fc1_b, bn1_g, bn1_b,
      fc2_w, fc2_b, bn2_g, bn2_b, fc3_w, fc3_b)


def kernel(x, edge_index, graph_ids, self_feat, W1, b1, W2, b2,
           fc1_w, fc1_b, bn1_g, bn1_b, fc2_w, fc2_b, bn2_g, bn2_b,
           fc3_w, fc3_b):
    eflat = edge_index.reshape(-1)
    t1 = _t1(x, W1)
    p1 = _sc_mean_agg(t1, eflat, _D1, tiled=True)
    t2 = _t2(p1, b1.reshape(1, -1), W2)
    p2 = _sc_mean_agg(t2, eflat, _D2, tiled=False)
    gids = graph_ids.reshape(_N // _BM, 1, _BM)
    return _t3(p2, gids, b2.reshape(1, -1), self_feat,
               fc1_w, fc1_b.reshape(1, -1), bn1_g.reshape(1, -1),
               bn1_b.reshape(1, -1), fc2_w, fc2_b.reshape(1, -1),
               bn2_g.reshape(1, -1), bn2_b.reshape(1, -1),
               fc3_w, fc3_b.reshape(1, -1))

# --- scband reference (transcript-rebuilt; emitter-appended) ---
"""Pipeline reference for scband-net-8126078124096 (READ-ONLY COPY).

The authoritative reference and input builder live on the scoring server;
editing this copy changes nothing except your own understanding.
"""

import jax, jax.numpy as jnp
import numpy as np

N_NODES = 10000
N_EDGES = 320000
N_GRAPHS = 64
D_IN = 128
D_SELF = 16
D_OUT = 10


def _mean_agg(h, src, dst, n):
    # DGL update_all(copy_u('h','m'), mean over mailbox): per-dst mean of incoming src feats
    msg = jnp.take(h, src, axis=0)
    s = jax.ops.segment_sum(msg, dst, num_segments=n)
    deg = jax.ops.segment_sum(jnp.ones((src.shape[0],), dtype=h.dtype), dst, num_segments=n)
    return s / jnp.maximum(deg, 1.0)[:, None]


def _batchnorm(x, g, b, eps=1e-5):
    m = jnp.mean(x, axis=0)
    v = jnp.var(x, axis=0)
    return g * (x - m) / jnp.sqrt(v + eps) + b


def setup_inputs(seed: int = 0):
    key = jax.random.key(seed)
    ks = jax.random.split(key, 20)
    x = jax.random.normal(ks[0], (N_NODES, D_IN), dtype=jnp.float32)
    edge_index = jax.random.randint(ks[1], (2, N_EDGES), 0, N_NODES, dtype=jnp.int32)
    graph_ids = jnp.sort(jax.random.randint(ks[2], (N_NODES,), 0, N_GRAPHS, dtype=jnp.int32))
    self_feat = jax.random.normal(ks[3], (N_GRAPHS, D_SELF), dtype=jnp.float32)
    def lin(k, fi, fo):
        bound = 1.0 / np.sqrt(fi)
        kw, kb = jax.random.split(k)
        W = jax.random.uniform(kw, (fi, fo), minval=-bound, maxval=bound, dtype=jnp.float32)
        b = jax.random.uniform(kb, (fo,), minval=-bound, maxval=bound, dtype=jnp.float32)
        return W, b
    W1, b1 = lin(ks[4], D_IN, 100)
    W2, b2 = lin(ks[5], 100, 20)
    fc1_w, fc1_b = lin(ks[6], 20 + D_SELF, 256)
    fc2_w, fc2_b = lin(ks[7], 256 + D_SELF, 32)
    fc3_w, fc3_b = lin(ks[8], 32, D_OUT)
    bn1_g = jnp.ones((256,), dtype=jnp.float32)
    bn1_b = jnp.zeros((256,), dtype=jnp.float32)
    bn2_g = jnp.ones((32,), dtype=jnp.float32)
    bn2_b = jnp.zeros((32,), dtype=jnp.float32)
    return {"x": x, "edge_index": edge_index, "graph_ids": graph_ids, "self_feat": self_feat,
            "W1": W1, "b1": b1, "W2": W2, "b2": b2,
            "fc1_w": fc1_w, "fc1_b": fc1_b, "bn1_g": bn1_g, "bn1_b": bn1_b,
            "fc2_w": fc2_w, "fc2_b": fc2_b, "bn2_g": bn2_g, "bn2_b": bn2_b,
            "fc3_w": fc3_w, "fc3_b": fc3_b}


def reference(x, edge_index, graph_ids, self_feat, W1, b1, W2, b2,
              fc1_w, fc1_b, bn1_g, bn1_b, fc2_w, fc2_b, bn2_g, bn2_b, fc3_w, fc3_b):
    src = edge_index[0]
    dst = edge_index[1]
    n = x.shape[0]
    # gc1: mean-aggregate then linear (NodeApplyModule), ReLU outside
    h = jax.nn.relu(_mean_agg(x, src, dst, n) @ W1 + b1)
    # gc2
    h = jax.nn.relu(_mean_agg(h, src, dst, n) @ W2 + b2)
    # dgl.mean_nodes over batched graph
    cnt = jax.ops.segment_sum(jnp.ones((n,), dtype=h.dtype), graph_ids, num_segments=N_GRAPHS)
    hg = jax.ops.segment_sum(h, graph_ids, num_segments=N_GRAPHS) / jnp.maximum(cnt, 1.0)[:, None]
    c1 = jnp.concatenate([hg, self_feat], axis=1)
    o = jax.nn.relu(_batchnorm(c1 @ fc1_w + fc1_b, bn1_g, bn1_b))
    # dropout: eval-mode identity
    c2 = jnp.concatenate([o, self_feat], axis=1)
    o = jax.nn.relu(_batchnorm(c2 @ fc2_w + fc2_b, bn2_g, bn2_b))
    out = o @ fc3_w + fc3_b
    return out

if __name__ == "__main__":
    import jax
    _d = setup_inputs()
    print(jax.jit(kernel)(*tuple(_d.values())))

</pallas_src>

<mosaic_0001>
#map = affine_map<(d0, d1) -> (0, 0)>
#map1 = affine_map<(d0, d1) -> (0)>
#map2 = affine_map<(d0, d1) -> (0, 0, 0)>
module attributes {stable_mosaic.version = 14 : i64} {
  func.func @k(%arg0: i32, %arg1: i32, %arg2: memref<10000x128xf32, #tpu.memory_space<hbm>>, %arg3: memref<640000xi32, #tpu.memory_space<hbm>>, %arg4: memref<2x10000x128xf32, #tpu.memory_space<hbm>>, %arg5: memref<1664xi32, #tpu.memory_space<vmem>>, %arg6: memref<1664xi32, #tpu.memory_space<vmem>>, %arg7: memref<128xi32, #tpu.memory_space<vmem>>, %arg8: memref<128xi32, #tpu.memory_space<vmem>>, %arg9: memref<128x128xf32, #tpu.memory_space<vmem>>, %arg10: memref<128x128xf32, #tpu.memory_space<vmem>>, %arg11: memref<48x128xf32, #tpu.memory_space<vmem>>, %arg12: memref<10000x128xf32, #tpu.memory_space<vmem_shared>>, %arg13: memref<!tpu.dma_semaphore, #tpu.memory_space<semaphore_mem>>, %arg14: memref<!tpu.dma_semaphore, #tpu.memory_space<semaphore_mem>>, %arg15: memref<!tpu.dma_semaphore, #tpu.memory_space<semaphore_mem>>, %arg16: memref<!tpu.dma_semaphore, #tpu.memory_space<semaphore_mem>>, %arg17: memref<!tpu.dma_semaphore, #tpu.memory_space<semaphore_mem>>) attributes {dimension_semantics = [#tpu.dimension_semantics<core_parallel>, #tpu.dimension_semantics<subcore_parallel>], iteration_bounds = array<i64: 2, 16>, scalar_prefetch = 0 : i64, scratch_operands = 13 : i64, tpu.core_type = #tpu.core_type<sc_vector_subcore>, window_params = [{transform_indices = #map}, {transform_indices = #map1}, {transform_indices = #map2}]} {
    %mul3A = arith.constant 16 : i32
    %mul3A_0 = arith.muli %arg0, %mul3A : i32
    %add3A = arith.addi %mul3A_0, %arg1 : i32
    %scan3A = arith.constant 0 : i32
    %scan3A_1 = arith.constant 48 : i32
    %scan3A_2 = arith.addi %scan3A, %scan3A_1 : i32
    %scan3A_3 = arith.constant 1 : i32
    scf.for %scan3A_48 = %scan3A to %scan3A_2 step %scan3A_3  : i32 {
      %mul3A_49 = arith.constant 1 : i32
      %mul3A_50 = arith.muli %scan3A_48, %mul3A_49 : i32
      %add3A_51 = arith.constant 0 : i32
      %add3A_52 = arith.addi %add3A_51, %mul3A_50 : i32
      %broadcast_in_dim3A = arith.constant 0.000000e+00 : f32
      %broadcast_in_dim3A_53 = vector.broadcast %broadcast_in_dim3A : f32 to vector<16xf32>
      %swap3A = arith.index_cast %add3A_52 : i32 to index
      %swap3A_54 = arith.constant 0 : index
      %swap3A_55 = tpu.vector_load %arg11[%swap3A, %swap3A_54] {strides = array<i32>} : memref<48x128xf32, #tpu.memory_space<vmem>>, vector<1x16xf32>,
      %swap3A_56 = vector.shape_cast %swap3A_55 : vector<1x16xf32> to vector<16xf32>
      %swap3A_57 = vector.shape_cast %broadcast_in_dim3A_53 : vector<16xf32> to vector<1x16xf32>
      tpu.vector_store %arg11[%swap3A, %swap3A_54], %swap3A_57 {strides = array<i32>} : memref<48x128xf32, #tpu.memory_space<vmem>>, vector<1x16xf32>,
      %broadcast_in_dim3A_58 = arith.constant 0.000000e+00 : f32
      %broadcast_in_dim3A_59 = vector.broadcast %broadcast_in_dim3A_58 : f32 to vector<16xf32>
      %swap3A_60 = arith.index_cast %add3A_52 : i32 to index
      %swap3A_61 = arith.constant 16 : index
      %swap3A_62 = tpu.vector_load %arg11[%swap3A_60, %swap3A_61] {strides = array<i32>} : memref<48x128xf32, #tpu.memory_space<vmem>>, vector<1x16xf32>,
      %swap3A_63 = vector.shape_cast %swap3A_62 : vector<1x16xf32> to vector<16xf32>
      %swap3A_64 = vector.shape_cast %broadcast_in_dim3A_59 : vector<16xf32> to vector<1x16xf32>
      tpu.vector_store %arg11[%swap3A_60, %swap3A_61], %swap3A_64 {strides = array<i32>} : memref<48x128xf32, #tpu.memory_space<vmem>>, vector<1x16xf32>,
      %broadcast_in_dim3A_65 = arith.constant 0.000000e+00 : f32
      %broadcast_in_dim3A_66 = vector.broadcast %broadcast_in_dim3A_65 : f32 to vector<16xf32>
      %swap3A_67 = arith.index_cast %add3A_52 : i32 to index
      %swap3A_68 = arith.constant 32 : index
      %swap3A_69 = tpu.vector_load %arg11[%swap3A_67, %swap3A_68] {strides = array<i32>} : memref<48x128xf32, #tpu.memory_space<vmem>>, vector<1x16xf32>,
      %swap3A_70 = vector.shape_cast %swap3A_69 : vector<1x16xf32> to vector<16xf32>
      %swap3A_71 = vector.shape_cast %broadcast_in_dim3A_66 : vector<16xf32> to vector<1x16xf32>
      tpu.vector_store %arg11[%swap3A_67, %swap3A_68], %swap3A_71 {strides = array<i32>} : memref<48x128xf32, #tpu.memory_space<vmem>>, vector<1x16xf32>,
      %broadcast_in_dim3A_72 = arith.constant 0.000000e+00 : f32
      %broadcast_in_dim3A_73 = vector.broadcast %broadcast_in_dim3A_72 : f32 to vector<16xf32>
      %swap3A_74 = arith.index_cast %add3A_52 : i32 to index
      %swap3A_75 = arith.constant 48 : index
      %swap3A_76 = tpu.vector_load %arg11[%swap3A_74, %swap3A_75] {strides = array<i32>} : memref<48x128xf32, #tpu.memory_space<vmem>>, vector<1x16xf32>,
      %swap3A_77 = vector.shape_cast %swap3A_76 : vector<1x16xf32> to vector<16xf32>
      %swap3A_78 = vector.shape_cast %broadcast_in_dim3A_73 : vector<16xf32> to vector<1x16xf32>
      tpu.vector_store %arg11[%swap3A_74, %swap3A_75], %swap3A_78 {strides = array<i32>} : memref<48x128xf32, #tpu.memory_space<vmem>>, vector<1x16xf32>,
      %broadcast_in_dim3A_79 = arith.constant 0.000000e+00 : f32
      %broadcast_in_dim3A_80 = vector.broadcast %broadcast_in_dim3A_79 : f32 to vector<16xf32>
      %swap3A_81 = arith.index_cast %add3A_52 : i32 to index
      %swap3A_82 = arith.constant 64 : index
      %swap3A_83 = tpu.vector_load %arg11[%swap3A_81, %swap3A_82] {strides = array<i32>} : memref<48x128xf32, #tpu.memory_space<vmem>>, vector<1x16xf32>,
      %swap3A_84 = vector.shape_cast %swap3A_83 : vector<1x16xf32> to vector<16xf32>
      %swap3A_85 = vector.shape_cast %broadcast_in_dim3A_80 : vector<16xf32> to vector<1x16xf32>
      tpu.vector_store %arg11[%swap3A_81, %swap3A_82], %swap3A_85 {strides = array<i32>} : memref<48x128xf32, #tpu.memory_space<vmem>>, vector<1x16xf32>,
      %broadcast_in_dim3A_86 = arith.constant 0.000000e+00 : f32
      %broadcast_in_dim3A_87 = vector.broadcast %broadcast_in_dim3A_86 : f32 to vector<16xf32>
      %swap3A_88 = arith.index_cast %add3A_52 : i32 to index
      %swap3A_89 = arith.constant 80 : index
      %swap3A_90 = tpu.vector_load %arg11[%swap3A_88, %swap3A_89] {strides = array<i32>} : memref<48x128xf32, #tpu.memory_space<vmem>>, vector<1x16xf32>,
      %swap3A_91 = vector.shape_cast %swap3A_90 : vector<1x16xf32> to vector<16xf32>
      %swap3A_92 = vector.shape_cast %broadcast_in_dim3A_87 : vector<16xf32> to vector<1x16xf32>
      tpu.vector_store %arg11[%swap3A_88, %swap3A_89], %swap3A_92 {strides = array<i32>} : memref<48x128xf32, #tpu.memory_space<vmem>>, vector<1x16xf32>,
      %broadcast_in_dim3A_93 = arith.constant 0.000000e+00 : f32
      %broadcast_in_dim3A_94 = vector.broadcast %broadcast_in_dim3A_93 : f32 to vector<16xf32>
      %swap3A_95 = arith.index_cast %add3A_52 : i32 to index
      %swap3A_96 = arith.constant 96 : index
      %swap3A_97 = tpu.vector_load %arg11[%swap3A_95, %swap3A_96] {strides = array<i32>} : memref<48x128xf32, #tpu.memory_space<vmem>>, vector<1x16xf32>,
      %swap3A_98 = vector.shape_cast %swap3A_97 : vector<1x16xf32> to vector<16xf32>
      %swap3A_99 = vector.shape_cast %broadcast_in_dim3A_94 : vector<16xf32> to vector<1x16xf32>
      tpu.vector_store %arg11[%swap3A_95, %swap3A_96], %swap3A_99 {strides = array<i32>} : memref<48x128xf32, #tpu.memory_space<vmem>>, vector<1x16xf32>,
      %broadcast_in_dim3A_100 = arith.constant 0.000000e+00 : f32
      %broadcast_in_dim3A_101 = vector.broadcast %broadcast_in_dim3A_100 : f32 to vector<16xf32>
      %swap3A_102 = arith.index_cast %add3A_52 : i32 to index
      %swap3A_103 = arith.constant 112 : index
      %swap3A_104 = tpu.vector_load %arg11[%swap3A_102, %swap3A_103] {strides = array<i32>} : memref<48x128xf32, #tpu.memory_space<vmem>>, vector<1x16xf32>,
      %swap3A_105 = vector.shape_cast %swap3A_104 : vector<1x16xf32> to vector<16xf32>
      %swap3A_106 = vector.shape_cast %broadcast_in_dim3A_101 : vector<16xf32> to vector<1x16xf32>
      tpu.vector_store %arg11[%swap3A_102, %swap3A_103], %swap3A_106 {strides = array<i32>} : memref<48x128xf32, #tpu.memory_space<vmem>>, vector<1x16xf32>,
    }
    %scan3A_4 = arith.constant 48 : i32
    %mul3A_5 = arith.constant 78 : i32
    %mul3A_6 = arith.muli %arg1, %mul3A_5 : i32
    %min3A = arith.constant 2 : i32
    %min3A_7 = arith.minsi %arg1, %min3A : i32
    %add3A_8 = arith.addi %mul3A_6, %min3A_7 : i32
    %mul3A_9 = arith.constant 8 : i32
    %mul3A_10 = arith.muli %add3A_8, %mul3A_9 : i32
    %scan3A_11 = arith.constant 0 : i32
    %scan3A_12 = arith.constant 13 : i32
    %scan3A_13 = arith.addi %scan3A_11, %scan3A_12 : i32
    %scan3A_14 = arith.constant 1 : i32
    scf.for %scan3A_48 = %scan3A_11 to %scan3A_13 step %scan3A_14  : i32 {
      %mul3A_49 = arith.constant 1 : i32
      %mul3A_50 = arith.muli %scan3A_48, %mul3A_49 : i32
      %add3A_51 = arith.constant 0 : i32
      %add3A_52 = arith.addi %add3A_51, %mul3A_50 : i32
      %mul3A_53 = arith.constant 48 : i32
      %mul3A_54 = arith.muli %add3A_52, %mul3A_53 : i32
      %add3A_55 = arith.addi %mul3A_10, %mul3A_54 : i32
      "tpu.region"() ({
        %run_scoped3A = tpu.sem_alloc : memref<!tpu.dma_semaphore, #tpu.memory_space<semaphore_mem>>
        %dma_start3A_56 = arith.constant 0 : i32
        %dma_start3A_57 = tpu.memref_slice %arg12[%add3A_55, %dma_start3A_56] : memref<10000x128xf32, #tpu.memory_space<vmem_shared>> -> memref<48x128xf32, #tpu.memory_space<vmem_shared>>
        %dma_start3A_58 = arith.constant 0 : i32
        %dma_start3A_59 = tpu.memref_slice %arg12[%add3A_55, %dma_start3A_58] : memref<10000x128xf32, #tpu.memory_space<vmem_shared>> -> memref<48x128xf32, #tpu.memory_space<vmem_shared>>
        tpu.enqueue_dma source(%arg11 : memref<48x128xf32, #tpu.memory_space<vmem>>) target(%dma_start3A_59 : memref<48x128xf32, #tpu.memory_space<vmem_shared>>) target_semaphore(%run_scoped3A : memref<!tpu.dma_semaphore, #tpu.memory_space<semaphore_mem>>)
        %dma_wait3A = arith.constant 0 : i32
        %dma_wait3A_60 = tpu.memref_slice %arg12[%add3A_55, %dma_wait3A] : memref<10000x128xf32, #tpu.memory_space<vmem_shared>> -> memref<48x128xf32, #tpu.memory_space<vmem_shared>>
        %dma_wait3A_61 = arith.constant 0 : i32
        %dma_wait3A_62 = tpu.memref_slice %arg12[%add3A_55, %dma_wait3A_61] : memref<10000x128xf32, #tpu.memory_space<vmem_shared>> -> memref<48x128xf32, #tpu.memory_space<vmem_shared>>
        tpu.wait_dma2 semaphore(%run_scoped3A : memref<!tpu.dma_semaphore, #tpu.memory_space<semaphore_mem>>) src(%arg11 : memref<48x128xf32, #tpu.memory_space<vmem>>) dst(%dma_wait3A_62 : memref<48x128xf32, #tpu.memory_space<vmem_shared>>)
        tpu.yield
      }) : () -> ()
    }
    %scan3A_15 = arith.constant 13 : i32
    %lt3A = arith.constant 2 : i32
    %lt3A_16 = arith.cmpi slt, %arg1, %lt3A : i32
    %convert_element_type3A = arith.extui %lt3A_16 : i1 to i32
    %cond3A = arith.constant 0 : i32
    %cond3A_17 = arith.cmpi ne, %convert_element_type3A, %cond3A : i32
    scf.if %cond3A_17 {
      %add3A_48 = arith.constant 624 : i32
      %add3A_49 = arith.addi %mul3A_10, %add3A_48 : i32
      "tpu.region"() ({
        %run_scoped3A = tpu.sem_alloc : memref<!tpu.dma_semaphore, #tpu.memory_space<semaphore_mem>>
        %dma_start3A_50 = arith.constant 0 : i32
        %dma_start3A_51 = arith.constant 0 : i32
        %dma_start3A_52 = tpu.memref_slice %arg11[%dma_start3A_50, %dma_start3A_51] : memref<48x128xf32, #tpu.memory_space<vmem>> -> memref<8x128xf32, #tpu.memory_space<vmem>>
        %dma_start3A_53 = arith.constant 0 : i32
        %dma_start3A_54 = tpu.memref_slice %arg12[%add3A_49, %dma_start3A_53] : memref<10000x128xf32, #tpu.memory_space<vmem_shared>> -> memref<8x128xf32, #tpu.memory_space<vmem_shared>>
        %dma_start3A_55 = arith.constant 0 : i32
        %dma_start3A_56 = tpu.memref_slice %arg12[%add3A_49, %dma_start3A_55] : memref<10000x128xf32, #tpu.memory_space<vmem_shared>> -> memref<8x128xf32, #tpu.memory_space<vmem_shared>>
        %dma_start3A_57 = arith.constant 0 : i32
        %dma_start3A_58 = arith.constant 0 : i32
        %dma_start3A_59 = tpu.memref_slice %arg11[%dma_start3A_57, %dma_start3A_58] : memref<48x128xf32, #tpu.memory_space<vmem>> -> memref<8x128xf32, #tpu.memory_space<vmem>>
        tpu.enqueue_dma source(%dma_start3A_59 : memref<8x128xf32, #tpu.memory_space<vmem>>) target(%dma_start3A_56 : memref<8x128xf32, #tpu.memory_space<vmem_shared>>) target_semaphore(%run_scoped3A : memref<!tpu.dma_semaphore, #tpu.memory_space<semaphore_mem>>)
        %dma_wait3A = arith.constant 0 : i32
        %dma_wait3A_60 = arith.constant 0 : i32
        %dma_wait3A_61 = tpu.memref_slice %arg11[%dma_wait3A, %dma_wait3A_60] : memref<48x128xf32, #tpu.memory_space<vmem>> -> memref<8x128xf32, #tpu.memory_space<vmem>>
        %dma_wait3A_62 = arith.constant 0 : i32
        %dma_wait3A_63 = tpu.memref_slice %arg12[%add3A_49, %dma_wait3A_62] : memref<10000x128xf32, #tpu.memory_space<vmem_shared>> -> memref<8x128xf32, #tpu.memory_space<vmem_shared>>
        %dma_wait3A_64 = arith.constant 0 : i32
        %dma_wait3A_65 = tpu.memref_slice %arg12[%add3A_49, %dma_wait3A_64] : memref<10000x128xf32, #tpu.memory_space<vmem_shared>> -> memref<8x128xf32, #tpu.memory_space<vmem_shared>>
        %dma_wait3A_66 = arith.constant 0 : i32
        %dma_wait3A_67 = arith.constant 0 : i32
        %dma_wait3A_68 = tpu.memref_slice %arg11[%dma_wait3A_66, %dma_wait3A_67] : memref<48x128xf32, #tpu.memory_space<vmem>> -> memref<8x128xf32, #tpu.memory_space<vmem>>
        tpu.wait_dma2 semaphore(%run_scoped3A : memref<!tpu.dma_semaphore, #tpu.memory_space<semaphore_mem>>) src(%dma_wait3A_68 : memref<8x128xf32, #tpu.memory_space<vmem>>) dst(%dma_wait3A_65 : memref<8x128xf32, #tpu.memory_space<vmem_shared>>)
        tpu.yield
      }) : () -> ()
    } else {
    }
    %barrier3A = arith.constant 0 : index
    tpu.barrier barrier_id(%barrier3A)
    %mul3A_18 = arith.constant 78 : i32
    %mul3A_19 = arith.muli %mul3A_18, %add3A : i32
    %min3A_20 = arith.constant 4 : i32
    %min3A_21 = arith.minsi %add3A, %min3A_20 : i32
    %add3A_22 = arith.addi %mul3A_19, %min3A_21 : i32
    %add3A_23 = arith.constant 0 : i32
    %add3A_24 = arith.addi %add3A_22, %add3A_23 : i32
    %mul3A_25 = arith.constant 128 : i32
    %mul3A_26 = arith.muli %add3A_24, %mul3A_25 : i32
    %dma_start3A = tpu.memref_slice %arg3[%mul3A_26] : memref<640000xi32, #tpu.memory_space<hbm>> -> memref<1664xi32, #tpu.memory_space<hbm>>
    %dma_start3A_27 = tpu.memref_slice %arg3[%mul3A_26] : memref<640000xi32, #tpu.memory_space<hbm>> -> memref<1664xi32, #tpu.memory_space<hbm>>
    tpu.enqueue_dma source(%dma_start3A_27 : memref<1664xi32, #tpu.memory_space<hbm>>) target(%arg5 : memref<1664xi32, #tpu.memory_space<vmem>>) target_semaphore(%arg15 : memref<!tpu.dma_semaphore, #tpu.memory_space<semaphore_mem>>)
    %scan3A_28 = arith.constant 0 : i32
    %scan3A_29 = arith.constant 3 : i32
    %scan3A_30 = arith.addi %scan3A_28, %scan3A_29 : i32
    %scan3A_31 = arith.constant 1 : i32
    scf.for %scan3A_48 = %scan3A_28 to %scan3A_30 step %scan3A_31  : i32 {
      %mul3A_49 = arith.constant 1 : i32
      %mul3A_50 = arith.muli %scan3A_48, %mul3A_49 : i32
      %add3A_51 = arith.constant 0 : i32
      %add3A_52 = arith.addi %add3A_51, %mul3A_50 : i32
      %mul3A_53 = arith.constant 2 : i32
      %mul3A_54 = arith.muli %mul3A_53, %add3A_52 : i32
      %mul3A_55 = arith.constant 13 : i32
      %mul3A_56 = arith.muli %mul3A_54, %mul3A_55 : i32
      %add3A_57 = arith.addi %add3A_22, %mul3A_56 : i32
      %mul3A_58 = arith.constant 13 : i32
      %mul3A_59 = arith.muli %mul3A_54, %mul3A_58 : i32
      %add3A_60 = arith.addi %add3A_22, %mul3A_59 : i32
      %mul3A_61 = arith.constant 128 : i32
      %mul3A_62 = arith.muli %add3A_60, %mul3A_61 : i32
      %dma_wait3A = tpu.memref_slice %arg3[%mul3A_62] : memref<640000xi32, #tpu.memory_space<hbm>> -> memref<1664xi32, #tpu.memory_space<hbm>>
      %dma_wait3A_63 = tpu.memref_slice %arg3[%mul3A_62] : memref<640000xi32, #tpu.memory_space<hbm>> -> memref<1664xi32, #tpu.memory_space<hbm>>
      tpu.wait_dma2 semaphore(%arg15 : memref<!tpu.dma_semaphore, #tpu.memory_space<semaphore_mem>>) src(%dma_wait3A_63 : memref<1664xi32, #tpu.memory_space<hbm>>) dst(%arg5 : memref<1664xi32, #tpu.memory_space<vmem>>)
      %mul3A_64 = arith.constant 128 : i32
      %mul3A_65 = arith.muli %add3A_57, %mul3A_64 : i32
      %add3A_66 = arith.constant 320000 : i32
      %add3A_67 = arith.addi %add3A_66, %mul3A_65 : i32
      %dma_start3A_68 = tpu.memref_slice %arg3[%add3A_67] : memref<640000xi32, #tpu.memory_space<hbm>> -> memref<128xi32, #tpu.memory_space<hbm>>
      %dma_start3A_69 = tpu.memref_slice %arg3[%add3A_67] : memref<640000xi32, #tpu.memory_space<hbm>> -> memref<128xi32, #tpu.memory_space<hbm>>
      tpu.enqueue_dma source(%dma_start3A_69 : memref<128xi32, #tpu.memory_space<hbm>>) target(%arg7 : memref<128xi32, #tpu.memory_space<vmem>>) target_semaphore(%arg16 : memref<!tpu.dma_semaphore, #tpu.memory_space<semaphore_mem>>)
      %dma_start3A_70 = arith.constant 0 : i32
      %dma_start3A_71 = tpu.memref_slice %arg5[%dma_start3A_70] : memref<1664xi32, #tpu.memory_space<vmem>> -> memref<128xi32, #tpu.memory_space<vmem>>
      %dma_start3A_72 = arith.constant 0 : i32
      %dma_start3A_73 = arith.constant 0 : i32
      %dma_start3A_74 = tpu.memref_slice %arg2[%dma_start3A_72, %dma_start3A_73] : memref<10000x128xf32, #tpu.memory_space<hbm>> -> memref<10000x128xf32, #tpu.memory_space<hbm>>
      tpu.enqueue_indirect_dma source(%dma_start3A_74 : memref<10000x128xf32, #tpu.memory_space<hbm>>) target(%arg9 : memref<128x128xf32, #tpu.memory_space<vmem>>) offsets(%dma_start3A_71 : memref<128xi32, #tpu.memory_space<vmem>>) semaphore(%arg13 : memref<!tpu.dma_semaphore, #tpu.memory_space<semaphore_mem>>)
      %add3A_75 = arith.constant 1 : i32
      %add3A_76 = arith.addi %add3A_57, %add3A_75 : i32
      %mul3A_77 = arith.constant 128 : i32
      %mul3A_78 = arith.muli %add3A_76, %mul3A_77 : i32
      %add3A_79 = arith.constant 320000 : i32
      %add3A_80 = arith.addi %add3A_79, %mul3A_78 : i32
      %dma_start3A_81 = tpu.memref_slice %arg3[%add3A_80] : memref<640000xi32, #tpu.memory_space<hbm>> -> memref<128xi32, #tpu.memory_space<hbm>>
      %dma_start3A_82 = tpu.memref_slice %arg3[%add3A_80] : memref<640000xi32, #tpu.memory_space<hbm>> -> memref<128xi32, #tpu.memory_space<hbm>>
      tpu.enqueue_dma source(%dma_start3A_82 : memref<128xi32, #tpu.memory_space<hbm>>) target(%arg8 : memref<128xi32, #tpu.memory_space<vmem>>) target_semaphore(%arg17 : memref<!tpu.dma_semaphore, #tpu.memory_space<semaphore_mem>>)
      %dma_start3A_83 = arith.constant 128 : i32
      %dma_start3A_84 = tpu.memref_slice %arg5[%dma_start3A_83] : memref<1664xi32, #tpu.memory_space<vmem>> -> memref<128xi32, #tpu.memory_space<vmem>>
      %dma_start3A_85 = arith.constant 0 : i32
      %dma_start3A_86 = arith.constant 0 : i32
      %dma_start3A_87 = tpu.memref_slice %arg2[%dma_start3A_85, %dma_start3A_86] : memref<10000x128xf32, #tpu.memory_space<hbm>> -> memref<10000x128xf32, #tpu.memory_space<hbm>>
      tpu.enqueue_indirect_dma source(%dma_start3A_87 : memref<10000x128xf32, #tpu.memory_space<hbm>>) target(%arg10 : memref<128x128xf32, #tpu.memory_space<vmem>>) offsets(%dma_start3A_84 : memref<128xi32, #tpu.memory_space<vmem>>) semaphore(%arg14 : memref<!tpu.dma_semaphore, #tpu.memory_space<semaphore_mem>>)
      %add3A_88 = arith.constant 1 : i32
      %add3A_89 = arith.addi %mul3A_54, %add3A_88 : i32
      %lt3A_90 = arith.constant 6 : i32
      %lt3A_91 = arith.cmpi slt, %add3A_89, %lt3A_90 : i32
      %convert_element_type3A_92 = arith.extui %lt3A_91 : i1 to i32
      %cond3A_93 = arith.constant 0 : i32
      %cond3A_94 = arith.cmpi ne, %convert_element_type3A_92, %cond3A_93 : i32
      scf.if %cond3A_94 {
        %add3A_808 = arith.constant 1 : i32
        %add3A_809 = arith.addi %mul3A_54, %add3A_808 : i32
        %mul3A_810 = arith.constant 13 : i32
        %mul3A_811 = arith.muli %add3A_809, %mul3A_810 : i32
        %add3A_812 = arith.addi %add3A_22, %mul3A_811 : i32
        %mul3A_813 = arith.constant 128 : i32
        %mul3A_814 = arith.muli %add3A_812, %mul3A_813 : i32
        %dma_start3A_815 = tpu.memref_slice %arg3[%mul3A_814] : memref<640000xi32, #tpu.memory_space<hbm>> -> memref<1664xi32, #tpu.memory_space<hbm>>
        %dma_start3A_816 = tpu.memref_slice %arg3[%mul3A_814] : memref<640000xi32, #tpu.memory_space<hbm>> -> memref<1664xi32, #tpu.memory_space<hbm>>
        tpu.enqueue_dma source(%dma_start3A_816 : memref<1664xi32, #tpu.memory_space<hbm>>) target(%arg6 : memref<1664xi32, #tpu.memory_space<vmem>>) target_semaphore(%arg15 : memref<!tpu.dma_semaphore, #tpu.memory_space<semaphore_mem>>)
      } else {
      }
      %dma_wait3A_95 = arith.constant 0 : i32
      %dma_wait3A_96 = tpu.memref_slice %arg5[%dma_wait3A_95] : memref<1664xi32, #tpu.memory_space<vmem>> -> memref<128xi32, #tpu.memory_space<vmem>>
      %dma_wait3A_97 = arith.constant 0 : i32
      %dma_wait3A_98 = arith.constant 0 : i32
      %dma_wait3A_99 = tpu.memref_slice %arg2[%dma_wait3A_97, %dma_wait3A_98] : memref<10000x128xf32, #tpu.memory_space<hbm>> -> memref<10000x128xf32, #tpu.memory_space<hbm>>
      tpu.wait_indirect_dma semaphore(%arg13 : memref<!tpu.dma_semaphore, #tpu.memory_space<semaphore_mem>>) src(%dma_wait3A_99 : memref<10000x128xf32, #tpu.memory_space<hbm>>) dst(%arg9 : memref<128x128xf32, #tpu.memory_space<vmem>>)
      %add3A_100 = arith.constant 0 : i32
      %add3A_101 = arith.addi %add3A_57, %add3A_100 : i32
      %mul3A_102 = arith.constant 128 : i32
      %mul3A_103 = arith.muli %add3A_101, %mul3A_102 : i32
      %add3A_104 = arith.constant 320000 : i32
      %add3A_105 = arith.addi %add3A_104, %mul3A_103 : i32
      %dma_wait3A_106 = tpu.memref_slice %arg3[%add3A_105] : memref<640000xi32, #tpu.memory_space<hbm>> -> memref<128xi32, #tpu.memory_space<hbm>>
      %dma_wait3A_107 = tpu.memref_slice %arg3[%add3A_105] : memref<640000xi32, #tpu.memory_space<hbm>> -> memref<128xi32, #tpu.memory_space<hbm>>
      tpu.wait_dma2 semaphore(%arg16 : memref<!tpu.dma_semaphore, #tpu.memory_space<semaphore_mem>>) src(%dma_wait3A_107 : memref<128xi32, #tpu.memory_space<hbm>>) dst(%arg7 : memref<128xi32, #tpu.memory_space<vmem>>)
      "tpu.region"() ({
        %run_scoped3A = tpu.sem_alloc : memref<!tpu.dma_semaphore, #tpu.memory_space<semaphore_mem>>
        %dma_start3A_808 = arith.constant 0 : i32
        %dma_start3A_809 = arith.constant 0 : i32
        %dma_start3A_810 = tpu.memref_slice %arg12[%dma_start3A_808, %dma_start3A_809] : memref<10000x128xf32, #tpu.memory_space<vmem_shared>> -> memref<10000x128xf32, #tpu.memory_space<vmem_shared>>
        tpu.enqueue_indirect_dma source(%arg9 : memref<128x128xf32, #tpu.memory_space<vmem>>) target(%dma_start3A_810 : memref<10000x128xf32, #tpu.memory_space<vmem_shared>>) offsets(%arg7 : memref<128xi32, #tpu.memory_space<vmem>>) semaphore(%run_scoped3A : memref<!tpu.dma_semaphore, #tpu.memory_space<semaphore_mem>>) {add = true}
        %dma_wait3A_811 = arith.constant 0 : i32
        %dma_wait3A_812 = arith.constant 0 : i32
        %dma_wait3A_813 = tpu.memref_slice %arg12[%dma_wait3A_811, %dma_wait3A_812] : memref<10000x128xf32, #tpu.memory_space<vmem_shared>> -> memref<10000x128xf32, #tpu.memory_space<vmem_shared>>
        tpu.wait_indirect_dma semaphore(%run_scoped3A : memref<!tpu.dma_semaphore, #tpu.memory_space<semaphore_mem>>) src(%arg9 : memref<128x128xf32, #tpu.memory_space<vmem>>) dst(%dma_wait3A_813 : memref<10000x128xf32, #tpu.memory_space<vmem_shared>>)
        tpu.yield
      }) : () -> ()
      %add3A_108 = arith.constant 0 : i32
      %add3A_109 = arith.addi %add3A_57, %add3A_108 : i32
      %add3A_110 = arith.constant 2 : i32
      %add3A_111 = arith.addi %add3A_109, %add3A_110 : i32
      %mul3A_112 = arith.constant 128 : i32
      %mul3A_113 = arith.muli %add3A_111, %mul3A_112 : i32
      %add3A_114 = arith.constant 320000 : i32
      %add3A_115 = arith.addi %add3A_114, %mul3A_113 : i32
      %dma_start3A_116 = tpu.memref_slice %arg3[%add3A_115] : memref<640000xi32, #tpu.memory_space<hbm>> -> memref<128xi32, #tpu.memory_space<hbm>>
      %dma_start3A_117 = tpu.memref_slice %arg3[%add3A_115] : memref<640000xi32, #tpu.memory_space<hbm>> -> memref<128xi32, #tpu.memory_space<hbm>>
      tpu.enqueue_dma source(%dma_start3A_117 : memref<128xi32, #tpu.memory_space<hbm>>) target(%arg7 : memref<128xi32, #tpu.memory_space<vmem>>) target_semaphore(%arg16 : memref<!tpu.dma_semaphore, #tpu.memory_space<semaphore_mem>>)
      %dma_start3A_118 = arith.constant 256 : i32
      %dma_start3A_119 = tpu.memref_slice %arg5[%dma_start3A_118] : memref<1664xi32, #tpu.memory_space<vmem>> -> memref<128xi32, #tpu.memory_space<vmem>>
      %dma_start3A_120 = arith.constant 0 : i32
      %dma_start3A_121 = arith.constant 0 : i32
      %dma_start3A_122 = tpu.memref_slice %arg2[%dma_start3A_120, %dma_start3A_121] : memref<10000x128xf32, #tpu.memory_space<hbm>> -> memref<10000x128xf32, #tpu.memory_space<hbm>>
      tpu.enqueue_indirect_dma source(%dma_start3A_122 : memref<10000x128xf32, #tpu.memory_space<hbm>>) target(%arg9 : memref<128x128xf32, #tpu.memory_space<vmem>>) offsets(%dma_start3A_119 : memref<128xi32, #tpu.memory_space<vmem>>) semaphore(%arg13 : memref<!tpu.dma_semaphore, #tpu.memory_space<semaphore_mem>>)
      %dma_wait3A_123 = arith.constant 128 : i32
      %dma_wait3A_124 = tpu.memref_slice %arg5[%dma_wait3A_123] : memref<1664xi32, #tpu.memory_space<vmem>> -> memref<128xi32, #tpu.memory_space<vmem>>
      %dma_wait3A_125 = arith.constant 0 : i32
      %dma_wait3A_126 = arith.constant 0 : i32
      %dma_wait3A_127 = tpu.memref_slice %arg2[%dma_wait3A_125, %dma_wait3A_126] : memref<10000x128xf32, #tpu.memory_space<hbm>> -> memref<10000x128xf32, #tpu.memory_space<hbm>>
      tpu.wait_indirect_dma semaphore(%arg14 : memref<!tpu.dma_semaphore, #tpu.memory_space<semaphore_mem>>) src(%dma_wait3A_127 : memref<10000x128xf32, #tpu.memory_space<hbm>>) dst(%arg10 : memref<128x128xf32, #tpu.memory_space<vmem>>)
      %add3A_128 = arith.constant 1 : i32
      %add3A_129 = arith.addi %add3A_57, %add3A_128 : i32
      %mul3A_130 = arith.constant 128 : i32
      %mul3A_131 = arith.muli %add3A_129, %mul3A_130 : i32
      %add3A_132 = arith.constant 320000 : i32
      %add3A_133 = arith.addi %add3A_132, %mul3A_131 : i32
      %dma_wait3A_134 = tpu.memref_slice %arg3[%add3A_133] : memref<640000xi32, #tpu.memory_space<hbm>> -> memref<128xi32, #tpu.memory_space<hbm>>
      %dma_wait3A_135 = tpu.memref_slice %arg3[%add3A_133] : memref<640000xi32, #tpu.memory_space<hbm>> -> memref<128xi32, #tpu.memory_space<hbm>>
      tpu.wait_dma2 semaphore(%arg17 : memref<!tpu.dma_semaphore, #tpu.memory_space<semaphore_mem>>) src(%dma_wait3A_135 : memref<128xi32, #tpu.memory_space<hbm>>) dst(%arg8 : memref<128xi32, #tpu.memory_space<vmem>>)
      "tpu.region"() ({
        %run_scoped3A = tpu.sem_alloc : memref<!tpu.dma_semaphore, #tpu.memory_space<semaphore_mem>>
        %dma_start3A_808 = arith.constant 0 : i32
        %dma_start3A_809 = arith.constant 0 : i32
        %dma_start3A_810 = tpu.memref_slice %arg12[%dma_start3A_808, %dma_start3A_809] : memref<10000x128xf32, #tpu.memory_space<vmem_shared>> -> memref<10000x128xf32, #tpu.memory_space<vmem_shared>>
        tpu.enqueue_indirect_dma source(%arg10 : memref<128x128xf32, #tpu.memory_space<vmem>>) target(%dma_start3A_810 : memref<10000x128xf32, #tpu.memory_space<vmem_shared>>) offsets(%arg8 : memref<128xi32, #tpu.memory_space<vmem>>) semaphore(%run_scoped3A : memref<!tpu.dma_semaphore, #tpu.memory_space<semaphore_mem>>) {add = true}
        %dma_wait3A_811 = arith.constant 0 : i32
        %dma_wait3A_812 = arith.constant 0 : i32
        %dma_wait3A_813 = tpu.memref_slice %arg12[%dma_wait3A_811, %dma_wait3A_812] : memref<10000x128xf32, #tpu.memory_space<vmem_shared>> -> memref<10000x128xf32, #tpu.memory_space<vmem_shared>>
        tpu.wait_indirect_dma semaphore(%run_scoped3A : memref<!tpu.dma_semaphore, #tpu.memory_space<semaphore_mem>>) src(%arg10 : memref<128x128xf32, #tpu.memory_space<vmem>>) dst(%dma_wait3A_813 : memref<10000x128xf32, #tpu.memory_space<vmem_shared>>)
        tpu.yield
      }) : () -> ()
      %add3A_136 = arith.constant 1 : i32
      %add3A_137 = arith.addi %add3A_57, %add3A_136 : i32
      %add3A_138 = arith.constant 2 : i32
      %add3A_139 = arith.addi %add3A_137, %add3A_138 : i32
      %mul3A_140 = arith.constant 128 : i32
      %mul3A_141 = arith.muli %add3A_139, %mul3A_140 : i32
      %add3A_142 = arith.constant 320000 : i32
      %add3A_143 = arith.addi %add3A_142, %mul3A_141 : i32
      %dma_start3A_144 = tpu.memref_slice %arg3[%add3A_143] : memref<640000xi32, #tpu.memory_space<hbm>> -> memref<128xi32, #tpu.memory_space<hbm>>
      %dma_start3A_145 = tpu.memref_slice %arg3[%add3A_143] : memref<640000xi32, #tpu.memory_space<hbm>> -> memref<128xi32, #tpu.memory_space<hbm>>
      tpu.enqueue_dma source(%dma_start3A_145 : memref<128xi32, #tpu.memory_space<hbm>>) target(%arg8 : memref<128xi32, #tpu.memory_space<vmem>>) target_semaphore(%arg17 : memref<!tpu.dma_semaphore, #tpu.memory_space<semaphore_mem>>)
      %dma_start3A_146 = arith.constant 384 : i32
      %dma_start3A_147 = tpu.memref_slice %arg5[%dma_start3A_146] : memref<1664xi32, #tpu.memory_space<vmem>> -> memref<128xi32, #tpu.memory_space<vmem>>
      %dma_start3A_148 = arith.constant 0 : i32
      %dma_start3A_149 = arith.constant 0 : i32
      %dma_start3A_150 = tpu.memref_slice %arg2[%dma_start3A_148, %dma_start3A_149] : memref<10000x128xf32, #tpu.memory_space<hbm>> -> memref<10000x128xf32, #tpu.memory_space<hbm>>
      tpu.enqueue_indirect_dma source(%dma_start3A_150 : memref<10000x128xf32, #tpu.memory_space<hbm>>) target(%arg10 : memref<128x128xf32, #tpu.memory_space<vmem>>) offsets(%dma_start3A_147 : memref<128xi32, #tpu.memory_space<vmem>>) semaphore(%arg14 : memref<!tpu.dma_semaphore, #tpu.memory_space<semaphore_mem>>)
      %dma_wait3A_151 = arith.constant 256 : i32
      %dma_wait3A_152 = tpu.memref_slice %arg5[%dma_wait3A_151] : memref<1664xi32, #tpu.memory_space<vmem>> -> memref<128xi32, #tpu.memory_space<vmem>>
      %dma_wait3A_153 = arith.constant 0 : i32
      %dma_wait3A_154 = arith.constant 0 : i32
      %dma_wait3A_155 = tpu.memref_slice %arg2[%dma_wait3A_153, %dma_wait3A_154] : memref<10000x128xf32, #tpu.memory_space<hbm>> -> memref<10000x128xf32, #tpu.memory_space<hbm>>
      tpu.wait_indirect_dma semaphore(%arg13 : memref<!tpu.dma_semaphore, #tpu.memory_space<semaphore_mem>>) src(%dma_wait3A_155 : memref<10000x128xf32, #tpu.memory_space<hbm>>) dst(%arg9 : memref<128x128xf32, #tpu.memory_space<vmem>>)
      %add3A_156 = arith.constant 2 : i32
      %add3A_157 = arith.addi %add3A_57, %add3A_156 : i32
      %mul3A_158 = arith.constant 128 : i32
      %mul3A_159 = arith.muli %add3A_157, %mul3A_158 : i32
      %add3A_160 = arith.constant 320000 : i32
      %add3A_161 = arith.addi %add3A_160, %mul3A_159 : i32
      %dma_wait3A_162 = tpu.memref_slice %arg3[%add3A_161] : memref<640000xi32, #tpu.memory_space<hbm>> -> memref<128xi32, #tpu.memory_space<hbm>>
      %dma_wait3A_163 = tpu.memref_slice %arg3[%add3A_161] : memref<640000xi32, #tpu.memory_space<hbm>> -> memref<128xi32, #tpu.memory_space<hbm>>
      tpu.wait_dma2 semaphore(%arg16 : memref<!tpu.dma_semaphore, #tpu.memory_space<semaphore_mem>>) src(%dma_wait3A_163 : memref<128xi32, #tpu.memory_space<hbm>>) dst(%arg7 : memref<128xi32, #tpu.memory_space<vmem>>)
      "tpu.region"() ({
        %run_scoped3A = tpu.sem_alloc : memref<!tpu.dma_semaphore, #tpu.memory_space<semaphore_mem>>
        %dma_start3A_808 = arith.constant 0 : i32
        %dma_start3A_809 = arith.constant 0 : i32
        %dma_start3A_810 = tpu.memref_slice %arg12[%dma_start3A_808, %dma_start3A_809] : memref<10000x128xf32, #tpu.memory_space<vmem_shared>> -> memref<10000x128xf32, #tpu.memory_space<vmem_shared>>
        tpu.enqueue_indirect_dma source(%arg9 : memref<128x128xf32, #tpu.memory_space<vmem>>) target(%dma_start3A_810 : memref<10000x128xf32, #tpu.memory_space<vmem_shared>>) offsets(%arg7 : memref<128xi32, #tpu.memory_space<vmem>>) semaphore(%run_scoped3A : memref<!tpu.dma_semaphore, #tpu.memory_space<semaphore_mem>>) {add = true}
        %dma_wait3A_811 = arith.constant 0 : i32
        %dma_wait3A_812 = arith.constant 0 : i32
        %dma_wait3A_813 = tpu.memref_slice %arg12[%dma_wait3A_811, %dma_wait3A_812] : memref<10000x128xf32, #tpu.memory_space<vmem_shared>> -> memref<10000x128xf32, #tpu.memory_space<vmem_shared>>
        tpu.wait_indirect_dma semaphore(%run_scoped3A : memref<!tpu.dma_semaphore, #tpu.memory_space<semaphore_mem>>) src(%arg9 : memref<128x128xf32, #tpu.memory_space<vmem>>) dst(%dma_wait3A_813 : memref<10000x128xf32, #tpu.memory_space<vmem_shared>>)
        tpu.yield
      }) : () -> ()
      %add3A_164 = arith.constant 2 : i32
      %add3A_165 = arith.addi %add3A_57, %add3A_164 : i32
      %add3A_166 = arith.constant 2 : i32
      %add3A_167 = arith.addi %add3A_165, %add3A_166 : i32
      %mul3A_168 = arith.constant 128 : i32
      %mul3A_169 = arith.muli %add3A_167, %mul3A_168 : i32
      %add3A_170 = arith.constant 320000 : i32
      %add3A_171 = arith.addi %add3A_170, %mul3A_169 : i32
      %dma_start3A_172 = tpu.memref_slice %arg3[%add3A_171] : memref<640000xi32, #tpu.memory_space<hbm>> -> memref<128xi32, #tpu.memory_space<hbm>>
      %dma_start3A_173 = tpu.memref_slice %arg3[%add3A_171] : memref<640000xi32, #tpu.memory_space<hbm>> -> memref<128xi32, #tpu.memory_space<hbm>>
      tpu.enqueue_dma source(%dma_start3A_173 : memref<128xi32, #tpu.memory_space<hbm>>) target(%arg7 : memref<128xi32, #tpu.memory_space<vmem>>) target_semaphore(%arg16 : memref<!tpu.dma_semaphore, #tpu.memory_space<semaphore_mem>>)
      %dma_start3A_174 = arith.constant 512 : i32
      %dma_start3A_175 = tpu.memref_slice %arg5[%dma_start3A_174] : memref<1664xi32, #tpu.memory_space<vmem>> -> memref<128xi32, #tpu.memory_space<vmem>>
      %dma_start3A_176 = arith.constant 0 : i32
      %dma_start3A_177 = arith.constant 0 : i32
      %dma_start3A_178 = tpu.memref_slice %arg2[%dma_start3A_176, %dma_start3A_177] : memref<10000x128xf32, #tpu.memory_space<hbm>> -> memref<10000x128xf32, #tpu.memory_space<hbm>>
      tpu.enqueue_indirect_dma source(%dma_start3A_178 : memref<10000x128xf32, #tpu.memory_space<hbm>>) target(%arg9 : memref<128x128xf32, #tpu.memory_space<vmem>>) offsets(%dma_start3A_175 : memref<128xi32, #tpu.memory_space<vmem>>) semaphore(%arg13 : memref<!tpu.dma_semaphore, #tpu.memory_space<semaphore_mem>>)
      %dma_wait3A_179 = arith.constant 384 : i32
      %dma_wait3A_180 = tpu.memref_slice %arg5[%dma_wait3A_179] : memref<1664xi32, #tpu.memory_space<vmem>> -> memref<128xi32, #tpu.memory_space<vmem>>
      %dma_wait3A_181 = arith.constant 0 : i32
      %dma_wait3A_182 = arith.constant 0 : i32
      %dma_wait3A_183 = tpu.memref_slice %arg2[%dma_wait3A_181, %dma_wait3A_182] : memref<10000x128xf32, #tpu.memory_space<hbm>> -> memref<10000x128xf32, #tpu.memory_space<hbm>>
      tpu.wait_indirect_dma semaphore(%arg14 : memref<!tpu.dma_semaphore, #tpu.memory_space<semaphore_mem>>) src(%dma_wait3A_183 : memref<10000x128xf32, #tpu.memory_space<hbm>>) dst(%arg10 : memref<128x128xf32, #tpu.memory_space<vmem>>)
      %add3A_184 = arith.constant 3 : i32
      %add3A_185 = arith.addi %add3A_57, %add3A_184 : i32
      %mul3A_186 = arith.constant 128 : i32
      %mul3A_187 = arith.muli %add3A_185, %mul3A_186 : i32
      %add3A_188 = arith.constant 320000 : i32
      %add3A_189 = arith.addi %add3A_188, %mul3A_187 : i32
      %dma_wait3A_190 = tpu.memref_slice %arg3[%add3A_189] : memref<640000xi32, #tpu.memory_space<hbm>> -> memref<128xi32, #tpu.memory_space<hbm>>
      %dma_wait3A_191 = tpu.memref_slice %arg3[%add3A_189] : memref<640000xi32, #tpu.memory_space<hbm>> -> memref<128xi32, #tpu.memory_space<hbm>>
      tpu.wait_dma2 semaphore(%arg17 : memref<!tpu.dma_semaphore, #tpu.memory_space<semaphore_mem>>) src(%dma_wait3A_191 : memref<128xi32, #tpu.memory_space<hbm>>) dst(%arg8 : memref<128xi32, #tpu.memory_space<vmem>>)
      "tpu.region"() ({
        %run_scoped3A = tpu.sem_alloc : memref<!tpu.dma_semaphore, #tpu.memory_space<semaphore_mem>>
        %dma_start3A_808 = arith.constant 0 : i32
        %dma_start3A_809 = arith.constant 0 : i32
        %dma_start3A_810 = tpu.memref_slice %arg12[%dma_start3A_808, %dma_start3A_809] : memref<10000x128xf32, #tpu.memory_space<vmem_shared>> -> memref<10000x128xf32, #tpu.memory_space<vmem_shared>>
        tpu.enqueue_indirect_dma source(%arg10 : memref<128x128xf32, #tpu.memory_space<vmem>>) target(%dma_start3A_810 : memref<10000x128xf32, #tpu.memory_space<vmem_shared>>) offsets(%arg8 : memref<128xi32, #tpu.memory_space<vmem>>) semaphore(%run_scoped3A : memref<!tpu.dma_semaphore, #tpu.memory_space<semaphore_mem>>) {add = true}
        %dma_wait3A_811 = arith.constant 0 : i32
        %dma_wait3A_812 = arith.constant 0 : i32
        %dma_wait3A_813 = tpu.memref_slice %arg12[%dma_wait3A_811, %dma_wait3A_812] : memref<10000x128xf32, #tpu.memory_space<vmem_shared>> -> memref<10000x128xf32, #tpu.memory_space<vmem_shared>>
        tpu.wait_indirect_dma semaphore(%run_scoped3A : memref<!tpu.dma_semaphore, #tpu.memory_space<semaphore_mem>>) src(%arg10 : memref<128x128xf32, #tpu.memory_space<vmem>>) dst(%dma_wait3A_813 : memref<10000x128xf32, #tpu.memory_space<vmem_shared>>)
        tpu.yield
      }) : () -> ()
      %add3A_192 = arith.constant 3 : i32
      %add3A_193 = arith.addi %add3A_57, %add3A_192 : i32
      %add3A_194 = arith.constant 2 : i32
      %add3A_195 = arith.addi %add3A_193, %add3A_194 : i32
      %mul3A_196 = arith.constant 128 : i32
      %mul3A_197 = arith.muli %add3A_195, %mul3A_196 : i32
      %add3A_198 = arith.constant 320000 : i32
      %add3A_199 = arith.addi %add3A_198, %mul3A_197 : i32
      %dma_start3A_200 = tpu.memref_slice %arg3[%add3A_199] : memref<640000xi32, #tpu.memory_space<hbm>> -> memref<128xi32, #tpu.memory_space<hbm>>
      %dma_start3A_201 = tpu.memref_slice %arg3[%add3A_199] : memref<640000xi32, #tpu.memory_space<hbm>> -> memref<128xi32, #tpu.memory_space<hbm>>
      tpu.enqueue_dma source(%dma_start3A_201 : memref<128xi32, #tpu.memory_space<hbm>>) target(%arg8 : memref<128xi32, #tpu.memory_space<vmem>>) target_semaphore(%arg17 : memref<!tpu.dma_semaphore, #tpu.memory_space<semaphore_mem>>)
      %dma_start3A_202 = arith.constant 640 : i32
      %dma_start3A_203 = tpu.memref_slice %arg5[%dma_start3A_202] : memref<1664xi32, #tpu.memory_space<vmem>> -> memref<128xi32, #tpu.memory_space<vmem>>
      %dma_start3A_204 = arith.constant 0 : i32
      %dma_start3A_205 = arith.constant 0 : i32
      %dma_start3A_206 = tpu.memref_slice %arg2[%dma_start3A_204, %dma_start3A_205] : memref<10000x128xf32, #tpu.memory_space<hbm>> -> memref<10000x128xf32, #tpu.memory_space<hbm>>
      tpu.enqueue_indirect_dma source(%dma_start3A_206 : memref<10000x128xf32, #tpu.memory_space<hbm>>) target(%arg10 : memref<128x128xf32, #tpu.memory_space<vmem>>) offsets(%dma_start3A_203 : memref<128xi32, #tpu.memory_space<vmem>>) semaphore(%arg14 : memref<!tpu.dma_semaphore, #tpu.memory_space<semaphore_mem>>)
      %dma_wait3A_207 = arith.constant 512 : i32
      %dma_wait3A_208 = tpu.memref_slice %arg5[%dma_wait3A_207] : memref<1664xi32, #tpu.memory_space<vmem>> -> memref<128xi32, #tpu.memory_space<vmem>>
      %dma_wait3A_209 = arith.constant 0 : i32
      %dma_wait3A_210 = arith.constant 0 : i32
      %dma_wait3A_211 = tpu.memref_slice %arg2[%dma_wait3A_209, %dma_wait3A_210] : memref<10000x128xf32, #tpu.memory_space<hbm>> -> memref<10000x128xf32, #tpu.memory_space<hbm>>
      tpu.wait_indirect_dma semaphore(%arg13 : memref<!tpu.dma_semaphore, #tpu.memory_space<semaphore_mem>>) src(%dma_wait3A_211 : memref<10000x128xf32, #tpu.memory_space<hbm>>) dst(%arg9 : memref<128x128xf32, #tpu.memory_space<vmem>>)
      %add3A_212 = arith.constant 4 : i32
      %add3A_213 = arith.addi %add3A_57, %add3A_212 : i32
      %mul3A_214 = arith.constant 128 : i32
      %mul3A_215 = arith.muli %add3A_213, %mul3A_214 : i32
      %add3A_216 = arith.constant 320000 : i32
      %add3A_217 = arith.addi %add3A_216, %mul3A_215 : i32
      %dma_wait3A_218 = tpu.memref_slice %arg3[%add3A_217] : memref<640000xi32, #tpu.memory_space<hbm>> -> memref<128xi32, #tpu.memory_space<hbm>>
      %dma_wait3A_219 = tpu.memref_slice %arg3[%add3A_217] : memref<640000xi32, #tpu.memory_space<hbm>> -> memref<128xi32, #tpu.memory_space<hbm>>
      tpu.wait_dma2 semaphore(%arg16 : memref<!tpu.dma_semaphore, #tpu.memory_space<semaphore_mem>>) src(%dma_wait3A_219 : memref<128xi32, #tpu.memory_space<hbm>>) dst(%arg7 : memref<128xi32, #tpu.memory_space<vmem>>)
      "tpu.region"() ({
        %run_scoped3A = tpu.sem_alloc : memref<!tpu.dma_semaphore, #tpu.memory_space<semaphore_mem>>
        %dma_start3A_808 = arith.constant 0 : i32
        %dma_start3A_809 = arith.constant 0 : i32
        %dma_start3A_810 = tpu.memref_slice %arg12[%dma_start3A_808, %dma_start3A_809] : memref<10000x128xf32, #tpu.memory_space<vmem_shared>> -> memref<10000x128xf32, #tpu.memory_space<vmem_shared>>
        tpu.enqueue_indirect_dma source(%arg9 : memref<128x128xf32, #tpu.memory_space<vmem>>) target(%dma_start3A_810 : memref<10000x128xf32, #tpu.memory_space<vmem_shared>>) offsets(%arg7 : memref<128xi32, #tpu.memory_space<vmem>>) semaphore(%run_scoped3A : memref<!tpu.dma_semaphore, #tpu.memory_space<semaphore_mem>>) {add = true}
        %dma_wait3A_811 = arith.constant 0 : i32
        %dma_wait3A_812 = arith.constant 0 : i32
        %dma_wait3A_813 = tpu.memref_slice %arg12[%dma_wait3A_811, %dma_wait3A_812] : memref<10000x128xf32, #tpu.memory_space<vmem_shared>> -> memref<10000x128xf32, #tpu.memory_space<vmem_shared>>
        tpu.wait_indirect_dma semaphore(%run_scoped3A : memref<!tpu.dma_semaphore, #tpu.memory_space<semaphore_mem>>) src(%arg9 : memref<128x128xf32, #tpu.memory_space<vmem>>) dst(%dma_wait3A_813 : memref<10000x128xf32, #tpu.memory_space<vmem_shared>>)
        tpu.yield
      }) : () -> ()
      %add3A_220 = arith.constant 4 : i32
      %add3A_221 = arith.addi %add3A_57, %add3A_220 : i32
      %add3A_222 = arith.constant 2 : i32
      %add3A_223 = arith.addi %add3A_221, %add3A_222 : i32
      %mul3A_224 = arith.constant 128 : i32
      %mul3A_225 = arith.muli %add3A_223, %mul3A_224 : i32
      %add3A_226 = arith.constant 320000 : i32
      %add3A_227 = arith.addi %add3A_226, %mul3A_225 : i32
      %dma_start3A_228 = tpu.memref_slice %arg3[%add3A_227] : memref<640000xi32, #tpu.memory_space<hbm>> -> memref<128xi32, #tpu.memory_space<hbm>>
      %dma_start3A_229 = tpu.memref_slice %arg3[%add3A_227] : memref<640000xi32, #tpu.memory_space<hbm>> -> memref<128xi32, #tpu.memory_space<hbm>>
      tpu.enqueue_dma source(%dma_start3A_229 : memref<128xi32, #tpu.memory_space<hbm>>) target(%arg7 : memref<128xi32, #tpu.memory_space<vmem>>) target_semaphore(%arg16 : memref<!tpu.dma_semaphore, #tpu.memory_space<semaphore_mem>>)
      %dma_start3A_230 = arith.constant 768 : i32
      %dma_start3A_231 = tpu.memref_slice %arg5[%dma_start3A_230] : memref<1664xi32, #tpu.memory_space<vmem>> -> memref<128xi32, #tpu.memory_space<vmem>>
      %dma_start3A_232 = arith.constant 0 : i32
      %dma_start3A_233 = arith.constant 0 : i32
      %dma_start3A_234 = tpu.memref_slice %arg2[%dma_start3A_232, %dma_start3A_233] : memref<10000x128xf32, #tpu.memory_space<hbm>> -> memref<10000x128xf32, #tpu.memory_space<hbm>>
      tpu.enqueue_indirect_dma source(%dma_start3A_234 : memref<10000x128xf32, #tpu.memory_space<hbm>>) target(%arg9 : memref<128x128xf32, #tpu.memory_space<vmem>>) offsets(%dma_start3A_231 : memref<128xi32, #tpu.memory_space<vmem>>) semaphore(%arg13 : memref<!tpu.dma_semaphore, #tpu.memory_space<semaphore_mem>>)
      %dma_wait3A_235 = arith.constant 640 : i32
      %dma_wait3A_236 = tpu.memref_slice %arg5[%dma_wait3A_235] : memref<1664xi32, #tpu.memory_space<vmem>> -> memref<128xi32, #tpu.memory_space<vmem>>
      %dma_wait3A_237 = arith.constant 0 : i32
      %dma_wait3A_238 = arith.constant 0 : i32
      %dma_wait3A_239 = tpu.memref_slice %arg2[%dma_wait3A_237, %dma_wait3A_238] : memref<10000x128xf32, #tpu.memory_space<hbm>> -> memref<10000x128xf32, #tpu.memory_space<hbm>>
      tpu.wait_indirect_dma semaphore(%arg14 : memref<!tpu.dma_semaphore, #tpu.memory_space<semaphore_mem>>) src(%dma_wait3A_239 : memref<10000x128xf32, #tpu.memory_space<hbm>>) dst(%arg10 : memref<128x128xf32, #tpu.memory_space<vmem>>)
      %add3A_240 = arith.constant 5 : i32
      %add3A_241 = arith.addi %add3A_57, %add3A_240 : i32
      %mul3A_242 = arith.constant 128 : i32
      %mul3A_243 = arith.muli %add3A_241, %mul3A_242 : i32
      %add3A_244 = arith.constant 320000 : i32
      %add3A_245 = arith.addi %add3A_244, %mul3A_243 : i32
      %dma_wait3A_246 = tpu.memref_slice %arg3[%add3A_245] : memref<640000xi32, #tpu.memory_space<hbm>> -> memref<128xi32, #tpu.memory_space<hbm>>
      %dma_wait3A_247 = tpu.memref_slice %arg3[%add3A_245] : memref<640000xi32, #tpu.memory_space<hbm>> -> memref<128xi32, #tpu.memory_space<hbm>>
      tpu.wait_dma2 semaphore(%arg17 : memref<!tpu.dma_semaphore, #tpu.memory_space<semaphore_mem>>) src(%dma_wait3A_247 : memref<128xi32, #tpu.memory_space<hbm>>) dst(%arg8 : memref<128xi32, #tpu.memory_space<vmem>>)
      "tpu.region"() ({
        %run_scoped3A = tpu.sem_alloc : memref<!tpu.dma_semaphore, #tpu.memory_space<semaphore_mem>>
        %dma_start3A_808 = arith.constant 0 : i32
        %dma_start3A_809 = arith.constant 0 : i32
        %dma_start3A_810 = tpu.memref_slice %arg12[%dma_start3A_808, %dma_start3A_809] : memref<10000x128xf32, #tpu.memory_space<vmem_shared>> -> memref<10000x128xf32, #tpu.memory_space<vmem_shared>>
        tpu.enqueue_indirect_dma source(%arg10 : memref<128x128xf32, #tpu.memory_space<vmem>>) target(%dma_start3A_810 : memref<10000x128xf32, #tpu.memory_space<vmem_shared>>) offsets(%arg8 : memref<128xi32, #tpu.memory_space<vmem>>) semaphore(%run_scoped3A : memref<!tpu.dma_semaphore, #tpu.memory_space<semaphore_mem>>) {add = true}
        %dma_wait3A_811 = arith.constant 0 : i32
        %dma_wait3A_812 = arith.constant 0 : i32
        %dma_wait3A_813 = tpu.memref_slice %arg12[%dma_wait3A_811, %dma_wait3A_812] : memref<10000x128xf32, #tpu.memory_space<vmem_shared>> -> memref<10000x128xf32, #tpu.memory_space<vmem_shared>>
        tpu.wait_indirect_dma semaphore(%run_scoped3A : memref<!tpu.dma_semaphore, #tpu.memory_space<semaphore_mem>>) src(%arg10 : memref<128x128xf32, #tpu.memory_space<vmem>>) dst(%dma_wait3A_813 : memref<10000x128xf32, #tpu.memory_space<vmem_shared>>)
        tpu.yield
      }) : () -> ()
      %add3A_248 = arith.constant 5 : i32
      %add3A_249 = arith.addi %add3A_57, %add3A_248 : i32
      %add3A_250 = arith.constant 2 : i32
      %add3A_251 = arith.addi %add3A_249, %add3A_250 : i32
      %mul3A_252 = arith.constant 128 : i32
      %mul3A_253 = arith.muli %add3A_251, %mul3A_252 : i32
      %add3A_254 = arith.constant 320000 : i32
      %add3A_255 = arith.addi %add3A_254, %mul3A_253 : i32
      %dma_start3A_256 = tpu.memref_slice %arg3[%add3A_255] : memref<640000xi32, #tpu.memory_space<hbm>> -> memref<128xi32, #tpu.memory_space<hbm>>
      %dma_start3A_257 = tpu.memref_slice %arg3[%add3A_255] : memref<640000xi32, #tpu.memory_space<hbm>> -> memref<128xi32, #tpu.memory_space<hbm>>
      tpu.enqueue_dma source(%dma_start3A_257 : memref<128xi32, #tpu.memory_space<hbm>>) target(%arg8 : memref<128xi32, #tpu.memory_space<vmem>>) target_semaphore(%arg17 : memref<!tpu.dma_semaphore, #tpu.memory_space<semaphore_mem>>)
      %dma_start3A_258 = arith.constant 896 : i32
      %dma_start3A_259 = tpu.memref_slice %arg5[%dma_start3A_258] : memref<1664xi32, #tpu.memory_space<vmem>> -> memref<128xi32, #tpu.memory_space<vmem>>
      %dma_start3A_260 = arith.constant 0 : i32
      %dma_start3A_261 = arith.constant 0 : i32
      %dma_start3A_262 = tpu.memref_slice %arg2[%dma_start3A_260, %dma_start3A_261] : memref<10000x128xf32, #tpu.memory_space<hbm>> -> memref<10000x128xf32, #tpu.memory_space<hbm>>
      tpu.enqueue_indirect_dma source(%dma_start3A_262 : memref<10000x128xf32, #tpu.memory_space<hbm>>) target(%arg10 : memref<128x128xf32, #tpu.memory_space<vmem>>) offsets(%dma_start3A_259 : memref<128xi32, #tpu.memory_space<vmem>>) semaphore(%arg14 : memref<!tpu.dma_semaphore, #tpu.memory_space<semaphore_mem>>)
      %dma_wait3A_263 = arith.constant 768 : i32
      %dma_wait3A_264 = tpu.memref_slice %arg5[%dma_wait3A_263] : memref<1664xi32, #tpu.memory_space<vmem>> -> memref<128xi32, #tpu.memory_space<vmem>>
      %dma_wait3A_265 = arith.constant 0 : i32
      %dma_wait3A_266 = arith.constant 0 : i32
      %dma_wait3A_267 = tpu.memref_slice %arg2[%dma_wait3A_265, %dma_wait3A_266] : memref<10000x128xf32, #tpu.memory_space<hbm>> -> memref<10000x128xf32, #tpu.memory_space<hbm>>
      tpu.wait_indirect_dma semaphore(%arg13 : memref<!tpu.dma_semaphore, #tpu.memory_space<semaphore_mem>>) src(%dma_wait3A_267 : memref<10000x128xf32, #tpu.memory_space<hbm>>) dst(%arg9 : memref<128x128xf32, #tpu.memory_space<vmem>>)
      %add3A_268 = arith.constant 6 : i32
      %add3A_269 = arith.addi %add3A_57, %add3A_268 : i32
      %mul3A_270 = arith.constant 128 : i32
      %mul3A_271 = arith.muli %add3A_269, %mul3A_270 : i32
      %add3A_272 = arith.constant 320000 : i32
      %add3A_273 = arith.addi %add3A_272, %mul3A_271 : i32
      %dma_wait3A_274 = tpu.memref_slice %arg3[%add3A_273] : memref<640000xi32, #tpu.memory_space<hbm>> -> memref<128xi32, #tpu.memory_space<hbm>>
      %dma_wait3A_275 = tpu.memref_slice %arg3[%add3A_273] : memref<640000xi32, #tpu.memory_space<hbm>> -> memref<128xi32, #tpu.memory_space<hbm>>
      tpu.wait_dma2 semaphore(%arg16 : memref<!tpu.dma_semaphore, #tpu.memory_space<semaphore_mem>>) src(%dma_wait3A_275 : memref<128xi32, #tpu.memory_space<hbm>>) dst(%arg7 : memref<128xi32, #tpu.memory_space<vmem>>)
      "tpu.region"() ({
        %run_scoped3A = tpu.sem_alloc : memref<!tpu.dma_semaphore, #tpu.memory_space<semaphore_mem>>
        %dma_start3A_808 = arith.constant 0 : i32
        %dma_start3A_809 = arith.constant 0 : i32
        %dma_start3A_810 = tpu.memref_slice %arg12[%dma_start3A_808, %dma_start3A_809] : memref<10000x128xf32, #tpu.memory_space<vmem_shared>> -> memref<10000x128xf32, #tpu.memory_space<vmem_shared>>
        tpu.enqueue_indirect_dma source(%arg9 : memref<128x128xf32, #tpu.memory_space<vmem>>) target(%dma_start3A_810 : memref<10000x128xf32, #tpu.memory_space<vmem_shared>>) offsets(%arg7 : memref<128xi32, #tpu.memory_space<vmem>>) semaphore(%run_scoped3A : memref<!tpu.dma_semaphore, #tpu.memory_space<semaphore_mem>>) {add = true}
        %dma_wait3A_811 = arith.constant 0 : i32
        %dma_wait3A_812 = arith.constant 0 : i32
        %dma_wait3A_813 = tpu.memref_slice %arg12[%dma_wait3A_811, %dma_wait3A_812] : memref<10000x128xf32, #tpu.memory_space<vmem_shared>> -> memref<10000x128xf32, #tpu.memory_space<vmem_shared>>
        tpu.wait_indirect_dma semaphore(%run_scoped3A : memref<!tpu.dma_semaphore, #tpu.memory_space<semaphore_mem>>) src(%arg9 : memref<128x128xf32, #tpu.memory_space<vmem>>) dst(%dma_wait3A_813 : memref<10000x128xf32, #tpu.memory_space<vmem_shared>>)
        tpu.yield
      }) : () -> ()
      %add3A_276 = arith.constant 6 : i32
      %add3A_277 = arith.addi %add3A_57, %add3A_276 : i32
      %add3A_278 = arith.constant 2 : i32
      %add3A_279 = arith.addi %add3A_277, %add3A_278 : i32
      %mul3A_280 = arith.constant 128 : i32
      %mul3A_281 = arith.muli %add3A_279, %mul3A_280 : i32
      %add3A_282 = arith.constant 320000 : i32
      %add3A_283 = arith.addi %add3A_282, %mul3A_281 : i32
      %dma_start3A_284 = tpu.memref_slice %arg3[%add3A_283] : memref<640000xi32, #tpu.memory_space<hbm>> -> memref<128xi32, #tpu.memory_space<hbm>>
      %dma_start3A_285 = tpu.memref_slice %arg3[%add3A_283] : memref<640000xi32, #tpu.memory_space<hbm>> -> memref<128xi32, #tpu.memory_space<hbm>>
      tpu.enqueue_dma source(%dma_start3A_285 : memref<128xi32, #tpu.memory_space<hbm>>) target(%arg7 : memref<128xi32, #tpu.memory_space<vmem>>) target_semaphore(%arg16 : memref<!tpu.dma_semaphore, #tpu.memory_space<semaphore_mem>>)
      %dma_start3A_286 = arith.constant 1024 : i32
      %dma_start3A_287 = tpu.memref_slice %arg5[%dma_start3A_286] : memref<1664xi32, #tpu.memory_space<vmem>> -> memref<128xi32, #tpu.memory_space<vmem>>
      %dma_start3A_288 = arith.constant 0 : i32
      %dma_start3A_289 = arith.constant 0 : i32
      %dma_start3A_290 = tpu.memref_slice %arg2[%dma_start3A_288, %dma_start3A_289] : memref<10000x128xf32, #tpu.memory_space<hbm>> -> memref<10000x128xf32, #tpu.memory_space<hbm>>
      tpu.enqueue_indirect_dma source(%dma_start3A_290 : memref<10000x128xf32, #tpu.memory_space<hbm>>) target(%arg9 : memref<128x128xf32, #tpu.memory_space<vmem>>) offsets(%dma_start3A_287 : memref<128xi32, #tpu.memory_space<vmem>>) semaphore(%arg13 : memref<!tpu.dma_semaphore, #tpu.memory_space<semaphore_mem>>)
      %dma_wait3A_291 = arith.constant 896 : i32
      %dma_wait3A_292 = tpu.memref_slice %arg5[%dma_wait3A_291] : memref<1664xi32, #tpu.memory_space<vmem>> -> memref<128xi32, #tpu.memory_space<vmem>>
      %dma_wait3A_293 = arith.constant 0 : i32
      %dma_wait3A_294 = arith.constant 0 : i32
      %dma_wait3A_295 = tpu.memref_slice %arg2[%dma_wait3A_293, %dma_wait3A_294] : memref<10000x128xf32, #tpu.memory_space<hbm>> -> memref<10000x128xf32, #tpu.memory_space<hbm>>
      tpu.wait_indirect_dma semaphore(%arg14 : memref<!tpu.dma_semaphore, #tpu.memory_space<semaphore_mem>>) src(%dma_wait3A_295 : memref<10000x128xf32, #tpu.memory_space<hbm>>) dst(%arg10 : memref<128x128xf32, #tpu.memory_space<vmem>>)
      %add3A_296 = arith.constant 7 : i32
      %add3A_297 = arith.addi %add3A_57, %add3A_296 : i32
      %mul3A_298 = arith.constant 128 : i32
      %mul3A_299 = arith.muli %add3A_297, %mul3A_298 : i32
      %add3A_300 = arith.constant 320000 : i32
      %add3A_301 = arith.addi %add3A_300, %mul3A_299 : i32
      %dma_wait3A_302 = tpu.memref_slice %arg3[%add3A_301] : memref<640000xi32, #tpu.memory_space<hbm>> -> memref<128xi32, #tpu.memory_space<hbm>>
      %dma_wait3A_303 = tpu.memref_slice %arg3[%add3A_301] : memref<640000xi32, #tpu.memory_space<hbm>> -> memref<128xi32, #tpu.memory_space<hbm>>
      tpu.wait_dma2 semaphore(%arg17 : memref<!tpu.dma_semaphore, #tpu.memory_space<semaphore_mem>>) src(%dma_wait3A_303 : memref<128xi32, #tpu.memory_space<hbm>>) dst(%arg8 : memref<128xi32, #tpu.memory_space<vmem>>)
      "tpu.region"() ({
        %run_scoped3A = tpu.sem_alloc : memref<!tpu.dma_semaphore, #tpu.memory_space<semaphore_mem>>
        %dma_start3A_808 = arith.constant 0 : i32
        %dma_start3A_809 = arith.constant 0 : i32
        %dma_start3A_810 = tpu.memref_slice %arg12[%dma_start3A_808, %dma_start3A_809] : memref<10000x128xf32, #tpu.memory_space<vmem_shared>> -> memref<10000x128xf32, #tpu.memory_space<vmem_shared>>
        tpu.enqueue_indirect_dma source(%arg10 : memref<128x128xf32, #tpu.memory_space<vmem>>) target(%dma_start3A_810 : memref<10000x128xf32, #tpu.memory_space<vmem_shared>>) offsets(%arg8 : memref<128xi32, #tpu.memory_space<vmem>>) semaphore(%run_scoped3A : memref<!tpu.dma_semaphore, #tpu.memory_space<semaphore_mem>>) {add = true}
        %dma_wait3A_811 = arith.constant 0 : i32
        %dma_wait3A_812 = arith.constant 0 : i32
        %dma_wait3A_813 = tpu.memref_slice %arg12[%dma_wait3A_811, %dma_wait3A_812] : memref<10000x128xf32, #tpu.memory_space<vmem_shared>> -> memref<10000x128xf32, #tpu.memory_space<vmem_shared>>
        tpu.wait_indirect_dma semaphore(%run_scoped3A : memref<!tpu.dma_semaphore, #tpu.memory_space<semaphore_mem>>) src(%arg10 : memref<128x128xf32, #tpu.memory_space<vmem>>) dst(%dma_wait3A_813 : memref<10000x128xf32, #tpu.memory_space<vmem_shared>>)
        tpu.yield
      }) : () -> ()
      %add3A_304 = arith.constant 7 : i32
      %add3A_305 = arith.addi %add3A_57, %add3A_304 : i32
      %add3A_306 = arith.constant 2 : i32
      %add3A_307 = arith.addi %add3A_305, %add3A_306 : i32
      %mul3A_308 = arith.constant 128 : i32
      %mul3A_309 = arith.muli %add3A_307, %mul3A_308 : i32
      %add3A_310 = arith.constant 320000 : i32
      %add3A_311 = arith.addi %add3A_310, %mul3A_309 : i32
      %dma_start3A_312 = tpu.memref_slice %arg3[%add3A_311] : memref<640000xi32, #tpu.memory_space<hbm>> -> memref<128xi32, #tpu.memory_space<hbm>>
      %dma_start3A_313 = tpu.memref_slice %arg3[%add3A_311] : memref<640000xi32, #tpu.memory_space<hbm>> -> memref<128xi32, #tpu.memory_space<hbm>>
      tpu.enqueue_dma source(%dma_start3A_313 : memref<128xi32, #tpu.memory_space<hbm>>) target(%arg8 : memref<128xi32, #tpu.memory_space<vmem>>) target_semaphore(%arg17 : memref<!tpu.dma_semaphore, #tpu.memory_space<semaphore_mem>>)
      %dma_start3A_314 = arith.constant 1152 : i32
      %dma_start3A_315 = tpu.memref_slice %arg5[%dma_start3A_314] : memref<1664xi32, #tpu.memory_space<vmem>> -> memref<128xi32, #tpu.memory_space<vmem>>
      %dma_start3A_316 = arith.constant 0 : i32
      %dma_start3A_317 = arith.constant 0 : i32
      %dma_start3A_318 = tpu.memref_slice %arg2[%dma_start3A_316, %dma_start3A_317] : memref<10000x128xf32, #tpu.memory_space<hbm>> -> memref<10000x128xf32, #tpu.memory_space<hbm>>
      tpu.enqueue_indirect_dma source(%dma_start3A_318 : memref<10000x128xf32, #tpu.memory_space<hbm>>) target(%arg10 : memref<128x128xf32, #tpu.memory_space<vmem>>) offsets(%dma_start3A_315 : memref<128xi32, #tpu.memory_space<vmem>>) semaphore(%arg14 : memref<!tpu.dma_semaphore, #tpu.memory_space<semaphore_mem>>)
      %dma_wait3A_319 = arith.constant 1024 : i32
      %dma_wait3A_320 = tpu.memref_slice %arg5[%dma_wait3A_319] : memref<1664xi32, #tpu.memory_space<vmem>> -> memref<128xi32, #tpu.memory_space<vmem>>
      %dma_wait3A_321 = arith.constant 0 : i32
      %dma_wait3A_322 = arith.constant 0 : i32
      %dma_wait3A_323 = tpu.memref_slice %arg2[%dma_wait3A_321, %dma_wait3A_322] : memref<10000x128xf32, #tpu.memory_space<hbm>> -> memref<10000x128xf32, #tpu.memory_space<hbm>>
      tpu.wait_indirect_dma semaphore(%arg13 : memref<!tpu.dma_semaphore, #tpu.memory_space<semaphore_mem>>) src(%dma_wait3A_323 : memref<10000x128xf32, #tpu.memory_space<hbm>>) dst(%arg9 : memref<128x128xf32, #tpu.memory_space<vmem>>)
      %add3A_324 = arith.constant 8 : i32
      %add3A_325 = arith.addi %add3A_57, %add3A_324 : i32
      %mul3A_326 = arith.constant 128 : i32
      %mul3A_327 = arith.muli %add3A_325, %mul3A_326 : i32
      %add3A_328 = arith.constant 320000 : i32
      %add3A_329 = arith.addi %add3A_328, %mul3A_327 : i32
      %dma_wait3A_330 = tpu.memref_slice %arg3[%add3A_329] : memref<640000xi32, #tpu.memory_space<hbm>> -> memref<128xi32, #tpu.memory_space<hbm>>
      %dma_wait3A_331 = tpu.memref_slice %arg3[%add3A_329] : memref<640000xi32, #tpu.memory_space<hbm>> -> memref<128xi32, #tpu.memory_space<hbm>>
      tpu.wait_dma2 semaphore(%arg16 : memref<!tpu.dma_semaphore, #tpu.memory_space<semaphore_mem>>) src(%dma_wait3A_331 : memref<128xi32, #tpu.memory_space<hbm>>) dst(%arg7 : memref<128xi32, #tpu.memory_space<vmem>>)
      "tpu.region"() ({
        %run_scoped3A = tpu.sem_alloc : memref<!tpu.dma_semaphore, #tpu.memory_space<semaphore_mem>>
        %dma_start3A_808 = arith.constant 0 : i32
        %dma_start3A_809 = arith.constant 0 : i32
        %dma_start3A_810 = tpu.memref_slice %arg12[%dma_start3A_808, %dma_start3A_809] : memref<10000x128xf32, #tpu.memory_space<vmem_shared>> -> memref<10000x128xf32, #tpu.memory_space<vmem_shared>>
        tpu.enqueue_indirect_dma source(%arg9 : memref<128x128xf32, #tpu.memory_space<vmem>>) target(%dma_start3A_810 : memref<10000x128xf32, #tpu.memory_space<vmem_shared>>) offsets(%arg7 : memref<128xi32, #tpu.memory_space<vmem>>) semaphore(%run_scoped3A : memref<!tpu.dma_semaphore, #tpu.memory_space<semaphore_mem>>) {add = true}
        %dma_wait3A_811 = arith.constant 0 : i32
        %dma_wait3A_812 = arith.constant 0 : i32
        %dma_wait3A_813 = tpu.memref_slice %arg12[%dma_wait3A_811, %dma_wait3A_812] : memref<10000x128xf32, #tpu.memory_space<vmem_shared>> -> memref<10000x128xf32, #tpu.memory_space<vmem_shared>>
        tpu.wait_indirect_dma semaphore(%run_scoped3A : memref<!tpu.dma_semaphore, #tpu.memory_space<semaphore_mem>>) src(%arg9 : memref<128x128xf32, #tpu.memory_space<vmem>>) dst(%dma_wait3A_813 : memref<10000x128xf32, #tpu.memory_space<vmem_shared>>)
        tpu.yield
      }) : () -> ()
      %add3A_332 = arith.constant 8 : i32
      %add3A_333 = arith.addi %add3A_57, %add3A_332 : i32
      %add3A_334 = arith.constant 2 : i32
      %add3A_335 = arith.addi %add3A_333, %add3A_334 : i32
      %mul3A_336 = arith.constant 128 : i32
      %mul3A_337 = arith.muli %add3A_335, %mul3A_336 : i32
      %add3A_338 = arith.constant 320000 : i32
      %add3A_339 = arith.addi %add3A_338, %mul3A_337 : i32
      %dma_start3A_340 = tpu.memref_slice %arg3[%add3A_339] : memref<640000xi32, #tpu.memory_space<hbm>> -> memref<128xi32, #tpu.memory_space<hbm>>
      %dma_start3A_341 = tpu.memref_slice %arg3[%add3A_339] : memref<640000xi32, #tpu.memory_space<hbm>> -> memref<128xi32, #tpu.memory_space<hbm>>
      tpu.enqueue_dma source(%dma_start3A_341 : memref<128xi32, #tpu.memory_space<hbm>>) target(%arg7 : memref<128xi32, #tpu.memory_space<vmem>>) target_semaphore(%arg16 : memref<!tpu.dma_semaphore, #tpu.memory_space<semaphore_mem>>)
      %dma_start3A_342 = arith.constant 1280 : i32
      %dma_start3A_343 = tpu.memref_slice %arg5[%dma_start3A_342] : memref<1664xi32, #tpu.memory_space<vmem>> -> memref<128xi32, #tpu.memory_space<vmem>>
      %dma_start3A_344 = arith.constant 0 : i32
      %dma_start3A_345 = arith.constant 0 : i32
      %dma_start3A_346 = tpu.memref_slice %arg2[%dma_start3A_344, %dma_start3A_345] : memref<10000x128xf32, #tpu.memory_space<hbm>> -> memref<10000x128xf32, #tpu.memory_space<hbm>>
      tpu.enqueue_indirect_dma source(%dma_start3A_346 : memref<10000x128xf32, #tpu.memory_space<hbm>>) target(%arg9 : memref<128x128xf32, #tpu.memory_space<vmem>>) offsets(%dma_start3A_343 : memref<128xi32, #tpu.memory_space<vmem>>) semaphore(%arg13 : memref<!tpu.dma_semaphore, #tpu.memory_space<semaphore_mem>>)
      %dma_wait3A_347 = arith.constant 1152 : i32
      %dma_wait3A_348 = tpu.memref_slice %arg5[%dma_wait3A_347] : memref<1664xi32, #tpu.memory_space<vmem>> -> memref<128xi32, #tpu.memory_space<vmem>>
      %dma_wait3A_349 = arith.constant 0 : i32
      %dma_wait3A_350 = arith.constant 0 : i32
      %dma_wait3A_351 = tpu.memref_slice %arg2[%dma_wait3A_349, %dma_wait3A_350] : memref<10000x128xf32, #tpu.memory_space<hbm>> -> memref<10000x128xf32, #tpu.memory_space<hbm>>
      tpu.wait_indirect_dma semaphore(%arg14 : memref<!tpu.dma_semaphore, #tpu.memory_space<semaphore_mem>>) src(%dma_wait3A_351 : memref<10000x128xf32, #tpu.memory_space<hbm>>) dst(%arg10 : memref<128x128xf32, #tpu.memory_space<vmem>>)
      %add3A_352 = arith.constant 9 : i32
      %add3A_353 = arith.addi %add3A_57, %add3A_352 : i32
      %mul3A_354 = arith.constant 128 : i32
      %mul3A_355 = arith.muli %add3A_353, %mul3A_354 : i32
      %add3A_356 = arith.constant 320000 : i32
      %add3A_357 = arith.addi %add3A_356, %mul3A_355 : i32
      %dma_wait3A_358 = tpu.memref_slice %arg3[%add3A_357] : memref<640000xi32, #tpu.memory_space<hbm>> -> memref<128xi32, #tpu.memory_space<hbm>>
      %dma_wait3A_359 = tpu.memref_slice %arg3[%add3A_357] : memref<640000xi32, #tpu.memory_space<hbm>> -> memref<128xi32, #tpu.memory_space<hbm>>
      tpu.wait_dma2 semaphore(%arg17 : memref<!tpu.dma_semaphore, #tpu.memory_space<semaphore_mem>>) src(%dma_wait3A_359 : memref<128xi32, #tpu.memory_space<hbm>>) dst(%arg8 : memref<128xi32, #tpu.memory_space<vmem>>)
      "tpu.region"() ({
        %run_scoped3A = tpu.sem_alloc : memref<!tpu.dma_semaphore, #tpu.memory_space<semaphore_mem>>
        %dma_start3A_808 = arith.constant 0 : i32
        %dma_start3A_809 = arith.constant 0 : i32
        %dma_start3A_810 = tpu.memref_slice %arg12[%dma_start3A_808, %dma_start3A_809] : memref<10000x128xf32, #tpu.memory_space<vmem_shared>> -> memref<10000x128xf32, #tpu.memory_space<vmem_shared>>
        tpu.enqueue_indirect_dma source(%arg10 : memref<128x128xf32, #tpu.memory_space<vmem>>) target(%dma_start3A_810 : memref<10000x128xf32, #tpu.memory_space<vmem_shared>>) offsets(%arg8 : memref<128xi32, #tpu.memory_space<vmem>>) semaphore(%run_scoped3A : memref<!tpu.dma_semaphore, #tpu.memory_space<semaphore_mem>>) {add = true}
        %dma_wait3A_811 = arith.constant 0 : i32
        %dma_wait3A_812 = arith.constant 0 : i32
        %dma_wait3A_813 = tpu.memref_slice %arg12[%dma_wait3A_811, %dma_wait3A_812] : memref<10000x128xf32, #tpu.memory_space<vmem_shared>> -> memref<10000x128xf32, #tpu.memory_space<vmem_shared>>
        tpu.wait_indirect_dma semaphore(%run_scoped3A : memref<!tpu.dma_semaphore, #tpu.memory_space<semaphore_mem>>) src(%arg10 : memref<128x128xf32, #tpu.memory_space<vmem>>) dst(%dma_wait3A_813 : memref<10000x128xf32, #tpu.memory_space<vmem_shared>>)
        tpu.yield
      }) : () -> ()
      %add3A_360 = arith.constant 9 : i32
      %add3A_361 = arith.addi %add3A_57, %add3A_360 : i32
      %add3A_362 = arith.constant 2 : i32
      %add3A_363 = arith.addi %add3A_361, %add3A_362 : i32
      %mul3A_364 = arith.constant 128 : i32
      %mul3A_365 = arith.muli %add3A_363, %mul3A_364 : i32
      %add3A_366 = arith.constant 320000 : i32
      %add3A_367 = arith.addi %add3A_366, %mul3A_365 : i32
      %dma_start3A_368 = tpu.memref_slice %arg3[%add3A_367] : memref<640000xi32, #tpu.memory_space<hbm>> -> memref<128xi32, #tpu.memory_space<hbm>>
      %dma_start3A_369 = tpu.memref_slice %arg3[%add3A_367] : memref<640000xi32, #tpu.memory_space<hbm>> -> memref<128xi32, #tpu.memory_space<hbm>>
      tpu.enqueue_dma source(%dma_start3A_369 : memref<128xi32, #tpu.memory_space<hbm>>) target(%arg8 : memref<128xi32, #tpu.memory_space<vmem>>) target_semaphore(%arg17 : memref<!tpu.dma_semaphore, #tpu.memory_space<semaphore_mem>>)
      %dma_start3A_370 = arith.constant 1408 : i32
      %dma_start3A_371 = tpu.memref_slice %arg5[%dma_start3A_370] : memref<1664xi32, #tpu.memory_space<vmem>> -> memref<128xi32, #tpu.memory_space<vmem>>
      %dma_start3A_372 = arith.constant 0 : i32
      %dma_start3A_373 = arith.constant 0 : i32
      %dma_start3A_374 = tpu.memref_slice %arg2[%dma_start3A_372, %dma_start3A_373] : memref<10000x128xf32, #tpu.memory_space<hbm>> -> memref<10000x128xf32, #tpu.memory_space<hbm>>
      tpu.enqueue_indirect_dma source(%dma_start3A_374 : memref<10000x128xf32, #tpu.memory_space<hbm>>) target(%arg10 : memref<128x128xf32, #tpu.memory_space<vmem>>) offsets(%dma_start3A_371 : memref<128xi32, #tpu.memory_space<vmem>>) semaphore(%arg14 : memref<!tpu.dma_semaphore, #tpu.memory_space<semaphore_mem>>)
      %dma_wait3A_375 = arith.constant 1280 : i32
      %dma_wait3A_376 = tpu.memref_slice %arg5[%dma_wait3A_375] : memref<1664xi32, #tpu.memory_space<vmem>> -> memref<128xi32, #tpu.memory_space<vmem>>
      %dma_wait3A_377 = arith.constant 0 : i32
      %dma_wait3A_378 = arith.constant 0 : i32
      %dma_wait3A_379 = tpu.memref_slice %arg2[%dma_wait3A_377, %dma_wait3A_378] : memref<10000x128xf32, #tpu.memory_space<hbm>> -> memref<10000x128xf32, #tpu.memory_space<hbm>>
      tpu.wait_indirect_dma semaphore(%arg13 : memref<!tpu.dma_semaphore, #tpu.memory_space<semaphore_mem>>) src(%dma_wait3A_379 : memref<10000x128xf32, #tpu.memory_space<hbm>>) dst(%arg9 : memref<128x128xf32, #tpu.memory_space<vmem>>)
      %add3A_380 = arith.constant 10 : i32
      %add3A_381 = arith.addi %add3A_57, %add3A_380 : i32
      %mul3A_382 = arith.constant 128 : i32
      %mul3A_383 = arith.muli %add3A_381, %mul3A_382 : i32
      %add3A_384 = arith.constant 320000 : i32
      %add3A_385 = arith.addi %add3A_384, %mul3A_383 : i32
      %dma_wait3A_386 = tpu.memref_slice %arg3[%add3A_385] : memref<640000xi32, #tpu.memory_space<hbm>> -> memref<128xi32, #tpu.memory_space<hbm>>
      %dma_wait3A_387 = tpu.memref_slice %arg3[%add3A_385] : memref<640000xi32, #tpu.memory_space<hbm>> -> memref<128xi32, #tpu.memory_space<hbm>>
      tpu.wait_dma2 semaphore(%arg16 : memref<!tpu.dma_semaphore, #tpu.memory_space<semaphore_mem>>) src(%dma_wait3A_387 : memref<128xi32, #tpu.memory_space<hbm>>) dst(%arg7 : memref<128xi32, #tpu.memory_space<vmem>>)
      "tpu.region"() ({
        %run_scoped3A = tpu.sem_alloc : memref<!tpu.dma_semaphore, #tpu.memory_space<semaphore_mem>>
        %dma_start3A_808 = arith.constant 0 : i32
        %dma_start3A_809 = arith.constant 0 : i32
        %dma_start3A_810 = tpu.memref_slice %arg12[%dma_start3A_808, %dma_start3A_809] : memref<10000x128xf32, #tpu.memory_space<vmem_shared>> -> memref<10000x128xf32, #tpu.memory_space<vmem_shared>>
        tpu.enqueue_indirect_dma source(%arg9 : memref<128x128xf32, #tpu.memory_space<vmem>>) target(%dma_start3A_810 : memref<10000x128xf32, #tpu.memory_space<vmem_shared>>) offsets(%arg7 : memref<128xi32, #tpu.memory_space<vmem>>) semaphore(%run_scoped3A : memref<!tpu.dma_semaphore, #tpu.memory_space<semaphore_mem>>) {add = true}
        %dma_wait3A_811 = arith.constant 0 : i32
        %dma_wait3A_812 = arith.constant 0 : i32
        %dma_wait3A_813 = tpu.memref_slice %arg12[%dma_wait3A_811, %dma_wait3A_812] : memref<10000x128xf32, #tpu.memory_space<vmem_shared>> -> memref<10000x128xf32, #tpu.memory_space<vmem_shared>>
        tpu.wait_indirect_dma semaphore(%run_scoped3A : memref<!tpu.dma_semaphore, #tpu.memory_space<semaphore_mem>>) src(%arg9 : memref<128x128xf32, #tpu.memory_space<vmem>>) dst(%dma_wait3A_813 : memref<10000x128xf32, #tpu.memory_space<vmem_shared>>)
        tpu.yield
      }) : () -> ()
      %add3A_388 = arith.constant 10 : i32
      %add3A_389 = arith.addi %add3A_57, %add3A_388 : i32
      %add3A_390 = arith.constant 2 : i32
      %add3A_391 = arith.addi %add3A_389, %add3A_390 : i32
      %mul3A_392 = arith.constant 128 : i32
      %mul3A_393 = arith.muli %add3A_391, %mul3A_392 : i32
      %add3A_394 = arith.constant 320000 : i32
      %add3A_395 = arith.addi %add3A_394, %mul3A_393 : i32
      %dma_start3A_396 = tpu.memref_slice %arg3[%add3A_395] : memref<640000xi32, #tpu.memory_space<hbm>> -> memref<128xi32, #tpu.memory_space<hbm>>
      %dma_start3A_397 = tpu.memref_slice %arg3[%add3A_395] : memref<640000xi32, #tpu.memory_space<hbm>> -> memref<128xi32, #tpu.memory_space<hbm>>
      tpu.enqueue_dma source(%dma_start3A_397 : memref<128xi32, #tpu.memory_space<hbm>>) target(%arg7 : memref<128xi32, #tpu.memory_space<vmem>>) target_semaphore(%arg16 : memref<!tpu.dma_semaphore, #tpu.memory_space<semaphore_mem>>)
      %dma_start3A_398 = arith.constant 1536 : i32
      %dma_start3A_399 = tpu.memref_slice %arg5[%dma_start3A_398] : memref<1664xi32, #tpu.memory_space<vmem>> -> memref<128xi32, #tpu.memory_space<vmem>>
      %dma_start3A_400 = arith.constant 0 : i32
      %dma_start3A_401 = arith.constant 0 : i32
      %dma_start3A_402 = tpu.memref_slice %arg2[%dma_start3A_400, %dma_start3A_401] : memref<10000x128xf32, #tpu.memory_space<hbm>> -> memref<10000x128xf32, #tpu.memory_space<hbm>>
      tpu.enqueue_indirect_dma source(%dma_start3A_402 : memref<10000x128xf32, #tpu.memory_space<hbm>>) target(%arg9 : memref<128x128xf32, #tpu.memory_space<vmem>>) offsets(%dma_start3A_399 : memref<128xi32, #tpu.memory_space<vmem>>) semaphore(%arg13 : memref<!tpu.dma_semaphore, #tpu.memory_space<semaphore_mem>>)
      %dma_wait3A_403 = arith.constant 1408 : i32
      %dma_wait3A_404 = tpu.memref_slice %arg5[%dma_wait3A_403] : memref<1664xi32, #tpu.memory_space<vmem>> -> memref<128xi32, #tpu.memory_space<vmem>>
      %dma_wait3A_405 = arith.constant 0 : i32
      %dma_wait3A_406 = arith.constant 0 : i32
      %dma_wait3A_407 = tpu.memref_slice %arg2[%dma_wait3A_405, %dma_wait3A_406] : memref<10000x128xf32, #tpu.memory_space<hbm>> -> memref<10000x128xf32, #tpu.memory_space<hbm>>
      tpu.wait_indirect_dma semaphore(%arg14 : memref<!tpu.dma_semaphore, #tpu.memory_space<semaphore_mem>>) src(%dma_wait3A_407 : memref<10000x128xf32, #tpu.memory_space<hbm>>) dst(%arg10 : memref<128x128xf32, #tpu.memory_space<vmem>>)
      %add3A_408 = arith.constant 11 : i32
      %add3A_409 = arith.addi %add3A_57, %add3A_408 : i32
      %mul3A_410 = arith.constant 128 : i32
      %mul3A_411 = arith.muli %add3A_409, %mul3A_410 : i32
      %add3A_412 = arith.constant 320000 : i32
      %add3A_413 = arith.addi %add3A_412, %mul3A_411 : i32
      %dma_wait3A_414 = tpu.memref_slice %arg3[%add3A_413] : memref<640000xi32, #tpu.memory_space<hbm>> -> memref<128xi32, #tpu.memory_space<hbm>>
      %dma_wait3A_415 = tpu.memref_slice %arg3[%add3A_413] : memref<640000xi32, #tpu.memory_space<hbm>> -> memref<128xi32, #tpu.memory_space<hbm>>
      tpu.wait_dma2 semaphore(%arg17 : memref<!tpu.dma_semaphore, #tpu.memory_space<semaphore_mem>>) src(%dma_wait3A_415 : memref<128xi32, #tpu.memory_space<hbm>>) dst(%arg8 : memref<128xi32, #tpu.memory_space<vmem>>)
      "tpu.region"() ({
        %run_scoped3A = tpu.sem_alloc : memref<!tpu.dma_semaphore, #tpu.memory_space<semaphore_mem>>
        %dma_start3A_808 = arith.constant 0 : i32
        %dma_start3A_809 = arith.constant 0 : i32
        %dma_start3A_810 = tpu.memref_slice %arg12[%dma_start3A_808, %dma_start3A_809] : memref<10000x128xf32, #tpu.memory_space<vmem_shared>> -> memref<10000x128xf32, #tpu.memory_space<vmem_shared>>
        tpu.enqueue_indirect_dma source(%arg10 : memref<128x128xf32, #tpu.memory_space<vmem>>) target(%dma_start3A_810 : memref<10000x128xf32, #tpu.memory_space<vmem_shared>>) offsets(%arg8 : memref<128xi32, #tpu.memory_space<vmem>>) semaphore(%run_scoped3A : memref<!tpu.dma_semaphore, #tpu.memory_space<semaphore_mem>>) {add = true}
        %dma_wait3A_811 = arith.constant 0 : i32
        %dma_wait3A_812 = arith.constant 0 : i32
        %dma_wait3A_813 = tpu.memref_slice %arg12[%dma_wait3A_811, %dma_wait3A_812] : memref<10000x128xf32, #tpu.memory_space<vmem_shared>> -> memref<10000x128xf32, #tpu.memory_space<vmem_shared>>
        tpu.wait_indirect_dma semaphore(%run_scoped3A : memref<!tpu.dma_semaphore, #tpu.memory_space<semaphore_mem>>) src(%arg10 : memref<128x128xf32, #tpu.memory_space<vmem>>) dst(%dma_wait3A_813 : memref<10000x128xf32, #tpu.memory_space<vmem_shared>>)
        tpu.yield
      }) : () -> ()
      %dma_wait3A_416 = arith.constant 1536 : i32
      %dma_wait3A_417 = tpu.memref_slice %arg5[%dma_wait3A_416] : memref<1664xi32, #tpu.memory_space<vmem>> -> memref<128xi32, #tpu.memory_space<vmem>>
      %dma_wait3A_418 = arith.constant 0 : i32
      %dma_wait3A_419 = arith.constant 0 : i32
      %dma_wait3A_420 = tpu.memref_slice %arg2[%dma_wait3A_418, %dma_wait3A_419] : memref<10000x128xf32, #tpu.memory_space<hbm>> -> memref<10000x128xf32, #tpu.memory_space<hbm>>
      tpu.wait_indirect_dma semaphore(%arg13 : memref<!tpu.dma_semaphore, #tpu.memory_space<semaphore_mem>>) src(%dma_wait3A_420 : memref<10000x128xf32, #tpu.memory_space<hbm>>) dst(%arg9 : memref<128x128xf32, #tpu.memory_space<vmem>>)
      %add3A_421 = arith.constant 12 : i32
      %add3A_422 = arith.addi %add3A_57, %add3A_421 : i32
      %mul3A_423 = arith.constant 128 : i32
      %mul3A_424 = arith.muli %add3A_422, %mul3A_423 : i32
      %add3A_425 = arith.constant 320000 : i32
      %add3A_426 = arith.addi %add3A_425, %mul3A_424 : i32
      %dma_wait3A_427 = tpu.memref_slice %arg3[%add3A_426] : memref<640000xi32, #tpu.memory_space<hbm>> -> memref<128xi32, #tpu.memory_space<hbm>>
      %dma_wait3A_428 = tpu.memref_slice %arg3[%add3A_426] : memref<640000xi32, #tpu.memory_space<hbm>> -> memref<128xi32, #tpu.memory_space<hbm>>
      tpu.wait_dma2 semaphore(%arg16 : memref<!tpu.dma_semaphore, #tpu.memory_space<semaphore_mem>>) src(%dma_wait3A_428 : memref<128xi32, #tpu.memory_space<hbm>>) dst(%arg7 : memref<128xi32, #tpu.memory_space<vmem>>)
      "tpu.region"() ({
        %run_scoped3A = tpu.sem_alloc : memref<!tpu.dma_semaphore, #tpu.memory_space<semaphore_mem>>
        %dma_start3A_808 = arith.constant 0 : i32
        %dma_start3A_809 = arith.constant 0 : i32
        %dma_start3A_810 = tpu.memref_slice %arg12[%dma_start3A_808, %dma_start3A_809] : memref<10000x128xf32, #tpu.memory_space<vmem_shared>> -> memref<10000x128xf32, #tpu.memory_space<vmem_shared>>
        tpu.enqueue_indirect_dma source(%arg9 : memref<128x128xf32, #tpu.memory_space<vmem>>) target(%dma_start3A_810 : memref<10000x128xf32, #tpu.memory_space<vmem_shared>>) offsets(%arg7 : memref<128xi32, #tpu.memory_space<vmem>>) semaphore(%run_scoped3A : memref<!tpu.dma_semaphore, #tpu.memory_space<semaphore_mem>>) {add = true}
        %dma_wait3A_811 = arith.constant 0 : i32
        %dma_wait3A_812 = arith.constant 0 : i32
        %dma_wait3A_813 = tpu.memref_slice %arg12[%dma_wait3A_811, %dma_wait3A_812] : memref<10000x128xf32, #tpu.memory_space<vmem_shared>> -> memref<10000x128xf32, #tpu.memory_space<vmem_shared>>
        tpu.wait_indirect_dma semaphore(%run_scoped3A : memref<!tpu.dma_semaphore, #tpu.memory_space<semaphore_mem>>) src(%arg9 : memref<128x128xf32, #tpu.memory_space<vmem>>) dst(%dma_wait3A_813 : memref<10000x128xf32, #tpu.memory_space<vmem_shared>>)
        tpu.yield
      }) : () -> ()
      %mul3A_429 = arith.constant 2 : i32
      %mul3A_430 = arith.muli %mul3A_429, %add3A_52 : i32
      %add3A_431 = arith.constant 1 : i32
      %add3A_432 = arith.addi %mul3A_430, %add3A_431 : i32
      %mul3A_433 = arith.constant 13 : i32
      %mul3A_434 = arith.muli %add3A_432, %mul3A_433 : i32
      %add3A_435 = arith.addi %add3A_22, %mul3A_434 : i32
      %mul3A_436 = arith.constant 13 : i32
      %mul3A_437 = arith.muli %add3A_432, %mul3A_436 : i32
      %add3A_438 = arith.addi %add3A_22, %mul3A_437 : i32
      %mul3A_439 = arith.constant 128 : i32
      %mul3A_440 = arith.muli %add3A_438, %mul3A_439 : i32
      %dma_wait3A_441 = tpu.memref_slice %arg3[%mul3A_440] : memref<640000xi32, #tpu.memory_space<hbm>> -> memref<1664xi32, #tpu.memory_space<hbm>>
      %dma_wait3A_442 = tpu.memref_slice %arg3[%mul3A_440] : memref<640000xi32, #tpu.memory_space<hbm>> -> memref<1664xi32, #tpu.memory_space<hbm>>
      tpu.wait_dma2 semaphore(%arg15 : memref<!tpu.dma_semaphore, #tpu.memory_space<semaphore_mem>>) src(%dma_wait3A_442 : memref<1664xi32, #tpu.memory_space<hbm>>) dst(%arg6 : memref<1664xi32, #tpu.memory_space<vmem>>)
      %mul3A_443 = arith.constant 128 : i32
      %mul3A_444 = arith.muli %add3A_435, %mul3A_443 : i32
      %add3A_445 = arith.constant 320000 : i32
      %add3A_446 = arith.addi %add3A_445, %mul3A_444 : i32
      %dma_start3A_447 = tpu.memref_slice %arg3[%add3A_446] : memref<640000xi32, #tpu.memory_space<hbm>> -> memref<128xi32, #tpu.memory_space<hbm>>
      %dma_start3A_448 = tpu.memref_slice %arg3[%add3A_446] : memref<640000xi32, #tpu.memory_space<hbm>> -> memref<128xi32, #tpu.memory_space<hbm>>
      tpu.enqueue_dma source(%dma_start3A_448 : memref<128xi32, #tpu.memory_space<hbm>>) target(%arg7 : memref<128xi32, #tpu.memory_space<vmem>>) target_semaphore(%arg16 : memref<!tpu.dma_semaphore, #tpu.memory_space<semaphore_mem>>)
      %dma_start3A_449 = arith.constant 0 : i32
      %dma_start3A_450 = tpu.memref_slice %arg6[%dma_start3A_449] : memref<1664xi32, #tpu.memory_space<vmem>> -> memref<128xi32, #tpu.memory_space<vmem>>
      %dma_start3A_451 = arith.constant 0 : i32
      %dma_start3A_452 = arith.constant 0 : i32
      %dma_start3A_453 = tpu.memref_slice %arg2[%dma_start3A_451, %dma_start3A_452] : memref<10000x128xf32, #tpu.memory_space<hbm>> -> memref<10000x128xf32, #tpu.memory_space<hbm>>
      tpu.enqueue_indirect_dma source(%dma_start3A_453 : memref<10000x128xf32, #tpu.memory_space<hbm>>) target(%arg9 : memref<128x128xf32, #tpu.memory_space<vmem>>) offsets(%dma_start3A_450 : memref<128xi32, #tpu.memory_space<vmem>>) semaphore(%arg13 : memref<!tpu.dma_semaphore, #tpu.memory_space<semaphore_mem>>)
      %add3A_454 = arith.constant 1 : i32
      %add3A_455 = arith.addi %add3A_435, %add3A_454 : i32
      %mul3A_456 = arith.constant 128 : i32
      %mul3A_457 = arith.muli %add3A_455, %mul3A_456 : i32
      %add3A_458 = arith.constant 320000 : i32
      %add3A_459 = arith.addi %add3A_458, %mul3A_457 : i32
      %dma_start3A_460 = tpu.memref_slice %arg3[%add3A_459] : memref<640000xi32, #tpu.memory_space<hbm>> -> memref<128xi32, #tpu.memory_space<hbm>>
      %dma_start3A_461 = tpu.memref_slice %arg3[%add3A_459] : memref<640000xi32, #tpu.memory_space<hbm>> -> memref<128xi32, #tpu.memory_space<hbm>>
      tpu.enqueue_dma source(%dma_start3A_461 : memref<128xi32, #tpu.memory_space<hbm>>) target(%arg8 : memref<128xi32, #tpu.memory_space<vmem>>) target_semaphore(%arg17 : memref<!tpu.dma_semaphore, #tpu.memory_space<semaphore_mem>>)
      %dma_start3A_462 = arith.constant 128 : i32
      %dma_start3A_463 = tpu.memref_slice %arg6[%dma_start3A_462] : memref<1664xi32, #tpu.memory_space<vmem>> -> memref<128xi32, #tpu.memory_space<vmem>>
      %dma_start3A_464 = arith.constant 0 : i32
      %dma_start3A_465 = arith.constant 0 : i32
      %dma_start3A_466 = tpu.memref_slice %arg2[%dma_start3A_464, %dma_start3A_465] : memref<10000x128xf32, #tpu.memory_space<hbm>> -> memref<10000x128xf32, #tpu.memory_space<hbm>>
      tpu.enqueue_indirect_dma source(%dma_start3A_466 : memref<10000x128xf32, #tpu.memory_space<hbm>>) target(%arg10 : memref<128x128xf32, #tpu.memory_space<vmem>>) offsets(%dma_start3A_463 : memref<128xi32, #tpu.memory_space<vmem>>) semaphore(%arg14 : memref<!tpu.dma_semaphore, #tpu.memory_space<semaphore_mem>>)
      %add3A_467 = arith.constant 1 : i32
      %add3A_468 = arith.addi %add3A_432, %add3A_467 : i32
      %lt3A_469 = arith.constant 6 : i32
      %lt3A_470 = arith.cmpi slt, %add3A_468, %lt3A_469 : i32
      %convert_element_type3A_471 = arith.extui %lt3A_470 : i1 to i32
      %cond3A_472 = arith.constant 0 : i32
      %cond3A_473 = arith.cmpi ne, %convert_element_type3A_471, %cond3A_472 : i32
      scf.if %cond3A_473 {
        %add3A_808 = arith.constant 1 : i32
        %add3A_809 = arith.addi %add3A_432, %add3A_808 : i32
        %mul3A_810 = arith.constant 13 : i32
        %mul3A_811 = arith.muli %add3A_809, %mul3A_810 : i32
        %add3A_812 = arith.addi %add3A_22, %mul3A_811 : i32
        %mul3A_813 = arith.constant 128 : i32
        %mul3A_814 = arith.muli %add3A_812, %mul3A_813 : i32
        %dma_start3A_815 = tpu.memref_slice %arg3[%mul3A_814] : memref<640000xi32, #tpu.memory_space<hbm>> -> memref<1664xi32, #tpu.memory_space<hbm>>
        %dma_start3A_816 = tpu.memref_slice %arg3[%mul3A_814] : memref<640000xi32, #tpu.memory_space<hbm>> -> memref<1664xi32, #tpu.memory_space<hbm>>
        tpu.enqueue_dma source(%dma_start3A_816 : memref<1664xi32, #tpu.memory_space<hbm>>) target(%arg5 : memref<1664xi32, #tpu.memory_space<vmem>>) target_semaphore(%arg15 : memref<!tpu.dma_semaphore, #tpu.memory_space<semaphore_mem>>)
      } else {
      }
      %dma_wait3A_474 = arith.constant 0 : i32
      %dma_wait3A_475 = tpu.memref_slice %arg6[%dma_wait3A_474] : memref<1664xi32, #tpu.memory_space<vmem>> -> memref<128xi32, #tpu.memory_space<vmem>>
      %dma_wait3A_476 = arith.constant 0 : i32
      %dma_wait3A_477 = arith.constant 0 : i32
      %dma_wait3A_478 = tpu.memref_slice %arg2[%dma_wait3A_476, %dma_wait3A_477] : memref<10000x128xf32, #tpu.memory_space<hbm>> -> memref<10000x128xf32, #tpu.memory_space<hbm>>
      tpu.wait_indirect_dma semaphore(%arg13 : memref<!tpu.dma_semaphore, #tpu.memory_space<semaphore_mem>>) src(%dma_wait3A_478 : memref<10000x128xf32, #tpu.memory_space<hbm>>) dst(%arg9 : memref<128x128xf32, #tpu.memory_space<vmem>>)
      %add3A_479 = arith.constant 0 : i32
      %add3A_480 = arith.addi %add3A_435, %add3A_479 : i32
      %mul3A_481 = arith.constant 128 : i32
      %mul3A_482 = arith.muli %add3A_480, %mul3A_481 : i32
      %add3A_483 = arith.constant 320000 : i32
      %add3A_484 = arith.addi %add3A_483, %mul3A_482 : i32
      %dma_wait3A_485 = tpu.memref_slice %arg3[%add3A_484] : memref<640000xi32, #tpu.memory_space<hbm>> -> memref<128xi32, #tpu.memory_space<hbm>>
      %dma_wait3A_486 = tpu.memref_slice %arg3[%add3A_484] : memref<640000xi32, #tpu.memory_space<hbm>> -> memref<128xi32, #tpu.memory_space<hbm>>
      tpu.wait_dma2 semaphore(%arg16 : memref<!tpu.dma_semaphore, #tpu.memory_space<semaphore_mem>>) src(%dma_wait3A_486 : memref<128xi32, #tpu.memory_space<hbm>>) dst(%arg7 : memref<128xi32, #tpu.memory_space<vmem>>)
      "tpu.region"() ({
        %run_scoped3A = tpu.sem_alloc : memref<!tpu.dma_semaphore, #tpu.memory_space<semaphore_mem>>
        %dma_start3A_808 = arith.constant 0 : i32
        %dma_start3A_809 = arith.constant 0 : i32
        %dma_start3A_810 = tpu.memref_slice %arg12[%dma_start3A_808, %dma_start3A_809] : memref<10000x128xf32, #tpu.memory_space<vmem_shared>> -> memref<10000x128xf32, #tpu.memory_space<vmem_shared>>
        tpu.enqueue_indirect_dma source(%arg9 : memref<128x128xf32, #tpu.memory_space<vmem>>) target(%dma_start3A_810 : memref<10000x128xf32, #tpu.memory_space<vmem_shared>>) offsets(%arg7 : memref<128xi32, #tpu.memory_space<vmem>>) semaphore(%run_scoped3A : memref<!tpu.dma_semaphore, #tpu.memory_space<semaphore_mem>>) {add = true}
        %dma_wait3A_811 = arith.constant 0 : i32
        %dma_wait3A_812 = arith.constant 0 : i32
        %dma_wait3A_813 = tpu.memref_slice %arg12[%dma_wait3A_811, %dma_wait3A_812] : memref<10000x128xf32, #tpu.memory_space<vmem_shared>> -> memref<10000x128xf32, #tpu.memory_space<vmem_shared>>
        tpu.wait_indirect_dma semaphore(%run_scoped3A : memref<!tpu.dma_semaphore, #tpu.memory_space<semaphore_mem>>) src(%arg9 : memref<128x128xf32, #tpu.memory_space<vmem>>) dst(%dma_wait3A_813 : memref<10000x128xf32, #tpu.memory_space<vmem_shared>>)
        tpu.yield
      }) : () -> ()
      %add3A_487 = arith.constant 0 : i32
      %add3A_488 = arith.addi %add3A_435, %add3A_487 : i32
      %add3A_489 = arith.constant 2 : i32
      %add3A_490 = arith.addi %add3A_488, %add3A_489 : i32
      %mul3A_491 = arith.constant 128 : i32
      %mul3A_492 = arith.muli %add3A_490, %mul3A_491 : i32
      %add3A_493 = arith.constant 320000 : i32
      %add3A_494 = arith.addi %add3A_493, %mul3A_492 : i32
      %dma_start3A_495 = tpu.memref_slice %arg3[%add3A_494] : memref<640000xi32, #tpu.memory_space<hbm>> -> memref<128xi32, #tpu.memory_space<hbm>>
      %dma_start3A_496 = tpu.memref_slice %arg3[%add3A_494] : memref<640000xi32, #tpu.memory_space<hbm>> -> memref<128xi32, #tpu.memory_space<hbm>>
      tpu.enqueue_dma source(%dma_start3A_496 : memref<128xi32, #tpu.memory_space<hbm>>) target(%arg7 : memref<128xi32, #tpu.memory_space<vmem>>) target_semaphore(%arg16 : memref<!tpu.dma_semaphore, #tpu.memory_space<semaphore_mem>>)
      %dma_start3A_497 = arith.constant 256 : i32
      %dma_start3A_498 = tpu.memref_slice %arg6[%dma_start3A_497] : memref<1664xi32, #tpu.memory_space<vmem>> -> memref<128xi32, #tpu.memory_space<vmem>>
      %dma_start3A_499 = arith.constant 0 : i32
      %dma_start3A_500 = arith.constant 0 : i32
      %dma_start3A_501 = tpu.memref_slice %arg2[%dma_start3A_499, %dma_start3A_500] : memref<10000x128xf32, #tpu.memory_space<hbm>> -> memref<10000x128xf32, #tpu.memory_space<hbm>>
      tpu.enqueue_indirect_dma source(%dma_start3A_501 : memref<10000x128xf32, #tpu.memory_space<hbm>>) target(%arg9 : memref<128x128xf32, #tpu.memory_space<vmem>>) offsets(%dma_start3A_498 : memref<128xi32, #tpu.memory_space<vmem>>) semaphore(%arg13 : memref<!tpu.dma_semaphore, #tpu.memory_space<semaphore_mem>>)
      %dma_wait3A_502 = arith.constant 128 : i32
      %dma_wait3A_503 = tpu.memref_slice %arg6[%dma_wait3A_502] : memref<1664xi32, #tpu.memory_space<vmem>> -> memref<128xi32, #tpu.memory_space<vmem>>
      %dma_wait3A_504 = arith.constant 0 : i32
      %dma_wait3A_505 = arith.constant 0 : i32
      %dma_wait3A_506 = tpu.memref_slice %arg2[%dma_wait3A_504, %dma_wait3A_505] : memref<10000x128xf32, #tpu.memory_space<hbm>> -> memref<10000x128xf32, #tpu.memory_space<hbm>>
      tpu.wait_indirect_dma semaphore(%arg14 : memref<!tpu.dma_semaphore, #tpu.memory_space<semaphore_mem>>) src(%dma_wait3A_506 : memref<10000x128xf32, #tpu.memory_space<hbm>>) dst(%arg10 : memref<128x128xf32, #tpu.memory_space<vmem>>)
      %add3A_507 = arith.constant 1 : i32
      %add3A_508 = arith.addi %add3A_435, %add3A_507 : i32
      %mul3A_509 = arith.constant 128 : i32
      %mul3A_510 = arith.muli %add3A_508, %mul3A_509 : i32
      %add3A_511 = arith.constant 320000 : i32
      %add3A_512 = arith.addi %add3A_511, %mul3A_510 : i32
      %dma_wait3A_513 = tpu.memref_slice %arg3[%add3A_512] : memref<640000xi32, #tpu.memory_space<hbm>> -> memref<128xi32, #tpu.memory_space<hbm>>
      %dma_wait3A_514 = tpu.memref_slice %arg3[%add3A_512] : memref<640000xi32, #tpu.memory_space<hbm>> -> memref<128xi32, #tpu.memory_space<hbm>>
      tpu.wait_dma2 semaphore(%arg17 : memref<!tpu.dma_semaphore, #tpu.memory_space<semaphore_mem>>) src(%dma_wait3A_514 : memref<128xi32, #tpu.memory_space<hbm>>) dst(%arg8 : memref<128xi32, #tpu.memory_space<vmem>>)
      "tpu.region"() ({
        %run_scoped3A = tpu.sem_alloc : memref<!tpu.dma_semaphore, #tpu.memory_space<semaphore_mem>>
        %dma_start3A_808 = arith.constant 0 : i32
        %dma_start3A_809 = arith.constant 0 : i32
        %dma_start3A_810 = tpu.memref_slice %arg12[%dma_start3A_808, %dma_start3A_809] : memref<10000x128xf32, #tpu.memory_space<vmem_shared>> -> memref<10000x128xf32, #tpu.memory_space<vmem_shared>>
        tpu.enqueue_indirect_dma source(%arg10 : memref<128x128xf32, #tpu.memory_space<vmem>>) target(%dma_start3A_810 : memref<10000x128xf32, #tpu.memory_space<vmem_shared>>) offsets(%arg8 : memref<128xi32, #tpu.memory_space<vmem>>) semaphore(%run_scoped3A : memref<!tpu.dma_semaphore, #tpu.memory_space<semaphore_mem>>) {add = true}
        %dma_wait3A_811 = arith.constant 0 : i32
        %dma_wait3A_812 = arith.constant 0 : i32
        %dma_wait3A_813 = tpu.memref_slice %arg12[%dma_wait3A_811, %dma_wait3A_812] : memref<10000x128xf32, #tpu.memory_space<vmem_shared>> -> memref<10000x128xf32, #tpu.memory_space<vmem_shared>>
        tpu.wait_indirect_dma semaphore(%run_scoped3A : memref<!tpu.dma_semaphore, #tpu.memory_space<semaphore_mem>>) src(%arg10 : memref<128x128xf32, #tpu.memory_space<vmem>>) dst(%dma_wait3A_813 : memref<10000x128xf32, #tpu.memory_space<vmem_shared>>)
        tpu.yield
      }) : () -> ()
      %add3A_515 = arith.constant 1 : i32
      %add3A_516 = arith.addi %add3A_435, %add3A_515 : i32
      %add3A_517 = arith.constant 2 : i32
      %add3A_518 = arith.addi %add3A_516, %add3A_517 : i32
      %mul3A_519 = arith.constant 128 : i32
      %mul3A_520 = arith.muli %add3A_518, %mul3A_519 : i32
      %add3A_521 = arith.constant 320000 : i32
      %add3A_522 = arith.addi %add3A_521, %mul3A_520 : i32
      %dma_start3A_523 = tpu.memref_slice %arg3[%add3A_522] : memref<640000xi32, #tpu.memory_space<hbm>> -> memref<128xi32, #tpu.memory_space<hbm>>
      %dma_start3A_524 = tpu.memref_slice %arg3[%add3A_522] : memref<640000xi32, #tpu.memory_space<hbm>> -> memref<128xi32, #tpu.memory_space<hbm>>
      tpu.enqueue_dma source(%dma_start3A_524 : memref<128xi32, #tpu.memory_space<hbm>>) target(%arg8 : memref<128xi32, #tpu.memory_space<vmem>>) target_semaphore(%arg17 : memref<!tpu.dma_semaphore, #tpu.memory_space<semaphore_mem>>)
      %dma_start3A_525 = arith.constant 384 : i32
      %dma_start3A_526 = tpu.memref_slice %arg6[%dma_start3A_525] : memref<1664xi32, #tpu.memory_space<vmem>> -> memref<128xi32, #tpu.memory_space<vmem>>
      %dma_start3A_527 = arith.constant 0 : i32
      %dma_start3A_528 = arith.constant 0 : i32
      %dma_start3A_529 = tpu.memref_slice %arg2[%dma_start3A_527, %dma_start3A_528] : memref<10000x128xf32, #tpu.memory_space<hbm>> -> memref<10000x128xf32, #tpu.memory_space<hbm>>
      tpu.enqueue_indirect_dma source(%dma_start3A_529 : memref<10000x128xf32, #tpu.memory_space<hbm>>) target(%arg10 : memref<128x128xf32, #tpu.memory_space<vmem>>) offsets(%dma_start3A_526 : memref<128xi32, #tpu.memory_space<vmem>>) semaphore(%arg14 : memref<!tpu.dma_semaphore, #tpu.memory_space<semaphore_mem>>)
      %dma_wait3A_530 = arith.constant 256 : i32
      %dma_wait3A_531 = tpu.memref_slice %arg6[%dma_wait3A_530] : memref<1664xi32, #tpu.memory_space<vmem>> -> memref<128xi32, #tpu.memory_space<vmem>>
      %dma_wait3A_532 = arith.constant 0 : i32
      %dma_wait3A_533 = arith.constant 0 : i32
      %dma_wait3A_534 = tpu.memref_slice %arg2[%dma_wait3A_532, %dma_wait3A_533] : memref<10000x128xf32, #tpu.memory_space<hbm>> -> memref<10000x128xf32, #tpu.memory_space<hbm>>
      tpu.wait_indirect_dma semaphore(%arg13 : memref<!tpu.dma_semaphore, #tpu.memory_space<semaphore_mem>>) src(%dma_wait3A_534 : memref<10000x128xf32, #tpu.memory_space<hbm>>) dst(%arg9 : memref<128x128xf32, #tpu.memory_space<vmem>>)
      %add3A_535 = arith.constant 2 : i32
      %add3A_536 = arith.addi %add3A_435, %add3A_535 : i32
      %mul3A_537 = arith.constant 128 : i32
      %mul3A_538 = arith.muli %add3A_536, %mul3A_537 : i32
      %add3A_539 = arith.constant 320000 : i32
      %add3A_540 = arith.addi %add3A_539, %mul3A_538 : i32
      %dma_wait3A_541 = tpu.memref_slice %arg3[%add3A_540] : memref<640000xi32, #tpu.memory_space<hbm>> -> memref<128xi32, #tpu.memory_space<hbm>>
      %dma_wait3A_542 = tpu.memref_slice %arg3[%add3A_540] : memref<640000xi32, #tpu.memory_space<hbm>> -> memref<128xi32, #tpu.memory_space<hbm>>
      tpu.wait_dma2 semaphore(%arg16 : memref<!tpu.dma_semaphore, #tpu.memory_space<semaphore_mem>>) src(%dma_wait3A_542 : memref<128xi32, #tpu.memory_space<hbm>>) dst(%arg7 : memref<128xi32, #tpu.memory_space<vmem>>)
      "tpu.region"() ({
        %run_scoped3A = tpu.sem_alloc : memref<!tpu.dma_semaphore, #tpu.memory_space<semaphore_mem>>
        %dma_start3A_808 = arith.constant 0 : i32
        %dma_start3A_809 = arith.constant 0 : i32
        %dma_start3A_810 = tpu.memref_slice %arg12[%dma_start3A_808, %dma_start3A_809] : memref<10000x128xf32, #tpu.memory_space<vmem_shared>> -> memref<10000x128xf32, #tpu.memory_space<vmem_shared>>
        tpu.enqueue_indirect_dma source(%arg9 : memref<128x128xf32, #tpu.memory_space<vmem>>) target(%dma_start3A_810 : memref<10000x128xf32, #tpu.memory_space<vmem_shared>>) offsets(%arg7 : memref<128xi32, #tpu.memory_space<vmem>>) semaphore(%run_scoped3A : memref<!tpu.dma_semaphore, #tpu.memory_space<semaphore_mem>>) {add = true}
        %dma_wait3A_811 = arith.constant 0 : i32
        %dma_wait3A_812 = arith.constant 0 : i32
        %dma_wait3A_813 = tpu.memref_slice %arg12[%dma_wait3A_811, %dma_wait3A_812] : memref<10000x128xf32, #tpu.memory_space<vmem_shared>> -> memref<10000x128xf32, #tpu.memory_space<vmem_shared>>
        tpu.wait_indirect_dma semaphore(%run_scoped3A : memref<!tpu.dma_semaphore, #tpu.memory_space<semaphore_mem>>) src(%arg9 : memref<128x128xf32, #tpu.memory_space<vmem>>) dst(%dma_wait3A_813 : memref<10000x128xf32, #tpu.memory_space<vmem_shared>>)
        tpu.yield
      }) : () -> ()
      %add3A_543 = arith.constant 2 : i32
      %add3A_544 = arith.addi %add3A_435, %add3A_543 : i32
      %add3A_545 = arith.constant 2 : i32
      %add3A_546 = arith.addi %add3A_544, %add3A_545 : i32
      %mul3A_547 = arith.constant 128 : i32
      %mul3A_548 = arith.muli %add3A_546, %mul3A_547 : i32
      %add3A_549 = arith.constant 320000 : i32
      %add3A_550 = arith.addi %add3A_549, %mul3A_548 : i32
      %dma_start3A_551 = tpu.memref_slice %arg3[%add3A_550] : memref<640000xi32, #tpu.memory_space<hbm>> -> memref<128xi32, #tpu.memory_space<hbm>>
      %dma_start3A_552 = tpu.memref_slice %arg3[%add3A_550] : memref<640000xi32, #tpu.memory_space<hbm>> -> memref<128xi32, #tpu.memory_space<hbm>>
      tpu.enqueue_dma source(%dma_start3A_552 : memref<128xi32, #tpu.memory_space<hbm>>) target(%arg7 : memref<128xi32, #tpu.memory_space<vmem>>) target_semaphore(%arg16 : memref<!tpu.dma_semaphore, #tpu.memory_space<semaphore_mem>>)
      %dma_start3A_553 = arith.constant 512 : i32
      %dma_start3A_554 = tpu.memref_slice %arg6[%dma_start3A_553] : memref<1664xi32, #tpu.memory_space<vmem>> -> memref<128xi32, #tpu.memory_space<vmem>>
      %dma_start3A_555 = arith.constant 0 : i32
      %dma_start3A_556 = arith.constant 0 : i32
      %dma_start3A_557 = tpu.memref_slice %arg2[%dma_start3A_555, %dma_start3A_556] : memref<10000x128xf32, #tpu.memory_space<hbm>> -> memref<10000x128xf32, #tpu.memory_space<hbm>>
      tpu.enqueue_indirect_dma source(%dma_start3A_557 : memref<10000x128xf32, #tpu.memory_space<hbm>>) target(%arg9 : memref<128x128xf32, #tpu.memory_space<vmem>>) offsets(%dma_start3A_554 : memref<128xi32, #tpu.memory_space<vmem>>) semaphore(%arg13 : memref<!tpu.dma_semaphore, #tpu.memory_space<semaphore_mem>>)
      %dma_wait3A_558 = arith.constant 384 : i32
      %dma_wait3A_559 = tpu.memref_slice %arg6[%dma_wait3A_558] : memref<1664xi32, #tpu.memory_space<vmem>> -> memref<128xi32, #tpu.memory_space<vmem>>
      %dma_wait3A_560 = arith.constant 0 : i32
      %dma_wait3A_561 = arith.constant 0 : i32
      %dma_wait3A_562 = tpu.memref_slice %arg2[%dma_wait3A_560, %dma_wait3A_561] : memref<10000x128xf32, #tpu.memory_space<hbm>> -> memref<10000x128xf32, #tpu.memory_space<hbm>>
      tpu.wait_indirect_dma semaphore(%arg14 : memref<!tpu.dma_semaphore, #tpu.memory_space<semaphore_mem>>) src(%dma_wait3A_562 : memref<10000x128xf32, #tpu.memory_space<hbm>>) dst(%arg10 : memref<128x128xf32, #tpu.memory_space<vmem>>)
      %add3A_563 = arith.constant 3 : i32
      %add3A_564 = arith.addi %add3A_435, %add3A_563 : i32
      %mul3A_565 = arith.constant 128 : i32
      %mul3A_566 = arith.muli %add3A_564, %mul3A_565 : i32
      %add3A_567 = arith.constant 320000 : i32
      %add3A_568 = arith.addi %add3A_567, %mul3A_566 : i32
      %dma_wait3A_569 = tpu.memref_slice %arg3[%add3A_568] : memref<640000xi32, #tpu.memory_space<hbm>> -> memref<128xi32, #tpu.memory_space<hbm>>
      %dma_wait3A_570 = tpu.memref_slice %arg3[%add3A_568] : memref<640000xi32, #tpu.memory_space<hbm>> -> memref<128xi32, #tpu.memory_space<hbm>>
      tpu.wait_dma2 semaphore(%arg17 : memref<!tpu.dma_semaphore, #tpu.memory_space<semaphore_mem>>) src(%dma_wait3A_570 : memref<128xi32, #tpu.memory_space<hbm>>) dst(%arg8 : memref<128xi32, #tpu.memory_space<vmem>>)
      "tpu.region"() ({
        %run_scoped3A = tpu.sem_alloc : memref<!tpu.dma_semaphore, #tpu.memory_space<semaphore_mem>>
        %dma_start3A_808 = arith.constant 0 : i32
        %dma_start3A_809 = arith.constant 0 : i32
        %dma_start3A_810 = tpu.memref_slice %arg12[%dma_start3A_808, %dma_start3A_809] : memref<10000x128xf32, #tpu.memory_space<vmem_shared>> -> memref<10000x128xf32, #tpu.memory_space<vmem_shared>>
        tpu.enqueue_indirect_dma source(%arg10 : memref<128x128xf32, #tpu.memory_space<vmem>>) target(%dma_start3A_810 : memref<10000x128xf32, #tpu.memory_space<vmem_shared>>) offsets(%arg8 : memref<128xi32, #tpu.memory_space<vmem>>) semaphore(%run_scoped3A : memref<!tpu.dma_semaphore, #tpu.memory_space<semaphore_mem>>) {add = true}
        %dma_wait3A_811 = arith.constant 0 : i32
        %dma_wait3A_812 = arith.constant 0 : i32
        %dma_wait3A_813 = tpu.memref_slice %arg12[%dma_wait3A_811, %dma_wait3A_812] : memref<10000x128xf32, #tpu.memory_space<vmem_shared>> -> memref<10000x128xf32, #tpu.memory_space<vmem_shared>>
        tpu.wait_indirect_dma semaphore(%run_scoped3A : memref<!tpu.dma_semaphore, #tpu.memory_space<semaphore_mem>>) src(%arg10 : memref<128x128xf32, #tpu.memory_space<vmem>>) dst(%dma_wait3A_813 : memref<10000x128xf32, #tpu.memory_space<vmem_shared>>)
        tpu.yield
      }) : () -> ()
      %add3A_571 = arith.constant 3 : i32
      %add3A_572 = arith.addi %add3A_435, %add3A_571 : i32
      %add3A_573 = arith.constant 2 : i32
      %add3A_574 = arith.addi %add3A_572, %add3A_573 : i32
      %mul3A_575 = arith.constant 128 : i32
      %mul3A_576 = arith.muli %add3A_574, %mul3A_575 : i32
      %add3A_577 = arith.constant 320000 : i32
      %add3A_578 = arith.addi %add3A_577, %mul3A_576 : i32
      %dma_start3A_579 = tpu.memref_slice %arg3[%add3A_578] : memref<640000xi32, #tpu.memory_space<hbm>> -> memref<128xi32, #tpu.memory_space<hbm>>
      %dma_start3A_580 = tpu.memref_slice %arg3[%add3A_578] : memref<640000xi32, #tpu.memory_space<hbm>> -> memref<128xi32, #tpu.memory_space<hbm>>
      tpu.enqueue_dma source(%dma_start3A_580 : memref<128xi32, #tpu.memory_space<hbm>>) target(%arg8 : memref<128xi32, #tpu.memory_space<vmem>>) target_semaphore(%arg17 : memref<!tpu.dma_semaphore, #tpu.memory_space<semaphore_mem>>)
      %dma_start3A_581 = arith.constant 640 : i32
      %dma_start3A_582 = tpu.memref_slice %arg6[%dma_start3A_581] : memref<1664xi32, #tpu.memory_space<vmem>> -> memref<128xi32, #tpu.memory_space<vmem>>
      %dma_start3A_583 = arith.constant 0 : i32
      %dma_start3A_584 = arith.constant 0 : i32
      %dma_start3A_585 = tpu.memref_slice %arg2[%dma_start3A_583, %dma_start3A_584] : memref<10000x128xf32, #tpu.memory_space<hbm>> -> memref<10000x128xf32, #tpu.memory_space<hbm>>
      tpu.enqueue_indirect_dma source(%dma_start3A_585 : memref<10000x128xf32, #tpu.memory_space<hbm>>) target(%arg10 : memref<128x128xf32, #tpu.memory_space<vmem>>) offsets(%dma_start3A_582 : memref<128xi32, #tpu.memory_space<vmem>>) semaphore(%arg14 : memref<!tpu.dma_semaphore, #tpu.memory_space<semaphore_mem>>)
      %dma_wait3A_586 = arith.constant 512 : i32
      %dma_wait3A_587 = tpu.memref_slice %arg6[%dma_wait3A_586] : memref<1664xi32, #tpu.memory_space<vmem>> -> memref<128xi32, #tpu.memory_space<vmem>>
      %dma_wait3A_588 = arith.constant 0 : i32
      %dma_wait3A_589 = arith.constant 0 : i32
      %dma_wait3A_590 = tpu.memref_slice %arg2[%dma_wait3A_588, %dma_wait3A_589] : memref<10000x128xf32, #tpu.memory_space<hbm>> -> memref<10000x128xf32, #tpu.memory_space<hbm>>
      tpu.wait_indirect_dma semaphore(%arg13 : memref<!tpu.dma_semaphore, #tpu.memory_space<semaphore_mem>>) src(%dma_wait3A_590 : memref<10000x128xf32, #tpu.memory_space<hbm>>) dst(%arg9 : memref<128x128xf32, #tpu.memory_space<vmem>>)
      %add3A_591 = arith.constant 4 : i32
      %add3A_592 = arith.addi %add3A_435, %add3A_591 : i32
      %mul3A_593 = arith.constant 128 : i32
      %mul3A_594 = arith.muli %add3A_592, %mul3A_593 : i32
      %add3A_595 = arith.constant 320000 : i32
      %add3A_596 = arith.addi %add3A_595, %mul3A_594 : i32
      %dma_wait3A_597 = tpu.memref_slice %arg3[%add3A_596] : memref<640000xi32, #tpu.memory_space<hbm>> -> memref<128xi32, #tpu.memory_space<hbm>>
      %dma_wait3A_598 = tpu.memref_slice %arg3[%add3A_596] : memref<640000xi32, #tpu.memory_space<hbm>> -> memref<128xi32, #tpu.memory_space<hbm>>
      tpu.wait_dma2 semaphore(%arg16 : memref<!tpu.dma_semaphore, #tpu.memory_space<semaphore_mem>>) src(%dma_wait3A_598 : memref<128xi32, #tpu.memory_space<hbm>>) dst(%arg7 : memref<128xi32, #tpu.memory_space<vmem>>)
      "tpu.region"() ({
        %run_scoped3A = tpu.sem_alloc : memref<!tpu.dma_semaphore, #tpu.memory_space<semaphore_mem>>
        %dma_start3A_808 = arith.constant 0 : i32
        %dma_start3A_809 = arith.constant 0 : i32
        %dma_start3A_810 = tpu.memref_slice %arg12[%dma_start3A_808, %dma_start3A_809] : memref<10000x128xf32, #tpu.memory_space<vmem_shared>> -> memref<10000x128xf32, #tpu.memory_space<vmem_shared>>
        tpu.enqueue_indirect_dma source(%arg9 : memref<128x128xf32, #tpu.memory_space<vmem>>) target(%dma_start3A_810 : memref<10000x128xf32, #tpu.memory_space<vmem_shared>>) offsets(%arg7 : memref<128xi32, #tpu.memory_space<vmem>>) semaphore(%run_scoped3A : memref<!tpu.dma_semaphore, #tpu.memory_space<semaphore_mem>>) {add = true}
        %dma_wait3A_811 = arith.constant 0 : i32
        %dma_wait3A_812 = arith.constant 0 : i32
        %dma_wait3A_813 = tpu.memref_slice %arg12[%dma_wait3A_811, %dma_wait3A_812] : memref<10000x128xf32, #tpu.memory_space<vmem_shared>> -> memref<10000x128xf32, #tpu.memory_space<vmem_shared>>
        tpu.wait_indirect_dma semaphore(%run_scoped3A : memref<!tpu.dma_semaphore, #tpu.memory_space<semaphore_mem>>) src(%arg9 : memref<128x128xf32, #tpu.memory_space<vmem>>) dst(%dma_wait3A_813 : memref<10000x128xf32, #tpu.memory_space<vmem_shared>>)
        tpu.yield
      }) : () -> ()
      %add3A_599 = arith.constant 4 : i32
      %add3A_600 = arith.addi %add3A_435, %add3A_599 : i32
      %add3A_601 = arith.constant 2 : i32
      %add3A_602 = arith.addi %add3A_600, %add3A_601 : i32
      %mul3A_603 = arith.constant 128 : i32
      %mul3A_604 = arith.muli %add3A_602, %mul3A_603 : i32
      %add3A_605 = arith.constant 320000 : i32
      %add3A_606 = arith.addi %add3A_605, %mul3A_604 : i32
      %dma_start3A_607 = tpu.memref_slice %arg3[%add3A_606] : memref<640000xi32, #tpu.memory_space<hbm>> -> memref<128xi32, #tpu.memory_space<hbm>>
      %dma_start3A_608 = tpu.memref_slice %arg3[%add3A_606] : memref<640000xi32, #tpu.memory_space<hbm>> -> memref<128xi32, #tpu.memory_space<hbm>>
      tpu.enqueue_dma source(%dma_start3A_608 : memref<128xi32, #tpu.memory_space<hbm>>) target(%arg7 : memref<128xi32, #tpu.memory_space<vmem>>) target_semaphore(%arg16 : memref<!tpu.dma_semaphore, #tpu.memory_space<semaphore_mem>>)
      %dma_start3A_609 = arith.constant 768 : i32
      %dma_start3A_610 = tpu.memref_slice %arg6[%dma_start3A_609] : memref<1664xi32, #tpu.memory_space<vmem>> -> memref<128xi32, #tpu.memory_space<vmem>>
      %dma_start3A_611 = arith.constant 0 : i32
      %dma_start3A_612 = arith.constant 0 : i32
      %dma_start3A_613 = tpu.memref_slice %arg2[%dma_start3A_611, %dma_start3A_612] : memref<10000x128xf32, #tpu.memory_space<hbm>> -> memref<10000x128xf32, #tpu.memory_space<hbm>>
      tpu.enqueue_indirect_dma source(%dma_start3A_613 : memref<10000x128xf32, #tpu.memory_space<hbm>>) target(%arg9 : memref<128x128xf32, #tpu.memory_space<vmem>>) offsets(%dma_start3A_610 : memref<128xi32, #tpu.memory_space<vmem>>) semaphore(%arg13 : memref<!tpu.dma_semaphore, #tpu.memory_space<semaphore_mem>>)
      %dma_wait3A_614 = arith.constant 640 : i32
      %dma_wait3A_615 = tpu.memref_slice %arg6[%dma_wait3A_614] : memref<1664xi32, #tpu.memory_space<vmem>> -> memref<128xi32, #tpu.memory_space<vmem>>
      %dma_wait3A_616 = arith.constant 0 : i32
      %dma_wait3A_617 = arith.constant 0 : i32
      %dma_wait3A_618 = tpu.memref_slice %arg2[%dma_wait3A_616, %dma_wait3A_617] : memref<10000x128xf32, #tpu.memory_space<hbm>> -> memref<10000x128xf32, #tpu.memory_space<hbm>>
      tpu.wait_indirect_dma semaphore(%arg14 : memref<!tpu.dma_semaphore, #tpu.memory_space<semaphore_mem>>) src(%dma_wait3A_618 : memref<10000x128xf32, #tpu.memory_space<hbm>>) dst(%arg10 : memref<128x128xf32, #tpu.memory_space<vmem>>)
      %add3A_619 = arith.constant 5 : i32
      %add3A_620 = arith.addi %add3A_435, %add3A_619 : i32
      %mul3A_621 = arith.constant 128 : i32
      %mul3A_622 = arith.muli %add3A_620, %mul3A_621 : i32
      %add3A_623 = arith.constant 320000 : i32
      %add3A_624 = arith.addi %add3A_623, %mul3A_622 : i32
      %dma_wait3A_625 = tpu.memref_slice %arg3[%add3A_624] : memref<640000xi32, #tpu.memory_space<hbm>> -> memref<128xi32, #tpu.memory_space<hbm>>
      %dma_wait3A_626 = tpu.memref_slice %arg3[%add3A_624] : memref<640000xi32, #tpu.memory_space<hbm>> -> memref<128xi32, #tpu.memory_space<hbm>>
      tpu.wait_dma2 semaphore(%arg17 : memref<!tpu.dma_semaphore, #tpu.memory_space<semaphore_mem>>) src(%dma_wait3A_626 : memref<128xi32, #tpu.memory_space<hbm>>) dst(%arg8 : memref<128xi32, #tpu.memory_space<vmem>>)
      "tpu.region"() ({
        %run_scoped3A = tpu.sem_alloc : memref<!tpu.dma_semaphore, #tpu.memory_space<semaphore_mem>>
        %dma_start3A_808 = arith.constant 0 : i32
        %dma_start3A_809 = arith.constant 0 : i32
        %dma_start3A_810 = tpu.memref_slice %arg12[%dma_start3A_808, %dma_start3A_809] : memref<10000x128xf32, #tpu.memory_space<vmem_shared>> -> memref<10000x128xf32, #tpu.memory_space<vmem_shared>>
        tpu.enqueue_indirect_dma source(%arg10 : memref<128x128xf32, #tpu.memory_space<vmem>>) target(%dma_start3A_810 : memref<10000x128xf32, #tpu.memory_space<vmem_shared>>) offsets(%arg8 : memref<128xi32, #tpu.memory_space<vmem>>) semaphore(%run_scoped3A : memref<!tpu.dma_semaphore, #tpu.memory_space<semaphore_mem>>) {add = true}
        %dma_wait3A_811 = arith.constant 0 : i32
        %dma_wait3A_812 = arith.constant 0 : i32
        %dma_wait3A_813 = tpu.memref_slice %arg12[%dma_wait3A_811, %dma_wait3A_812] : memref<10000x128xf32, #tpu.memory_space<vmem_shared>> -> memref<10000x128xf32, #tpu.memory_space<vmem_shared>>
        tpu.wait_indirect_dma semaphore(%run_scoped3A : memref<!tpu.dma_semaphore, #tpu.memory_space<semaphore_mem>>) src(%arg10 : memref<128x128xf32, #tpu.memory_space<vmem>>) dst(%dma_wait3A_813 : memref<10000x128xf32, #tpu.memory_space<vmem_shared>>)
        tpu.yield
      }) : () -> ()
      %add3A_627 = arith.constant 5 : i32
      %add3A_628 = arith.addi %add3A_435, %add3A_627 : i32
      %add3A_629 = arith.constant 2 : i32
      %add3A_630 = arith.addi %add3A_628, %add3A_629 : i32
      %mul3A_631 = arith.constant 128 : i32
      %mul3A_632 = arith.muli %add3A_630, %mul3A_631 : i32
      %add3A_633 = arith.constant 320000 : i32
      %add3A_634 = arith.addi %add3A_633, %mul3A_632 : i32
      %dma_start3A_635 = tpu.memref_slice %arg3[%add3A_634] : memref<640000xi32, #tpu.memory_space<hbm>> -> memref<128xi32, #tpu.memory_space<hbm>>
      %dma_start3A_636 = tpu.memref_slice %arg3[%add3A_634] : memref<640000xi32, #tpu.memory_space<hbm>> -> memref<128xi32, #tpu.memory_space<hbm>>
      tpu.enqueue_dma source(%dma_start3A_636 : memref<128xi32, #tpu.memory_space<hbm>>) target(%arg8 : memref<128xi32, #tpu.memory_space<vmem>>) target_semaphore(%arg17 : memref<!tpu.dma_semaphore, #tpu.memory_space<semaphore_mem>>)
      %dma_start3A_637 = arith.constant 896 : i32
      %dma_start3A_638 = tpu.memref_slice %arg6[%dma_start3A_637] : memref<1664xi32, #tpu.memory_space<vmem>> -> memref<128xi32, #tpu.memory_space<vmem>>
      %dma_start3A_639 = arith.constant 0 : i32
      %dma_start3A_640 = arith.constant 0 : i32
      %dma_start3A_641 = tpu.memref_slice %arg2[%dma_start3A_639, %dma_start3A_640] : memref<10000x128xf32, #tpu.memory_space<hbm>> -> memref<10000x128xf32, #tpu.memory_space<hbm>>
      tpu.enqueue_indirect_dma source(%dma_start3A_641 : memref<10000x128xf32, #tpu.memory_space<hbm>>) target(%arg10 : memref<128x128xf32, #tpu.memory_space<vmem>>) offsets(%dma_start3A_638 : memref<128xi32, #tpu.memory_space<vmem>>) semaphore(%arg14 : memref<!tpu.dma_semaphore, #tpu.memory_space<semaphore_mem>>)
      %dma_wait3A_642 = arith.constant 768 : i32
      %dma_wait3A_643 = tpu.memref_slice %arg6[%dma_wait3A_642] : memref<1664xi32, #tpu.memory_space<vmem>> -> memref<128xi32, #tpu.memory_space<vmem>>
      %dma_wait3A_644 = arith.constant 0 : i32
      %dma_wait3A_645 = arith.constant 0 : i32
      %dma_wait3A_646 = tpu.memref_slice %arg2[%dma_wait3A_644, %dma_wait3A_645] : memref<10000x128xf32, #tpu.memory_space<hbm>> -> memref<10000x128xf32, #tpu.memory_space<hbm>>
      tpu.wait_indirect_dma semaphore(%arg13 : memref<!tpu.dma_semaphore, #tpu.memory_space<semaphore_mem>>) src(%dma_wait3A_646 : memref<10000x128xf32, #tpu.memory_space<hbm>>) dst(%arg9 : memref<128x128xf32, #tpu.memory_space<vmem>>)
      %add3A_647 = arith.constant 6 : i32
      %add3A_648 = arith.addi %add3A_435, %add3A_647 : i32
      %mul3A_649 = arith.constant 128 : i32
      %mul3A_650 = arith.muli %add3A_648, %mul3A_649 : i32
      %add3A_651 = arith.constant 320000 : i32
      %add3A_652 = arith.addi %add3A_651, %mul3A_650 : i32
      %dma_wait3A_653 = tpu.memref_slice %arg3[%add3A_652] : memref<640000xi32, #tpu.memory_space<hbm>> -> memref<128xi32, #tpu.memory_space<hbm>>
      %dma_wait3A_654 = tpu.memref_slice %arg3[%add3A_652] : memref<640000xi32, #tpu.memory_space<hbm>> -> memref<128xi32, #tpu.memory_space<hbm>>
      tpu.wait_dma2 semaphore(%arg16 : memref<!tpu.dma_semaphore, #tpu.memory_space<semaphore_mem>>) src(%dma_wait3A_654 : memref<128xi32, #tpu.memory_space<hbm>>) dst(%arg7 : memref<128xi32, #tpu.memory_space<vmem>>)
      "tpu.region"() ({
        %run_scoped3A = tpu.sem_alloc : memref<!tpu.dma_semaphore, #tpu.memory_space<semaphore_mem>>
        %dma_start3A_808 = arith.constant 0 : i32
        %dma_start3A_809 = arith.constant 0 : i32
        %dma_start3A_810 = tpu.memref_slice %arg12[%dma_start3A_808, %dma_start3A_809] : memref<10000x128xf32, #tpu.memory_space<vmem_shared>> -> memref<10000x128xf32, #tpu.memory_space<vmem_shared>>
        tpu.enqueue_indirect_dma source(%arg9 : memref<128x128xf32, #tpu.memory_space<vmem>>) target(%dma_start3A_810 : memref<10000x128xf32, #tpu.memory_space<vmem_shared>>) offsets(%arg7 : memref<128xi32, #tpu.memory_space<vmem>>) semaphore(%run_scoped3A : memref<!tpu.dma_semaphore, #tpu.memory_space<semaphore_mem>>) {add = true}
        %dma_wait3A_811 = arith.constant 0 : i32
        %dma_wait3A_812 = arith.constant 0 : i32
        %dma_wait3A_813 = tpu.memref_slice %arg12[%dma_wait3A_811, %dma_wait3A_812] : memref<10000x128xf32, #tpu.memory_space<vmem_shared>> -> memref<10000x128xf32, #tpu.memory_space<vmem_shared>>
        tpu.wait_indirect_dma semaphore(%run_scoped3A : memref<!tpu.dma_semaphore, #tpu.memory_space<semaphore_mem>>) src(%arg9 : memref<128x128xf32, #tpu.memory_space<vmem>>) dst(%dma_wait3A_813 : memref<10000x128xf32, #tpu.memory_space<vmem_shared>>)
        tpu.yield
      }) : () -> ()
      %add3A_655 = arith.constant 6 : i32
      %add3A_656 = arith.addi %add3A_435, %add3A_655 : i32
      %add3A_657 = arith.constant 2 : i32
      %add3A_658 = arith.addi %add3A_656, %add3A_657 : i32
      %mul3A_659 = arith.constant 128 : i32
      %mul3A_660 = arith.muli %add3A_658, %mul3A_659 : i32
      %add3A_661 = arith.constant 320000 : i32
      %add3A_662 = arith.addi %add3A_661, %mul3A_660 : i32
      %dma_start3A_663 = tpu.memref_slice %arg3[%add3A_662] : memref<640000xi32, #tpu.memory_space<hbm>> -> memref<128xi32, #tpu.memory_space<hbm>>
      %dma_start3A_664 = tpu.memref_slice %arg3[%add3A_662] : memref<640000xi32, #tpu.memory_space<hbm>> -> memref<128xi32, #tpu.memory_space<hbm>>
      tpu.enqueue_dma source(%dma_start3A_664 : memref<128xi32, #tpu.memory_space<hbm>>) target(%arg7 : memref<128xi32, #tpu.memory_space<vmem>>) target_semaphore(%arg16 : memref<!tpu.dma_semaphore, #tpu.memory_space<semaphore_mem>>)
      %dma_start3A_665 = arith.constant 1024 : i32
      %dma_start3A_666 = tpu.memref_slice %arg6[%dma_start3A_665] : memref<1664xi32, #tpu.memory_space<vmem>> -> memref<128xi32, #tpu.memory_space<vmem>>
      %dma_start3A_667 = arith.constant 0 : i32
      %dma_start3A_668 = arith.constant 0 : i32
      %dma_start3A_669 = tpu.memref_slice %arg2[%dma_start3A_667, %dma_start3A_668] : memref<10000x128xf32, #tpu.memory_space<hbm>> -> memref<10000x128xf32, #tpu.memory_space<hbm>>
      tpu.enqueue_indirect_dma source(%dma_start3A_669 : memref<10000x128xf32, #tpu.memory_space<hbm>>) target(%arg9 : memref<128x128xf32, #tpu.memory_space<vmem>>) offsets(%dma_start3A_666 : memref<128xi32, #tpu.memory_space<vmem>>) semaphore(%arg13 : memref<!tpu.dma_semaphore, #tpu.memory_space<semaphore_mem>>)
      %dma_wait3A_670 = arith.constant 896 : i32
      %dma_wait3A_671 = tpu.memref_slice %arg6[%dma_wait3A_670] : memref<1664xi32, #tpu.memory_space<vmem>> -> memref<128xi32, #tpu.memory_space<vmem>>
      %dma_wait3A_672 = arith.constant 0 : i32
      %dma_wait3A_673 = arith.constant 0 : i32
      %dma_wait3A_674 = tpu.memref_slice %arg2[%dma_wait3A_672, %dma_wait3A_673] : memref<10000x128xf32, #tpu.memory_space<hbm>> -> memref<10000x128xf32, #tpu.memory_space<hbm>>
      tpu.wait_indirect_dma semaphore(%arg14 : memref<!tpu.dma_semaphore, #tpu.memory_space<semaphore_mem>>) src(%dma_wait3A_674 : memref<10000x128xf32, #tpu.memory_space<hbm>>) dst(%arg10 : memref<128x128xf32, #tpu.memory_space<vmem>>)
      %add3A_675 = arith.constant 7 : i32
      %add3A_676 = arith.addi %add3A_435, %add3A_675 : i32
      %mul3A_677 = arith.constant 128 : i32
      %mul3A_678 = arith.muli %add3A_676, %mul3A_677 : i32
      %add3A_679 = arith.constant 320000 : i32
      %add3A_680 = arith.addi %add3A_679, %mul3A_678 : i32
      %dma_wait3A_681 = tpu.memref_slice %arg3[%add3A_680] : memref<640000xi32, #tpu.memory_space<hbm>> -> memref<128xi32, #tpu.memory_space<hbm>>
      %dma_wait3A_682 = tpu.memref_slice %arg3[%add3A_680] : memref<640000xi32, #tpu.memory_space<hbm>> -> memref<128xi32, #tpu.memory_space<hbm>>
      tpu.wait_dma2 semaphore(%arg17 : memref<!tpu.dma_semaphore, #tpu.memory_space<semaphore_mem>>) src(%dma_wait3A_682 : memref<128xi32, #tpu.memory_space<hbm>>) dst(%arg8 : memref<128xi32, #tpu.memory_space<vmem>>)
      "tpu.region"() ({
        %run_scoped3A = tpu.sem_alloc : memref<!tpu.dma_semaphore, #tpu.memory_space<semaphore_mem>>
        %dma_start3A_808 = arith.constant 0 : i32
        %dma_start3A_809 = arith.constant 0 : i32
        %dma_start3A_810 = tpu.memref_slice %arg12[%dma_start3A_808, %dma_start3A_809] : memref<10000x128xf32, #tpu.memory_space<vmem_shared>> -> memref<10000x128xf32, #tpu.memory_space<vmem_shared>>
        tpu.enqueue_indirect_dma source(%arg10 : memref<128x128xf32, #tpu.memory_space<vmem>>) target(%dma_start3A_810 : memref<10000x128xf32, #tpu.memory_space<vmem_shared>>) offsets(%arg8 : memref<128xi32, #tpu.memory_space<vmem>>) semaphore(%run_scoped3A : memref<!tpu.dma_semaphore, #tpu.memory_space<semaphore_mem>>) {add = true}
        %dma_wait3A_811 = arith.constant 0 : i32
        %dma_wait3A_812 = arith.constant 0 : i32
        %dma_wait3A_813 = tpu.memref_slice %arg12[%dma_wait3A_811, %dma_wait3A_812] : memref<10000x128xf32, #tpu.memory_space<vmem_shared>> -> memref<10000x128xf32, #tpu.memory_space<vmem_shared>>
        tpu.wait_indirect_dma semaphore(%run_scoped3A : memref<!tpu.dma_semaphore, #tpu.memory_space<semaphore_mem>>) src(%arg10 : memref<128x128xf32, #tpu.memory_space<vmem>>) dst(%dma_wait3A_813 : memref<10000x128xf32, #tpu.memory_space<vmem_shared>>)
        tpu.yield
      }) : () -> ()
      %add3A_683 = arith.constant 7 : i32
      %add3A_684 = arith.addi %add3A_435, %add3A_683 : i32
      %add3A_685 = arith.constant 2 : i32
      %add3A_686 = arith.addi %add3A_684, %add3A_685 : i32
      %mul3A_687 = arith.constant 128 : i32
      %mul3A_688 = arith.muli %add3A_686, %mul3A_687 : i32
      %add3A_689 = arith.constant 320000 : i32
      %add3A_690 = arith.addi %add3A_689, %mul3A_688 : i32
      %dma_start3A_691 = tpu.memref_slice %arg3[%add3A_690] : memref<640000xi32, #tpu.memory_space<hbm>> -> memref<128xi32, #tpu.memory_space<hbm>>
      %dma_start3A_692 = tpu.memref_slice %arg3[%add3A_690] : memref<640000xi32, #tpu.memory_space<hbm>> -> memref<128xi32, #tpu.memory_space<hbm>>
      tpu.enqueue_dma source(%dma_start3A_692 : memref<128xi32, #tpu.memory_space<hbm>>) target(%arg8 : memref<128xi32, #tpu.memory_space<vmem>>) target_semaphore(%arg17 : memref<!tpu.dma_semaphore, #tpu.memory_space<semaphore_mem>>)
      %dma_start3A_693 = arith.constant 1152 : i32
      %dma_start3A_694 = tpu.memref_slice %arg6[%dma_start3A_693] : memref<1664xi32, #tpu.memory_space<vmem>> -> memref<128xi32, #tpu.memory_space<vmem>>
      %dma_start3A_695 = arith.constant 0 : i32
      %dma_start3A_696 = arith.constant 0 : i32
      %dma_start3A_697 = tpu.memref_slice %arg2[%dma_start3A_695, %dma_start3A_696] : memref<10000x128xf32, #tpu.memory_space<hbm>> -> memref<10000x128xf32, #tpu.memory_space<hbm>>
      tpu.enqueue_indirect_dma source(%dma_start3A_697 : memref<10000x128xf32, #tpu.memory_space<hbm>>) target(%arg10 : memref<128x128xf32, #tpu.memory_space<vmem>>) offsets(%dma_start3A_694 : memref<128xi32, #tpu.memory_space<vmem>>) semaphore(%arg14 : memref<!tpu.dma_semaphore, #tpu.memory_space<semaphore_mem>>)
      %dma_wait3A_698 = arith.constant 1024 : i32
      %dma_wait3A_699 = tpu.memref_slice %arg6[%dma_wait3A_698] : memref<1664xi32, #tpu.memory_space<vmem>> -> memref<128xi32, #tpu.memory_space<vmem>>
      %dma_wait3A_700 = arith.constant 0 : i32
      %dma_wait3A_701 = arith.constant 0 : i32
      %dma_wait3A_702 = tpu.memref_slice %arg2[%dma_wait3A_700, %dma_wait3A_701] : memref<10000x128xf32, #tpu.memory_space<hbm>> -> memref<10000x128xf32, #tpu.memory_space<hbm>>
      tpu.wait_indirect_dma semaphore(%arg13 : memref<!tpu.dma_semaphore, #tpu.memory_space<semaphore_mem>>) src(%dma_wait3A_702 : memref<10000x128xf32, #tpu.memory_space<hbm>>) dst(%arg9 : memref<128x128xf32, #tpu.memory_space<vmem>>)
      %add3A_703 = arith.constant 8 : i32
      %add3A_704 = arith.addi %add3A_435, %add3A_703 : i32
      %mul3A_705 = arith.constant 128 : i32
      %mul3A_706 = arith.muli %add3A_704, %mul3A_705 : i32
      %add3A_707 = arith.constant 320000 : i32
      %add3A_708 = arith.addi %add3A_707, %mul3A_706 : i32
      %dma_wait3A_709 = tpu.memref_slice %arg3[%add3A_708] : memref<640000xi32, #tpu.memory_space<hbm>> -> memref<128xi32, #tpu.memory_space<hbm>>
      %dma_wait3A_710 = tpu.memref_slice %arg3[%add3A_708] : memref<640000xi32, #tpu.memory_space<hbm>> -> memref<128xi32, #tpu.memory_space<hbm>>
      tpu.wait_dma2 semaphore(%arg16 : memref<!tpu.dma_semaphore, #tpu.memory_space<semaphore_mem>>) src(%dma_wait3A_710 : memref<128xi32, #tpu.memory_space<hbm>>) dst(%arg7 : memref<128xi32, #tpu.memory_space<vmem>>)
      "tpu.region"() ({
        %run_scoped3A = tpu.sem_alloc : memref<!tpu.dma_semaphore, #tpu.memory_space<semaphore_mem>>
        %dma_start3A_808 = arith.constant 0 : i32
        %dma_start3A_809 = arith.constant 0 : i32
        %dma_start3A_810 = tpu.memref_slice %arg12[%dma_start3A_808, %dma_start3A_809] : memref<10000x128xf32, #tpu.memory_space<vmem_shared>> -> memref<10000x128xf32, #tpu.memory_space<vmem_shared>>
        tpu.enqueue_indirect_dma source(%arg9 : memref<128x128xf32, #tpu.memory_space<vmem>>) target(%dma_start3A_810 : memref<10000x128xf32, #tpu.memory_space<vmem_shared>>) offsets(%arg7 : memref<128xi32, #tpu.memory_space<vmem>>) semaphore(%run_scoped3A : memref<!tpu.dma_semaphore, #tpu.memory_space<semaphore_mem>>) {add = true}
        %dma_wait3A_811 = arith.constant 0 : i32
        %dma_wait3A_812 = arith.constant 0 : i32
        %dma_wait3A_813 = tpu.memref_slice %arg12[%dma_wait3A_811, %dma_wait3A_812] : memref<10000x128xf32, #tpu.memory_space<vmem_shared>> -> memref<10000x128xf32, #tpu.memory_space<vmem_shared>>
        tpu.wait_indirect_dma semaphore(%run_scoped3A : memref<!tpu.dma_semaphore, #tpu.memory_space<semaphore_mem>>) src(%arg9 : memref<128x128xf32, #tpu.memory_space<vmem>>) dst(%dma_wait3A_813 : memref<10000x128xf32, #tpu.memory_space<vmem_shared>>)
        tpu.yield
      }) : () -> ()
      %add3A_711 = arith.constant 8 : i32
      %add3A_712 = arith.addi %add3A_435, %add3A_711 : i32
      %add3A_713 = arith.constant 2 : i32
      %add3A_714 = arith.addi %add3A_712, %add3A_713 : i32
      %mul3A_715 = arith.constant 128 : i32
      %mul3A_716 = arith.muli %add3A_714, %mul3A_715 : i32
      %add3A_717 = arith.constant 320000 : i32
      %add3A_718 = arith.addi %add3A_717, %mul3A_716 : i32
      %dma_start3A_719 = tpu.memref_slice %arg3[%add3A_718] : memref<640000xi32, #tpu.memory_space<hbm>> -> memref<128xi32, #tpu.memory_space<hbm>>
      %dma_start3A_720 = tpu.memref_slice %arg3[%add3A_718] : memref<640000xi32, #tpu.memory_space<hbm>> -> memref<128xi32, #tpu.memory_space<hbm>>
      tpu.enqueue_dma source(%dma_start3A_720 : memref<128xi32, #tpu.memory_space<hbm>>) target(%arg7 : memref<128xi32, #tpu.memory_space<vmem>>) target_semaphore(%arg16 : memref<!tpu.dma_semaphore, #tpu.memory_space<semaphore_mem>>)
      %dma_start3A_721 = arith.constant 1280 : i32
      %dma_start3A_722 = tpu.memref_slice %arg6[%dma_start3A_721] : memref<1664xi32, #tpu.memory_space<vmem>> -> memref<128xi32, #tpu.memory_space<vmem>>
      %dma_start3A_723 = arith.constant 0 : i32
      %dma_start3A_724 = arith.constant 0 : i32
      %dma_start3A_725 = tpu.memref_slice %arg2[%dma_start3A_723, %dma_start3A_724] : memref<10000x128xf32, #tpu.memory_space<hbm>> -> memref<10000x128xf32, #tpu.memory_space<hbm>>
      tpu.enqueue_indirect_dma source(%dma_start3A_725 : memref<10000x128xf32, #tpu.memory_space<hbm>>) target(%arg9 : memref<128x128xf32, #tpu.memory_space<vmem>>) offsets(%dma_start3A_722 : memref<128xi32, #tpu.memory_space<vmem>>) semaphore(%arg13 : memref<!tpu.dma_semaphore, #tpu.memory_space<semaphore_mem>>)
      %dma_wait3A_726 = arith.constant 1152 : i32
      %dma_wait3A_727 = tpu.memref_slice %arg6[%dma_wait3A_726] : memref<1664xi32, #tpu.memory_space<vmem>> -> memref<128xi32, #tpu.memory_space<vmem>>
      %dma_wait3A_728 = arith.constant 0 : i32
      %dma_wait3A_729 = arith.constant 0 : i32
      %dma_wait3A_730 = tpu.memref_slice %arg2[%dma_wait3A_728, %dma_wait3A_729] : memref<10000x128xf32, #tpu.memory_space<hbm>> -> memref<10000x128xf32, #tpu.memory_space<hbm>>
      tpu.wait_indirect_dma semaphore(%arg14 : memref<!tpu.dma_semaphore, #tpu.memory_space<semaphore_mem>>) src(%dma_wait3A_730 : memref<10000x128xf32, #tpu.memory_space<hbm>>) dst(%arg10 : memref<128x128xf32, #tpu.memory_space<vmem>>)
      %add3A_731 = arith.constant 9 : i32
      %add3A_732 = arith.addi %add3A_435, %add3A_731 : i32
      %mul3A_733 = arith.constant 128 : i32
      %mul3A_734 = arith.muli %add3A_732, %mul3A_733 : i32
      %add3A_735 = arith.constant 320000 : i32
      %add3A_736 = arith.addi %add3A_735, %mul3A_734 : i32
      %dma_wait3A_737 = tpu.memref_slice %arg3[%add3A_736] : memref<640000xi32, #tpu.memory_space<hbm>> -> memref<128xi32, #tpu.memory_space<hbm>>
      %dma_wait3A_738 = tpu.memref_slice %arg3[%add3A_736] : memref<640000xi32, #tpu.memory_space<hbm>> -> memref<128xi32, #tpu.memory_space<hbm>>
      tpu.wait_dma2 semaphore(%arg17 : memref<!tpu.dma_semaphore, #tpu.memory_space<semaphore_mem>>) src(%dma_wait3A_738 : memref<128xi32, #tpu.memory_space<hbm>>) dst(%arg8 : memref<128xi32, #tpu.memory_space<vmem>>)
      "tpu.region"() ({
        %run_scoped3A = tpu.sem_alloc : memref<!tpu.dma_semaphore, #tpu.memory_space<semaphore_mem>>
        %dma_start3A_808 = arith.constant 0 : i32
        %dma_start3A_809 = arith.constant 0 : i32
        %dma_start3A_810 = tpu.memref_slice %arg12[%dma_start3A_808, %dma_start3A_809] : memref<10000x128xf32, #tpu.memory_space<vmem_shared>> -> memref<10000x128xf32, #tpu.memory_space<vmem_shared>>
        tpu.enqueue_indirect_dma source(%arg10 : memref<128x128xf32, #tpu.memory_space<vmem>>) target(%dma_start3A_810 : memref<10000x128xf32, #tpu.memory_space<vmem_shared>>) offsets(%arg8 : memref<128xi32, #tpu.memory_space<vmem>>) semaphore(%run_scoped3A : memref<!tpu.dma_semaphore, #tpu.memory_space<semaphore_mem>>) {add = true}
        %dma_wait3A_811 = arith.constant 0 : i32
        %dma_wait3A_812 = arith.constant 0 : i32
        %dma_wait3A_813 = tpu.memref_slice %arg12[%dma_wait3A_811, %dma_wait3A_812] : memref<10000x128xf32, #tpu.memory_space<vmem_shared>> -> memref<10000x128xf32, #tpu.memory_space<vmem_shared>>
        tpu.wait_indirect_dma semaphore(%run_scoped3A : memref<!tpu.dma_semaphore, #tpu.memory_space<semaphore_mem>>) src(%arg10 : memref<128x128xf32, #tpu.memory_space<vmem>>) dst(%dma_wait3A_813 : memref<10000x128xf32, #tpu.memory_space<vmem_shared>>)
        tpu.yield
      }) : () -> ()
      %add3A_739 = arith.constant 9 : i32
      %add3A_740 = arith.addi %add3A_435, %add3A_739 : i32
      %add3A_741 = arith.constant 2 : i32
      %add3A_742 = arith.addi %add3A_740, %add3A_741 : i32
      %mul3A_743 = arith.constant 128 : i32
      %mul3A_744 = arith.muli %add3A_742, %mul3A_743 : i32
      %add3A_745 = arith.constant 320000 : i32
      %add3A_746 = arith.addi %add3A_745, %mul3A_744 : i32
      %dma_start3A_747 = tpu.memref_slice %arg3[%add3A_746] : memref<640000xi32, #tpu.memory_space<hbm>> -> memref<128xi32, #tpu.memory_space<hbm>>
      %dma_start3A_748 = tpu.memref_slice %arg3[%add3A_746] : memref<640000xi32, #tpu.memory_space<hbm>> -> memref<128xi32, #tpu.memory_space<hbm>>
      tpu.enqueue_dma source(%dma_start3A_748 : memref<128xi32, #tpu.memory_space<hbm>>) target(%arg8 : memref<128xi32, #tpu.memory_space<vmem>>) target_semaphore(%arg17 : memref<!tpu.dma_semaphore, #tpu.memory_space<semaphore_mem>>)
      %dma_start3A_749 = arith.constant 1408 : i32
      %dma_start3A_750 = tpu.memref_slice %arg6[%dma_start3A_749] : memref<1664xi32, #tpu.memory_space<vmem>> -> memref<128xi32, #tpu.memory_space<vmem>>
      %dma_start3A_751 = arith.constant 0 : i32
      %dma_start3A_752 = arith.constant 0 : i32
      %dma_start3A_753 = tpu.memref_slice %arg2[%dma_start3A_751, %dma_start3A_752] : memref<10000x128xf32, #tpu.memory_space<hbm>> -> memref<10000x128xf32, #tpu.memory_space<hbm>>
      tpu.enqueue_indirect_dma source(%dma_start3A_753 : memref<10000x128xf32, #tpu.memory_space<hbm>>) target(%arg10 : memref<128x128xf32, #tpu.memory_space<vmem>>) offsets(%dma_start3A_750 : memref<128xi32, #tpu.memory_space<vmem>>) semaphore(%arg14 : memref<!tpu.dma_semaphore, #tpu.memory_space<semaphore_mem>>)
      %dma_wait3A_754 = arith.constant 1280 : i32
      %dma_wait3A_755 = tpu.memref_slice %arg6[%dma_wait3A_754] : memref<1664xi32, #tpu.memory_space<vmem>> -> memref<128xi32, #tpu.memory_space<vmem>>
      %dma_wait3A_756 = arith.constant 0 : i32
      %dma_wait3A_757 = arith.constant 0 : i32
      %dma_wait3A_758 = tpu.memref_slice %arg2[%dma_wait3A_756, %dma_wait3A_757] : memref<10000x128xf32, #tpu.memory_space<hbm>> -> memref<10000x128xf32, #tpu.memory_space<hbm>>
      tpu.wait_indirect_dma semaphore(%arg13 : memref<!tpu.dma_semaphore, #tpu.memory_space<semaphore_mem>>) src(%dma_wait3A_758 : memref<10000x128xf32, #tpu.memory_space<hbm>>) dst(%arg9 : memref<128x128xf32, #tpu.memory_space<vmem>>)
      %add3A_759 = arith.constant 10 : i32
      %add3A_760 = arith.addi %add3A_435, %add3A_759 : i32
      %mul3A_761 = arith.constant 128 : i32
      %mul3A_762 = arith.muli %add3A_760, %mul3A_761 : i32
      %add3A_763 = arith.constant 320000 : i32
      %add3A_764 = arith.addi %add3A_763, %mul3A_762 : i32
      %dma_wait3A_765 = tpu.memref_slice %arg3[%add3A_764] : memref<640000xi32, #tpu.memory_space<hbm>> -> memref<128xi32, #tpu.memory_space<hbm>>
      %dma_wait3A_766 = tpu.memref_slice %arg3[%add3A_764] : memref<640000xi32, #tpu.memory_space<hbm>> -> memref<128xi32, #tpu.memory_space<hbm>>
      tpu.wait_dma2 semaphore(%arg16 : memref<!tpu.dma_semaphore, #tpu.memory_space<semaphore_mem>>) src(%dma_wait3A_766 : memref<128xi32, #tpu.memory_space<hbm>>) dst(%arg7 : memref<128xi32, #tpu.memory_space<vmem>>)
      "tpu.region"() ({
        %run_scoped3A = tpu.sem_alloc : memref<!tpu.dma_semaphore, #tpu.memory_space<semaphore_mem>>
        %dma_start3A_808 = arith.constant 0 : i32
        %dma_start3A_809 = arith.constant 0 : i32
        %dma_start3A_810 = tpu.memref_slice %arg12[%dma_start3A_808, %dma_start3A_809] : memref<10000x128xf32, #tpu.memory_space<vmem_shared>> -> memref<10000x128xf32, #tpu.memory_space<vmem_shared>>
        tpu.enqueue_indirect_dma source(%arg9 : memref<128x128xf32, #tpu.memory_space<vmem>>) target(%dma_start3A_810 : memref<10000x128xf32, #tpu.memory_space<vmem_shared>>) offsets(%arg7 : memref<128xi32, #tpu.memory_space<vmem>>) semaphore(%run_scoped3A : memref<!tpu.dma_semaphore, #tpu.memory_space<semaphore_mem>>) {add = true}
        %dma_wait3A_811 = arith.constant 0 : i32
        %dma_wait3A_812 = arith.constant 0 : i32
        %dma_wait3A_813 = tpu.memref_slice %arg12[%dma_wait3A_811, %dma_wait3A_812] : memref<10000x128xf32, #tpu.memory_space<vmem_shared>> -> memref<10000x128xf32, #tpu.memory_space<vmem_shared>>
        tpu.wait_indirect_dma semaphore(%run_scoped3A : memref<!tpu.dma_semaphore, #tpu.memory_space<semaphore_mem>>) src(%arg9 : memref<128x128xf32, #tpu.memory_space<vmem>>) dst(%dma_wait3A_813 : memref<10000x128xf32, #tpu.memory_space<vmem_shared>>)
        tpu.yield
      }) : () -> ()
      %add3A_767 = arith.constant 10 : i32
      %add3A_768 = arith.addi %add3A_435, %add3A_767 : i32
      %add3A_769 = arith.constant 2 : i32
      %add3A_770 = arith.addi %add3A_768, %add3A_769 : i32
      %mul3A_771 = arith.constant 128 : i32
      %mul3A_772 = arith.muli %add3A_770, %mul3A_771 : i32
      %add3A_773 = arith.constant 320000 : i32
      %add3A_774 = arith.addi %add3A_773, %mul3A_772 : i32
      %dma_start3A_775 = tpu.memref_slice %arg3[%add3A_774] : memref<640000xi32, #tpu.memory_space<hbm>> -> memref<128xi32, #tpu.memory_space<hbm>>
      %dma_start3A_776 = tpu.memref_slice %arg3[%add3A_774] : memref<640000xi32, #tpu.memory_space<hbm>> -> memref<128xi32, #tpu.memory_space<hbm>>
      tpu.enqueue_dma source(%dma_start3A_776 : memref<128xi32, #tpu.memory_space<hbm>>) target(%arg7 : memref<128xi32, #tpu.memory_space<vmem>>) target_semaphore(%arg16 : memref<!tpu.dma_semaphore, #tpu.memory_space<semaphore_mem>>)
      %dma_start3A_777 = arith.constant 1536 : i32
      %dma_start3A_778 = tpu.memref_slice %arg6[%dma_start3A_777] : memref<1664xi32, #tpu.memory_space<vmem>> -> memref<128xi32, #tpu.memory_space<vmem>>
      %dma_start3A_779 = arith.constant 0 : i32
      %dma_start3A_780 = arith.constant 0 : i32
      %dma_start3A_781 = tpu.memref_slice %arg2[%dma_start3A_779, %dma_start3A_780] : memref<10000x128xf32, #tpu.memory_space<hbm>> -> memref<10000x128xf32, #tpu.memory_space<hbm>>
      tpu.enqueue_indirect_dma source(%dma_start3A_781 : memref<10000x128xf32, #tpu.memory_space<hbm>>) target(%arg9 : memref<128x128xf32, #tpu.memory_space<vmem>>) offsets(%dma_start3A_778 : memref<128xi32, #tpu.memory_space<vmem>>) semaphore(%arg13 : memref<!tpu.dma_semaphore, #tpu.memory_space<semaphore_mem>>)
      %dma_wait3A_782 = arith.constant 1408 : i32
      %dma_wait3A_783 = tpu.memref_slice %arg6[%dma_wait3A_782] : memref<1664xi32, #tpu.memory_space<vmem>> -> memref<128xi32, #tpu.memory_space<vmem>>
      %dma_wait3A_784 = arith.constant 0 : i32
      %dma_wait3A_785 = arith.constant 0 : i32
      %dma_wait3A_786 = tpu.memref_slice %arg2[%dma_wait3A_784, %dma_wait3A_785] : memref<10000x128xf32, #tpu.memory_space<hbm>> -> memref<10000x128xf32, #tpu.memory_space<hbm>>
      tpu.wait_indirect_dma semaphore(%arg14 : memref<!tpu.dma_semaphore, #tpu.memory_space<semaphore_mem>>) src(%dma_wait3A_786 : memref<10000x128xf32, #tpu.memory_space<hbm>>) dst(%arg10 : memref<128x128xf32, #tpu.memory_space<vmem>>)
      %add3A_787 = arith.constant 11 : i32
      %add3A_788 = arith.addi %add3A_435, %add3A_787 : i32
      %mul3A_789 = arith.constant 128 : i32
      %mul3A_790 = arith.muli %add3A_788, %mul3A_789 : i32
      %add3A_791 = arith.constant 320000 : i32
      %add3A_792 = arith.addi %add3A_791, %mul3A_790 : i32
      %dma_wait3A_793 = tpu.memref_slice %arg3[%add3A_792] : memref<640000xi32, #tpu.memory_space<hbm>> -> memref<128xi32, #tpu.memory_space<hbm>>
      %dma_wait3A_794 = tpu.memref_slice %arg3[%add3A_792] : memref<640000xi32, #tpu.memory_space<hbm>> -> memref<128xi32, #tpu.memory_space<hbm>>
      tpu.wait_dma2 semaphore(%arg17 : memref<!tpu.dma_semaphore, #tpu.memory_space<semaphore_mem>>) src(%dma_wait3A_794 : memref<128xi32, #tpu.memory_space<hbm>>) dst(%arg8 : memref<128xi32, #tpu.memory_space<vmem>>)
      "tpu.region"() ({
        %run_scoped3A = tpu.sem_alloc : memref<!tpu.dma_semaphore, #tpu.memory_space<semaphore_mem>>
        %dma_start3A_808 = arith.constant 0 : i32
        %dma_start3A_809 = arith.constant 0 : i32
        %dma_start3A_810 = tpu.memref_slice %arg12[%dma_start3A_808, %dma_start3A_809] : memref<10000x128xf32, #tpu.memory_space<vmem_shared>> -> memref<10000x128xf32, #tpu.memory_space<vmem_shared>>
        tpu.enqueue_indirect_dma source(%arg10 : memref<128x128xf32, #tpu.memory_space<vmem>>) target(%dma_start3A_810 : memref<10000x128xf32, #tpu.memory_space<vmem_shared>>) offsets(%arg8 : memref<128xi32, #tpu.memory_space<vmem>>) semaphore(%run_scoped3A : memref<!tpu.dma_semaphore, #tpu.memory_space<semaphore_mem>>) {add = true}
        %dma_wait3A_811 = arith.constant 0 : i32
        %dma_wait3A_812 = arith.constant 0 : i32
        %dma_wait3A_813 = tpu.memref_slice %arg12[%dma_wait3A_811, %dma_wait3A_812] : memref<10000x128xf32, #tpu.memory_space<vmem_shared>> -> memref<10000x128xf32, #tpu.memory_space<vmem_shared>>
        tpu.wait_indirect_dma semaphore(%run_scoped3A : memref<!tpu.dma_semaphore, #tpu.memory_space<semaphore_mem>>) src(%arg10 : memref<128x128xf32, #tpu.memory_space<vmem>>) dst(%dma_wait3A_813 : memref<10000x128xf32, #tpu.memory_space<vmem_shared>>)
        tpu.yield
      }) : () -> ()
      %dma_wait3A_795 = arith.constant 1536 : i32
      %dma_wait3A_796 = tpu.memref_slice %arg6[%dma_wait3A_795] : memref<1664xi32, #tpu.memory_space<vmem>> -> memref<128xi32, #tpu.memory_space<vmem>>
      %dma_wait3A_797 = arith.constant 0 : i32
      %dma_wait3A_798 = arith.constant 0 : i32
      %dma_wait3A_799 = tpu.memref_slice %arg2[%dma_wait3A_797, %dma_wait3A_798] : memref<10000x128xf32, #tpu.memory_space<hbm>> -> memref<10000x128xf32, #tpu.memory_space<hbm>>
      tpu.wait_indirect_dma semaphore(%arg13 : memref<!tpu.dma_semaphore, #tpu.memory_space<semaphore_mem>>) src(%dma_wait3A_799 : memref<10000x128xf32, #tpu.memory_space<hbm>>) dst(%arg9 : memref<128x128xf32, #tpu.memory_space<vmem>>)
      %add3A_800 = arith.constant 12 : i32
      %add3A_801 = arith.addi %add3A_435, %add3A_800 : i32
      %mul3A_802 = arith.constant 128 : i32
      %mul3A_803 = arith.muli %add3A_801, %mul3A_802 : i32
      %add3A_804 = arith.constant 320000 : i32
      %add3A_805 = arith.addi %add3A_804, %mul3A_803 : i32
      %dma_wait3A_806 = tpu.memref_slice %arg3[%add3A_805] : memref<640000xi32, #tpu.memory_space<hbm>> -> memref<128xi32, #tpu.memory_space<hbm>>
      %dma_wait3A_807 = tpu.memref_slice %arg3[%add3A_805] : memref<640000xi32, #tpu.memory_space<hbm>> -> memref<128xi32, #tpu.memory_space<hbm>>
      tpu.wait_dma2 semaphore(%arg16 : memref<!tpu.dma_semaphore, #tpu.memory_space<semaphore_mem>>) src(%dma_wait3A_807 : memref<128xi32, #tpu.memory_space<hbm>>) dst(%arg7 : memref<128xi32, #tpu.memory_space<vmem>>)
      "tpu.region"() ({
        %run_scoped3A = tpu.sem_alloc : memref<!tpu.dma_semaphore, #tpu.memory_space<semaphore_mem>>
        %dma_start3A_808 = arith.constant 0 : i32
        %dma_start3A_809 = arith.constant 0 : i32
        %dma_start3A_810 = tpu.memref_slice %arg12[%dma_start3A_808, %dma_start3A_809] : memref<10000x128xf32, #tpu.memory_space<vmem_shared>> -> memref<10000x128xf32, #tpu.memory_space<vmem_shared>>
        tpu.enqueue_indirect_dma source(%arg9 : memref<128x128xf32, #tpu.memory_space<vmem>>) target(%dma_start3A_810 : memref<10000x128xf32, #tpu.memory_space<vmem_shared>>) offsets(%arg7 : memref<128xi32, #tpu.memory_space<vmem>>) semaphore(%run_scoped3A : memref<!tpu.dma_semaphore, #tpu.memory_space<semaphore_mem>>) {add = true}
        %dma_wait3A_811 = arith.constant 0 : i32
        %dma_wait3A_812 = arith.constant 0 : i32
        %dma_wait3A_813 = tpu.memref_slice %arg12[%dma_wait3A_811, %dma_wait3A_812] : memref<10000x128xf32, #tpu.memory_space<vmem_shared>> -> memref<10000x128xf32, #tpu.memory_space<vmem_shared>>
        tpu.wait_indirect_dma semaphore(%run_scoped3A : memref<!tpu.dma_semaphore, #tpu.memory_space<semaphore_mem>>) src(%arg9 : memref<128x128xf32, #tpu.memory_space<vmem>>) dst(%dma_wait3A_813 : memref<10000x128xf32, #tpu.memory_space<vmem_shared>>)
        tpu.yield
      }) : () -> ()
    }
    %scan3A_32 = arith.constant 3 : i32
    %lt3A_33 = arith.constant 4 : i32
    %lt3A_34 = arith.cmpi slt, %add3A, %lt3A_33 : i32
    %convert_element_type3A_35 = arith.extui %lt3A_34 : i1 to i32
    %cond3A_36 = arith.constant 0 : i32
    %cond3A_37 = arith.cmpi ne, %convert_element_type3A_35, %cond3A_36 : i32
    scf.if %cond3A_37 {
      %add3A_48 = arith.constant 78 : i32
      %add3A_49 = arith.addi %add3A_22, %add3A_48 : i32
      %mul3A_50 = arith.constant 128 : i32
      %mul3A_51 = arith.muli %add3A_49, %mul3A_50 : i32
      "tpu.region"() ({
        %run_scoped3A = tpu.sem_alloc : memref<!tpu.dma_semaphore, #tpu.memory_space<semaphore_mem>>
        %dma_start3A_65 = arith.constant 0 : i32
        %dma_start3A_66 = tpu.memref_slice %arg5[%dma_start3A_65] : memref<1664xi32, #tpu.memory_space<vmem>> -> memref<128xi32, #tpu.memory_space<vmem>>
        %dma_start3A_67 = tpu.memref_slice %arg3[%mul3A_51] : memref<640000xi32, #tpu.memory_space<hbm>> -> memref<128xi32, #tpu.memory_space<hbm>>
        %dma_start3A_68 = arith.constant 0 : i32
        %dma_start3A_69 = tpu.memref_slice %arg5[%dma_start3A_68] : memref<1664xi32, #tpu.memory_space<vmem>> -> memref<128xi32, #tpu.memory_space<vmem>>
        %dma_start3A_70 = tpu.memref_slice %arg3[%mul3A_51] : memref<640000xi32, #tpu.memory_space<hbm>> -> memref<128xi32, #tpu.memory_space<hbm>>
        tpu.enqueue_dma source(%dma_start3A_70 : memref<128xi32, #tpu.memory_space<hbm>>) target(%dma_start3A_69 : memref<128xi32, #tpu.memory_space<vmem>>) target_semaphore(%run_scoped3A : memref<!tpu.dma_semaphore, #tpu.memory_space<semaphore_mem>>)
        %dma_wait3A_71 = arith.constant 0 : i32
        %dma_wait3A_72 = tpu.memref_slice %arg5[%dma_wait3A_71] : memref<1664xi32, #tpu.memory_space<vmem>> -> memref<128xi32, #tpu.memory_space<vmem>>
        %dma_wait3A_73 = tpu.memref_slice %arg3[%mul3A_51] : memref<640000xi32, #tpu.memory_space<hbm>> -> memref<128xi32, #tpu.memory_space<hbm>>
        %dma_wait3A_74 = arith.constant 0 : i32
        %dma_wait3A_75 = tpu.memref_slice %arg5[%dma_wait3A_74] : memref<1664xi32, #tpu.memory_space<vmem>> -> memref<128xi32, #tpu.memory_space<vmem>>
        %dma_wait3A_76 = tpu.memref_slice %arg3[%mul3A_51] : memref<640000xi32, #tpu.memory_space<hbm>> -> memref<128xi32, #tpu.memory_space<hbm>>
        tpu.wait_dma2 semaphore(%run_scoped3A : memref<!tpu.dma_semaphore, #tpu.memory_space<semaphore_mem>>) src(%dma_wait3A_76 : memref<128xi32, #tpu.memory_space<hbm>>) dst(%dma_wait3A_75 : memref<128xi32, #tpu.memory_space<vmem>>)
        tpu.yield
      }) : () -> ()
      %mul3A_52 = arith.constant 128 : i32
      %mul3A_53 = arith.muli %add3A_49, %mul3A_52 : i32
      %add3A_54 = arith.constant 320000 : i32
      %add3A_55 = arith.addi %add3A_54, %mul3A_53 : i32
      "tpu.region"() ({
        %run_scoped3A = tpu.sem_alloc : memref<!tpu.dma_semaphore, #tpu.memory_space<semaphore_mem>>
        %dma_start3A_65 = tpu.memref_slice %arg3[%add3A_55] : memref<640000xi32, #tpu.memory_space<hbm>> -> memref<128xi32, #tpu.memory_space<hbm>>
        %dma_start3A_66 = tpu.memref_slice %arg3[%add3A_55] : memref<640000xi32, #tpu.memory_space<hbm>> -> memref<128xi32, #tpu.memory_space<hbm>>
        tpu.enqueue_dma source(%dma_start3A_66 : memref<128xi32, #tpu.memory_space<hbm>>) target(%arg7 : memref<128xi32, #tpu.memory_space<vmem>>) target_semaphore(%run_scoped3A : memref<!tpu.dma_semaphore, #tpu.memory_space<semaphore_mem>>)
        %dma_wait3A_67 = tpu.memref_slice %arg3[%add3A_55] : memref<640000xi32, #tpu.memory_space<hbm>> -> memref<128xi32, #tpu.memory_space<hbm>>
        %dma_wait3A_68 = tpu.memref_slice %arg3[%add3A_55] : memref<640000xi32, #tpu.memory_space<hbm>> -> memref<128xi32, #tpu.memory_space<hbm>>
        tpu.wait_dma2 semaphore(%run_scoped3A : memref<!tpu.dma_semaphore, #tpu.memory_space<semaphore_mem>>) src(%dma_wait3A_68 : memref<128xi32, #tpu.memory_space<hbm>>) dst(%arg7 : memref<128xi32, #tpu.memory_space<vmem>>)
        tpu.yield
      }) : () -> ()
      %dma_start3A_56 = arith.constant 0 : i32
      %dma_start3A_57 = tpu.memref_slice %arg5[%dma_start3A_56] : memref<1664xi32, #tpu.memory_space<vmem>> -> memref<128xi32, #tpu.memory_space<vmem>>
      %dma_start3A_58 = arith.constant 0 : i32
      %dma_start3A_59 = arith.constant 0 : i32
      %dma_start3A_60 = tpu.memref_slice %arg2[%dma_start3A_58, %dma_start3A_59] : memref<10000x128xf32, #tpu.memory_space<hbm>> -> memref<10000x128xf32, #tpu.memory_space<hbm>>
      tpu.enqueue_indirect_dma source(%dma_start3A_60 : memref<10000x128xf32, #tpu.memory_space<hbm>>) target(%arg9 : memref<128x128xf32, #tpu.memory_space<vmem>>) offsets(%dma_start3A_57 : memref<128xi32, #tpu.memory_space<vmem>>) semaphore(%arg13 : memref<!tpu.dma_semaphore, #tpu.memory_space<semaphore_mem>>)
      %dma_wait3A = arith.constant 0 : i32
      %dma_wait3A_61 = tpu.memref_slice %arg5[%dma_wait3A] : memref<1664xi32, #tpu.memory_space<vmem>> -> memref<128xi32, #tpu.memory_space<vmem>>
      %dma_wait3A_62 = arith.constant 0 : i32
      %dma_wait3A_63 = arith.constant 0 : i32
      %dma_wait3A_64 = tpu.memref_slice %arg2[%dma_wait3A_62, %dma_wait3A_63] : memref<10000x128xf32, #tpu.memory_space<hbm>> -> memref<10000x128xf32, #tpu.memory_space<hbm>>
      tpu.wait_indirect_dma semaphore(%arg13 : memref<!tpu.dma_semaphore, #tpu.memory_space<semaphore_mem>>) src(%dma_wait3A_64 : memref<10000x128xf32, #tpu.memory_space<hbm>>) dst(%arg9 : memref<128x128xf32, #tpu.memory_space<vmem>>)
      "tpu.region"() ({
        %run_scoped3A = tpu.sem_alloc : memref<!tpu.dma_semaphore, #tpu.memory_space<semaphore_mem>>
        %dma_start3A_65 = arith.constant 0 : i32
        %dma_start3A_66 = arith.constant 0 : i32
        %dma_start3A_67 = tpu.memref_slice %arg12[%dma_start3A_65, %dma_start3A_66] : memref<10000x128xf32, #tpu.memory_space<vmem_shared>> -> memref<10000x128xf32, #tpu.memory_space<vmem_shared>>
        tpu.enqueue_indirect_dma source(%arg9 : memref<128x128xf32, #tpu.memory_space<vmem>>) target(%dma_start3A_67 : memref<10000x128xf32, #tpu.memory_space<vmem_shared>>) offsets(%arg7 : memref<128xi32, #tpu.memory_space<vmem>>) semaphore(%run_scoped3A : memref<!tpu.dma_semaphore, #tpu.memory_space<semaphore_mem>>) {add = true}
        %dma_wait3A_68 = arith.constant 0 : i32
        %dma_wait3A_69 = arith.constant 0 : i32
        %dma_wait3A_70 = tpu.memref_slice %arg12[%dma_wait3A_68, %dma_wait3A_69] : memref<10000x128xf32, #tpu.memory_space<vmem_shared>> -> memref<10000x128xf32, #tpu.memory_space<vmem_shared>>
        tpu.wait_indirect_dma semaphore(%run_scoped3A : memref<!tpu.dma_semaphore, #tpu.memory_space<semaphore_mem>>) src(%arg9 : memref<128x128xf32, #tpu.memory_space<vmem>>) dst(%dma_wait3A_70 : memref<10000x128xf32, #tpu.memory_space<vmem_shared>>)
        tpu.yield
      }) : () -> ()
    } else {
    }
    %barrier3A_38 = arith.constant 0 : index
    tpu.barrier barrier_id(%barrier3A_38)
    %lt3A_39 = arith.constant 2 : i32
    %lt3A_40 = arith.cmpi slt, %arg1, %lt3A_39 : i32
    %convert_element_type3A_41 = arith.extui %lt3A_40 : i1 to i32
    %cond3A_42 = arith.constant 0 : i32
    %cond3A_43 = arith.cmpi ne, %convert_element_type3A_41, %cond3A_42 : i32
    scf.if %cond3A_43 {
      "tpu.region"() ({
        %run_scoped3A = tpu.sem_alloc : memref<!tpu.dma_semaphore, #tpu.memory_space<semaphore_mem>>
        %dma_start3A_48 = arith.constant 0 : i32
        %dma_start3A_49 = tpu.memref_slice %arg4[%arg0, %mul3A_10, %dma_start3A_48] : memref<2x10000x128xf32, #tpu.memory_space<hbm>> -> memref<1x632x128xf32, #tpu.memory_space<hbm>>
        %dma_start3A_50 = tpu.memref_squeeze %dma_start3A_49 : memref<1x632x128xf32, #tpu.memory_space<hbm>> -> memref<632x128xf32, #tpu.memory_space<hbm>>
        %dma_start3A_51 = arith.constant 0 : i32
        %dma_start3A_52 = tpu.memref_slice %arg12[%mul3A_10, %dma_start3A_51] : memref<10000x128xf32, #tpu.memory_space<vmem_shared>> -> memref<632x128xf32, #tpu.memory_space<vmem_shared>>
        tpu.enqueue_dma source(%dma_start3A_52 : memref<632x128xf32, #tpu.memory_space<vmem_shared>>) target(%dma_start3A_50 : memref<632x128xf32, #tpu.memory_space<hbm>>) target_semaphore(%run_scoped3A : memref<!tpu.dma_semaphore, #tpu.memory_space<semaphore_mem>>)
        %dma_wait3A = arith.constant 0 : i32
        %dma_wait3A_53 = tpu.memref_slice %arg4[%arg0, %mul3A_10, %dma_wait3A] : memref<2x10000x128xf32, #tpu.memory_space<hbm>> -> memref<1x632x128xf32, #tpu.memory_space<hbm>>
        %dma_wait3A_54 = tpu.memref_squeeze %dma_wait3A_53 : memref<1x632x128xf32, #tpu.memory_space<hbm>> -> memref<632x128xf32, #tpu.memory_space<hbm>>
        %dma_wait3A_55 = arith.constant 0 : i32
        %dma_wait3A_56 = tpu.memref_slice %arg12[%mul3A_10, %dma_wait3A_55] : memref<10000x128xf32, #tpu.memory_space<vmem_shared>> -> memref<632x128xf32, #tpu.memory_space<vmem_shared>>
        tpu.wait_dma2 semaphore(%run_scoped3A : memref<!tpu.dma_semaphore, #tpu.memory_space<semaphore_mem>>) src(%dma_wait3A_56 : memref<632x128xf32, #tpu.memory_space<vmem_shared>>) dst(%dma_wait3A_54 : memref<632x128xf32, #tpu.memory_space<hbm>>)
        tpu.yield
      }) : () -> ()
    } else {
    }
    %ge3A = arith.constant 2 : i32
    %ge3A_44 = arith.cmpi sge, %arg1, %ge3A : i32
    %convert_element_type3A_45 = arith.extui %ge3A_44 : i1 to i32
    %cond3A_46 = arith.constant 0 : i32
    %cond3A_47 = arith.cmpi ne, %convert_element_type3A_45, %cond3A_46 : i32
    scf.if %cond3A_47 {
      "tpu.region"() ({
        %run_scoped3A = tpu.sem_alloc : memref<!tpu.dma_semaphore, #tpu.memory_space<semaphore_mem>>
        %dma_start3A_48 = arith.constant 0 : i32
        %dma_start3A_49 = tpu.memref_slice %arg4[%arg0, %mul3A_10, %dma_start3A_48] : memref<2x10000x128xf32, #tpu.memory_space<hbm>> -> memref<1x624x128xf32, #tpu.memory_space<hbm>>
        %dma_start3A_50 = tpu.memref_squeeze %dma_start3A_49 : memref<1x624x128xf32, #tpu.memory_space<hbm>> -> memref<624x128xf32, #tpu.memory_space<hbm>>
        %dma_start3A_51 = arith.constant 0 : i32
        %dma_start3A_52 = tpu.memref_slice %arg12[%mul3A_10, %dma_start3A_51] : memref<10000x128xf32, #tpu.memory_space<vmem_shared>> -> memref<624x128xf32, #tpu.memory_space<vmem_shared>>
        tpu.enqueue_dma source(%dma_start3A_52 : memref<624x128xf32, #tpu.memory_space<vmem_shared>>) target(%dma_start3A_50 : memref<624x128xf32, #tpu.memory_space<hbm>>) target_semaphore(%run_scoped3A : memref<!tpu.dma_semaphore, #tpu.memory_space<semaphore_mem>>)
        %dma_wait3A = arith.constant 0 : i32
        %dma_wait3A_53 = tpu.memref_slice %arg4[%arg0, %mul3A_10, %dma_wait3A] : memref<2x10000x128xf32, #tpu.memory_space<hbm>> -> memref<1x624x128xf32, #tpu.memory_space<hbm>>
        %dma_wait3A_54 = tpu.memref_squeeze %dma_wait3A_53 : memref<1x624x128xf32, #tpu.memory_space<hbm>> -> memref<624x128xf32, #tpu.memory_space<hbm>>
        %dma_wait3A_55 = arith.constant 0 : i32
        %dma_wait3A_56 = tpu.memref_slice %arg12[%mul3A_10, %dma_wait3A_55] : memref<10000x128xf32, #tpu.memory_space<vmem_shared>> -> memref<624x128xf32, #tpu.memory_space<vmem_shared>>
        tpu.wait_dma2 semaphore(%run_scoped3A : memref<!tpu.dma_semaphore, #tpu.memory_space<semaphore_mem>>) src(%dma_wait3A_56 : memref<624x128xf32, #tpu.memory_space<vmem_shared>>) dst(%dma_wait3A_54 : memref<624x128xf32, #tpu.memory_space<hbm>>)
        tpu.yield
      }) : () -> ()
    } else {
    }
    return
  }
}

#map = affine_map<(d0, d1) -> (0, 0)>
#map1 = affine_map<(d0, d1) -> (0)>
#map2 = affine_map<(d0, d1) -> (0, 0, 0)>
module attributes {stable_mosaic.version = 14 : i64} {
  func.func @k(%arg0: i32, %arg1: i32, %arg2: memref<10000x32xf32, #tpu.memory_space<hbm>>, %arg3: memref<640000xi32, #tpu.memory_space<hbm>>, %arg4: memref<2x10000x32xf32, #tpu.memory_space<hbm>>, %arg5: memref<1664xi32, #tpu.memory_space<vmem>>, %arg6: memref<1664xi32, #tpu.memory_space<vmem>>, %arg7: memref<128xi32, #tpu.memory_space<vmem>>, %arg8: memref<128xi32, #tpu.memory_space<vmem>>, %arg9: memref<128x32xf32, #tpu.memory_space<vmem>>, %arg10: memref<128x32xf32, #tpu.memory_space<vmem>>, %arg11: memref<48x32xf32, #tpu.memory_space<vmem>>, %arg12: memref<10000x32xf32, #tpu.memory_space<vmem_shared>>, %arg13: memref<!tpu.dma_semaphore, #tpu.memory_space<semaphore_mem>>, %arg14: memref<!tpu.dma_semaphore, #tpu.memory_space<semaphore_mem>>, %arg15: memref<!tpu.dma_semaphore, #tpu.memory_space<semaphore_mem>>, %arg16: memref<!tpu.dma_semaphore, #tpu.memory_space<semaphore_mem>>, %arg17: memref<!tpu.dma_semaphore, #tpu.memory_space<semaphore_mem>>) attributes {dimension_semantics = [#tpu.dimension_semantics<core_parallel>, #tpu.dimension_semantics<subcore_parallel>], iteration_bounds = array<i64: 2, 16>, scalar_prefetch = 0 : i64, scratch_operands = 13 : i64, tpu.core_type = #tpu.core_type<sc_vector_subcore>, window_params = [{transform_indices = #map}, {transform_indices = #map1}, {transform_indices = #map2}]} {
    %mul3A = arith.constant 16 : i32
    %mul3A_0 = arith.muli %arg0, %mul3A : i32
    %add3A = arith.addi %mul3A_0, %arg1 : i32
    %scan3A = arith.constant 0 : i32
    %scan3A_1 = arith.constant 48 : i32
    %scan3A_2 = arith.addi %scan3A, %scan3A_1 : i32
    %scan3A_3 = arith.constant 1 : i32
    scf.for %scan3A_48 = %scan3A to %scan3A_2 step %scan3A_3  : i32 {
      %mul3A_49 = arith.constant 1 : i32
      %mul3A_50 = arith.muli %scan3A_48, %mul3A_49 : i32
      %add3A_51 = arith.constant 0 : i32
      %add3A_52 = arith.addi %add3A_51, %mul3A_50 : i32
      %broadcast_in_dim3A = arith.constant 0.000000e+00 : f32
      %broadcast_in_dim3A_53 = vector.broadcast %broadcast_in_dim3A : f32 to vector<16xf32>
      %swap3A = arith.index_cast %add3A_52 : i32 to index
      %swap3A_54 = arith.constant 0 : index
      %swap3A_55 = tpu.vector_load %arg11[%swap3A, %swap3A_54] {strides = array<i32>} : memref<48x32xf32, #tpu.memory_space<vmem>>, vector<1x16xf32>,
      %swap3A_56 = vector.shape_cast %swap3A_55 : vector<1x16xf32> to vector<16xf32>
      %swap3A_57 = vector.shape_cast %broadcast_in_dim3A_53 : vector<16xf32> to vector<1x16xf32>
      tpu.vector_store %arg11[%swap3A, %swap3A_54], %swap3A_57 {strides = array<i32>} : memref<48x32xf32, #tpu.memory_space<vmem>>, vector<1x16xf32>,
      %broadcast_in_dim3A_58 = arith.constant 0.000000e+00 : f32
      %broadcast_in_dim3A_59 = vector.broadcast %broadcast_in_dim3A_58 : f32 to vector<16xf32>
      %swap3A_60 = arith.index_cast %add3A_52 : i32 to index
      %swap3A_61 = arith.constant 16 : index
      %swap3A_62 = tpu.vector_load %arg11[%swap3A_60, %swap3A_61] {strides = array<i32>} : memref<48x32xf32, #tpu.memory_space<vmem>>, vector<1x16xf32>,
      %swap3A_63 = vector.shape_cast %swap3A_62 : vector<1x16xf32> to vector<16xf32>
      %swap3A_64 = vector.shape_cast %broadcast_in_dim3A_59 : vector<16xf32> to vector<1x16xf32>
      tpu.vector_store %arg11[%swap3A_60, %swap3A_61], %swap3A_64 {strides = array<i32>} : memref<48x32xf32, #tpu.memory_space<vmem>>, vector<1x16xf32>,
    }
    %scan3A_4 = arith.constant 48 : i32
    %mul3A_5 = arith.constant 78 : i32
    %mul3A_6 = arith.muli %arg1, %mul3A_5 : i32
    %min3A = arith.constant 2 : i32
    %min3A_7 = arith.minsi %arg1, %min3A : i32
    %add3A_8 = arith.addi %mul3A_6, %min3A_7 : i32
    %mul3A_9 = arith.constant 8 : i32
    %mul3A_10 = arith.muli %add3A_8, %mul3A_9 : i32
    %scan3A_11 = arith.constant 0 : i32
    %scan3A_12 = arith.constant 13 : i32
    %scan3A_13 = arith.addi %scan3A_11, %scan3A_12 : i32
    %scan3A_14 = arith.constant 1 : i32
    scf.for %scan3A_48 = %scan3A_11 to %scan3A_13 step %scan3A_14  : i32 {
      %mul3A_49 = arith.constant 1 : i32
      %mul3A_50 = arith.muli %scan3A_48, %mul3A_49 : i32
      %add3A_51 = arith.constant 0 : i32
      %add3A_52 = arith.addi %add3A_51, %mul3A_50 : i32
      %mul3A_53 = arith.constant 48 : i32
      %mul3A_54 = arith.muli %add3A_52, %mul3A_53 : i32
      %add3A_55 = arith.addi %mul3A_10, %mul3A_54 : i32
      "tpu.region"() ({
        %run_scoped3A = tpu.sem_alloc : memref<!tpu.dma_semaphore, #tpu.memory_space<semaphore_mem>>
        %dma_start3A_56 = arith.constant 0 : i32
        %dma_start3A_57 = tpu.memref_slice %arg12[%add3A_55, %dma_start3A_56] : memref<10000x32xf32, #tpu.memory_space<vmem_shared>> -> memref<48x32xf32, #tpu.memory_space<vmem_shared>>
        %dma_start3A_58 = arith.constant 0 : i32
        %dma_start3A_59 = tpu.memref_slice %arg12[%add3A_55, %dma_start3A_58] : memref<10000x32xf32, #tpu.memory_space<vmem_shared>> -> memref<48x32xf32, #tpu.memory_space<vmem_shared>>
        tpu.enqueue_dma source(%arg11 : memref<48x32xf32, #tpu.memory_space<vmem>>) target(%dma_start3A_59 : memref<48x32xf32, #tpu.memory_space<vmem_shared>>) target_semaphore(%run_scoped3A : memref<!tpu.dma_semaphore, #tpu.memory_space<semaphore_mem>>)
        %dma_wait3A = arith.constant 0 : i32
        %dma_wait3A_60 = tpu.memref_slice %arg12[%add3A_55, %dma_wait3A] : memref<10000x32xf32, #tpu.memory_space<vmem_shared>> -> memref<48x32xf32, #tpu.memory_space<vmem_shared>>
        %dma_wait3A_61 = arith.constant 0 : i32
        %dma_wait3A_62 = tpu.memref_slice %arg12[%add3A_55, %dma_wait3A_61] : memref<10000x32xf32, #tpu.memory_space<vmem_shared>> -> memref<48x32xf32, #tpu.memory_space<vmem_shared>>
        tpu.wait_dma2 semaphore(%run_scoped3A : memref<!tpu.dma_semaphore, #tpu.memory_space<semaphore_mem>>) src(%arg11 : memref<48x32xf32, #tpu.memory_space<vmem>>) dst(%dma_wait3A_62 : memref<48x32xf32, #tpu.memory_space<vmem_shared>>)
        tpu.yield
      }) : () -> ()
    }
    %scan3A_15 = arith.constant 13 : i32
    %lt3A = arith.constant 2 : i32
    %lt3A_16 = arith.cmpi slt, %arg1, %lt3A : i32
    %convert_element_type3A = arith.extui %lt3A_16 : i1 to i32
    %cond3A = arith.constant 0 : i32
    %cond3A_17 = arith.cmpi ne, %convert_element_type3A, %cond3A : i32
    scf.if %cond3A_17 {
      %add3A_48 = arith.constant 624 : i32
      %add3A_49 = arith.addi %mul3A_10, %add3A_48 : i32
      "tpu.region"() ({
        %run_scoped3A = tpu.sem_alloc : memref<!tpu.dma_semaphore, #tpu.memory_space<semaphore_mem>>
        %dma_start3A_50 = arith.constant 0 : i32
        %dma_start3A_51 = arith.constant 0 : i32
        %dma_start3A_52 = tpu.memref_slice %arg11[%dma_start3A_50, %dma_start3A_51] : memref<48x32xf32, #tpu.memory_space<vmem>> -> memref<8x32xf32, #tpu.memory_space<vmem>>
        %dma_start3A_53 = arith.constant 0 : i32
        %dma_start3A_54 = tpu.memref_slice %arg12[%add3A_49, %dma_start3A_53] : memref<10000x32xf32, #tpu.memory_space<vmem_shared>> -> memref<8x32xf32, #tpu.memory_space<vmem_shared>>
        %dma_start3A_55 = arith.constant 0 : i32
        %dma_start3A_56 = tpu.memref_slice %arg12[%add3A_49, %dma_start3A_55] : memref<10000x32xf32, #tpu.memory_space<vmem_shared>> -> memref<8x32xf32, #tpu.memory_space<vmem_shared>>
        %dma_start3A_57 = arith.constant 0 : i32
        %dma_start3A_58 = arith.constant 0 : i32
        %dma_start3A_59 = tpu.memref_slice %arg11[%dma_start3A_57, %dma_start3A_58] : memref<48x32xf32, #tpu.memory_space<vmem>> -> memref<8x32xf32, #tpu.memory_space<vmem>>
        tpu.enqueue_dma source(%dma_start3A_59 : memref<8x32xf32, #tpu.memory_space<vmem>>) target(%dma_start3A_56 : memref<8x32xf32, #tpu.memory_space<vmem_shared>>) target_semaphore(%run_scoped3A : memref<!tpu.dma_semaphore, #tpu.memory_space<semaphore_mem>>)
        %dma_wait3A = arith.constant 0 : i32
        %dma_wait3A_60 = arith.constant 0 : i32
        %dma_wait3A_61 = tpu.memref_slice %arg11[%dma_wait3A, %dma_wait3A_60] : memref<48x32xf32, #tpu.memory_space<vmem>> -> memref<8x32xf32, #tpu.memory_space<vmem>>
        %dma_wait3A_62 = arith.constant 0 : i32
        %dma_wait3A_63 = tpu.memref_slice %arg12[%add3A_49, %dma_wait3A_62] : memref<10000x32xf32, #tpu.memory_space<vmem_shared>> -> memref<8x32xf32, #tpu.memory_space<vmem_shared>>
        %dma_wait3A_64 = arith.constant 0 : i32
        %dma_wait3A_65 = tpu.memref_slice %arg12[%add3A_49, %dma_wait3A_64] : memref<10000x32xf32, #tpu.memory_space<vmem_shared>> -> memref<8x32xf32, #tpu.memory_space<vmem_shared>>
        %dma_wait3A_66 = arith.constant 0 : i32
        %dma_wait3A_67 = arith.constant 0 : i32
        %dma_wait3A_68 = tpu.memref_slice %arg11[%dma_wait3A_66, %dma_wait3A_67] : memref<48x32xf32, #tpu.memory_space<vmem>> -> memref<8x32xf32, #tpu.memory_space<vmem>>
        tpu.wait_dma2 semaphore(%run_scoped3A : memref<!tpu.dma_semaphore, #tpu.memory_space<semaphore_mem>>) src(%dma_wait3A_68 : memref<8x32xf32, #tpu.memory_space<vmem>>) dst(%dma_wait3A_65 : memref<8x32xf32, #tpu.memory_space<vmem_shared>>)
        tpu.yield
      }) : () -> ()
    } else {
    }
    %barrier3A = arith.constant 0 : index
    tpu.barrier barrier_id(%barrier3A)
    %mul3A_18 = arith.constant 78 : i32
    %mul3A_19 = arith.muli %mul3A_18, %add3A : i32
    %min3A_20 = arith.constant 4 : i32
    %min3A_21 = arith.minsi %add3A, %min3A_20 : i32
    %add3A_22 = arith.addi %mul3A_19, %min3A_21 : i32
    %add3A_23 = arith.constant 0 : i32
    %add3A_24 = arith.addi %add3A_22, %add3A_23 : i32
    %mul3A_25 = arith.constant 128 : i32
    %mul3A_26 = arith.muli %add3A_24, %mul3A_25 : i32
    %dma_start3A = tpu.memref_slice %arg3[%mul3A_26] : memref<640000xi32, #tpu.memory_space<hbm>> -> memref<1664xi32, #tpu.memory_space<hbm>>
    %dma_start3A_27 = tpu.memref_slice %arg3[%mul3A_26] : memref<640000xi32, #tpu.memory_space<hbm>> -> memref<1664xi32, #tpu.memory_space<hbm>>
    tpu.enqueue_dma source(%dma_start3A_27 : memref<1664xi32, #tpu.memory_space<hbm>>) target(%arg5 : memref<1664xi32, #tpu.memory_space<vmem>>) target_semaphore(%arg15 : memref<!tpu.dma_semaphore, #tpu.memory_space<semaphore_mem>>)
    %scan3A_28 = arith.constant 0 : i32
    %scan3A_29 = arith.constant 3 : i32
    %scan3A_30 = arith.addi %scan3A_28, %scan3A_29 : i32
    %scan3A_31 = arith.constant 1 : i32
    scf.for %scan3A_48 = %scan3A_28 to %scan3A_30 step %scan3A_31  : i32 {
      %mul3A_49 = arith.constant 1 : i32
      %mul3A_50 = arith.muli %scan3A_48, %mul3A_49 : i32
      %add3A_51 = arith.constant 0 : i32
      %add3A_52 = arith.addi %add3A_51, %mul3A_50 : i32
      %mul3A_53 = arith.constant 2 : i32
      %mul3A_54 = arith.muli %mul3A_53, %add3A_52 : i32
      %mul3A_55 = arith.constant 13 : i32
      %mul3A_56 = arith.muli %mul3A_54, %mul3A_55 : i32
      %add3A_57 = arith.addi %add3A_22, %mul3A_56 : i32
      %mul3A_58 = arith.constant 13 : i32
      %mul3A_59 = arith.muli %mul3A_54, %mul3A_58 : i32
      %add3A_60 = arith.addi %add3A_22, %mul3A_59 : i32
      %mul3A_61 = arith.constant 128 : i32
      %mul3A_62 = arith.muli %add3A_60, %mul3A_61 : i32
      %dma_wait3A = tpu.memref_slice %arg3[%mul3A_62] : memref<640000xi32, #tpu.memory_space<hbm>> -> memref<1664xi32, #tpu.memory_space<hbm>>
      %dma_wait3A_63 = tpu.memref_slice %arg3[%mul3A_62] : memref<640000xi32, #tpu.memory_space<hbm>> -> memref<1664xi32, #tpu.memory_space<hbm>>
      tpu.wait_dma2 semaphore(%arg15 : memref<!tpu.dma_semaphore, #tpu.memory_space<semaphore_mem>>) src(%dma_wait3A_63 : memref<1664xi32, #tpu.memory_space<hbm>>) dst(%arg5 : memref<1664xi32, #tpu.memory_space<vmem>>)
      %mul3A_64 = arith.constant 128 : i32
      %mul3A_65 = arith.muli %add3A_57, %mul3A_64 : i32
      %add3A_66 = arith.constant 320000 : i32
      %add3A_67 = arith.addi %add3A_66, %mul3A_65 : i32
      %dma_start3A_68 = tpu.memref_slice %arg3[%add3A_67] : memref<640000xi32, #tpu.memory_space<hbm>> -> memref<128xi32, #tpu.memory_space<hbm>>
      %dma_start3A_69 = tpu.memref_slice %arg3[%add3A_67] : memref<640000xi32, #tpu.memory_space<hbm>> -> memref<128xi32, #tpu.memory_space<hbm>>
      tpu.enqueue_dma source(%dma_start3A_69 : memref<128xi32, #tpu.memory_space<hbm>>) target(%arg7 : memref<128xi32, #tpu.memory_space<vmem>>) target_semaphore(%arg16 : memref<!tpu.dma_semaphore, #tpu.memory_space<semaphore_mem>>)
      %dma_start3A_70 = arith.constant 0 : i32
      %dma_start3A_71 = tpu.memref_slice %arg5[%dma_start3A_70] : memref<1664xi32, #tpu.memory_space<vmem>> -> memref<128xi32, #tpu.memory_space<vmem>>
      %dma_start3A_72 = arith.constant 0 : i32
      %dma_start3A_73 = arith.constant 0 : i32
      %dma_start3A_74 = tpu.memref_slice %arg2[%dma_start3A_72, %dma_start3A_73] : memref<10000x32xf32, #tpu.memory_space<hbm>> -> memref<10000x32xf32, #tpu.memory_space<hbm>>
      tpu.enqueue_indirect_dma source(%dma_start3A_74 : memref<10000x32xf32, #tpu.memory_space<hbm>>) target(%arg9 : memref<128x32xf32, #tpu.memory_space<vmem>>) offsets(%dma_start3A_71 : memref<128xi32, #tpu.memory_space<vmem>>) semaphore(%arg13 : memref<!tpu.dma_semaphore, #tpu.memory_space<semaphore_mem>>)
      %add3A_75 = arith.constant 1 : i32
      %add3A_76 = arith.addi %add3A_57, %add3A_75 : i32
      %mul3A_77 = arith.constant 128 : i32
      %mul3A_78 = arith.muli %add3A_76, %mul3A_77 : i32
      %add3A_79 = arith.constant 320000 : i32
      %add3A_80 = arith.addi %add3A_79, %mul3A_78 : i32
      %dma_start3A_81 = tpu.memref_slice %arg3[%add3A_80] : memref<640000xi32, #tpu.memory_space<hbm>> -> memref<128xi32, #tpu.memory_space<hbm>>
      %dma_start3A_82 = tpu.memref_slice %arg3[%add3A_80] : memref<640000xi32, #tpu.memory_space<hbm>> -> memref<128xi32, #tpu.memory_space<hbm>>
      tpu.enqueue_dma source(%dma_start3A_82 : memref<128xi32, #tpu.memory_space<hbm>>) target(%arg8 : memref<128xi32, #tpu.memory_space<vmem>>) target_semaphore(%arg17 : memref<!tpu.dma_semaphore, #tpu.memory_space<semaphore_mem>>)
      %dma_start3A_83 = arith.constant 128 : i32
      %dma_start3A_84 = tpu.memref_slice %arg5[%dma_start3A_83] : memref<1664xi32, #tpu.memory_space<vmem>> -> memref<128xi32, #tpu.memory_space<vmem>>
      %dma_start3A_85 = arith.constant 0 : i32
      %dma_start3A_86 = arith.constant 0 : i32
      %dma_start3A_87 = tpu.memref_slice %arg2[%dma_start3A_85, %dma_start3A_86] : memref<10000x32xf32, #tpu.memory_space<hbm>> -> memref<10000x32xf32, #tpu.memory_space<hbm>>
      tpu.enqueue_indirect_dma source(%dma_start3A_87 : memref<10000x32xf32, #tpu.memory_space<hbm>>) target(%arg10 : memref<128x32xf32, #tpu.memory_space<vmem>>) offsets(%dma_start3A_84 : memref<128xi32, #tpu.memory_space<vmem>>) semaphore(%arg14 : memref<!tpu.dma_semaphore, #tpu.memory_space<semaphore_mem>>)
      %add3A_88 = arith.constant 1 : i32
      %add3A_89 = arith.addi %mul3A_54, %add3A_88 : i32
      %lt3A_90 = arith.constant 6 : i32
      %lt3A_91 = arith.cmpi slt, %add3A_89, %lt3A_90 : i32
      %convert_element_type3A_92 = arith.extui %lt3A_91 : i1 to i32
      %cond3A_93 = arith.constant 0 : i32
      %cond3A_94 = arith.cmpi ne, %convert_element_type3A_92, %cond3A_93 : i32
      scf.if %cond3A_94 {
        %add3A_808 = arith.constant 1 : i32
        %add3A_809 = arith.addi %mul3A_54, %add3A_808 : i32
        %mul3A_810 = arith.constant 13 : i32
        %mul3A_811 = arith.muli %add3A_809, %mul3A_810 : i32
        %add3A_812 = arith.addi %add3A_22, %mul3A_811 : i32
        %mul3A_813 = arith.constant 128 : i32
        %mul3A_814 = arith.muli %add3A_812, %mul3A_813 : i32
        %dma_start3A_815 = tpu.memref_slice %arg3[%mul3A_814] : memref<640000xi32, #tpu.memory_space<hbm>> -> memref<1664xi32, #tpu.memory_space<hbm>>
        %dma_start3A_816 = tpu.memref_slice %arg3[%mul3A_814] : memref<640000xi32, #tpu.memory_space<hbm>> -> memref<1664xi32, #tpu.memory_space<hbm>>
        tpu.enqueue_dma source(%dma_start3A_816 : memref<1664xi32, #tpu.memory_space<hbm>>) target(%arg6 : memref<1664xi32, #tpu.memory_space<vmem>>) target_semaphore(%arg15 : memref<!tpu.dma_semaphore, #tpu.memory_space<semaphore_mem>>)
      } else {
      }
      %dma_wait3A_95 = arith.constant 0 : i32
      %dma_wait3A_96 = tpu.memref_slice %arg5[%dma_wait3A_95] : memref<1664xi32, #tpu.memory_space<vmem>> -> memref<128xi32, #tpu.memory_space<vmem>>
      %dma_wait3A_97 = arith.constant 0 : i32
      %dma_wait3A_98 = arith.constant 0 : i32
      %dma_wait3A_99 = tpu.memref_slice %arg2[%dma_wait3A_97, %dma_wait3A_98] : memref<10000x32xf32, #tpu.memory_space<hbm>> -> memref<10000x32xf32, #tpu.memory_space<hbm>>
      tpu.wait_indirect_dma semaphore(%arg13 : memref<!tpu.dma_semaphore, #tpu.memory_space<semaphore_mem>>) src(%dma_wait3A_99 : memref<10000x32xf32, #tpu.memory_space<hbm>>) dst(%arg9 : memref<128x32xf32, #tpu.memory_space<vmem>>)
      %add3A_100 = arith.constant 0 : i32
      %add3A_101 = arith.addi %add3A_57, %add3A_100 : i32
      %mul3A_102 = arith.constant 128 : i32
      %mul3A_103 = arith.muli %add3A_101, %mul3A_102 : i32
      %add3A_104 = arith.constant 320000 : i32
      %add3A_105 = arith.addi %add3A_104, %mul3A_103 : i32
      %dma_wait3A_106 = tpu.memref_slice %arg3[%add3A_105] : memref<640000xi32, #tpu.memory_space<hbm>> -> memref<128xi32, #tpu.memory_space<hbm>>
      %dma_wait3A_107 = tpu.memref_slice %arg3[%add3A_105] : memref<640000xi32, #tpu.memory_space<hbm>> -> memref<128xi32, #tpu.memory_space<hbm>>
      tpu.wait_dma2 semaphore(%arg16 : memref<!tpu.dma_semaphore, #tpu.memory_space<semaphore_mem>>) src(%dma_wait3A_107 : memref<128xi32, #tpu.memory_space<hbm>>) dst(%arg7 : memref<128xi32, #tpu.memory_space<vmem>>)
      "tpu.region"() ({
        %run_scoped3A = tpu.sem_alloc : memref<!tpu.dma_semaphore, #tpu.memory_space<semaphore_mem>>
        %dma_start3A_808 = arith.constant 0 : i32
        %dma_start3A_809 = arith.constant 0 : i32
        %dma_start3A_810 = tpu.memref_slice %arg12[%dma_start3A_808, %dma_start3A_809] : memref<10000x32xf32, #tpu.memory_space<vmem_shared>> -> memref<10000x32xf32, #tpu.memory_space<vmem_shared>>
        tpu.enqueue_indirect_dma source(%arg9 : memref<128x32xf32, #tpu.memory_space<vmem>>) target(%dma_start3A_810 : memref<10000x32xf32, #tpu.memory_space<vmem_shared>>) offsets(%arg7 : memref<128xi32, #tpu.memory_space<vmem>>) semaphore(%run_scoped3A : memref<!tpu.dma_semaphore, #tpu.memory_space<semaphore_mem>>) {add = true}
        %dma_wait3A_811 = arith.constant 0 : i32
        %dma_wait3A_812 = arith.constant 0 : i32
        %dma_wait3A_813 = tpu.memref_slice %arg12[%dma_wait3A_811, %dma_wait3A_812] : memref<10000x32xf32, #tpu.memory_space<vmem_shared>> -> memref<10000x32xf32, #tpu.memory_space<vmem_shared>>
        tpu.wait_indirect_dma semaphore(%run_scoped3A : memref<!tpu.dma_semaphore, #tpu.memory_space<semaphore_mem>>) src(%arg9 : memref<128x32xf32, #tpu.memory_space<vmem>>) dst(%dma_wait3A_813 : memref<10000x32xf32, #tpu.memory_space<vmem_shared>>)
        tpu.yield
      }) : () -> ()
      %add3A_108 = arith.constant 0 : i32
      %add3A_109 = arith.addi %add3A_57, %add3A_108 : i32
      %add3A_110 = arith.constant 2 : i32
      %add3A_111 = arith.addi %add3A_109, %add3A_110 : i32
      %mul3A_112 = arith.constant 128 : i32
      %mul3A_113 = arith.muli %add3A_111, %mul3A_112 : i32
      %add3A_114 = arith.constant 320000 : i32
      %add3A_115 = arith.addi %add3A_114, %mul3A_113 : i32
      %dma_start3A_116 = tpu.memref_slice %arg3[%add3A_115] : memref<640000xi32, #tpu.memory_space<hbm>> -> memref<128xi32, #tpu.memory_space<hbm>>
      %dma_start3A_117 = tpu.memref_slice %arg3[%add3A_115] : memref<640000xi32, #tpu.memory_space<hbm>> -> memref<128xi32, #tpu.memory_space<hbm>>
      tpu.enqueue_dma source(%dma_start3A_117 : memref<128xi32, #tpu.memory_space<hbm>>) target(%arg7 : memref<128xi32, #tpu.memory_space<vmem>>) target_semaphore(%arg16 : memref<!tpu.dma_semaphore, #tpu.memory_space<semaphore_mem>>)
      %dma_start3A_118 = arith.constant 256 : i32
      %dma_start3A_119 = tpu.memref_slice %arg5[%dma_start3A_118] : memref<1664xi32, #tpu.memory_space<vmem>> -> memref<128xi32, #tpu.memory_space<vmem>>
      %dma_start3A_120 = arith.constant 0 : i32
      %dma_start3A_121 = arith.constant 0 : i32
      %dma_start3A_122 = tpu.memref_slice %arg2[%dma_start3A_120, %dma_start3A_121] : memref<10000x32xf32, #tpu.memory_space<hbm>> -> memref<10000x32xf32, #tpu.memory_space<hbm>>
      tpu.enqueue_indirect_dma source(%dma_start3A_122 : memref<10000x32xf32, #tpu.memory_space<hbm>>) target(%arg9 : memref<128x32xf32, #tpu.memory_space<vmem>>) offsets(%dma_start3A_119 : memref<128xi32, #tpu.memory_space<vmem>>) semaphore(%arg13 : memref<!tpu.dma_semaphore, #tpu.memory_space<semaphore_mem>>)
      %dma_wait3A_123 = arith.constant 128 : i32
      %dma_wait3A_124 = tpu.memref_slice %arg5[%dma_wait3A_123] : memref<1664xi32, #tpu.memory_space<vmem>> -> memref<128xi32, #tpu.memory_space<vmem>>
      %dma_wait3A_125 = arith.constant 0 : i32
      %dma_wait3A_126 = arith.constant 0 : i32
      %dma_wait3A_127 = tpu.memref_slice %arg2[%dma_wait3A_125, %dma_wait3A_126] : memref<10000x32xf32, #tpu.memory_space<hbm>> -> memref<10000x32xf32, #tpu.memory_space<hbm>>
      tpu.wait_indirect_dma semaphore(%arg14 : memref<!tpu.dma_semaphore, #tpu.memory_space<semaphore_mem>>) src(%dma_wait3A_127 : memref<10000x32xf32, #tpu.memory_space<hbm>>) dst(%arg10 : memref<128x32xf32, #tpu.memory_space<vmem>>)
      %add3A_128 = arith.constant 1 : i32
      %add3A_129 = arith.addi %add3A_57, %add3A_128 : i32
      %mul3A_130 = arith.constant 128 : i32
      %mul3A_131 = arith.muli %add3A_129, %mul3A_130 : i32
      %add3A_132 = arith.constant 320000 : i32
      %add3A_133 = arith.addi %add3A_132, %mul3A_131 : i32
      %dma_wait3A_134 = tpu.memref_slice %arg3[%add3A_133] : memref<640000xi32, #tpu.memory_space<hbm>> -> memref<128xi32, #tpu.memory_space<hbm>>
      %dma_wait3A_135 = tpu.memref_slice %arg3[%add3A_133] : memref<640000xi32, #tpu.memory_space<hbm>> -> memref<128xi32, #tpu.memory_space<hbm>>
      tpu.wait_dma2 semaphore(%arg17 : memref<!tpu.dma_semaphore, #tpu.memory_space<semaphore_mem>>) src(%dma_wait3A_135 : memref<128xi32, #tpu.memory_space<hbm>>) dst(%arg8 : memref<128xi32, #tpu.memory_space<vmem>>)
      "tpu.region"() ({
        %run_scoped3A = tpu.sem_alloc : memref<!tpu.dma_semaphore, #tpu.memory_space<semaphore_mem>>
        %dma_start3A_808 = arith.constant 0 : i32
        %dma_start3A_809 = arith.constant 0 : i32
        %dma_start3A_810 = tpu.memref_slice %arg12[%dma_start3A_808, %dma_start3A_809] : memref<10000x32xf32, #tpu.memory_space<vmem_shared>> -> memref<10000x32xf32, #tpu.memory_space<vmem_shared>>
        tpu.enqueue_indirect_dma source(%arg10 : memref<128x32xf32, #tpu.memory_space<vmem>>) target(%dma_start3A_810 : memref<10000x32xf32, #tpu.memory_space<vmem_shared>>) offsets(%arg8 : memref<128xi32, #tpu.memory_space<vmem>>) semaphore(%run_scoped3A : memref<!tpu.dma_semaphore, #tpu.memory_space<semaphore_mem>>) {add = true}
        %dma_wait3A_811 = arith.constant 0 : i32
        %dma_wait3A_812 = arith.constant 0 : i32
        %dma_wait3A_813 = tpu.memref_slice %arg12[%dma_wait3A_811, %dma_wait3A_812] : memref<10000x32xf32, #tpu.memory_space<vmem_shared>> -> memref<10000x32xf32, #tpu.memory_space<vmem_shared>>
        tpu.wait_indirect_dma semaphore(%run_scoped3A : memref<!tpu.dma_semaphore, #tpu.memory_space<semaphore_mem>>) src(%arg10 : memref<128x32xf32, #tpu.memory_space<vmem>>) dst(%dma_wait3A_813 : memref<10000x32xf32, #tpu.memory_space<vmem_shared>>)
        tpu.yield
      }) : () -> ()
      %add3A_136 = arith.constant 1 : i32
      %add3A_137 = arith.addi %add3A_57, %add3A_136 : i32
      %add3A_138 = arith.constant 2 : i32
      %add3A_139 = arith.addi %add3A_137, %add3A_138 : i32
      %mul3A_140 = arith.constant 128 : i32
      %mul3A_141 = arith.muli %add3A_139, %mul3A_140 : i32
      %add3A_142 = arith.constant 320000 : i32
      %add3A_143 = arith.addi %add3A_142, %mul3A_141 : i32
      %dma_start3A_144 = tpu.memref_slice %arg3[%add3A_143] : memref<640000xi32, #tpu.memory_space<hbm>> -> memref<128xi32, #tpu.memory_space<hbm>>
      %dma_start3A_145 = tpu.memref_slice %arg3[%add3A_143] : memref<640000xi32, #tpu.memory_space<hbm>> -> memref<128xi32, #tpu.memory_space<hbm>>
      tpu.enqueue_dma source(%dma_start3A_145 : memref<128xi32, #tpu.memory_space<hbm>>) target(%arg8 : memref<128xi32, #tpu.memory_space<vmem>>) target_semaphore(%arg17 : memref<!tpu.dma_semaphore, #tpu.memory_space<semaphore_mem>>)
      %dma_start3A_146 = arith.constant 384 : i32
      %dma_start3A_147 = tpu.memref_slice %arg5[%dma_start3A_146] : memref<1664xi32, #tpu.memory_space<vmem>> -> memref<128xi32, #tpu.memory_space<vmem>>
      %dma_start3A_148 = arith.constant 0 : i32
      %dma_start3A_149 = arith.constant 0 : i32
      %dma_start3A_150 = tpu.memref_slice %arg2[%dma_start3A_148, %dma_start3A_149] : memref<10000x32xf32, #tpu.memory_space<hbm>> -> memref<10000x32xf32, #tpu.memory_space<hbm>>
      tpu.enqueue_indirect_dma source(%dma_start3A_150 : memref<10000x32xf32, #tpu.memory_space<hbm>>) target(%arg10 : memref<128x32xf32, #tpu.memory_space<vmem>>) offsets(%dma_start3A_147 : memref<128xi32, #tpu.memory_space<vmem>>) semaphore(%arg14 : memref<!tpu.dma_semaphore, #tpu.memory_space<semaphore_mem>>)
      %dma_wait3A_151 = arith.constant 256 : i32
      %dma_wait3A_152 = tpu.memref_slice %arg5[%dma_wait3A_151] : memref<1664xi32, #tpu.memory_space<vmem>> -> memref<128xi32, #tpu.memory_space<vmem>>
      %dma_wait3A_153 = arith.constant 0 : i32
      %dma_wait3A_154 = arith.constant 0 : i32
      %dma_wait3A_155 = tpu.memref_slice %arg2[%dma_wait3A_153, %dma_wait3A_154] : memref<10000x32xf32, #tpu.memory_space<hbm>> -> memref<10000x32xf32, #tpu.memory_space<hbm>>
      tpu.wait_indirect_dma semaphore(%arg13 : memref<!tpu.dma_semaphore, #tpu.memory_space<semaphore_mem>>) src(%dma_wait3A_155 : memref<10000x32xf32, #tpu.memory_space<hbm>>) dst(%arg9 : memref<128x32xf32, #tpu.memory_space<vmem>>)
      %add3A_156 = arith.constant 2 : i32
      %add3A_157 = arith.addi %add3A_57, %add3A_156 : i32
      %mul3A_158 = arith.constant 128 : i32
      %mul3A_159 = arith.muli %add3A_157, %mul3A_158 : i32
      %add3A_160 = arith.constant 320000 : i32
      %add3A_161 = arith.addi %add3A_160, %mul3A_159 : i32
      %dma_wait3A_162 = tpu.memref_slice %arg3[%add3A_161] : memref<640000xi32, #tpu.memory_space<hbm>> -> memref<128xi32, #tpu.memory_space<hbm>>
      %dma_wait3A_163 = tpu.memref_slice %arg3[%add3A_161] : memref<640000xi32, #tpu.memory_space<hbm>> -> memref<128xi32, #tpu.memory_space<hbm>>
      tpu.wait_dma2 semaphore(%arg16 : memref<!tpu.dma_semaphore, #tpu.memory_space<semaphore_mem>>) src(%dma_wait3A_163 : memref<128xi32, #tpu.memory_space<hbm>>) dst(%arg7 : memref<128xi32, #tpu.memory_space<vmem>>)
      "tpu.region"() ({
        %run_scoped3A = tpu.sem_alloc : memref<!tpu.dma_semaphore, #tpu.memory_space<semaphore_mem>>
        %dma_start3A_808 = arith.constant 0 : i32
        %dma_start3A_809 = arith.constant 0 : i32
        %dma_start3A_810 = tpu.memref_slice %arg12[%dma_start3A_808, %dma_start3A_809] : memref<10000x32xf32, #tpu.memory_space<vmem_shared>> -> memref<10000x32xf32, #tpu.memory_space<vmem_shared>>
        tpu.enqueue_indirect_dma source(%arg9 : memref<128x32xf32, #tpu.memory_space<vmem>>) target(%dma_start3A_810 : memref<10000x32xf32, #tpu.memory_space<vmem_shared>>) offsets(%arg7 : memref<128xi32, #tpu.memory_space<vmem>>) semaphore(%run_scoped3A : memref<!tpu.dma_semaphore, #tpu.memory_space<semaphore_mem>>) {add = true}
        %dma_wait3A_811 = arith.constant 0 : i32
        %dma_wait3A_812 = arith.constant 0 : i32
        %dma_wait3A_813 = tpu.memref_slice %arg12[%dma_wait3A_811, %dma_wait3A_812] : memref<10000x32xf32, #tpu.memory_space<vmem_shared>> -> memref<10000x32xf32, #tpu.memory_space<vmem_shared>>
        tpu.wait_indirect_dma semaphore(%run_scoped3A : memref<!tpu.dma_semaphore, #tpu.memory_space<semaphore_mem>>) src(%arg9 : memref<128x32xf32, #tpu.memory_space<vmem>>) dst(%dma_wait3A_813 : memref<10000x32xf32, #tpu.memory_space<vmem_shared>>)
        tpu.yield
      }) : () -> ()
      %add3A_164 = arith.constant 2 : i32
      %add3A_165 = arith.addi %add3A_57, %add3A_164 : i32
      %add3A_166 = arith.constant 2 : i32
      %add3A_167 = arith.addi %add3A_165, %add3A_166 : i32
      %mul3A_168 = arith.constant 128 : i32
      %mul3A_169 = arith.muli %add3A_167, %mul3A_168 : i32
      %add3A_170 = arith.constant 320000 : i32
      %add3A_171 = arith.addi %add3A_170, %mul3A_169 : i32
      %dma_start3A_172 = tpu.memref_slice %arg3[%add3A_171] : memref<640000xi32, #tpu.memory_space<hbm>> -> memref<128xi32, #tpu.memory_space<hbm>>
      %dma_start3A_173 = tpu.memref_slice %arg3[%add3A_171] : memref<640000xi32, #tpu.memory_space<hbm>> -> memref<128xi32, #tpu.memory_space<hbm>>
      tpu.enqueue_dma source(%dma_start3A_173 : memref<128xi32, #tpu.memory_space<hbm>>) target(%arg7 : memref<128xi32, #tpu.memory_space<vmem>>) target_semaphore(%arg16 : memref<!tpu.dma_semaphore, #tpu.memory_space<semaphore_mem>>)
      %dma_start3A_174 = arith.constant 512 : i32
      %dma_start3A_175 = tpu.memref_slice %arg5[%dma_start3A_174] : memref<1664xi32, #tpu.memory_space<vmem>> -> memref<128xi32, #tpu.memory_space<vmem>>
      %dma_start3A_176 = arith.constant 0 : i32
      %dma_start3A_177 = arith.constant 0 : i32
      %dma_start3A_178 = tpu.memref_slice %arg2[%dma_start3A_176, %dma_start3A_177] : memref<10000x32xf32, #tpu.memory_space<hbm>> -> memref<10000x32xf32, #tpu.memory_space<hbm>>
      tpu.enqueue_indirect_dma source(%dma_start3A_178 : memref<10000x32xf32, #tpu.memory_space<hbm>>) target(%arg9 : memref<128x32xf32, #tpu.memory_space<vmem>>) offsets(%dma_start3A_175 : memref<128xi32, #tpu.memory_space<vmem>>) semaphore(%arg13 : memref<!tpu.dma_semaphore, #tpu.memory_space<semaphore_mem>>)
      %dma_wait3A_179 = arith.constant 384 : i32
      %dma_wait3A_180 = tpu.memref_slice %arg5[%dma_wait3A_179] : memref<1664xi32, #tpu.memory_space<vmem>> -> memref<128xi32, #tpu.memory_space<vmem>>
      %dma_wait3A_181 = arith.constant 0 : i32
      %dma_wait3A_182 = arith.constant 0 : i32
      %dma_wait3A_183 = tpu.memref_slice %arg2[%dma_wait3A_181, %dma_wait3A_182] : memref<10000x32xf32, #tpu.memory_space<hbm>> -> memref<10000x32xf32, #tpu.memory_space<hbm>>
      tpu.wait_indirect_dma semaphore(%arg14 : memref<!tpu.dma_semaphore, #tpu.memory_space<semaphore_mem>>) src(%dma_wait3A_183 : memref<10000x32xf32, #tpu.memory_space<hbm>>) dst(%arg10 : memref<128x32xf32, #tpu.memory_space<vmem>>)
      %add3A_184 = arith.constant 3 : i32
      %add3A_185 = arith.addi %add3A_57, %add3A_184 : i32
      %mul3A_186 = arith.constant 128 : i32
      %mul3A_187 = arith.muli %add3A_185, %mul3A_186 : i32
      %add3A_188 = arith.constant 320000 : i32
      %add3A_189 = arith.addi %add3A_188, %mul3A_187 : i32
      %dma_wait3A_190 = tpu.memref_slice %arg3[%add3A_189] : memref<640000xi32, #tpu.memory_space<hbm>> -> memref<128xi32, #tpu.memory_space<hbm>>
      %dma_wait3A_191 = tpu.memref_slice %arg3[%add3A_189] : memref<640000xi32, #tpu.memory_space<hbm>> -> memref<128xi32, #tpu.memory_space<hbm>>
      tpu.wait_dma2 semaphore(%arg17 : memref<!tpu.dma_semaphore, #tpu.memory_space<semaphore_mem>>) src(%dma_wait3A_191 : memref<128xi32, #tpu.memory_space<hbm>>) dst(%arg8 : memref<128xi32, #tpu.memory_space<vmem>>)
      "tpu.region"() ({
        %run_scoped3A = tpu.sem_alloc : memref<!tpu.dma_semaphore, #tpu.memory_space<semaphore_mem>>
        %dma_start3A_808 = arith.constant 0 : i32
        %dma_start3A_809 = arith.constant 0 : i32
        %dma_start3A_810 = tpu.memref_slice %arg12[%dma_start3A_808, %dma_start3A_809] : memref<10000x32xf32, #tpu.memory_space<vmem_shared>> -> memref<10000x32xf32, #tpu.memory_space<vmem_shared>>
        tpu.enqueue_indirect_dma source(%arg10 : memref<128x32xf32, #tpu.memory_space<vmem>>) target(%dma_start3A_810 : memref<10000x32xf32, #tpu.memory_space<vmem_shared>>) offsets(%arg8 : memref<128xi32, #tpu.memory_space<vmem>>) semaphore(%run_scoped3A : memref<!tpu.dma_semaphore, #tpu.memory_space<semaphore_mem>>) {add = true}
        %dma_wait3A_811 = arith.constant 0 : i32
        %dma_wait3A_812 = arith.constant 0 : i32
        %dma_wait3A_813 = tpu.memref_slice %arg12[%dma_wait3A_811, %dma_wait3A_812] : memref<10000x32xf32, #tpu.memory_space<vmem_shared>> -> memref<10000x32xf32, #tpu.memory_space<vmem_shared>>
        tpu.wait_indirect_dma semaphore(%run_scoped3A : memref<!tpu.dma_semaphore, #tpu.memory_space<semaphore_mem>>) src(%arg10 : memref<128x32xf32, #tpu.memory_space<vmem>>) dst(%dma_wait3A_813 : memref<10000x32xf32, #tpu.memory_space<vmem_shared>>)
        tpu.yield
      }) : () -> ()
      %add3A_192 = arith.constant 3 : i32
      %add3A_193 = arith.addi %add3A_57, %add3A_192 : i32
      %add3A_194 = arith.constant 2 : i32
      %add3A_195 = arith.addi %add3A_193, %add3A_194 : i32
      %mul3A_196 = arith.constant 128 : i32
      %mul3A_197 = arith.muli %add3A_195, %mul3A_196 : i32
      %add3A_198 = arith.constant 320000 : i32
      %add3A_199 = arith.addi %add3A_198, %mul3A_197 : i32
      %dma_start3A_200 = tpu.memref_slice %arg3[%add3A_199] : memref<640000xi32, #tpu.memory_space<hbm>> -> memref<128xi32, #tpu.memory_space<hbm>>
      %dma_start3A_201 = tpu.memref_slice %arg3[%add3A_199] : memref<640000xi32, #tpu.memory_space<hbm>> -> memref<128xi32, #tpu.memory_space<hbm>>
      tpu.enqueue_dma source(%dma_start3A_201 : memref<128xi32, #tpu.memory_space<hbm>>) target(%arg8 : memref<128xi32, #tpu.memory_space<vmem>>) target_semaphore(%arg17 : memref<!tpu.dma_semaphore, #tpu.memory_space<semaphore_mem>>)
      %dma_start3A_202 = arith.constant 640 : i32
      %dma_start3A_203 = tpu.memref_slice %arg5[%dma_start3A_202] : memref<1664xi32, #tpu.memory_space<vmem>> -> memref<128xi32, #tpu.memory_space<vmem>>
      %dma_start3A_204 = arith.constant 0 : i32
      %dma_start3A_205 = arith.constant 0 : i32
      %dma_start3A_206 = tpu.memref_slice %arg2[%dma_start3A_204, %dma_start3A_205] : memref<10000x32xf32, #tpu.memory_space<hbm>> -> memref<10000x32xf32, #tpu.memory_space<hbm>>
      tpu.enqueue_indirect_dma source(%dma_start3A_206 : memref<10000x32xf32, #tpu.memory_space<hbm>>) target(%arg10 : memref<128x32xf32, #tpu.memory_space<vmem>>) offsets(%dma_start3A_203 : memref<128xi32, #tpu.memory_space<vmem>>) semaphore(%arg14 : memref<!tpu.dma_semaphore, #tpu.memory_space<semaphore_mem>>)
      %dma_wait3A_207 = arith.constant 512 : i32
      %dma_wait3A_208 = tpu.memref_slice %arg5[%dma_wait3A_207] : memref<1664xi32, #tpu.memory_space<vmem>> -> memref<128xi32, #tpu.memory_space<vmem>>
      %dma_wait3A_209 = arith.constant 0 : i32
      %dma_wait3A_210 = arith.constant 0 : i32
      %dma_wait3A_211 = tpu.memref_slice %arg2[%dma_wait3A_209, %dma_wait3A_210] : memref<10000x32xf32, #tpu.memory_space<hbm>> -> memref<10000x32xf32, #tpu.memory_space<hbm>>
      tpu.wait_indirect_dma semaphore(%arg13 : memref<!tpu.dma_semaphore, #tpu.memory_space<semaphore_mem>>) src(%dma_wait3A_211 : memref<10000x32xf32, #tpu.memory_space<hbm>>) dst(%arg9 : memref<128x32xf32, #tpu.memory_space<vmem>>)
      %add3A_212 = arith.constant 4 : i32
      %add3A_213 = arith.addi %add3A_57, %add3A_212 : i32
      %mul3A_214 = arith.constant 128 : i32
      %mul3A_215 = arith.muli %add3A_213, %mul3A_214 : i32
      %add3A_216 = arith.constant 320000 : i32
      %add3A_217 = arith.addi %add3A_216, %mul3A_215 : i32
      %dma_wait3A_218 = tpu.memref_slice %arg3[%add3A_217] : memref<640000xi32, #tpu.memory_space<hbm>> -> memref<128xi32, #tpu.memory_space<hbm>>
      %dma_wait3A_219 = tpu.memref_slice %arg3[%add3A_217] : memref<640000xi32, #tpu.memory_space<hbm>> -> memref<128xi32, #tpu.memory_space<hbm>>
      tpu.wait_dma2 semaphore(%arg16 : memref<!tpu.dma_semaphore, #tpu.memory_space<semaphore_mem>>) src(%dma_wait3A_219 : memref<128xi32, #tpu.memory_space<hbm>>) dst(%arg7 : memref<128xi32, #tpu.memory_space<vmem>>)
      "tpu.region"() ({
        %run_scoped3A = tpu.sem_alloc : memref<!tpu.dma_semaphore, #tpu.memory_space<semaphore_mem>>
        %dma_start3A_808 = arith.constant 0 : i32
        %dma_start3A_809 = arith.constant 0 : i32
        %dma_start3A_810 = tpu.memref_slice %arg12[%dma_start3A_808, %dma_start3A_809] : memref<10000x32xf32, #tpu.memory_space<vmem_shared>> -> memref<10000x32xf32, #tpu.memory_space<vmem_shared>>
        tpu.enqueue_indirect_dma source(%arg9 : memref<128x32xf32, #tpu.memory_space<vmem>>) target(%dma_start3A_810 : memref<10000x32xf32, #tpu.memory_space<vmem_shared>>) offsets(%arg7 : memref<128xi32, #tpu.memory_space<vmem>>) semaphore(%run_scoped3A : memref<!tpu.dma_semaphore, #tpu.memory_space<semaphore_mem>>) {add = true}
        %dma_wait3A_811 = arith.constant 0 : i32
        %dma_wait3A_812 = arith.constant 0 : i32
        %dma_wait3A_813 = tpu.memref_slice %arg12[%dma_wait3A_811, %dma_wait3A_812] : memref<10000x32xf32, #tpu.memory_space<vmem_shared>> -> memref<10000x32xf32, #tpu.memory_space<vmem_shared>>
        tpu.wait_indirect_dma semaphore(%run_scoped3A : memref<!tpu.dma_semaphore, #tpu.memory_space<semaphore_mem>>) src(%arg9 : memref<128x32xf32, #tpu.memory_space<vmem>>) dst(%dma_wait3A_813 : memref<10000x32xf32, #tpu.memory_space<vmem_shared>>)
        tpu.yield
      }) : () -> ()
      %add3A_220 = arith.constant 4 : i32
      %add3A_221 = arith.addi %add3A_57, %add3A_220 : i32
      %add3A_222 = arith.constant 2 : i32
      %add3A_223 = arith.addi %add3A_221, %add3A_222 : i32
      %mul3A_224 = arith.constant 128 : i32
      %mul3A_225 = arith.muli %add3A_223, %mul3A_224 : i32
      %add3A_226 = arith.constant 320000 : i32
      %add3A_227 = arith.addi %add3A_226, %mul3A_225 : i32
      %dma_start3A_228 = tpu.memref_slice %arg3[%add3A_227] : memref<640000xi32, #tpu.memory_space<hbm>> -> memref<128xi32, #tpu.memory_space<hbm>>
      %dma_start3A_229 = tpu.memref_slice %arg3[%add3A_227] : memref<640000xi32, #tpu.memory_space<hbm>> -> memref<128xi32, #tpu.memory_space<hbm>>
      tpu.enqueue_dma source(%dma_start3A_229 : memref<128xi32, #tpu.memory_space<hbm>>) target(%arg7 : memref<128xi32, #tpu.memory_space<vmem>>) target_semaphore(%arg16 : memref<!tpu.dma_semaphore, #tpu.memory_space<semaphore_mem>>)
      %dma_start3A_230 = arith.constant 768 : i32
      %dma_start3A_231 = tpu.memref_slice %arg5[%dma_start3A_230] : memref<1664xi32, #tpu.memory_space<vmem>> -> memref<128xi32, #tpu.memory_space<vmem>>
      %dma_start3A_232 = arith.constant 0 : i32
      %dma_start3A_233 = arith.constant 0 : i32
      %dma_start3A_234 = tpu.memref_slice %arg2[%dma_start3A_232, %dma_start3A_233] : memref<10000x32xf32, #tpu.memory_space<hbm>> -> memref<10000x32xf32, #tpu.memory_space<hbm>>
      tpu.enqueue_indirect_dma source(%dma_start3A_234 : memref<10000x32xf32, #tpu.memory_space<hbm>>) target(%arg9 : memref<128x32xf32, #tpu.memory_space<vmem>>) offsets(%dma_start3A_231 : memref<128xi32, #tpu.memory_space<vmem>>) semaphore(%arg13 : memref<!tpu.dma_semaphore, #tpu.memory_space<semaphore_mem>>)
      %dma_wait3A_235 = arith.constant 640 : i32
      %dma_wait3A_236 = tpu.memref_slice %arg5[%dma_wait3A_235] : memref<1664xi32, #tpu.memory_space<vmem>> -> memref<128xi32, #tpu.memory_space<vmem>>
      %dma_wait3A_237 = arith.constant 0 : i32
      %dma_wait3A_238 = arith.constant 0 : i32
      %dma_wait3A_239 = tpu.memref_slice %arg2[%dma_wait3A_237, %dma_wait3A_238] : memref<10000x32xf32, #tpu.memory_space<hbm>> -> memref<10000x32xf32, #tpu.memory_space<hbm>>
      tpu.wait_indirect_dma semaphore(%arg14 : memref<!tpu.dma_semaphore, #tpu.memory_space<semaphore_mem>>) src(%dma_wait3A_239 : memref<10000x32xf32, #tpu.memory_space<hbm>>) dst(%arg10 : memref<128x32xf32, #tpu.memory_space<vmem>>)
      %add3A_240 = arith.constant 5 : i32
      %add3A_241 = arith.addi %add3A_57, %add3A_240 : i32
      %mul3A_242 = arith.constant 128 : i32
      %mul3A_243 = arith.muli %add3A_241, %mul3A_242 : i32
      %add3A_244 = arith.constant 320000 : i32
      %add3A_245 = arith.addi %add3A_244, %mul3A_243 : i32
      %dma_wait3A_246 = tpu.memref_slice %arg3[%add3A_245] : memref<640000xi32, #tpu.memory_space<hbm>> -> memref<128xi32, #tpu.memory_space<hbm>>
      %dma_wait3A_247 = tpu.memref_slice %arg3[%add3A_245] : memref<640000xi32, #tpu.memory_space<hbm>> -> memref<128xi32, #tpu.memory_space<hbm>>
      tpu.wait_dma2 semaphore(%arg17 : memref<!tpu.dma_semaphore, #tpu.memory_space<semaphore_mem>>) src(%dma_wait3A_247 : memref<128xi32, #tpu.memory_space<hbm>>) dst(%arg8 : memref<128xi32, #tpu.memory_space<vmem>>)
      "tpu.region"() ({
        %run_scoped3A = tpu.sem_alloc : memref<!tpu.dma_semaphore, #tpu.memory_space<semaphore_mem>>
        %dma_start3A_808 = arith.constant 0 : i32
        %dma_start3A_809 = arith.constant 0 : i32
        %dma_start3A_810 = tpu.memref_slice %arg12[%dma_start3A_808, %dma_start3A_809] : memref<10000x32xf32, #tpu.memory_space<vmem_shared>> -> memref<10000x32xf32, #tpu.memory_space<vmem_shared>>
        tpu.enqueue_indirect_dma source(%arg10 : memref<128x32xf32, #tpu.memory_space<vmem>>) target(%dma_start3A_810 : memref<10000x32xf32, #tpu.memory_space<vmem_shared>>) offsets(%arg8 : memref<128xi32, #tpu.memory_space<vmem>>) semaphore(%run_scoped3A : memref<!tpu.dma_semaphore, #tpu.memory_space<semaphore_mem>>) {add = true}
        %dma_wait3A_811 = arith.constant 0 : i32
        %dma_wait3A_812 = arith.constant 0 : i32
        %dma_wait3A_813 = tpu.memref_slice %arg12[%dma_wait3A_811, %dma_wait3A_812] : memref<10000x32xf32, #tpu.memory_space<vmem_shared>> -> memref<10000x32xf32, #tpu.memory_space<vmem_shared>>
        tpu.wait_indirect_dma semaphore(%run_scoped3A : memref<!tpu.dma_semaphore, #tpu.memory_space<semaphore_mem>>) src(%arg10 : memref<128x32xf32, #tpu.memory_space<vmem>>) dst(%dma_wait3A_813 : memref<10000x32xf32, #tpu.memory_space<vmem_shared>>)
        tpu.yield
      }) : () -> ()
      %add3A_248 = arith.constant 5 : i32
      %add3A_249 = arith.addi %add3A_57, %add3A_248 : i32
      %add3A_250 = arith.constant 2 : i32
      %add3A_251 = arith.addi %add3A_249, %add3A_250 : i32
      %mul3A_252 = arith.constant 128 : i32
      %mul3A_253 = arith.muli %add3A_251, %mul3A_252 : i32
      %add3A_254 = arith.constant 320000 : i32
      %add3A_255 = arith.addi %add3A_254, %mul3A_253 : i32
      %dma_start3A_256 = tpu.memref_slice %arg3[%add3A_255] : memref<640000xi32, #tpu.memory_space<hbm>> -> memref<128xi32, #tpu.memory_space<hbm>>
      %dma_start3A_257 = tpu.memref_slice %arg3[%add3A_255] : memref<640000xi32, #tpu.memory_space<hbm>> -> memref<128xi32, #tpu.memory_space<hbm>>
      tpu.enqueue_dma source(%dma_start3A_257 : memref<128xi32, #tpu.memory_space<hbm>>) target(%arg8 : memref<128xi32, #tpu.memory_space<vmem>>) target_semaphore(%arg17 : memref<!tpu.dma_semaphore, #tpu.memory_space<semaphore_mem>>)
      %dma_start3A_258 = arith.constant 896 : i32
      %dma_start3A_259 = tpu.memref_slice %arg5[%dma_start3A_258] : memref<1664xi32, #tpu.memory_space<vmem>> -> memref<128xi32, #tpu.memory_space<vmem>>
      %dma_start3A_260 = arith.constant 0 : i32
      %dma_start3A_261 = arith.constant 0 : i32
      %dma_start3A_262 = tpu.memref_slice %arg2[%dma_start3A_260, %dma_start3A_261] : memref<10000x32xf32, #tpu.memory_space<hbm>> -> memref<10000x32xf32, #tpu.memory_space<hbm>>
      tpu.enqueue_indirect_dma source(%dma_start3A_262 : memref<10000x32xf32, #tpu.memory_space<hbm>>) target(%arg10 : memref<128x32xf32, #tpu.memory_space<vmem>>) offsets(%dma_start3A_259 : memref<128xi32, #tpu.memory_space<vmem>>) semaphore(%arg14 : memref<!tpu.dma_semaphore, #tpu.memory_space<semaphore_mem>>)
      %dma_wait3A_263 = arith.constant 768 : i32
      %dma_wait3A_264 = tpu.memref_slice %arg5[%dma_wait3A_263] : memref<1664xi32, #tpu.memory_space<vmem>> -> memref<128xi32, #tpu.memory_space<vmem>>
      %dma_wait3A_265 = arith.constant 0 : i32
      %dma_wait3A_266 = arith.constant 0 : i32
      %dma_wait3A_267 = tpu.memref_slice %arg2[%dma_wait3A_265, %dma_wait3A_266] : memref<10000x32xf32, #tpu.memory_space<hbm>> -> memref<10000x32xf32, #tpu.memory_space<hbm>>
      tpu.wait_indirect_dma semaphore(%arg13 : memref<!tpu.dma_semaphore, #tpu.memory_space<semaphore_mem>>) src(%dma_wait3A_267 : memref<10000x32xf32, #tpu.memory_space<hbm>>) dst(%arg9 : memref<128x32xf32, #tpu.memory_space<vmem>>)
      %add3A_268 = arith.constant 6 : i32
      %add3A_269 = arith.addi %add3A_57, %add3A_268 : i32
      %mul3A_270 = arith.constant 128 : i32
      %mul3A_271 = arith.muli %add3A_269, %mul3A_270 : i32
      %add3A_272 = arith.constant 320000 : i32
      %add3A_273 = arith.addi %add3A_272, %mul3A_271 : i32
      %dma_wait3A_274 = tpu.memref_slice %arg3[%add3A_273] : memref<640000xi32, #tpu.memory_space<hbm>> -> memref<128xi32, #tpu.memory_space<hbm>>
      %dma_wait3A_275 = tpu.memref_slice %arg3[%add3A_273] : memref<640000xi32, #tpu.memory_space<hbm>> -> memref<128xi32, #tpu.memory_space<hbm>>
      tpu.wait_dma2 semaphore(%arg16 : memref<!tpu.dma_semaphore, #tpu.memory_space<semaphore_mem>>) src(%dma_wait3A_275 : memref<128xi32, #tpu.memory_space<hbm>>) dst(%arg7 : memref<128xi32, #tpu.memory_space<vmem>>)
      "tpu.region"() ({
        %run_scoped3A = tpu.sem_alloc : memref<!tpu.dma_semaphore, #tpu.memory_space<semaphore_mem>>
        %dma_start3A_808 = arith.constant 0 : i32
        %dma_start3A_809 = arith.constant 0 : i32
        %dma_start3A_810 = tpu.memref_slice %arg12[%dma_start3A_808, %dma_start3A_809] : memref<10000x32xf32, #tpu.memory_space<vmem_shared>> -> memref<10000x32xf32, #tpu.memory_space<vmem_shared>>
        tpu.enqueue_indirect_dma source(%arg9 : memref<128x32xf32, #tpu.memory_space<vmem>>) target(%dma_start3A_810 : memref<10000x32xf32, #tpu.memory_space<vmem_shared>>) offsets(%arg7 : memref<128xi32, #tpu.memory_space<vmem>>) semaphore(%run_scoped3A : memref<!tpu.dma_semaphore, #tpu.memory_space<semaphore_mem>>) {add = true}
        %dma_wait3A_811 = arith.constant 0 : i32
        %dma_wait3A_812 = arith.constant 0 : i32
        %dma_wait3A_813 = tpu.memref_slice %arg12[%dma_wait3A_811, %dma_wait3A_812] : memref<10000x32xf32, #tpu.memory_space<vmem_shared>> -> memref<10000x32xf32, #tpu.memory_space<vmem_shared>>
        tpu.wait_indirect_dma semaphore(%run_scoped3A : memref<!tpu.dma_semaphore, #tpu.memory_space<semaphore_mem>>) src(%arg9 : memref<128x32xf32, #tpu.memory_space<vmem>>) dst(%dma_wait3A_813 : memref<10000x32xf32, #tpu.memory_space<vmem_shared>>)
        tpu.yield
      }) : () -> ()
      %add3A_276 = arith.constant 6 : i32
      %add3A_277 = arith.addi %add3A_57, %add3A_276 : i32
      %add3A_278 = arith.constant 2 : i32
      %add3A_279 = arith.addi %add3A_277, %add3A_278 : i32
      %mul3A_280 = arith.constant 128 : i32
      %mul3A_281 = arith.muli %add3A_279, %mul3A_280 : i32
      %add3A_282 = arith.constant 320000 : i32
      %add3A_283 = arith.addi %add3A_282, %mul3A_281 : i32
      %dma_start3A_284 = tpu.memref_slice %arg3[%add3A_283] : memref<640000xi32, #tpu.memory_space<hbm>> -> memref<128xi32, #tpu.memory_space<hbm>>
      %dma_start3A_285 = tpu.memref_slice %arg3[%add3A_283] : memref<640000xi32, #tpu.memory_space<hbm>> -> memref<128xi32, #tpu.memory_space<hbm>>
      tpu.enqueue_dma source(%dma_start3A_285 : memref<128xi32, #tpu.memory_space<hbm>>) target(%arg7 : memref<128xi32, #tpu.memory_space<vmem>>) target_semaphore(%arg16 : memref<!tpu.dma_semaphore, #tpu.memory_space<semaphore_mem>>)
      %dma_start3A_286 = arith.constant 1024 : i32
      %dma_start3A_287 = tpu.memref_slice %arg5[%dma_start3A_286] : memref<1664xi32, #tpu.memory_space<vmem>> -> memref<128xi32, #tpu.memory_space<vmem>>
      %dma_start3A_288 = arith.constant 0 : i32
      %dma_start3A_289 = arith.constant 0 : i32
      %dma_start3A_290 = tpu.memref_slice %arg2[%dma_start3A_288, %dma_start3A_289] : memref<10000x32xf32, #tpu.memory_space<hbm>> -> memref<10000x32xf32, #tpu.memory_space<hbm>>
      tpu.enqueue_indirect_dma source(%dma_start3A_290 : memref<10000x32xf32, #tpu.memory_space<hbm>>) target(%arg9 : memref<128x32xf32, #tpu.memory_space<vmem>>) offsets(%dma_start3A_287 : memref<128xi32, #tpu.memory_space<vmem>>) semaphore(%arg13 : memref<!tpu.dma_semaphore, #tpu.memory_space<semaphore_mem>>)
      %dma_wait3A_291 = arith.constant 896 : i32
      %dma_wait3A_292 = tpu.memref_slice %arg5[%dma_wait3A_291] : memref<1664xi32, #tpu.memory_space<vmem>> -> memref<128xi32, #tpu.memory_space<vmem>>
      %dma_wait3A_293 = arith.constant 0 : i32
      %dma_wait3A_294 = arith.constant 0 : i32
      %dma_wait3A_295 = tpu.memref_slice %arg2[%dma_wait3A_293, %dma_wait3A_294] : memref<10000x32xf32, #tpu.memory_space<hbm>> -> memref<10000x32xf32, #tpu.memory_space<hbm>>
      tpu.wait_indirect_dma semaphore(%arg14 : memref<!tpu.dma_semaphore, #tpu.memory_space<semaphore_mem>>) src(%dma_wait3A_295 : memref<10000x32xf32, #tpu.memory_space<hbm>>) dst(%arg10 : memref<128x32xf32, #tpu.memory_space<vmem>>)
      %add3A_296 = arith.constant 7 : i32
      %add3A_297 = arith.addi %add3A_57, %add3A_296 : i32
      %mul3A_298 = arith.constant 128 : i32
      %mul3A_299 = arith.muli %add3A_297, %mul3A_298 : i32
      %add3A_300 = arith.constant 320000 : i32
      %add3A_301 = arith.addi %add3A_300, %mul3A_299 : i32
      %dma_wait3A_302 = tpu.memref_slice %arg3[%add3A_301] : memref<640000xi32, #tpu.memory_space<hbm>> -> memref<128xi32, #tpu.memory_space<hbm>>
      %dma_wait3A_303 = tpu.memref_slice %arg3[%add3A_301] : memref<640000xi32, #tpu.memory_space<hbm>> -> memref<128xi32, #tpu.memory_space<hbm>>
      tpu.wait_dma2 semaphore(%arg17 : memref<!tpu.dma_semaphore, #tpu.memory_space<semaphore_mem>>) src(%dma_wait3A_303 : memref<128xi32, #tpu.memory_space<hbm>>) dst(%arg8 : memref<128xi32, #tpu.memory_space<vmem>>)
      "tpu.region"() ({
        %run_scoped3A = tpu.sem_alloc : memref<!tpu.dma_semaphore, #tpu.memory_space<semaphore_mem>>
        %dma_start3A_808 = arith.constant 0 : i32
        %dma_start3A_809 = arith.constant 0 : i32
        %dma_start3A_810 = tpu.memref_slice %arg12[%dma_start3A_808, %dma_start3A_809] : memref<10000x32xf32, #tpu.memory_space<vmem_shared>> -> memref<10000x32xf32, #tpu.memory_space<vmem_shared>>
        tpu.enqueue_indirect_dma source(%arg10 : memref<128x32xf32, #tpu.memory_space<vmem>>) target(%dma_start3A_810 : memref<10000x32xf32, #tpu.memory_space<vmem_shared>>) offsets(%arg8 : memref<128xi32, #tpu.memory_space<vmem>>) semaphore(%run_scoped3A : memref<!tpu.dma_semaphore, #tpu.memory_space<semaphore_mem>>) {add = true}
        %dma_wait3A_811 = arith.constant 0 : i32
        %dma_wait3A_812 = arith.constant 0 : i32
        %dma_wait3A_813 = tpu.memref_slice %arg12[%dma_wait3A_811, %dma_wait3A_812] : memref<10000x32xf32, #tpu.memory_space<vmem_shared>> -> memref<10000x32xf32, #tpu.memory_space<vmem_shared>>
        tpu.wait_indirect_dma semaphore(%run_scoped3A : memref<!tpu.dma_semaphore, #tpu.memory_space<semaphore_mem>>) src(%arg10 : memref<128x32xf32, #tpu.memory_space<vmem>>) dst(%dma_wait3A_813 : memref<10000x32xf32, #tpu.memory_space<vmem_shared>>)
        tpu.yield
      }) : () -> ()
      %add3A_304 = arith.constant 7 : i32
      %add3A_305 = arith.addi %add3A_57, %add3A_304 : i32
      %add3A_306 = arith.constant 2 : i32
      %add3A_307 = arith.addi %add3A_305, %add3A_306 : i32
      %mul3A_308 = arith.constant 128 : i32
      %mul3A_309 = arith.muli %add3A_307, %mul3A_308 : i32
      %add3A_310 = arith.constant 320000 : i32
      %add3A_311 = arith.addi %add3A_310, %mul3A_309 : i32
      %dma_start3A_312 = tpu.memref_slice %arg3[%add3A_311] : memref<640000xi32, #tpu.memory_space<hbm>> -> memref<128xi32, #tpu.memory_space<hbm>>
      %dma_start3A_313 = tpu.memref_slice %arg3[%add3A_311] : memref<640000xi32, #tpu.memory_space<hbm>> -> memref<128xi32, #tpu.memory_space<hbm>>
      tpu.enqueue_dma source(%dma_start3A_313 : memref<128xi32, #tpu.memory_space<hbm>>) target(%arg8 : memref<128xi32, #tpu.memory_space<vmem>>) target_semaphore(%arg17 : memref<!tpu.dma_semaphore, #tpu.memory_space<semaphore_mem>>)
      %dma_start3A_314 = arith.constant 1152 : i32
      %dma_start3A_315 = tpu.memref_slice %arg5[%dma_start3A_314] : memref<1664xi32, #tpu.memory_space<vmem>> -> memref<128xi32, #tpu.memory_space<vmem>>
      %dma_start3A_316 = arith.constant 0 : i32
      %dma_start3A_317 = arith.constant 0 : i32
      %dma_start3A_318 = tpu.memref_slice %arg2[%dma_start3A_316, %dma_start3A_317] : memref<10000x32xf32, #tpu.memory_space<hbm>> -> memref<10000x32xf32, #tpu.memory_space<hbm>>
      tpu.enqueue_indirect_dma source(%dma_start3A_318 : memref<10000x32xf32, #tpu.memory_space<hbm>>) target(%arg10 : memref<128x32xf32, #tpu.memory_space<vmem>>) offsets(%dma_start3A_315 : memref<128xi32, #tpu.memory_space<vmem>>) semaphore(%arg14 : memref<!tpu.dma_semaphore, #tpu.memory_space<semaphore_mem>>)
      %dma_wait3A_319 = arith.constant 1024 : i32
      %dma_wait3A_320 = tpu.memref_slice %arg5[%dma_wait3A_319] : memref<1664xi32, #tpu.memory_space<vmem>> -> memref<128xi32, #tpu.memory_space<vmem>>
      %dma_wait3A_321 = arith.constant 0 : i32
      %dma_wait3A_322 = arith.constant 0 : i32
      %dma_wait3A_323 = tpu.memref_slice %arg2[%dma_wait3A_321, %dma_wait3A_322] : memref<10000x32xf32, #tpu.memory_space<hbm>> -> memref<10000x32xf32, #tpu.memory_space<hbm>>
      tpu.wait_indirect_dma semaphore(%arg13 : memref<!tpu.dma_semaphore, #tpu.memory_space<semaphore_mem>>) src(%dma_wait3A_323 : memref<10000x32xf32, #tpu.memory_space<hbm>>) dst(%arg9 : memref<128x32xf32, #tpu.memory_space<vmem>>)
      %add3A_324 = arith.constant 8 : i32
      %add3A_325 = arith.addi %add3A_57, %add3A_324 : i32
      %mul3A_326 = arith.constant 128 : i32
      %mul3A_327 = arith.muli %add3A_325, %mul3A_326 : i32
      %add3A_328 = arith.constant 320000 : i32
      %add3A_329 = arith.addi %add3A_328, %mul3A_327 : i32
      %dma_wait3A_330 = tpu.memref_slice %arg3[%add3A_329] : memref<640000xi32, #tpu.memory_space<hbm>> -> memref<128xi32, #tpu.memory_space<hbm>>
      %dma_wait3A_331 = tpu.memref_slice %arg3[%add3A_329] : memref<640000xi32, #tpu.memory_space<hbm>> -> memref<128xi32, #tpu.memory_space<hbm>>
      tpu.wait_dma2 semaphore(%arg16 : memref<!tpu.dma_semaphore, #tpu.memory_space<semaphore_mem>>) src(%dma_wait3A_331 : memref<128xi32, #tpu.memory_space<hbm>>) dst(%arg7 : memref<128xi32, #tpu.memory_space<vmem>>)
      "tpu.region"() ({
        %run_scoped3A = tpu.sem_alloc : memref<!tpu.dma_semaphore, #tpu.memory_space<semaphore_mem>>
        %dma_start3A_808 = arith.constant 0 : i32
        %dma_start3A_809 = arith.constant 0 : i32
        %dma_start3A_810 = tpu.memref_slice %arg12[%dma_start3A_808, %dma_start3A_809] : memref<10000x32xf32, #tpu.memory_space<vmem_shared>> -> memref<10000x32xf32, #tpu.memory_space<vmem_shared>>
        tpu.enqueue_indirect_dma source(%arg9 : memref<128x32xf32, #tpu.memory_space<vmem>>) target(%dma_start3A_810 : memref<10000x32xf32, #tpu.memory_space<vmem_shared>>) offsets(%arg7 : memref<128xi32, #tpu.memory_space<vmem>>) semaphore(%run_scoped3A : memref<!tpu.dma_semaphore, #tpu.memory_space<semaphore_mem>>) {add = true}
        %dma_wait3A_811 = arith.constant 0 : i32
        %dma_wait3A_812 = arith.constant 0 : i32
        %dma_wait3A_813 = tpu.memref_slice %arg12[%dma_wait3A_811, %dma_wait3A_812] : memref<10000x32xf32, #tpu.memory_space<vmem_shared>> -> memref<10000x32xf32, #tpu.memory_space<vmem_shared>>
        tpu.wait_indirect_dma semaphore(%run_scoped3A : memref<!tpu.dma_semaphore, #tpu.memory_space<semaphore_mem>>) src(%arg9 : memref<128x32xf32, #tpu.memory_space<vmem>>) dst(%dma_wait3A_813 : memref<10000x32xf32, #tpu.memory_space<vmem_shared>>)
        tpu.yield
      }) : () -> ()
      %add3A_332 = arith.constant 8 : i32
      %add3A_333 = arith.addi %add3A_57, %add3A_332 : i32
      %add3A_334 = arith.constant 2 : i32
      %add3A_335 = arith.addi %add3A_333, %add3A_334 : i32
      %mul3A_336 = arith.constant 128 : i32
      %mul3A_337 = arith.muli %add3A_335, %mul3A_336 : i32
      %add3A_338 = arith.constant 320000 : i32
      %add3A_339 = arith.addi %add3A_338, %mul3A_337 : i32
      %dma_start3A_340 = tpu.memref_slice %arg3[%add3A_339] : memref<640000xi32, #tpu.memory_space<hbm>> -> memref<128xi32, #tpu.memory_space<hbm>>
      %dma_start3A_341 = tpu.memref_slice %arg3[%add3A_339] : memref<640000xi32, #tpu.memory_space<hbm>> -> memref<128xi32, #tpu.memory_space<hbm>>
      tpu.enqueue_dma source(%dma_start3A_341 : memref<128xi32, #tpu.memory_space<hbm>>) target(%arg7 : memref<128xi32, #tpu.memory_space<vmem>>) target_semaphore(%arg16 : memref<!tpu.dma_semaphore, #tpu.memory_space<semaphore_mem>>)
      %dma_start3A_342 = arith.constant 1280 : i32
      %dma_start3A_343 = tpu.memref_slice %arg5[%dma_start3A_342] : memref<1664xi32, #tpu.memory_space<vmem>> -> memref<128xi32, #tpu.memory_space<vmem>>
      %dma_start3A_344 = arith.constant 0 : i32
      %dma_start3A_345 = arith.constant 0 : i32
      %dma_start3A_346 = tpu.memref_slice %arg2[%dma_start3A_344, %dma_start3A_345] : memref<10000x32xf32, #tpu.memory_space<hbm>> -> memref<10000x32xf32, #tpu.memory_space<hbm>>
      tpu.enqueue_indirect_dma source(%dma_start3A_346 : memref<10000x32xf32, #tpu.memory_space<hbm>>) target(%arg9 : memref<128x32xf32, #tpu.memory_space<vmem>>) offsets(%dma_start3A_343 : memref<128xi32, #tpu.memory_space<vmem>>) semaphore(%arg13 : memref<!tpu.dma_semaphore, #tpu.memory_space<semaphore_mem>>)
      %dma_wait3A_347 = arith.constant 1152 : i32
      %dma_wait3A_348 = tpu.memref_slice %arg5[%dma_wait3A_347] : memref<1664xi32, #tpu.memory_space<vmem>> -> memref<128xi32, #tpu.memory_space<vmem>>
      %dma_wait3A_349 = arith.constant 0 : i32
      %dma_wait3A_350 = arith.constant 0 : i32
      %dma_wait3A_351 = tpu.memref_slice %arg2[%dma_wait3A_349, %dma_wait3A_350] : memref<10000x32xf32, #tpu.memory_space<hbm>> -> memref<10000x32xf32, #tpu.memory_space<hbm>>
      tpu.wait_indirect_dma semaphore(%arg14 : memref<!tpu.dma_semaphore, #tpu.memory_space<semaphore_mem>>) src(%dma_wait3A_351 : memref<10000x32xf32, #tpu.memory_space<hbm>>) dst(%arg10 : memref<128x32xf32, #tpu.memory_space<vmem>>)
      %add3A_352 = arith.constant 9 : i32
      %add3A_353 = arith.addi %add3A_57, %add3A_352 : i32
      %mul3A_354 = arith.constant 128 : i32
      %mul3A_355 = arith.muli %add3A_353, %mul3A_354 : i32
      %add3A_356 = arith.constant 320000 : i32
      %add3A_357 = arith.addi %add3A_356, %mul3A_355 : i32
      %dma_wait3A_358 = tpu.memref_slice %arg3[%add3A_357] : memref<640000xi32, #tpu.memory_space<hbm>> -> memref<128xi32, #tpu.memory_space<hbm>>
      %dma_wait3A_359 = tpu.memref_slice %arg3[%add3A_357] : memref<640000xi32, #tpu.memory_space<hbm>> -> memref<128xi32, #tpu.memory_space<hbm>>
      tpu.wait_dma2 semaphore(%arg17 : memref<!tpu.dma_semaphore, #tpu.memory_space<semaphore_mem>>) src(%dma_wait3A_359 : memref<128xi32, #tpu.memory_space<hbm>>) dst(%arg8 : memref<128xi32, #tpu.memory_space<vmem>>)
      "tpu.region"() ({
        %run_scoped3A = tpu.sem_alloc : memref<!tpu.dma_semaphore, #tpu.memory_space<semaphore_mem>>
        %dma_start3A_808 = arith.constant 0 : i32
        %dma_start3A_809 = arith.constant 0 : i32
        %dma_start3A_810 = tpu.memref_slice %arg12[%dma_start3A_808, %dma_start3A_809] : memref<10000x32xf32, #tpu.memory_space<vmem_shared>> -> memref<10000x32xf32, #tpu.memory_space<vmem_shared>>
        tpu.enqueue_indirect_dma source(%arg10 : memref<128x32xf32, #tpu.memory_space<vmem>>) target(%dma_start3A_810 : memref<10000x32xf32, #tpu.memory_space<vmem_shared>>) offsets(%arg8 : memref<128xi32, #tpu.memory_space<vmem>>) semaphore(%run_scoped3A : memref<!tpu.dma_semaphore, #tpu.memory_space<semaphore_mem>>) {add = true}
        %dma_wait3A_811 = arith.constant 0 : i32
        %dma_wait3A_812 = arith.constant 0 : i32
        %dma_wait3A_813 = tpu.memref_slice %arg12[%dma_wait3A_811, %dma_wait3A_812] : memref<10000x32xf32, #tpu.memory_space<vmem_shared>> -> memref<10000x32xf32, #tpu.memory_space<vmem_shared>>
        tpu.wait_indirect_dma semaphore(%run_scoped3A : memref<!tpu.dma_semaphore, #tpu.memory_space<semaphore_mem>>) src(%arg10 : memref<128x32xf32, #tpu.memory_space<vmem>>) dst(%dma_wait3A_813 : memref<10000x32xf32, #tpu.memory_space<vmem_shared>>)
        tpu.yield
      }) : () -> ()
      %add3A_360 = arith.constant 9 : i32
      %add3A_361 = arith.addi %add3A_57, %add3A_360 : i32
      %add3A_362 = arith.constant 2 : i32
      %add3A_363 = arith.addi %add3A_361, %add3A_362 : i32
      %mul3A_364 = arith.constant 128 : i32
      %mul3A_365 = arith.muli %add3A_363, %mul3A_364 : i32
      %add3A_366 = arith.constant 320000 : i32
      %add3A_367 = arith.addi %add3A_366, %mul3A_365 : i32
      %dma_start3A_368 = tpu.memref_slice %arg3[%add3A_367] : memref<640000xi32, #tpu.memory_space<hbm>> -> memref<128xi32, #tpu.memory_space<hbm>>
      %dma_start3A_369 = tpu.memref_slice %arg3[%add3A_367] : memref<640000xi32, #tpu.memory_space<hbm>> -> memref<128xi32, #tpu.memory_space<hbm>>
      tpu.enqueue_dma source(%dma_start3A_369 : memref<128xi32, #tpu.memory_space<hbm>>) target(%arg8 : memref<128xi32, #tpu.memory_space<vmem>>) target_semaphore(%arg17 : memref<!tpu.dma_semaphore, #tpu.memory_space<semaphore_mem>>)
      %dma_start3A_370 = arith.constant 1408 : i32
      %dma_start3A_371 = tpu.memref_slice %arg5[%dma_start3A_370] : memref<1664xi32, #tpu.memory_space<vmem>> -> memref<128xi32, #tpu.memory_space<vmem>>
      %dma_start3A_372 = arith.constant 0 : i32
      %dma_start3A_373 = arith.constant 0 : i32
      %dma_start3A_374 = tpu.memref_slice %arg2[%dma_start3A_372, %dma_start3A_373] : memref<10000x32xf32, #tpu.memory_space<hbm>> -> memref<10000x32xf32, #tpu.memory_space<hbm>>
      tpu.enqueue_indirect_dma source(%dma_start3A_374 : memref<10000x32xf32, #tpu.memory_space<hbm>>) target(%arg10 : memref<128x32xf32, #tpu.memory_space<vmem>>) offsets(%dma_start3A_371 : memref<128xi32, #tpu.memory_space<vmem>>) semaphore(%arg14 : memref<!tpu.dma_semaphore, #tpu.memory_space<semaphore_mem>>)
      %dma_wait3A_375 = arith.constant 1280 : i32
      %dma_wait3A_376 = tpu.memref_slice %arg5[%dma_wait3A_375] : memref<1664xi32, #tpu.memory_space<vmem>> -> memref<128xi32, #tpu.memory_space<vmem>>
      %dma_wait3A_377 = arith.constant 0 : i32
      %dma_wait3A_378 = arith.constant 0 : i32
      %dma_wait3A_379 = tpu.memref_slice %arg2[%dma_wait3A_377, %dma_wait3A_378] : memref<10000x32xf32, #tpu.memory_space<hbm>> -> memref<10000x32xf32, #tpu.memory_space<hbm>>
      tpu.wait_indirect_dma semaphore(%arg13 : memref<!tpu.dma_semaphore, #tpu.memory_space<semaphore_mem>>) src(%dma_wait3A_379 : memref<10000x32xf32, #tpu.memory_space<hbm>>) dst(%arg9 : memref<128x32xf32, #tpu.memory_space<vmem>>)
      %add3A_380 = arith.constant 10 : i32
      %add3A_381 = arith.addi %add3A_57, %add3A_380 : i32
      %mul3A_382 = arith.constant 128 : i32
      %mul3A_383 = arith.muli %add3A_381, %mul3A_382 : i32
      %add3A_384 = arith.constant 320000 : i32
      %add3A_385 = arith.addi %add3A_384, %mul3A_383 : i32
      %dma_wait3A_386 = tpu.memref_slice %arg3[%add3A_385] : memref<640000xi32, #tpu.memory_space<hbm>> -> memref<128xi32, #tpu.memory_space<hbm>>
      %dma_wait3A_387 = tpu.memref_slice %arg3[%add3A_385] : memref<640000xi32, #tpu.memory_space<hbm>> -> memref<128xi32, #tpu.memory_space<hbm>>
      tpu.wait_dma2 semaphore(%arg16 : memref<!tpu.dma_semaphore, #tpu.memory_space<semaphore_mem>>) src(%dma_wait3A_387 : memref<128xi32, #tpu.memory_space<hbm>>) dst(%arg7 : memref<128xi32, #tpu.memory_space<vmem>>)
      "tpu.region"() ({
        %run_scoped3A = tpu.sem_alloc : memref<!tpu.dma_semaphore, #tpu.memory_space<semaphore_mem>>
        %dma_start3A_808 = arith.constant 0 : i32
        %dma_start3A_809 = arith.constant 0 : i32
        %dma_start3A_810 = tpu.memref_slice %arg12[%dma_start3A_808, %dma_start3A_809] : memref<10000x32xf32, #tpu.memory_space<vmem_shared>> -> memref<10000x32xf32, #tpu.memory_space<vmem_shared>>
        tpu.enqueue_indirect_dma source(%arg9 : memref<128x32xf32, #tpu.memory_space<vmem>>) target(%dma_start3A_810 : memref<10000x32xf32, #tpu.memory_space<vmem_shared>>) offsets(%arg7 : memref<128xi32, #tpu.memory_space<vmem>>) semaphore(%run_scoped3A : memref<!tpu.dma_semaphore, #tpu.memory_space<semaphore_mem>>) {add = true}
        %dma_wait3A_811 = arith.constant 0 : i32
        %dma_wait3A_812 = arith.constant 0 : i32
        %dma_wait3A_813 = tpu.memref_slice %arg12[%dma_wait3A_811, %dma_wait3A_812] : memref<10000x32xf32, #tpu.memory_space<vmem_shared>> -> memref<10000x32xf32, #tpu.memory_space<vmem_shared>>
        tpu.wait_indirect_dma semaphore(%run_scoped3A : memref<!tpu.dma_semaphore, #tpu.memory_space<semaphore_mem>>) src(%arg9 : memref<128x32xf32, #tpu.memory_space<vmem>>) dst(%dma_wait3A_813 : memref<10000x32xf32, #tpu.memory_space<vmem_shared>>)
        tpu.yield
      }) : () -> ()
      %add3A_388 = arith.constant 10 : i32
      %add3A_389 = arith.addi %add3A_57, %add3A_388 : i32
      %add3A_390 = arith.constant 2 : i32
      %add3A_391 = arith.addi %add3A_389, %add3A_390 : i32
      %mul3A_392 = arith.constant 128 : i32
      %mul3A_393 = arith.muli %add3A_391, %mul3A_392 : i32
      %add3A_394 = arith.constant 320000 : i32
      %add3A_395 = arith.addi %add3A_394, %mul3A_393 : i32
      %dma_start3A_396 = tpu.memref_slice %arg3[%add3A_395] : memref<640000xi32, #tpu.memory_space<hbm>> -> memref<128xi32, #tpu.memory_space<hbm>>
      %dma_start3A_397 = tpu.memref_slice %arg3[%add3A_395] : memref<640000xi32, #tpu.memory_space<hbm>> -> memref<128xi32, #tpu.memory_space<hbm>>
      tpu.enqueue_dma source(%dma_start3A_397 : memref<128xi32, #tpu.memory_space<hbm>>) target(%arg7 : memref<128xi32, #tpu.memory_space<vmem>>) target_semaphore(%arg16 : memref<!tpu.dma_semaphore, #tpu.memory_space<semaphore_mem>>)
      %dma_start3A_398 = arith.constant 1536 : i32
      %dma_start3A_399 = tpu.memref_slice %arg5[%dma_start3A_398] : memref<1664xi32, #tpu.memory_space<vmem>> -> memref<128xi32, #tpu.memory_space<vmem>>
      %dma_start3A_400 = arith.constant 0 : i32
      %dma_start3A_401 = arith.constant 0 : i32
      %dma_start3A_402 = tpu.memref_slice %arg2[%dma_start3A_400, %dma_start3A_401] : memref<10000x32xf32, #tpu.memory_space<hbm>> -> memref<10000x32xf32, #tpu.memory_space<hbm>>
      tpu.enqueue_indirect_dma source(%dma_start3A_402 : memref<10000x32xf32, #tpu.memory_space<hbm>>) target(%arg9 : memref<128x32xf32, #tpu.memory_space<vmem>>) offsets(%dma_start3A_399 : memref<128xi32, #tpu.memory_space<vmem>>) semaphore(%arg13 : memref<!tpu.dma_semaphore, #tpu.memory_space<semaphore_mem>>)
      %dma_wait3A_403 = arith.constant 1408 : i32
      %dma_wait3A_404 = tpu.memref_slice %arg5[%dma_wait3A_403] : memref<1664xi32, #tpu.memory_space<vmem>> -> memref<128xi32, #tpu.memory_space<vmem>>
      %dma_wait3A_405 = arith.constant 0 : i32
      %dma_wait3A_406 = arith.constant 0 : i32
      %dma_wait3A_407 = tpu.memref_slice %arg2[%dma_wait3A_405, %dma_wait3A_406] : memref<10000x32xf32, #tpu.memory_space<hbm>> -> memref<10000x32xf32, #tpu.memory_space<hbm>>
      tpu.wait_indirect_dma semaphore(%arg14 : memref<!tpu.dma_semaphore, #tpu.memory_space<semaphore_mem>>) src(%dma_wait3A_407 : memref<10000x32xf32, #tpu.memory_space<hbm>>) dst(%arg10 : memref<128x32xf32, #tpu.memory_space<vmem>>)
      %add3A_408 = arith.constant 11 : i32
      %add3A_409 = arith.addi %add3A_57, %add3A_408 : i32
      %mul3A_410 = arith.constant 128 : i32
      %mul3A_411 = arith.muli %add3A_409, %mul3A_410 : i32
      %add3A_412 = arith.constant 320000 : i32
      %add3A_413 = arith.addi %add3A_412, %mul3A_411 : i32
      %dma_wait3A_414 = tpu.memref_slice %arg3[%add3A_413] : memref<640000xi32, #tpu.memory_space<hbm>> -> memref<128xi32, #tpu.memory_space<hbm>>
      %dma_wait3A_415 = tpu.memref_slice %arg3[%add3A_413] : memref<640000xi32, #tpu.memory_space<hbm>> -> memref<128xi32, #tpu.memory_space<hbm>>
      tpu.wait_dma2 semaphore(%arg17 : memref<!tpu.dma_semaphore, #tpu.memory_space<semaphore_mem>>) src(%dma_wait3A_415 : memref<128xi32, #tpu.memory_space<hbm>>) dst(%arg8 : memref<128xi32, #tpu.memory_space<vmem>>)
      "tpu.region"() ({
        %run_scoped3A = tpu.sem_alloc : memref<!tpu.dma_semaphore, #tpu.memory_space<semaphore_mem>>
        %dma_start3A_808 = arith.constant 0 : i32
        %dma_start3A_809 = arith.constant 0 : i32
        %dma_start3A_810 = tpu.memref_slice %arg12[%dma_start3A_808, %dma_start3A_809] : memref<10000x32xf32, #tpu.memory_space<vmem_shared>> -> memref<10000x32xf32, #tpu.memory_space<vmem_shared>>
        tpu.enqueue_indirect_dma source(%arg10 : memref<128x32xf32, #tpu.memory_space<vmem>>) target(%dma_start3A_810 : memref<10000x32xf32, #tpu.memory_space<vmem_shared>>) offsets(%arg8 : memref<128xi32, #tpu.memory_space<vmem>>) semaphore(%run_scoped3A : memref<!tpu.dma_semaphore, #tpu.memory_space<semaphore_mem>>) {add = true}
        %dma_wait3A_811 = arith.constant 0 : i32
        %dma_wait3A_812 = arith.constant 0 : i32
        %dma_wait3A_813 = tpu.memref_slice %arg12[%dma_wait3A_811, %dma_wait3A_812] : memref<10000x32xf32, #tpu.memory_space<vmem_shared>> -> memref<10000x32xf32, #tpu.memory_space<vmem_shared>>
        tpu.wait_indirect_dma semaphore(%run_scoped3A : memref<!tpu.dma_semaphore, #tpu.memory_space<semaphore_mem>>) src(%arg10 : memref<128x32xf32, #tpu.memory_space<vmem>>) dst(%dma_wait3A_813 : memref<10000x32xf32, #tpu.memory_space<vmem_shared>>)
        tpu.yield
      }) : () -> ()
      %dma_wait3A_416 = arith.constant 1536 : i32
      %dma_wait3A_417 = tpu.memref_slice %arg5[%dma_wait3A_416] : memref<1664xi32, #tpu.memory_space<vmem>> -> memref<128xi32, #tpu.memory_space<vmem>>
      %dma_wait3A_418 = arith.constant 0 : i32
      %dma_wait3A_419 = arith.constant 0 : i32
      %dma_wait3A_420 = tpu.memref_slice %arg2[%dma_wait3A_418, %dma_wait3A_419] : memref<10000x32xf32, #tpu.memory_space<hbm>> -> memref<10000x32xf32, #tpu.memory_space<hbm>>
      tpu.wait_indirect_dma semaphore(%arg13 : memref<!tpu.dma_semaphore, #tpu.memory_space<semaphore_mem>>) src(%dma_wait3A_420 : memref<10000x32xf32, #tpu.memory_space<hbm>>) dst(%arg9 : memref<128x32xf32, #tpu.memory_space<vmem>>)
      %add3A_421 = arith.constant 12 : i32
      %add3A_422 = arith.addi %add3A_57, %add3A_421 : i32
      %mul3A_423 = arith.constant 128 : i32
      %mul3A_424 = arith.muli %add3A_422, %mul3A_423 : i32
      %add3A_425 = arith.constant 320000 : i32
      %add3A_426 = arith.addi %add3A_425, %mul3A_424 : i32
      %dma_wait3A_427 = tpu.memref_slice %arg3[%add3A_426] : memref<640000xi32, #tpu.memory_space<hbm>> -> memref<128xi32, #tpu.memory_space<hbm>>
      %dma_wait3A_428 = tpu.memref_slice %arg3[%add3A_426] : memref<640000xi32, #tpu.memory_space<hbm>> -> memref<128xi32, #tpu.memory_space<hbm>>
      tpu.wait_dma2 semaphore(%arg16 : memref<!tpu.dma_semaphore, #tpu.memory_space<semaphore_mem>>) src(%dma_wait3A_428 : memref<128xi32, #tpu.memory_space<hbm>>) dst(%arg7 : memref<128xi32, #tpu.memory_space<vmem>>)
      "tpu.region"() ({
        %run_scoped3A = tpu.sem_alloc : memref<!tpu.dma_semaphore, #tpu.memory_space<semaphore_mem>>
        %dma_start3A_808 = arith.constant 0 : i32
        %dma_start3A_809 = arith.constant 0 : i32
        %dma_start3A_810 = tpu.memref_slice %arg12[%dma_start3A_808, %dma_start3A_809] : memref<10000x32xf32, #tpu.memory_space<vmem_shared>> -> memref<10000x32xf32, #tpu.memory_space<vmem_shared>>
        tpu.enqueue_indirect_dma source(%arg9 : memref<128x32xf32, #tpu.memory_space<vmem>>) target(%dma_start3A_810 : memref<10000x32xf32, #tpu.memory_space<vmem_shared>>) offsets(%arg7 : memref<128xi32, #tpu.memory_space<vmem>>) semaphore(%run_scoped3A : memref<!tpu.dma_semaphore, #tpu.memory_space<semaphore_mem>>) {add = true}
        %dma_wait3A_811 = arith.constant 0 : i32
        %dma_wait3A_812 = arith.constant 0 : i32
        %dma_wait3A_813 = tpu.memref_slice %arg12[%dma_wait3A_811, %dma_wait3A_812] : memref<10000x32xf32, #tpu.memory_space<vmem_shared>> -> memref<10000x32xf32, #tpu.memory_space<vmem_shared>>
        tpu.wait_indirect_dma semaphore(%run_scoped3A : memref<!tpu.dma_semaphore, #tpu.memory_space<semaphore_mem>>) src(%arg9 : memref<128x32xf32, #tpu.memory_space<vmem>>) dst(%dma_wait3A_813 : memref<10000x32xf32, #tpu.memory_space<vmem_shared>>)
        tpu.yield
      }) : () -> ()
      %mul3A_429 = arith.constant 2 : i32
      %mul3A_430 = arith.muli %mul3A_429, %add3A_52 : i32
      %add3A_431 = arith.constant 1 : i32
      %add3A_432 = arith.addi %mul3A_430, %add3A_431 : i32
      %mul3A_433 = arith.constant 13 : i32
      %mul3A_434 = arith.muli %add3A_432, %mul3A_433 : i32
      %add3A_435 = arith.addi %add3A_22, %mul3A_434 : i32
      %mul3A_436 = arith.constant 13 : i32
      %mul3A_437 = arith.muli %add3A_432, %mul3A_436 : i32
      %add3A_438 = arith.addi %add3A_22, %mul3A_437 : i32
      %mul3A_439 = arith.constant 128 : i32
      %mul3A_440 = arith.muli %add3A_438, %mul3A_439 : i32
      %dma_wait3A_441 = tpu.memref_slice %arg3[%mul3A_440] : memref<640000xi32, #tpu.memory_space<hbm>> -> memref<1664xi32, #tpu.memory_space<hbm>>
      %dma_wait3A_442 = tpu.memref_slice %arg3[%mul3A_440] : memref<640000xi32, #tpu.memory_space<hbm>> -> memref<1664xi32, #tpu.memory_space<hbm>>
      tpu.wait_dma2 semaphore(%arg15 : memref<!tpu.dma_semaphore, #tpu.memory_space<semaphore_mem>>) src(%dma_wait3A_442 : memref<1664xi32, #tpu.memory_space<hbm>>) dst(%arg6 : memref<1664xi32, #tpu.memory_space<vmem>>)
      %mul3A_443 = arith.constant 128 : i32
      %mul3A_444 = arith.muli %add3A_435, %mul3A_443 : i32
      %add3A_445 = arith.constant 320000 : i32
      %add3A_446 = arith.addi %add3A_445, %mul3A_444 : i32
      %dma_start3A_447 = tpu.memref_slice %arg3[%add3A_446] : memref<640000xi32, #tpu.memory_space<hbm>> -> memref<128xi32, #tpu.memory_space<hbm>>
      %dma_start3A_448 = tpu.memref_slice %arg3[%add3A_446] : memref<640000xi32, #tpu.memory_space<hbm>> -> memref<128xi32, #tpu.memory_space<hbm>>
      tpu.enqueue_dma source(%dma_start3A_448 : memref<128xi32, #tpu.memory_space<hbm>>) target(%arg7 : memref<128xi32, #tpu.memory_space<vmem>>) target_semaphore(%arg16 : memref<!tpu.dma_semaphore, #tpu.memory_space<semaphore_mem>>)
      %dma_start3A_449 = arith.constant 0 : i32
      %dma_start3A_450 = tpu.memref_slice %arg6[%dma_start3A_449] : memref<1664xi32, #tpu.memory_space<vmem>> -> memref<128xi32, #tpu.memory_space<vmem>>
      %dma_start3A_451 = arith.constant 0 : i32
      %dma_start3A_452 = arith.constant 0 : i32
      %dma_start3A_453 = tpu.memref_slice %arg2[%dma_start3A_451, %dma_start3A_452] : memref<10000x32xf32, #tpu.memory_space<hbm>> -> memref<10000x32xf32, #tpu.memory_space<hbm>>
      tpu.enqueue_indirect_dma source(%dma_start3A_453 : memref<10000x32xf32, #tpu.memory_space<hbm>>) target(%arg9 : memref<128x32xf32, #tpu.memory_space<vmem>>) offsets(%dma_start3A_450 : memref<128xi32, #tpu.memory_space<vmem>>) semaphore(%arg13 : memref<!tpu.dma_semaphore, #tpu.memory_space<semaphore_mem>>)
      %add3A_454 = arith.constant 1 : i32
      %add3A_455 = arith.addi %add3A_435, %add3A_454 : i32
      %mul3A_456 = arith.constant 128 : i32
      %mul3A_457 = arith.muli %add3A_455, %mul3A_456 : i32
      %add3A_458 = arith.constant 320000 : i32
      %add3A_459 = arith.addi %add3A_458, %mul3A_457 : i32
      %dma_start3A_460 = tpu.memref_slice %arg3[%add3A_459] : memref<640000xi32, #tpu.memory_space<hbm>> -> memref<128xi32, #tpu.memory_space<hbm>>
      %dma_start3A_461 = tpu.memref_slice %arg3[%add3A_459] : memref<640000xi32, #tpu.memory_space<hbm>> -> memref<128xi32, #tpu.memory_space<hbm>>
      tpu.enqueue_dma source(%dma_start3A_461 : memref<128xi32, #tpu.memory_space<hbm>>) target(%arg8 : memref<128xi32, #tpu.memory_space<vmem>>) target_semaphore(%arg17 : memref<!tpu.dma_semaphore, #tpu.memory_space<semaphore_mem>>)
      %dma_start3A_462 = arith.constant 128 : i32
      %dma_start3A_463 = tpu.memref_slice %arg6[%dma_start3A_462] : memref<1664xi32, #tpu.memory_space<vmem>> -> memref<128xi32, #tpu.memory_space<vmem>>
      %dma_start3A_464 = arith.constant 0 : i32
      %dma_start3A_465 = arith.constant 0 : i32
      %dma_start3A_466 = tpu.memref_slice %arg2[%dma_start3A_464, %dma_start3A_465] : memref<10000x32xf32, #tpu.memory_space<hbm>> -> memref<10000x32xf32, #tpu.memory_space<hbm>>
      tpu.enqueue_indirect_dma source(%dma_start3A_466 : memref<10000x32xf32, #tpu.memory_space<hbm>>) target(%arg10 : memref<128x32xf32, #tpu.memory_space<vmem>>) offsets(%dma_start3A_463 : memref<128xi32, #tpu.memory_space<vmem>>) semaphore(%arg14 : memref<!tpu.dma_semaphore, #tpu.memory_space<semaphore_mem>>)
      %add3A_467 = arith.constant 1 : i32
      %add3A_468 = arith.addi %add3A_432, %add3A_467 : i32
      %lt3A_469 = arith.constant 6 : i32
      %lt3A_470 = arith.cmpi slt, %add3A_468, %lt3A_469 : i32
      %convert_element_type3A_471 = arith.extui %lt3A_470 : i1 to i32
      %cond3A_472 = arith.constant 0 : i32
      %cond3A_473 = arith.cmpi ne, %convert_element_type3A_471, %cond3A_472 : i32
      scf.if %cond3A_473 {
        %add3A_808 = arith.constant 1 : i32
        %add3A_809 = arith.addi %add3A_432, %add3A_808 : i32
        %mul3A_810 = arith.constant 13 : i32
        %mul3A_811 = arith.muli %add3A_809, %mul3A_810 : i32
        %add3A_812 = arith.addi %add3A_22, %mul3A_811 : i32
        %mul3A_813 = arith.constant 128 : i32
        %mul3A_814 = arith.muli %add3A_812, %mul3A_813 : i32
        %dma_start3A_815 = tpu.memref_slice %arg3[%mul3A_814] : memref<640000xi32, #tpu.memory_space<hbm>> -> memref<1664xi32, #tpu.memory_space<hbm>>
        %dma_start3A_816 = tpu.memref_slice %arg3[%mul3A_814] : memref<640000xi32, #tpu.memory_space<hbm>> -> memref<1664xi32, #tpu.memory_space<hbm>>
        tpu.enqueue_dma source(%dma_start3A_816 : memref<1664xi32, #tpu.memory_space<hbm>>) target(%arg5 : memref<1664xi32, #tpu.memory_space<vmem>>) target_semaphore(%arg15 : memref<!tpu.dma_semaphore, #tpu.memory_space<semaphore_mem>>)
      } else {
      }
      %dma_wait3A_474 = arith.constant 0 : i32
      %dma_wait3A_475 = tpu.memref_slice %arg6[%dma_wait3A_474] : memref<1664xi32, #tpu.memory_space<vmem>> -> memref<128xi32, #tpu.memory_space<vmem>>
      %dma_wait3A_476 = arith.constant 0 : i32
      %dma_wait3A_477 = arith.constant 0 : i32
      %dma_wait3A_478 = tpu.memref_slice %arg2[%dma_wait3A_476, %dma_wait3A_477] : memref<10000x32xf32, #tpu.memory_space<hbm>> -> memref<10000x32xf32, #tpu.memory_space<hbm>>
      tpu.wait_indirect_dma semaphore(%arg13 : memref<!tpu.dma_semaphore, #tpu.memory_space<semaphore_mem>>) src(%dma_wait3A_478 : memref<10000x32xf32, #tpu.memory_space<hbm>>) dst(%arg9 : memref<128x32xf32, #tpu.memory_space<vmem>>)
      %add3A_479 = arith.constant 0 : i32
      %add3A_480 = arith.addi %add3A_435, %add3A_479 : i32
      %mul3A_481 = arith.constant 128 : i32
      %mul3A_482 = arith.muli %add3A_480, %mul3A_481 : i32
      %add3A_483 = arith.constant 320000 : i32
      %add3A_484 = arith.addi %add3A_483, %mul3A_482 : i32
      %dma_wait3A_485 = tpu.memref_slice %arg3[%add3A_484] : memref<640000xi32, #tpu.memory_space<hbm>> -> memref<128xi32, #tpu.memory_space<hbm>>
      %dma_wait3A_486 = tpu.memref_slice %arg3[%add3A_484] : memref<640000xi32, #tpu.memory_space<hbm>> -> memref<128xi32, #tpu.memory_space<hbm>>
      tpu.wait_dma2 semaphore(%arg16 : memref<!tpu.dma_semaphore, #tpu.memory_space<semaphore_mem>>) src(%dma_wait3A_486 : memref<128xi32, #tpu.memory_space<hbm>>) dst(%arg7 : memref<128xi32, #tpu.memory_space<vmem>>)
      "tpu.region"() ({
        %run_scoped3A = tpu.sem_alloc : memref<!tpu.dma_semaphore, #tpu.memory_space<semaphore_mem>>
        %dma_start3A_808 = arith.constant 0 : i32
        %dma_start3A_809 = arith.constant 0 : i32
        %dma_start3A_810 = tpu.memref_slice %arg12[%dma_start3A_808, %dma_start3A_809] : memref<10000x32xf32, #tpu.memory_space<vmem_shared>> -> memref<10000x32xf32, #tpu.memory_space<vmem_shared>>
        tpu.enqueue_indirect_dma source(%arg9 : memref<128x32xf32, #tpu.memory_space<vmem>>) target(%dma_start3A_810 : memref<10000x32xf32, #tpu.memory_space<vmem_shared>>) offsets(%arg7 : memref<128xi32, #tpu.memory_space<vmem>>) semaphore(%run_scoped3A : memref<!tpu.dma_semaphore, #tpu.memory_space<semaphore_mem>>) {add = true}
        %dma_wait3A_811 = arith.constant 0 : i32
        %dma_wait3A_812 = arith.constant 0 : i32
        %dma_wait3A_813 = tpu.memref_slice %arg12[%dma_wait3A_811, %dma_wait3A_812] : memref<10000x32xf32, #tpu.memory_space<vmem_shared>> -> memref<10000x32xf32, #tpu.memory_space<vmem_shared>>
        tpu.wait_indirect_dma semaphore(%run_scoped3A : memref<!tpu.dma_semaphore, #tpu.memory_space<semaphore_mem>>) src(%arg9 : memref<128x32xf32, #tpu.memory_space<vmem>>) dst(%dma_wait3A_813 : memref<10000x32xf32, #tpu.memory_space<vmem_shared>>)
        tpu.yield
      }) : () -> ()
      %add3A_487 = arith.constant 0 : i32
      %add3A_488 = arith.addi %add3A_435, %add3A_487 : i32
      %add3A_489 = arith.constant 2 : i32
      %add3A_490 = arith.addi %add3A_488, %add3A_489 : i32
      %mul3A_491 = arith.constant 128 : i32
      %mul3A_492 = arith.muli %add3A_490, %mul3A_491 : i32
      %add3A_493 = arith.constant 320000 : i32
      %add3A_494 = arith.addi %add3A_493, %mul3A_492 : i32
      %dma_start3A_495 = tpu.memref_slice %arg3[%add3A_494] : memref<640000xi32, #tpu.memory_space<hbm>> -> memref<128xi32, #tpu.memory_space<hbm>>
      %dma_start3A_496 = tpu.memref_slice %arg3[%add3A_494] : memref<640000xi32, #tpu.memory_space<hbm>> -> memref<128xi32, #tpu.memory_space<hbm>>
      tpu.enqueue_dma source(%dma_start3A_496 : memref<128xi32, #tpu.memory_space<hbm>>) target(%arg7 : memref<128xi32, #tpu.memory_space<vmem>>) target_semaphore(%arg16 : memref<!tpu.dma_semaphore, #tpu.memory_space<semaphore_mem>>)
      %dma_start3A_497 = arith.constant 256 : i32
      %dma_start3A_498 = tpu.memref_slice %arg6[%dma_start3A_497] : memref<1664xi32, #tpu.memory_space<vmem>> -> memref<128xi32, #tpu.memory_space<vmem>>
      %dma_start3A_499 = arith.constant 0 : i32
      %dma_start3A_500 = arith.constant 0 : i32
      %dma_start3A_501 = tpu.memref_slice %arg2[%dma_start3A_499, %dma_start3A_500] : memref<10000x32xf32, #tpu.memory_space<hbm>> -> memref<10000x32xf32, #tpu.memory_space<hbm>>
      tpu.enqueue_indirect_dma source(%dma_start3A_501 : memref<10000x32xf32, #tpu.memory_space<hbm>>) target(%arg9 : memref<128x32xf32, #tpu.memory_space<vmem>>) offsets(%dma_start3A_498 : memref<128xi32, #tpu.memory_space<vmem>>) semaphore(%arg13 : memref<!tpu.dma_semaphore, #tpu.memory_space<semaphore_mem>>)
      %dma_wait3A_502 = arith.constant 128 : i32
      %dma_wait3A_503 = tpu.memref_slice %arg6[%dma_wait3A_502] : memref<1664xi32, #tpu.memory_space<vmem>> -> memref<128xi32, #tpu.memory_space<vmem>>
      %dma_wait3A_504 = arith.constant 0 : i32
      %dma_wait3A_505 = arith.constant 0 : i32
      %dma_wait3A_506 = tpu.memref_slice %arg2[%dma_wait3A_504, %dma_wait3A_505] : memref<10000x32xf32, #tpu.memory_space<hbm>> -> memref<10000x32xf32, #tpu.memory_space<hbm>>
      tpu.wait_indirect_dma semaphore(%arg14 : memref<!tpu.dma_semaphore, #tpu.memory_space<semaphore_mem>>) src(%dma_wait3A_506 : memref<10000x32xf32, #tpu.memory_space<hbm>>) dst(%arg10 : memref<128x32xf32, #tpu.memory_space<vmem>>)
      %add3A_507 = arith.constant 1 : i32
      %add3A_508 = arith.addi %add3A_435, %add3A_507 : i32
      %mul3A_509 = arith.constant 128 : i32
      %mul3A_510 = arith.muli %add3A_508, %mul3A_509 : i32
      %add3A_511 = arith.constant 320000 : i32
      %add3A_512 = arith.addi %add3A_511, %mul3A_510 : i32
      %dma_wait3A_513 = tpu.memref_slice %arg3[%add3A_512] : memref<640000xi32, #tpu.memory_space<hbm>> -> memref<128xi32, #tpu.memory_space<hbm>>
      %dma_wait3A_514 = tpu.memref_slice %arg3[%add3A_512] : memref<640000xi32, #tpu.memory_space<hbm>> -> memref<128xi32, #tpu.memory_space<hbm>>
      tpu.wait_dma2 semaphore(%arg17 : memref<!tpu.dma_semaphore, #tpu.memory_space<semaphore_mem>>) src(%dma_wait3A_514 : memref<128xi32, #tpu.memory_space<hbm>>) dst(%arg8 : memref<128xi32, #tpu.memory_space<vmem>>)
      "tpu.region"() ({
        %run_scoped3A = tpu.sem_alloc : memref<!tpu.dma_semaphore, #tpu.memory_space<semaphore_mem>>
        %dma_start3A_808 = arith.constant 0 : i32
        %dma_start3A_809 = arith.constant 0 : i32
        %dma_start3A_810 = tpu.memref_slice %arg12[%dma_start3A_808, %dma_start3A_809] : memref<10000x32xf32, #tpu.memory_space<vmem_shared>> -> memref<10000x32xf32, #tpu.memory_space<vmem_shared>>
        tpu.enqueue_indirect_dma source(%arg10 : memref<128x32xf32, #tpu.memory_space<vmem>>) target(%dma_start3A_810 : memref<10000x32xf32, #tpu.memory_space<vmem_shared>>) offsets(%arg8 : memref<128xi32, #tpu.memory_space<vmem>>) semaphore(%run_scoped3A : memref<!tpu.dma_semaphore, #tpu.memory_space<semaphore_mem>>) {add = true}
        %dma_wait3A_811 = arith.constant 0 : i32
        %dma_wait3A_812 = arith.constant 0 : i32
        %dma_wait3A_813 = tpu.memref_slice %arg12[%dma_wait3A_811, %dma_wait3A_812] : memref<10000x32xf32, #tpu.memory_space<vmem_shared>> -> memref<10000x32xf32, #tpu.memory_space<vmem_shared>>
        tpu.wait_indirect_dma semaphore(%run_scoped3A : memref<!tpu.dma_semaphore, #tpu.memory_space<semaphore_mem>>) src(%arg10 : memref<128x32xf32, #tpu.memory_space<vmem>>) dst(%dma_wait3A_813 : memref<10000x32xf32, #tpu.memory_space<vmem_shared>>)
        tpu.yield
      }) : () -> ()
      %add3A_515 = arith.constant 1 : i32
      %add3A_516 = arith.addi %add3A_435, %add3A_515 : i32
      %add3A_517 = arith.constant 2 : i32
      %add3A_518 = arith.addi %add3A_516, %add3A_517 : i32
      %mul3A_519 = arith.constant 128 : i32
      %mul3A_520 = arith.muli %add3A_518, %mul3A_519 : i32
      %add3A_521 = arith.constant 320000 : i32
      %add3A_522 = arith.addi %add3A_521, %mul3A_520 : i32
      %dma_start3A_523 = tpu.memref_slice %arg3[%add3A_522] : memref<640000xi32, #tpu.memory_space<hbm>> -> memref<128xi32, #tpu.memory_space<hbm>>
      %dma_start3A_524 = tpu.memref_slice %arg3[%add3A_522] : memref<640000xi32, #tpu.memory_space<hbm>> -> memref<128xi32, #tpu.memory_space<hbm>>
      tpu.enqueue_dma source(%dma_start3A_524 : memref<128xi32, #tpu.memory_space<hbm>>) target(%arg8 : memref<128xi32, #tpu.memory_space<vmem>>) target_semaphore(%arg17 : memref<!tpu.dma_semaphore, #tpu.memory_space<semaphore_mem>>)
      %dma_start3A_525 = arith.constant 384 : i32
      %dma_start3A_526 = tpu.memref_slice %arg6[%dma_start3A_525] : memref<1664xi32, #tpu.memory_space<vmem>> -> memref<128xi32, #tpu.memory_space<vmem>>
      %dma_start3A_527 = arith.constant 0 : i32
      %dma_start3A_528 = arith.constant 0 : i32
      %dma_start3A_529 = tpu.memref_slice %arg2[%dma_start3A_527, %dma_start3A_528] : memref<10000x32xf32, #tpu.memory_space<hbm>> -> memref<10000x32xf32, #tpu.memory_space<hbm>>
      tpu.enqueue_indirect_dma source(%dma_start3A_529 : memref<10000x32xf32, #tpu.memory_space<hbm>>) target(%arg10 : memref<128x32xf32, #tpu.memory_space<vmem>>) offsets(%dma_start3A_526 : memref<128xi32, #tpu.memory_space<vmem>>) semaphore(%arg14 : memref<!tpu.dma_semaphore, #tpu.memory_space<semaphore_mem>>)
      %dma_wait3A_530 = arith.constant 256 : i32
      %dma_wait3A_531 = tpu.memref_slice %arg6[%dma_wait3A_530] : memref<1664xi32, #tpu.memory_space<vmem>> -> memref<128xi32, #tpu.memory_space<vmem>>
      %dma_wait3A_532 = arith.constant 0 : i32
      %dma_wait3A_533 = arith.constant 0 : i32
      %dma_wait3A_534 = tpu.memref_slice %arg2[%dma_wait3A_532, %dma_wait3A_533] : memref<10000x32xf32, #tpu.memory_space<hbm>> -> memref<10000x32xf32, #tpu.memory_space<hbm>>
      tpu.wait_indirect_dma semaphore(%arg13 : memref<!tpu.dma_semaphore, #tpu.memory_space<semaphore_mem>>) src(%dma_wait3A_534 : memref<10000x32xf32, #tpu.memory_space<hbm>>) dst(%arg9 : memref<128x32xf32, #tpu.memory_space<vmem>>)
      %add3A_535 = arith.constant 2 : i32
      %add3A_536 = arith.addi %add3A_435, %add3A_535 : i32
      %mul3A_537 = arith.constant 128 : i32
      %mul3A_538 = arith.muli %add3A_536, %mul3A_537 : i32
      %add3A_539 = arith.constant 320000 : i32
      %add3A_540 = arith.addi %add3A_539, %mul3A_538 : i32
      %dma_wait3A_541 = tpu.memref_slice %arg3[%add3A_540] : memref<640000xi32, #tpu.memory_space<hbm>> -> memref<128xi32, #tpu.memory_space<hbm>>
      %dma_wait3A_542 = tpu.memref_slice %arg3[%add3A_540] : memref<640000xi32, #tpu.memory_space<hbm>> -> memref<128xi32, #tpu.memory_space<hbm>>
      tpu.wait_dma2 semaphore(%arg16 : memref<!tpu.dma_semaphore, #tpu.memory_space<semaphore_mem>>) src(%dma_wait3A_542 : memref<128xi32, #tpu.memory_space<hbm>>) dst(%arg7 : memref<128xi32, #tpu.memory_space<vmem>>)
      "tpu.region"() ({
        %run_scoped3A = tpu.sem_alloc : memref<!tpu.dma_semaphore, #tpu.memory_space<semaphore_mem>>
        %dma_start3A_808 = arith.constant 0 : i32
        %dma_start3A_809 = arith.constant 0 : i32
        %dma_start3A_810 = tpu.memref_slice %arg12[%dma_start3A_808, %dma_start3A_809] : memref<10000x32xf32, #tpu.memory_space<vmem_shared>> -> memref<10000x32xf32, #tpu.memory_space<vmem_shared>>
        tpu.enqueue_indirect_dma source(%arg9 : memref<128x32xf32, #tpu.memory_space<vmem>>) target(%dma_start3A_810 : memref<10000x32xf32, #tpu.memory_space<vmem_shared>>) offsets(%arg7 : memref<128xi32, #tpu.memory_space<vmem>>) semaphore(%run_scoped3A : memref<!tpu.dma_semaphore, #tpu.memory_space<semaphore_mem>>) {add = true}
        %dma_wait3A_811 = arith.constant 0 : i32
        %dma_wait3A_812 = arith.constant 0 : i32
        %dma_wait3A_813 = tpu.memref_slice %arg12[%dma_wait3A_811, %dma_wait3A_812] : memref<10000x32xf32, #tpu.memory_space<vmem_shared>> -> memref<10000x32xf32, #tpu.memory_space<vmem_shared>>
        tpu.wait_indirect_dma semaphore(%run_scoped3A : memref<!tpu.dma_semaphore, #tpu.memory_space<semaphore_mem>>) src(%arg9 : memref<128x32xf32, #tpu.memory_space<vmem>>) dst(%dma_wait3A_813 : memref<10000x32xf32, #tpu.memory_space<vmem_shared>>)
        tpu.yield
      }) : () -> ()
      %add3A_543 = arith.constant 2 : i32
      %add3A_544 = arith.addi %add3A_435, %add3A_543 : i32
      %add3A_545 = arith.constant 2 : i32
      %add3A_546 = arith.addi %add3A_544, %add3A_545 : i32
      %mul3A_547 = arith.constant 128 : i32
      %mul3A_548 = arith.muli %add3A_546, %mul3A_547 : i32
      %add3A_549 = arith.constant 320000 : i32
      %add3A_550 = arith.addi %add3A_549, %mul3A_548 : i32
      %dma_start3A_551 = tpu.memref_slice %arg3[%add3A_550] : memref<640000xi32, #tpu.memory_space<hbm>> -> memref<128xi32, #tpu.memory_space<hbm>>
      %dma_start3A_552 = tpu.memref_slice %arg3[%add3A_550] : memref<640000xi32, #tpu.memory_space<hbm>> -> memref<128xi32, #tpu.memory_space<hbm>>
      tpu.enqueue_dma source(%dma_start3A_552 : memref<128xi32, #tpu.memory_space<hbm>>) target(%arg7 : memref<128xi32, #tpu.memory_space<vmem>>) target_semaphore(%arg16 : memref<!tpu.dma_semaphore, #tpu.memory_space<semaphore_mem>>)
      %dma_start3A_553 = arith.constant 512 : i32
      %dma_start3A_554 = tpu.memref_slice %arg6[%dma_start3A_553] : memref<1664xi32, #tpu.memory_space<vmem>> -> memref<128xi32, #tpu.memory_space<vmem>>
      %dma_start3A_555 = arith.constant 0 : i32
      %dma_start3A_556 = arith.constant 0 : i32
      %dma_start3A_557 = tpu.memref_slice %arg2[%dma_start3A_555, %dma_start3A_556] : memref<10000x32xf32, #tpu.memory_space<hbm>> -> memref<10000x32xf32, #tpu.memory_space<hbm>>
      tpu.enqueue_indirect_dma source(%dma_start3A_557 : memref<10000x32xf32, #tpu.memory_space<hbm>>) target(%arg9 : memref<128x32xf32, #tpu.memory_space<vmem>>) offsets(%dma_start3A_554 : memref<128xi32, #tpu.memory_space<vmem>>) semaphore(%arg13 : memref<!tpu.dma_semaphore, #tpu.memory_space<semaphore_mem>>)
      %dma_wait3A_558 = arith.constant 384 : i32
      %dma_wait3A_559 = tpu.memref_slice %arg6[%dma_wait3A_558] : memref<1664xi32, #tpu.memory_space<vmem>> -> memref<128xi32, #tpu.memory_space<vmem>>
      %dma_wait3A_560 = arith.constant 0 : i32
      %dma_wait3A_561 = arith.constant 0 : i32
      %dma_wait3A_562 = tpu.memref_slice %arg2[%dma_wait3A_560, %dma_wait3A_561] : memref<10000x32xf32, #tpu.memory_space<hbm>> -> memref<10000x32xf32, #tpu.memory_space<hbm>>
      tpu.wait_indirect_dma semaphore(%arg14 : memref<!tpu.dma_semaphore, #tpu.memory_space<semaphore_mem>>) src(%dma_wait3A_562 : memref<10000x32xf32, #tpu.memory_space<hbm>>) dst(%arg10 : memref<128x32xf32, #tpu.memory_space<vmem>>)
      %add3A_563 = arith.constant 3 : i32
      %add3A_564 = arith.addi %add3A_435, %add3A_563 : i32
      %mul3A_565 = arith.constant 128 : i32
      %mul3A_566 = arith.muli %add3A_564, %mul3A_565 : i32
      %add3A_567 = arith.constant 320000 : i32
      %add3A_568 = arith.addi %add3A_567, %mul3A_566 : i32
      %dma_wait3A_569 = tpu.memref_slice %arg3[%add3A_568] : memref<640000xi32, #tpu.memory_space<hbm>> -> memref<128xi32, #tpu.memory_space<hbm>>
      %dma_wait3A_570 = tpu.memref_slice %arg3[%add3A_568] : memref<640000xi32, #tpu.memory_space<hbm>> -> memref<128xi32, #tpu.memory_space<hbm>>
      tpu.wait_dma2 semaphore(%arg17 : memref<!tpu.dma_semaphore, #tpu.memory_space<semaphore_mem>>) src(%dma_wait3A_570 : memref<128xi32, #tpu.memory_space<hbm>>) dst(%arg8 : memref<128xi32, #tpu.memory_space<vmem>>)
      "tpu.region"() ({
        %run_scoped3A = tpu.sem_alloc : memref<!tpu.dma_semaphore, #tpu.memory_space<semaphore_mem>>
        %dma_start3A_808 = arith.constant 0 : i32
        %dma_start3A_809 = arith.constant 0 : i32
        %dma_start3A_810 = tpu.memref_slice %arg12[%dma_start3A_808, %dma_start3A_809] : memref<10000x32xf32, #tpu.memory_space<vmem_shared>> -> memref<10000x32xf32, #tpu.memory_space<vmem_shared>>
        tpu.enqueue_indirect_dma source(%arg10 : memref<128x32xf32, #tpu.memory_space<vmem>>) target(%dma_start3A_810 : memref<10000x32xf32, #tpu.memory_space<vmem_shared>>) offsets(%arg8 : memref<128xi32, #tpu.memory_space<vmem>>) semaphore(%run_scoped3A : memref<!tpu.dma_semaphore, #tpu.memory_space<semaphore_mem>>) {add = true}
        %dma_wait3A_811 = arith.constant 0 : i32
        %dma_wait3A_812 = arith.constant 0 : i32
        %dma_wait3A_813 = tpu.memref_slice %arg12[%dma_wait3A_811, %dma_wait3A_812] : memref<10000x32xf32, #tpu.memory_space<vmem_shared>> -> memref<10000x32xf32, #tpu.memory_space<vmem_shared>>
        tpu.wait_indirect_dma semaphore(%run_scoped3A : memref<!tpu.dma_semaphore, #tpu.memory_space<semaphore_mem>>) src(%arg10 : memref<128x32xf32, #tpu.memory_space<vmem>>) dst(%dma_wait3A_813 : memref<10000x32xf32, #tpu.memory_space<vmem_shared>>)
        tpu.yield
      }) : () -> ()
      %add3A_571 = arith.constant 3 : i32
      %add3A_572 = arith.addi %add3A_435, %add3A_571 : i32
      %add3A_573 = arith.constant 2 : i32
      %add3A_574 = arith.addi %add3A_572, %add3A_573 : i32
      %mul3A_575 = arith.constant 128 : i32
      %mul3A_576 = arith.muli %add3A_574, %mul3A_575 : i32
      %add3A_577 = arith.constant 320000 : i32
      %add3A_578 = arith.addi %add3A_577, %mul3A_576 : i32
      %dma_start3A_579 = tpu.memref_slice %arg3[%add3A_578] : memref<640000xi32, #tpu.memory_space<hbm>> -> memref<128xi32, #tpu.memory_space<hbm>>
      %dma_start3A_580 = tpu.memref_slice %arg3[%add3A_578] : memref<640000xi32, #tpu.memory_space<hbm>> -> memref<128xi32, #tpu.memory_space<hbm>>
      tpu.enqueue_dma source(%dma_start3A_580 : memref<128xi32, #tpu.memory_space<hbm>>) target(%arg8 : memref<128xi32, #tpu.memory_space<vmem>>) target_semaphore(%arg17 : memref<!tpu.dma_semaphore, #tpu.memory_space<semaphore_mem>>)
      %dma_start3A_581 = arith.constant 640 : i32
      %dma_start3A_582 = tpu.memref_slice %arg6[%dma_start3A_581] : memref<1664xi32, #tpu.memory_space<vmem>> -> memref<128xi32, #tpu.memory_space<vmem>>
      %dma_start3A_583 = arith.constant 0 : i32
      %dma_start3A_584 = arith.constant 0 : i32
      %dma_start3A_585 = tpu.memref_slice %arg2[%dma_start3A_583, %dma_start3A_584] : memref<10000x32xf32, #tpu.memory_space<hbm>> -> memref<10000x32xf32, #tpu.memory_space<hbm>>
      tpu.enqueue_indirect_dma source(%dma_start3A_585 : memref<10000x32xf32, #tpu.memory_space<hbm>>) target(%arg10 : memref<128x32xf32, #tpu.memory_space<vmem>>) offsets(%dma_start3A_582 : memref<128xi32, #tpu.memory_space<vmem>>) semaphore(%arg14 : memref<!tpu.dma_semaphore, #tpu.memory_space<semaphore_mem>>)
      %dma_wait3A_586 = arith.constant 512 : i32
      %dma_wait3A_587 = tpu.memref_slice %arg6[%dma_wait3A_586] : memref<1664xi32, #tpu.memory_space<vmem>> -> memref<128xi32, #tpu.memory_space<vmem>>
      %dma_wait3A_588 = arith.constant 0 : i32
      %dma_wait3A_589 = arith.constant 0 : i32
      %dma_wait3A_590 = tpu.memref_slice %arg2[%dma_wait3A_588, %dma_wait3A_589] : memref<10000x32xf32, #tpu.memory_space<hbm>> -> memref<10000x32xf32, #tpu.memory_space<hbm>>
      tpu.wait_indirect_dma semaphore(%arg13 : memref<!tpu.dma_semaphore, #tpu.memory_space<semaphore_mem>>) src(%dma_wait3A_590 : memref<10000x32xf32, #tpu.memory_space<hbm>>) dst(%arg9 : memref<128x32xf32, #tpu.memory_space<vmem>>)
      %add3A_591 = arith.constant 4 : i32
      %add3A_592 = arith.addi %add3A_435, %add3A_591 : i32
      %mul3A_593 = arith.constant 128 : i32
      %mul3A_594 = arith.muli %add3A_592, %mul3A_593 : i32
      %add3A_595 = arith.constant 320000 : i32
      %add3A_596 = arith.addi %add3A_595, %mul3A_594 : i32
      %dma_wait3A_597 = tpu.memref_slice %arg3[%add3A_596] : memref<640000xi32, #tpu.memory_space<hbm>> -> memref<128xi32, #tpu.memory_space<hbm>>
      %dma_wait3A_598 = tpu.memref_slice %arg3[%add3A_596] : memref<640000xi32, #tpu.memory_space<hbm>> -> memref<128xi32, #tpu.memory_space<hbm>>
      tpu.wait_dma2 semaphore(%arg16 : memref<!tpu.dma_semaphore, #tpu.memory_space<semaphore_mem>>) src(%dma_wait3A_598 : memref<128xi32, #tpu.memory_space<hbm>>) dst(%arg7 : memref<128xi32, #tpu.memory_space<vmem>>)
      "tpu.region"() ({
        %run_scoped3A = tpu.sem_alloc : memref<!tpu.dma_semaphore, #tpu.memory_space<semaphore_mem>>
        %dma_start3A_808 = arith.constant 0 : i32
        %dma_start3A_809 = arith.constant 0 : i32
        %dma_start3A_810 = tpu.memref_slice %arg12[%dma_start3A_808, %dma_start3A_809] : memref<10000x32xf32, #tpu.memory_space<vmem_shared>> -> memref<10000x32xf32, #tpu.memory_space<vmem_shared>>
        tpu.enqueue_indirect_dma source(%arg9 : memref<128x32xf32, #tpu.memory_space<vmem>>) target(%dma_start3A_810 : memref<10000x32xf32, #tpu.memory_space<vmem_shared>>) offsets(%arg7 : memref<128xi32, #tpu.memory_space<vmem>>) semaphore(%run_scoped3A : memref<!tpu.dma_semaphore, #tpu.memory_space<semaphore_mem>>) {add = true}
        %dma_wait3A_811 = arith.constant 0 : i32
        %dma_wait3A_812 = arith.constant 0 : i32
        %dma_wait3A_813 = tpu.memref_slice %arg12[%dma_wait3A_811, %dma_wait3A_812] : memref<10000x32xf32, #tpu.memory_space<vmem_shared>> -> memref<10000x32xf32, #tpu.memory_space<vmem_shared>>
        tpu.wait_indirect_dma semaphore(%run_scoped3A : memref<!tpu.dma_semaphore, #tpu.memory_space<semaphore_mem>>) src(%arg9 : memref<128x32xf32, #tpu.memory_space<vmem>>) dst(%dma_wait3A_813 : memref<10000x32xf32, #tpu.memory_space<vmem_shared>>)
        tpu.yield
      }) : () -> ()
      %add3A_599 = arith.constant 4 : i32
      %add3A_600 = arith.addi %add3A_435, %add3A_599 : i32
      %add3A_601 = arith.constant 2 : i32
      %add3A_602 = arith.addi %add3A_600, %add3A_601 : i32
      %mul3A_603 = arith.constant 128 : i32
      %mul3A_604 = arith.muli %add3A_602, %mul3A_603 : i32
      %add3A_605 = arith.constant 320000 : i32
      %add3A_606 = arith.addi %add3A_605, %mul3A_604 : i32
      %dma_start3A_607 = tpu.memref_slice %arg3[%add3A_606] : memref<640000xi32, #tpu.memory_space<hbm>> -> memref<128xi32, #tpu.memory_space<hbm>>
      %dma_start3A_608 = tpu.memref_slice %arg3[%add3A_606] : memref<640000xi32, #tpu.memory_space<hbm>> -> memref<128xi32, #tpu.memory_space<hbm>>
      tpu.enqueue_dma source(%dma_start3A_608 : memref<128xi32, #tpu.memory_space<hbm>>) target(%arg7 : memref<128xi32, #tpu.memory_space<vmem>>) target_semaphore(%arg16 : memref<!tpu.dma_semaphore, #tpu.memory_space<semaphore_mem>>)
      %dma_start3A_609 = arith.constant 768 : i32
      %dma_start3A_610 = tpu.memref_slice %arg6[%dma_start3A_609] : memref<1664xi32, #tpu.memory_space<vmem>> -> memref<128xi32, #tpu.memory_space<vmem>>
      %dma_start3A_611 = arith.constant 0 : i32
      %dma_start3A_612 = arith.constant 0 : i32
      %dma_start3A_613 = tpu.memref_slice %arg2[%dma_start3A_611, %dma_start3A_612] : memref<10000x32xf32, #tpu.memory_space<hbm>> -> memref<10000x32xf32, #tpu.memory_space<hbm>>
      tpu.enqueue_indirect_dma source(%dma_start3A_613 : memref<10000x32xf32, #tpu.memory_space<hbm>>) target(%arg9 : memref<128x32xf32, #tpu.memory_space<vmem>>) offsets(%dma_start3A_610 : memref<128xi32, #tpu.memory_space<vmem>>) semaphore(%arg13 : memref<!tpu.dma_semaphore, #tpu.memory_space<semaphore_mem>>)
      %dma_wait3A_614 = arith.constant 640 : i32
      %dma_wait3A_615 = tpu.memref_slice %arg6[%dma_wait3A_614] : memref<1664xi32, #tpu.memory_space<vmem>> -> memref<128xi32, #tpu.memory_space<vmem>>
      %dma_wait3A_616 = arith.constant 0 : i32
      %dma_wait3A_617 = arith.constant 0 : i32
      %dma_wait3A_618 = tpu.memref_slice %arg2[%dma_wait3A_616, %dma_wait3A_617] : memref<10000x32xf32, #tpu.memory_space<hbm>> -> memref<10000x32xf32, #tpu.memory_space<hbm>>
      tpu.wait_indirect_dma semaphore(%arg14 : memref<!tpu.dma_semaphore, #tpu.memory_space<semaphore_mem>>) src(%dma_wait3A_618 : memref<10000x32xf32, #tpu.memory_space<hbm>>) dst(%arg10 : memref<128x32xf32, #tpu.memory_space<vmem>>)
      %add3A_619 = arith.constant 5 : i32
      %add3A_620 = arith.addi %add3A_435, %add3A_619 : i32
      %mul3A_621 = arith.constant 128 : i32
      %mul3A_622 = arith.muli %add3A_620, %mul3A_621 : i32
      %add3A_623 = arith.constant 320000 : i32
      %add3A_624 = arith.addi %add3A_623, %mul3A_622 : i32
      %dma_wait3A_625 = tpu.memref_slice %arg3[%add3A_624] : memref<640000xi32, #tpu.memory_space<hbm>> -> memref<128xi32, #tpu.memory_space<hbm>>
      %dma_wait3A_626 = tpu.memref_slice %arg3[%add3A_624] : memref<640000xi32, #tpu.memory_space<hbm>> -> memref<128xi32, #tpu.memory_space<hbm>>
      tpu.wait_dma2 semaphore(%arg17 : memref<!tpu.dma_semaphore, #tpu.memory_space<semaphore_mem>>) src(%dma_wait3A_626 : memref<128xi32, #tpu.memory_space<hbm>>) dst(%arg8 : memref<128xi32, #tpu.memory_space<vmem>>)
      "tpu.region"() ({
        %run_scoped3A = tpu.sem_alloc : memref<!tpu.dma_semaphore, #tpu.memory_space<semaphore_mem>>
        %dma_start3A_808 = arith.constant 0 : i32
        %dma_start3A_809 = arith.constant 0 : i32
        %dma_start3A_810 = tpu.memref_slice %arg12[%dma_start3A_808, %dma_start3A_809] : memref<10000x32xf32, #tpu.memory_space<vmem_shared>> -> memref<10000x32xf32, #tpu.memory_space<vmem_shared>>
        tpu.enqueue_indirect_dma source(%arg10 : memref<128x32xf32, #tpu.memory_space<vmem>>) target(%dma_start3A_810 : memref<10000x32xf32, #tpu.memory_space<vmem_shared>>) offsets(%arg8 : memref<128xi32, #tpu.memory_space<vmem>>) semaphore(%run_scoped3A : memref<!tpu.dma_semaphore, #tpu.memory_space<semaphore_mem>>) {add = true}
        %dma_wait3A_811 = arith.constant 0 : i32
        %dma_wait3A_812 = arith.constant 0 : i32
        %dma_wait3A_813 = tpu.memref_slice %arg12[%dma_wait3A_811, %dma_wait3A_812] : memref<10000x32xf32, #tpu.memory_space<vmem_shared>> -> memref<10000x32xf32, #tpu.memory_space<vmem_shared>>
        tpu.wait_indirect_dma semaphore(%run_scoped3A : memref<!tpu.dma_semaphore, #tpu.memory_space<semaphore_mem>>) src(%arg10 : memref<128x32xf32, #tpu.memory_space<vmem>>) dst(%dma_wait3A_813 : memref<10000x32xf32, #tpu.memory_space<vmem_shared>>)
        tpu.yield
      }) : () -> ()
      %add3A_627 = arith.constant 5 : i32
      %add3A_628 = arith.addi %add3A_435, %add3A_627 : i32
      %add3A_629 = arith.constant 2 : i32
      %add3A_630 = arith.addi %add3A_628, %add3A_629 : i32
      %mul3A_631 = arith.constant 128 : i32
      %mul3A_632 = arith.muli %add3A_630, %mul3A_631 : i32
      %add3A_633 = arith.constant 320000 : i32
      %add3A_634 = arith.addi %add3A_633, %mul3A_632 : i32
      %dma_start3A_635 = tpu.memref_slice %arg3[%add3A_634] : memref<640000xi32, #tpu.memory_space<hbm>> -> memref<128xi32, #tpu.memory_space<hbm>>
      %dma_start3A_636 = tpu.memref_slice %arg3[%add3A_634] : memref<640000xi32, #tpu.memory_space<hbm>> -> memref<128xi32, #tpu.memory_space<hbm>>
      tpu.enqueue_dma source(%dma_start3A_636 : memref<128xi32, #tpu.memory_space<hbm>>) target(%arg8 : memref<128xi32, #tpu.memory_space<vmem>>) target_semaphore(%arg17 : memref<!tpu.dma_semaphore, #tpu.memory_space<semaphore_mem>>)
      %dma_start3A_637 = arith.constant 896 : i32
      %dma_start3A_638 = tpu.memref_slice %arg6[%dma_start3A_637] : memref<1664xi32, #tpu.memory_space<vmem>> -> memref<128xi32, #tpu.memory_space<vmem>>
      %dma_start3A_639 = arith.constant 0 : i32
      %dma_start3A_640 = arith.constant 0 : i32
      %dma_start3A_641 = tpu.memref_slice %arg2[%dma_start3A_639, %dma_start3A_640] : memref<10000x32xf32, #tpu.memory_space<hbm>> -> memref<10000x32xf32, #tpu.memory_space<hbm>>
      tpu.enqueue_indirect_dma source(%dma_start3A_641 : memref<10000x32xf32, #tpu.memory_space<hbm>>) target(%arg10 : memref<128x32xf32, #tpu.memory_space<vmem>>) offsets(%dma_start3A_638 : memref<128xi32, #tpu.memory_space<vmem>>) semaphore(%arg14 : memref<!tpu.dma_semaphore, #tpu.memory_space<semaphore_mem>>)
      %dma_wait3A_642 = arith.constant 768 : i32
      %dma_wait3A_643 = tpu.memref_slice %arg6[%dma_wait3A_642] : memref<1664xi32, #tpu.memory_space<vmem>> -> memref<128xi32, #tpu.memory_space<vmem>>
      %dma_wait3A_644 = arith.constant 0 : i32
      %dma_wait3A_645 = arith.constant 0 : i32
      %dma_wait3A_646 = tpu.memref_slice %arg2[%dma_wait3A_644, %dma_wait3A_645] : memref<10000x32xf32, #tpu.memory_space<hbm>> -> memref<10000x32xf32, #tpu.memory_space<hbm>>
      tpu.wait_indirect_dma semaphore(%arg13 : memref<!tpu.dma_semaphore, #tpu.memory_space<semaphore_mem>>) src(%dma_wait3A_646 : memref<10000x32xf32, #tpu.memory_space<hbm>>) dst(%arg9 : memref<128x32xf32, #tpu.memory_space<vmem>>)
      %add3A_647 = arith.constant 6 : i32
      %add3A_648 = arith.addi %add3A_435, %add3A_647 : i32
      %mul3A_649 = arith.constant 128 : i32
      %mul3A_650 = arith.muli %add3A_648, %mul3A_649 : i32
      %add3A_651 = arith.constant 320000 : i32
      %add3A_652 = arith.addi %add3A_651, %mul3A_650 : i32
      %dma_wait3A_653 = tpu.memref_slice %arg3[%add3A_652] : memref<640000xi32, #tpu.memory_space<hbm>> -> memref<128xi32, #tpu.memory_space<hbm>>
      %dma_wait3A_654 = tpu.memref_slice %arg3[%add3A_652] : memref<640000xi32, #tpu.memory_space<hbm>> -> memref<128xi32, #tpu.memory_space<hbm>>
      tpu.wait_dma2 semaphore(%arg16 : memref<!tpu.dma_semaphore, #tpu.memory_space<semaphore_mem>>) src(%dma_wait3A_654 : memref<128xi32, #tpu.memory_space<hbm>>) dst(%arg7 : memref<128xi32, #tpu.memory_space<vmem>>)
      "tpu.region"() ({
        %run_scoped3A = tpu.sem_alloc : memref<!tpu.dma_semaphore, #tpu.memory_space<semaphore_mem>>
        %dma_start3A_808 = arith.constant 0 : i32
        %dma_start3A_809 = arith.constant 0 : i32
        %dma_start3A_810 = tpu.memref_slice %arg12[%dma_start3A_808, %dma_start3A_809] : memref<10000x32xf32, #tpu.memory_space<vmem_shared>> -> memref<10000x32xf32, #tpu.memory_space<vmem_shared>>
        tpu.enqueue_indirect_dma source(%arg9 : memref<128x32xf32, #tpu.memory_space<vmem>>) target(%dma_start3A_810 : memref<10000x32xf32, #tpu.memory_space<vmem_shared>>) offsets(%arg7 : memref<128xi32, #tpu.memory_space<vmem>>) semaphore(%run_scoped3A : memref<!tpu.dma_semaphore, #tpu.memory_space<semaphore_mem>>) {add = true}
        %dma_wait3A_811 = arith.constant 0 : i32
        %dma_wait3A_812 = arith.constant 0 : i32
        %dma_wait3A_813 = tpu.memref_slice %arg12[%dma_wait3A_811, %dma_wait3A_812] : memref<10000x32xf32, #tpu.memory_space<vmem_shared>> -> memref<10000x32xf32, #tpu.memory_space<vmem_shared>>
        tpu.wait_indirect_dma semaphore(%run_scoped3A : memref<!tpu.dma_semaphore, #tpu.memory_space<semaphore_mem>>) src(%arg9 : memref<128x32xf32, #tpu.memory_space<vmem>>) dst(%dma_wait3A_813 : memref<10000x32xf32, #tpu.memory_space<vmem_shared>>)
        tpu.yield
      }) : () -> ()
      %add3A_655 = arith.constant 6 : i32
      %add3A_656 = arith.addi %add3A_435, %add3A_655 : i32
      %add3A_657 = arith.constant 2 : i32
      %add3A_658 = arith.addi %add3A_656, %add3A_657 : i32
      %mul3A_659 = arith.constant 128 : i32
      %mul3A_660 = arith.muli %add3A_658, %mul3A_659 : i32
      %add3A_661 = arith.constant 320000 : i32
      %add3A_662 = arith.addi %add3A_661, %mul3A_660 : i32
      %dma_start3A_663 = tpu.memref_slice %arg3[%add3A_662] : memref<640000xi32, #tpu.memory_space<hbm>> -> memref<128xi32, #tpu.memory_space<hbm>>
      %dma_start3A_664 = tpu.memref_slice %arg3[%add3A_662] : memref<640000xi32, #tpu.memory_space<hbm>> -> memref<128xi32, #tpu.memory_space<hbm>>
      tpu.enqueue_dma source(%dma_start3A_664 : memref<128xi32, #tpu.memory_space<hbm>>) target(%arg7 : memref<128xi32, #tpu.memory_space<vmem>>) target_semaphore(%arg16 : memref<!tpu.dma_semaphore, #tpu.memory_space<semaphore_mem>>)
      %dma_start3A_665 = arith.constant 1024 : i32
      %dma_start3A_666 = tpu.memref_slice %arg6[%dma_start3A_665] : memref<1664xi32, #tpu.memory_space<vmem>> -> memref<128xi32, #tpu.memory_space<vmem>>
      %dma_start3A_667 = arith.constant 0 : i32
      %dma_start3A_668 = arith.constant 0 : i32
      %dma_start3A_669 = tpu.memref_slice %arg2[%dma_start3A_667, %dma_start3A_668] : memref<10000x32xf32, #tpu.memory_space<hbm>> -> memref<10000x32xf32, #tpu.memory_space<hbm>>
      tpu.enqueue_indirect_dma source(%dma_start3A_669 : memref<10000x32xf32, #tpu.memory_space<hbm>>) target(%arg9 : memref<128x32xf32, #tpu.memory_space<vmem>>) offsets(%dma_start3A_666 : memref<128xi32, #tpu.memory_space<vmem>>) semaphore(%arg13 : memref<!tpu.dma_semaphore, #tpu.memory_space<semaphore_mem>>)
      %dma_wait3A_670 = arith.constant 896 : i32
      %dma_wait3A_671 = tpu.memref_slice %arg6[%dma_wait3A_670] : memref<1664xi32, #tpu.memory_space<vmem>> -> memref<128xi32, #tpu.memory_space<vmem>>
      %dma_wait3A_672 = arith.constant 0 : i32
      %dma_wait3A_673 = arith.constant 0 : i32
      %dma_wait3A_674 = tpu.memref_slice %arg2[%dma_wait3A_672, %dma_wait3A_673] : memref<10000x32xf32, #tpu.memory_space<hbm>> -> memref<10000x32xf32, #tpu.memory_space<hbm>>
      tpu.wait_indirect_dma semaphore(%arg14 : memref<!tpu.dma_semaphore, #tpu.memory_space<semaphore_mem>>) src(%dma_wait3A_674 : memref<10000x32xf32, #tpu.memory_space<hbm>>) dst(%arg10 : memref<128x32xf32, #tpu.memory_space<vmem>>)
      %add3A_675 = arith.constant 7 : i32
      %add3A_676 = arith.addi %add3A_435, %add3A_675 : i32
      %mul3A_677 = arith.constant 128 : i32
      %mul3A_678 = arith.muli %add3A_676, %mul3A_677 : i32
      %add3A_679 = arith.constant 320000 : i32
      %add3A_680 = arith.addi %add3A_679, %mul3A_678 : i32
      %dma_wait3A_681 = tpu.memref_slice %arg3[%add3A_680] : memref<640000xi32, #tpu.memory_space<hbm>> -> memref<128xi32, #tpu.memory_space<hbm>>
      %dma_wait3A_682 = tpu.memref_slice %arg3[%add3A_680] : memref<640000xi32, #tpu.memory_space<hbm>> -> memref<128xi32, #tpu.memory_space<hbm>>
      tpu.wait_dma2 semaphore(%arg17 : memref<!tpu.dma_semaphore, #tpu.memory_space<semaphore_mem>>) src(%dma_wait3A_682 : memref<128xi32, #tpu.memory_space<hbm>>) dst(%arg8 : memref<128xi32, #tpu.memory_space<vmem>>)
      "tpu.region"() ({
        %run_scoped3A = tpu.sem_alloc : memref<!tpu.dma_semaphore, #tpu.memory_space<semaphore_mem>>
        %dma_start3A_808 = arith.constant 0 : i32
        %dma_start3A_809 = arith.constant 0 : i32
        %dma_start3A_810 = tpu.memref_slice %arg12[%dma_start3A_808, %dma_start3A_809] : memref<10000x32xf32, #tpu.memory_space<vmem_shared>> -> memref<10000x32xf32, #tpu.memory_space<vmem_shared>>
        tpu.enqueue_indirect_dma source(%arg10 : memref<128x32xf32, #tpu.memory_space<vmem>>) target(%dma_start3A_810 : memref<10000x32xf32, #tpu.memory_space<vmem_shared>>) offsets(%arg8 : memref<128xi32, #tpu.memory_space<vmem>>) semaphore(%run_scoped3A : memref<!tpu.dma_semaphore, #tpu.memory_space<semaphore_mem>>) {add = true}
        %dma_wait3A_811 = arith.constant 0 : i32
        %dma_wait3A_812 = arith.constant 0 : i32
        %dma_wait3A_813 = tpu.memref_slice %arg12[%dma_wait3A_811, %dma_wait3A_812] : memref<10000x32xf32, #tpu.memory_space<vmem_shared>> -> memref<10000x32xf32, #tpu.memory_space<vmem_shared>>
        tpu.wait_indirect_dma semaphore(%run_scoped3A : memref<!tpu.dma_semaphore, #tpu.memory_space<semaphore_mem>>) src(%arg10 : memref<128x32xf32, #tpu.memory_space<vmem>>) dst(%dma_wait3A_813 : memref<10000x32xf32, #tpu.memory_space<vmem_shared>>)
        tpu.yield
      }) : () -> ()
      %add3A_683 = arith.constant 7 : i32
      %add3A_684 = arith.addi %add3A_435, %add3A_683 : i32
      %add3A_685 = arith.constant 2 : i32
      %add3A_686 = arith.addi %add3A_684, %add3A_685 : i32
      %mul3A_687 = arith.constant 128 : i32
      %mul3A_688 = arith.muli %add3A_686, %mul3A_687 : i32
      %add3A_689 = arith.constant 320000 : i32
      %add3A_690 = arith.addi %add3A_689, %mul3A_688 : i32
      %dma_start3A_691 = tpu.memref_slice %arg3[%add3A_690] : memref<640000xi32, #tpu.memory_space<hbm>> -> memref<128xi32, #tpu.memory_space<hbm>>
      %dma_start3A_692 = tpu.memref_slice %arg3[%add3A_690] : memref<640000xi32, #tpu.memory_space<hbm>> -> memref<128xi32, #tpu.memory_space<hbm>>
      tpu.enqueue_dma source(%dma_start3A_692 : memref<128xi32, #tpu.memory_space<hbm>>) target(%arg8 : memref<128xi32, #tpu.memory_space<vmem>>) target_semaphore(%arg17 : memref<!tpu.dma_semaphore, #tpu.memory_space<semaphore_mem>>)
      %dma_start3A_693 = arith.constant 1152 : i32
      %dma_start3A_694 = tpu.memref_slice %arg6[%dma_start3A_693] : memref<1664xi32, #tpu.memory_space<vmem>> -> memref<128xi32, #tpu.memory_space<vmem>>
      %dma_start3A_695 = arith.constant 0 : i32
      %dma_start3A_696 = arith.constant 0 : i32
      %dma_start3A_697 = tpu.memref_slice %arg2[%dma_start3A_695, %dma_start3A_696] : memref<10000x32xf32, #tpu.memory_space<hbm>> -> memref<10000x32xf32, #tpu.memory_space<hbm>>
      tpu.enqueue_indirect_dma source(%dma_start3A_697 : memref<10000x32xf32, #tpu.memory_space<hbm>>) target(%arg10 : memref<128x32xf32, #tpu.memory_space<vmem>>) offsets(%dma_start3A_694 : memref<128xi32, #tpu.memory_space<vmem>>) semaphore(%arg14 : memref<!tpu.dma_semaphore, #tpu.memory_space<semaphore_mem>>)
      %dma_wait3A_698 = arith.constant 1024 : i32
      %dma_wait3A_699 = tpu.memref_slice %arg6[%dma_wait3A_698] : memref<1664xi32, #tpu.memory_space<vmem>> -> memref<128xi32, #tpu.memory_space<vmem>>
      %dma_wait3A_700 = arith.constant 0 : i32
      %dma_wait3A_701 = arith.constant 0 : i32
      %dma_wait3A_702 = tpu.memref_slice %arg2[%dma_wait3A_700, %dma_wait3A_701] : memref<10000x32xf32, #tpu.memory_space<hbm>> -> memref<10000x32xf32, #tpu.memory_space<hbm>>
      tpu.wait_indirect_dma semaphore(%arg13 : memref<!tpu.dma_semaphore, #tpu.memory_space<semaphore_mem>>) src(%dma_wait3A_702 : memref<10000x32xf32, #tpu.memory_space<hbm>>) dst(%arg9 : memref<128x32xf32, #tpu.memory_space<vmem>>)
      %add3A_703 = arith.constant 8 : i32
      %add3A_704 = arith.addi %add3A_435, %add3A_703 : i32
      %mul3A_705 = arith.constant 128 : i32
      %mul3A_706 = arith.muli %add3A_704, %mul3A_705 : i32
      %add3A_707 = arith.constant 320000 : i32
      %add3A_708 = arith.addi %add3A_707, %mul3A_706 : i32
      %dma_wait3A_709 = tpu.memref_slice %arg3[%add3A_708] : memref<640000xi32, #tpu.memory_space<hbm>> -> memref<128xi32, #tpu.memory_space<hbm>>
      %dma_wait3A_710 = tpu.memref_slice %arg3[%add3A_708] : memref<640000xi32, #tpu.memory_space<hbm>> -> memref<128xi32, #tpu.memory_space<hbm>>
      tpu.wait_dma2 semaphore(%arg16 : memref<!tpu.dma_semaphore, #tpu.memory_space<semaphore_mem>>) src(%dma_wait3A_710 : memref<128xi32, #tpu.memory_space<hbm>>) dst(%arg7 : memref<128xi32, #tpu.memory_space<vmem>>)
      "tpu.region"() ({
        %run_scoped3A = tpu.sem_alloc : memref<!tpu.dma_semaphore, #tpu.memory_space<semaphore_mem>>
        %dma_start3A_808 = arith.constant 0 : i32
        %dma_start3A_809 = arith.constant 0 : i32
        %dma_start3A_810 = tpu.memref_slice %arg12[%dma_start3A_808, %dma_start3A_809] : memref<10000x32xf32, #tpu.memory_space<vmem_shared>> -> memref<10000x32xf32, #tpu.memory_space<vmem_shared>>
        tpu.enqueue_indirect_dma source(%arg9 : memref<128x32xf32, #tpu.memory_space<vmem>>) target(%dma_start3A_810 : memref<10000x32xf32, #tpu.memory_space<vmem_shared>>) offsets(%arg7 : memref<128xi32, #tpu.memory_space<vmem>>) semaphore(%run_scoped3A : memref<!tpu.dma_semaphore, #tpu.memory_space<semaphore_mem>>) {add = true}
        %dma_wait3A_811 = arith.constant 0 : i32
        %dma_wait3A_812 = arith.constant 0 : i32
        %dma_wait3A_813 = tpu.memref_slice %arg12[%dma_wait3A_811, %dma_wait3A_812] : memref<10000x32xf32, #tpu.memory_space<vmem_shared>> -> memref<10000x32xf32, #tpu.memory_space<vmem_shared>>
        tpu.wait_indirect_dma semaphore(%run_scoped3A : memref<!tpu.dma_semaphore, #tpu.memory_space<semaphore_mem>>) src(%arg9 : memref<128x32xf32, #tpu.memory_space<vmem>>) dst(%dma_wait3A_813 : memref<10000x32xf32, #tpu.memory_space<vmem_shared>>)
        tpu.yield
      }) : () -> ()
      %add3A_711 = arith.constant 8 : i32
      %add3A_712 = arith.addi %add3A_435, %add3A_711 : i32
      %add3A_713 = arith.constant 2 : i32
      %add3A_714 = arith.addi %add3A_712, %add3A_713 : i32
      %mul3A_715 = arith.constant 128 : i32
      %mul3A_716 = arith.muli %add3A_714, %mul3A_715 : i32
      %add3A_717 = arith.constant 320000 : i32
      %add3A_718 = arith.addi %add3A_717, %mul3A_716 : i32
      %dma_start3A_719 = tpu.memref_slice %arg3[%add3A_718] : memref<640000xi32, #tpu.memory_space<hbm>> -> memref<128xi32, #tpu.memory_space<hbm>>
      %dma_start3A_720 = tpu.memref_slice %arg3[%add3A_718] : memref<640000xi32, #tpu.memory_space<hbm>> -> memref<128xi32, #tpu.memory_space<hbm>>
      tpu.enqueue_dma source(%dma_start3A_720 : memref<128xi32, #tpu.memory_space<hbm>>) target(%arg7 : memref<128xi32, #tpu.memory_space<vmem>>) target_semaphore(%arg16 : memref<!tpu.dma_semaphore, #tpu.memory_space<semaphore_mem>>)
      %dma_start3A_721 = arith.constant 1280 : i32
      %dma_start3A_722 = tpu.memref_slice %arg6[%dma_start3A_721] : memref<1664xi32, #tpu.memory_space<vmem>> -> memref<128xi32, #tpu.memory_space<vmem>>
      %dma_start3A_723 = arith.constant 0 : i32
      %dma_start3A_724 = arith.constant 0 : i32
      %dma_start3A_725 = tpu.memref_slice %arg2[%dma_start3A_723, %dma_start3A_724] : memref<10000x32xf32, #tpu.memory_space<hbm>> -> memref<10000x32xf32, #tpu.memory_space<hbm>>
      tpu.enqueue_indirect_dma source(%dma_start3A_725 : memref<10000x32xf32, #tpu.memory_space<hbm>>) target(%arg9 : memref<128x32xf32, #tpu.memory_space<vmem>>) offsets(%dma_start3A_722 : memref<128xi32, #tpu.memory_space<vmem>>) semaphore(%arg13 : memref<!tpu.dma_semaphore, #tpu.memory_space<semaphore_mem>>)
      %dma_wait3A_726 = arith.constant 1152 : i32
      %dma_wait3A_727 = tpu.memref_slice %arg6[%dma_wait3A_726] : memref<1664xi32, #tpu.memory_space<vmem>> -> memref<128xi32, #tpu.memory_space<vmem>>
      %dma_wait3A_728 = arith.constant 0 : i32
      %dma_wait3A_729 = arith.constant 0 : i32
      %dma_wait3A_730 = tpu.memref_slice %arg2[%dma_wait3A_728, %dma_wait3A_729] : memref<10000x32xf32, #tpu.memory_space<hbm>> -> memref<10000x32xf32, #tpu.memory_space<hbm>>
      tpu.wait_indirect_dma semaphore(%arg14 : memref<!tpu.dma_semaphore, #tpu.memory_space<semaphore_mem>>) src(%dma_wait3A_730 : memref<10000x32xf32, #tpu.memory_space<hbm>>) dst(%arg10 : memref<128x32xf32, #tpu.memory_space<vmem>>)
      %add3A_731 = arith.constant 9 : i32
      %add3A_732 = arith.addi %add3A_435, %add3A_731 : i32
      %mul3A_733 = arith.constant 128 : i32
      %mul3A_734 = arith.muli %add3A_732, %mul3A_733 : i32
      %add3A_735 = arith.constant 320000 : i32
      %add3A_736 = arith.addi %add3A_735, %mul3A_734 : i32
      %dma_wait3A_737 = tpu.memref_slice %arg3[%add3A_736] : memref<640000xi32, #tpu.memory_space<hbm>> -> memref<128xi32, #tpu.memory_space<hbm>>
      %dma_wait3A_738 = tpu.memref_slice %arg3[%add3A_736] : memref<640000xi32, #tpu.memory_space<hbm>> -> memref<128xi32, #tpu.memory_space<hbm>>
      tpu.wait_dma2 semaphore(%arg17 : memref<!tpu.dma_semaphore, #tpu.memory_space<semaphore_mem>>) src(%dma_wait3A_738 : memref<128xi32, #tpu.memory_space<hbm>>) dst(%arg8 : memref<128xi32, #tpu.memory_space<vmem>>)
      "tpu.region"() ({
        %run_scoped3A = tpu.sem_alloc : memref<!tpu.dma_semaphore, #tpu.memory_space<semaphore_mem>>
        %dma_start3A_808 = arith.constant 0 : i32
        %dma_start3A_809 = arith.constant 0 : i32
        %dma_start3A_810 = tpu.memref_slice %arg12[%dma_start3A_808, %dma_start3A_809] : memref<10000x32xf32, #tpu.memory_space<vmem_shared>> -> memref<10000x32xf32, #tpu.memory_space<vmem_shared>>
        tpu.enqueue_indirect_dma source(%arg10 : memref<128x32xf32, #tpu.memory_space<vmem>>) target(%dma_start3A_810 : memref<10000x32xf32, #tpu.memory_space<vmem_shared>>) offsets(%arg8 : memref<128xi32, #tpu.memory_space<vmem>>) semaphore(%run_scoped3A : memref<!tpu.dma_semaphore, #tpu.memory_space<semaphore_mem>>) {add = true}
        %dma_wait3A_811 = arith.constant 0 : i32
        %dma_wait3A_812 = arith.constant 0 : i32
        %dma_wait3A_813 = tpu.memref_slice %arg12[%dma_wait3A_811, %dma_wait3A_812] : memref<10000x32xf32, #tpu.memory_space<vmem_shared>> -> memref<10000x32xf32, #tpu.memory_space<vmem_shared>>
        tpu.wait_indirect_dma semaphore(%run_scoped3A : memref<!tpu.dma_semaphore, #tpu.memory_space<semaphore_mem>>) src(%arg10 : memref<128x32xf32, #tpu.memory_space<vmem>>) dst(%dma_wait3A_813 : memref<10000x32xf32, #tpu.memory_space<vmem_shared>>)
        tpu.yield
      }) : () -> ()
      %add3A_739 = arith.constant 9 : i32
      %add3A_740 = arith.addi %add3A_435, %add3A_739 : i32
      %add3A_741 = arith.constant 2 : i32
      %add3A_742 = arith.addi %add3A_740, %add3A_741 : i32
      %mul3A_743 = arith.constant 128 : i32
      %mul3A_744 = arith.muli %add3A_742, %mul3A_743 : i32
      %add3A_745 = arith.constant 320000 : i32
      %add3A_746 = arith.addi %add3A_745, %mul3A_744 : i32
      %dma_start3A_747 = tpu.memref_slice %arg3[%add3A_746] : memref<640000xi32, #tpu.memory_space<hbm>> -> memref<128xi32, #tpu.memory_space<hbm>>
      %dma_start3A_748 = tpu.memref_slice %arg3[%add3A_746] : memref<640000xi32, #tpu.memory_space<hbm>> -> memref<128xi32, #tpu.memory_space<hbm>>
      tpu.enqueue_dma source(%dma_start3A_748 : memref<128xi32, #tpu.memory_space<hbm>>) target(%arg8 : memref<128xi32, #tpu.memory_space<vmem>>) target_semaphore(%arg17 : memref<!tpu.dma_semaphore, #tpu.memory_space<semaphore_mem>>)
      %dma_start3A_749 = arith.constant 1408 : i32
      %dma_start3A_750 = tpu.memref_slice %arg6[%dma_start3A_749] : memref<1664xi32, #tpu.memory_space<vmem>> -> memref<128xi32, #tpu.memory_space<vmem>>
      %dma_start3A_751 = arith.constant 0 : i32
      %dma_start3A_752 = arith.constant 0 : i32
      %dma_start3A_753 = tpu.memref_slice %arg2[%dma_start3A_751, %dma_start3A_752] : memref<10000x32xf32, #tpu.memory_space<hbm>> -> memref<10000x32xf32, #tpu.memory_space<hbm>>
      tpu.enqueue_indirect_dma source(%dma_start3A_753 : memref<10000x32xf32, #tpu.memory_space<hbm>>) target(%arg10 : memref<128x32xf32, #tpu.memory_space<vmem>>) offsets(%dma_start3A_750 : memref<128xi32, #tpu.memory_space<vmem>>) semaphore(%arg14 : memref<!tpu.dma_semaphore, #tpu.memory_space<semaphore_mem>>)
      %dma_wait3A_754 = arith.constant 1280 : i32
      %dma_wait3A_755 = tpu.memref_slice %arg6[%dma_wait3A_754] : memref<1664xi32, #tpu.memory_space<vmem>> -> memref<128xi32, #tpu.memory_space<vmem>>
      %dma_wait3A_756 = arith.constant 0 : i32
      %dma_wait3A_757 = arith.constant 0 : i32
      %dma_wait3A_758 = tpu.memref_slice %arg2[%dma_wait3A_756, %dma_wait3A_757] : memref<10000x32xf32, #tpu.memory_space<hbm>> -> memref<10000x32xf32, #tpu.memory_space<hbm>>
      tpu.wait_indirect_dma semaphore(%arg13 : memref<!tpu.dma_semaphore, #tpu.memory_space<semaphore_mem>>) src(%dma_wait3A_758 : memref<10000x32xf32, #tpu.memory_space<hbm>>) dst(%arg9 : memref<128x32xf32, #tpu.memory_space<vmem>>)
      %add3A_759 = arith.constant 10 : i32
      %add3A_760 = arith.addi %add3A_435, %add3A_759 : i32
      %mul3A_761 = arith.constant 128 : i32
      %mul3A_762 = arith.muli %add3A_760, %mul3A_761 : i32
      %add3A_763 = arith.constant 320000 : i32
      %add3A_764 = arith.addi %add3A_763, %mul3A_762 : i32
      %dma_wait3A_765 = tpu.memref_slice %arg3[%add3A_764] : memref<640000xi32, #tpu.memory_space<hbm>> -> memref<128xi32, #tpu.memory_space<hbm>>
      %dma_wait3A_766 = tpu.memref_slice %arg3[%add3A_764] : memref<640000xi32, #tpu.memory_space<hbm>> -> memref<128xi32, #tpu.memory_space<hbm>>
      tpu.wait_dma2 semaphore(%arg16 : memref<!tpu.dma_semaphore, #tpu.memory_space<semaphore_mem>>) src(%dma_wait3A_766 : memref<128xi32, #tpu.memory_space<hbm>>) dst(%arg7 : memref<128xi32, #tpu.memory_space<vmem>>)
      "tpu.region"() ({
        %run_scoped3A = tpu.sem_alloc : memref<!tpu.dma_semaphore, #tpu.memory_space<semaphore_mem>>
        %dma_start3A_808 = arith.constant 0 : i32
        %dma_start3A_809 = arith.constant 0 : i32
        %dma_start3A_810 = tpu.memref_slice %arg12[%dma_start3A_808, %dma_start3A_809] : memref<10000x32xf32, #tpu.memory_space<vmem_shared>> -> memref<10000x32xf32, #tpu.memory_space<vmem_shared>>
        tpu.enqueue_indirect_dma source(%arg9 : memref<128x32xf32, #tpu.memory_space<vmem>>) target(%dma_start3A_810 : memref<10000x32xf32, #tpu.memory_space<vmem_shared>>) offsets(%arg7 : memref<128xi32, #tpu.memory_space<vmem>>) semaphore(%run_scoped3A : memref<!tpu.dma_semaphore, #tpu.memory_space<semaphore_mem>>) {add = true}
        %dma_wait3A_811 = arith.constant 0 : i32
        %dma_wait3A_812 = arith.constant 0 : i32
        %dma_wait3A_813 = tpu.memref_slice %arg12[%dma_wait3A_811, %dma_wait3A_812] : memref<10000x32xf32, #tpu.memory_space<vmem_shared>> -> memref<10000x32xf32, #tpu.memory_space<vmem_shared>>
        tpu.wait_indirect_dma semaphore(%run_scoped3A : memref<!tpu.dma_semaphore, #tpu.memory_space<semaphore_mem>>) src(%arg9 : memref<128x32xf32, #tpu.memory_space<vmem>>) dst(%dma_wait3A_813 : memref<10000x32xf32, #tpu.memory_space<vmem_shared>>)
        tpu.yield
      }) : () -> ()
      %add3A_767 = arith.constant 10 : i32
      %add3A_768 = arith.addi %add3A_435, %add3A_767 : i32
      %add3A_769 = arith.constant 2 : i32
      %add3A_770 = arith.addi %add3A_768, %add3A_769 : i32
      %mul3A_771 = arith.constant 128 : i32
      %mul3A_772 = arith.muli %add3A_770, %mul3A_771 : i32
      %add3A_773 = arith.constant 320000 : i32
      %add3A_774 = arith.addi %add3A_773, %mul3A_772 : i32
      %dma_start3A_775 = tpu.memref_slice %arg3[%add3A_774] : memref<640000xi32, #tpu.memory_space<hbm>> -> memref<128xi32, #tpu.memory_space<hbm>>
      %dma_start3A_776 = tpu.memref_slice %arg3[%add3A_774] : memref<640000xi32, #tpu.memory_space<hbm>> -> memref<128xi32, #tpu.memory_space<hbm>>
      tpu.enqueue_dma source(%dma_start3A_776 : memref<128xi32, #tpu.memory_space<hbm>>) target(%arg7 : memref<128xi32, #tpu.memory_space<vmem>>) target_semaphore(%arg16 : memref<!tpu.dma_semaphore, #tpu.memory_space<semaphore_mem>>)
      %dma_start3A_777 = arith.constant 1536 : i32
      %dma_start3A_778 = tpu.memref_slice %arg6[%dma_start3A_777] : memref<1664xi32, #tpu.memory_space<vmem>> -> memref<128xi32, #tpu.memory_space<vmem>>
      %dma_start3A_779 = arith.constant 0 : i32
      %dma_start3A_780 = arith.constant 0 : i32
      %dma_start3A_781 = tpu.memref_slice %arg2[%dma_start3A_779, %dma_start3A_780] : memref<10000x32xf32, #tpu.memory_space<hbm>> -> memref<10000x32xf32, #tpu.memory_space<hbm>>
      tpu.enqueue_indirect_dma source(%dma_start3A_781 : memref<10000x32xf32, #tpu.memory_space<hbm>>) target(%arg9 : memref<128x32xf32, #tpu.memory_space<vmem>>) offsets(%dma_start3A_778 : memref<128xi32, #tpu.memory_space<vmem>>) semaphore(%arg13 : memref<!tpu.dma_semaphore, #tpu.memory_space<semaphore_mem>>)
      %dma_wait3A_782 = arith.constant 1408 : i32
      %dma_wait3A_783 = tpu.memref_slice %arg6[%dma_wait3A_782] : memref<1664xi32, #tpu.memory_space<vmem>> -> memref<128xi32, #tpu.memory_space<vmem>>
      %dma_wait3A_784 = arith.constant 0 : i32
      %dma_wait3A_785 = arith.constant 0 : i32
      %dma_wait3A_786 = tpu.memref_slice %arg2[%dma_wait3A_784, %dma_wait3A_785] : memref<10000x32xf32, #tpu.memory_space<hbm>> -> memref<10000x32xf32, #tpu.memory_space<hbm>>
      tpu.wait_indirect_dma semaphore(%arg14 : memref<!tpu.dma_semaphore, #tpu.memory_space<semaphore_mem>>) src(%dma_wait3A_786 : memref<10000x32xf32, #tpu.memory_space<hbm>>) dst(%arg10 : memref<128x32xf32, #tpu.memory_space<vmem>>)
      %add3A_787 = arith.constant 11 : i32
      %add3A_788 = arith.addi %add3A_435, %add3A_787 : i32
      %mul3A_789 = arith.constant 128 : i32
      %mul3A_790 = arith.muli %add3A_788, %mul3A_789 : i32
      %add3A_791 = arith.constant 320000 : i32
      %add3A_792 = arith.addi %add3A_791, %mul3A_790 : i32
      %dma_wait3A_793 = tpu.memref_slice %arg3[%add3A_792] : memref<640000xi32, #tpu.memory_space<hbm>> -> memref<128xi32, #tpu.memory_space<hbm>>
      %dma_wait3A_794 = tpu.memref_slice %arg3[%add3A_792] : memref<640000xi32, #tpu.memory_space<hbm>> -> memref<128xi32, #tpu.memory_space<hbm>>
      tpu.wait_dma2 semaphore(%arg17 : memref<!tpu.dma_semaphore, #tpu.memory_space<semaphore_mem>>) src(%dma_wait3A_794 : memref<128xi32, #tpu.memory_space<hbm>>) dst(%arg8 : memref<128xi32, #tpu.memory_space<vmem>>)
      "tpu.region"() ({
        %run_scoped3A = tpu.sem_alloc : memref<!tpu.dma_semaphore, #tpu.memory_space<semaphore_mem>>
        %dma_start3A_808 = arith.constant 0 : i32
        %dma_start3A_809 = arith.constant 0 : i32
        %dma_start3A_810 = tpu.memref_slice %arg12[%dma_start3A_808, %dma_start3A_809] : memref<10000x32xf32, #tpu.memory_space<vmem_shared>> -> memref<10000x32xf32, #tpu.memory_space<vmem_shared>>
        tpu.enqueue_indirect_dma source(%arg10 : memref<128x32xf32, #tpu.memory_space<vmem>>) target(%dma_start3A_810 : memref<10000x32xf32, #tpu.memory_space<vmem_shared>>) offsets(%arg8 : memref<128xi32, #tpu.memory_space<vmem>>) semaphore(%run_scoped3A : memref<!tpu.dma_semaphore, #tpu.memory_space<semaphore_mem>>) {add = true}
        %dma_wait3A_811 = arith.constant 0 : i32
        %dma_wait3A_812 = arith.constant 0 : i32
        %dma_wait3A_813 = tpu.memref_slice %arg12[%dma_wait3A_811, %dma_wait3A_812] : memref<10000x32xf32, #tpu.memory_space<vmem_shared>> -> memref<10000x32xf32, #tpu.memory_space<vmem_shared>>
        tpu.wait_indirect_dma semaphore(%run_scoped3A : memref<!tpu.dma_semaphore, #tpu.memory_space<semaphore_mem>>) src(%arg10 : memref<128x32xf32, #tpu.memory_space<vmem>>) dst(%dma_wait3A_813 : memref<10000x32xf32, #tpu.memory_space<vmem_shared>>)
        tpu.yield
      }) : () -> ()
      %dma_wait3A_795 = arith.constant 1536 : i32
      %dma_wait3A_796 = tpu.memref_slice %arg6[%dma_wait3A_795] : memref<1664xi32, #tpu.memory_space<vmem>> -> memref<128xi32, #tpu.memory_space<vmem>>
      %dma_wait3A_797 = arith.constant 0 : i32
      %dma_wait3A_798 = arith.constant 0 : i32
      %dma_wait3A_799 = tpu.memref_slice %arg2[%dma_wait3A_797, %dma_wait3A_798] : memref<10000x32xf32, #tpu.memory_space<hbm>> -> memref<10000x32xf32, #tpu.memory_space<hbm>>
      tpu.wait_indirect_dma semaphore(%arg13 : memref<!tpu.dma_semaphore, #tpu.memory_space<semaphore_mem>>) src(%dma_wait3A_799 : memref<10000x32xf32, #tpu.memory_space<hbm>>) dst(%arg9 : memref<128x32xf32, #tpu.memory_space<vmem>>)
      %add3A_800 = arith.constant 12 : i32
      %add3A_801 = arith.addi %add3A_435, %add3A_800 : i32
      %mul3A_802 = arith.constant 128 : i32
      %mul3A_803 = arith.muli %add3A_801, %mul3A_802 : i32
      %add3A_804 = arith.constant 320000 : i32
      %add3A_805 = arith.addi %add3A_804, %mul3A_803 : i32
      %dma_wait3A_806 = tpu.memref_slice %arg3[%add3A_805] : memref<640000xi32, #tpu.memory_space<hbm>> -> memref<128xi32, #tpu.memory_space<hbm>>
      %dma_wait3A_807 = tpu.memref_slice %arg3[%add3A_805] : memref<640000xi32, #tpu.memory_space<hbm>> -> memref<128xi32, #tpu.memory_space<hbm>>
      tpu.wait_dma2 semaphore(%arg16 : memref<!tpu.dma_semaphore, #tpu.memory_space<semaphore_mem>>) src(%dma_wait3A_807 : memref<128xi32, #tpu.memory_space<hbm>>) dst(%arg7 : memref<128xi32, #tpu.memory_space<vmem>>)
      "tpu.region"() ({
        %run_scoped3A = tpu.sem_alloc : memref<!tpu.dma_semaphore, #tpu.memory_space<semaphore_mem>>
        %dma_start3A_808 = arith.constant 0 : i32
        %dma_start3A_809 = arith.constant 0 : i32
        %dma_start3A_810 = tpu.memref_slice %arg12[%dma_start3A_808, %dma_start3A_809] : memref<10000x32xf32, #tpu.memory_space<vmem_shared>> -> memref<10000x32xf32, #tpu.memory_space<vmem_shared>>
        tpu.enqueue_indirect_dma source(%arg9 : memref<128x32xf32, #tpu.memory_space<vmem>>) target(%dma_start3A_810 : memref<10000x32xf32, #tpu.memory_space<vmem_shared>>) offsets(%arg7 : memref<128xi32, #tpu.memory_space<vmem>>) semaphore(%run_scoped3A : memref<!tpu.dma_semaphore, #tpu.memory_space<semaphore_mem>>) {add = true}
        %dma_wait3A_811 = arith.constant 0 : i32
        %dma_wait3A_812 = arith.constant 0 : i32
        %dma_wait3A_813 = tpu.memref_slice %arg12[%dma_wait3A_811, %dma_wait3A_812] : memref<10000x32xf32, #tpu.memory_space<vmem_shared>> -> memref<10000x32xf32, #tpu.memory_space<vmem_shared>>
        tpu.wait_indirect_dma semaphore(%run_scoped3A : memref<!tpu.dma_semaphore, #tpu.memory_space<semaphore_mem>>) src(%arg9 : memref<128x32xf32, #tpu.memory_space<vmem>>) dst(%dma_wait3A_813 : memref<10000x32xf32, #tpu.memory_space<vmem_shared>>)
        tpu.yield
      }) : () -> ()
    }
    %scan3A_32 = arith.constant 3 : i32
    %lt3A_33 = arith.constant 4 : i32
    %lt3A_34 = arith.cmpi slt, %add3A, %lt3A_33 : i32
    %convert_element_type3A_35 = arith.extui %lt3A_34 : i1 to i32
    %cond3A_36 = arith.constant 0 : i32
    %cond3A_37 = arith.cmpi ne, %convert_element_type3A_35, %cond3A_36 : i32
    scf.if %cond3A_37 {
      %add3A_48 = arith.constant 78 : i32
      %add3A_49 = arith.addi %add3A_22, %add3A_48 : i32
      %mul3A_50 = arith.constant 128 : i32
      %mul3A_51 = arith.muli %add3A_49, %mul3A_50 : i32
      "tpu.region"() ({
        %run_scoped3A = tpu.sem_alloc : memref<!tpu.dma_semaphore, #tpu.memory_space<semaphore_mem>>
        %dma_start3A_65 = arith.constant 0 : i32
        %dma_start3A_66 = tpu.memref_slice %arg5[%dma_start3A_65] : memref<1664xi32, #tpu.memory_space<vmem>> -> memref<128xi32, #tpu.memory_space<vmem>>
        %dma_start3A_67 = tpu.memref_slice %arg3[%mul3A_51] : memref<640000xi32, #tpu.memory_space<hbm>> -> memref<128xi32, #tpu.memory_space<hbm>>
        %dma_start3A_68 = arith.constant 0 : i32
        %dma_start3A_69 = tpu.memref_slice %arg5[%dma_start3A_68] : memref<1664xi32, #tpu.memory_space<vmem>> -> memref<128xi32, #tpu.memory_space<vmem>>
        %dma_start3A_70 = tpu.memref_slice %arg3[%mul3A_51] : memref<640000xi32, #tpu.memory_space<hbm>> -> memref<128xi32, #tpu.memory_space<hbm>>
        tpu.enqueue_dma source(%dma_start3A_70 : memref<128xi32, #tpu.memory_space<hbm>>) target(%dma_start3A_69 : memref<128xi32, #tpu.memory_space<vmem>>) target_semaphore(%run_scoped3A : memref<!tpu.dma_semaphore, #tpu.memory_space<semaphore_mem>>)
        %dma_wait3A_71 = arith.constant 0 : i32
        %dma_wait3A_72 = tpu.memref_slice %arg5[%dma_wait3A_71] : memref<1664xi32, #tpu.memory_space<vmem>> -> memref<128xi32, #tpu.memory_space<vmem>>
        %dma_wait3A_73 = tpu.memref_slice %arg3[%mul3A_51] : memref<640000xi32, #tpu.memory_space<hbm>> -> memref<128xi32, #tpu.memory_space<hbm>>
        %dma_wait3A_74 = arith.constant 0 : i32
        %dma_wait3A_75 = tpu.memref_slice %arg5[%dma_wait3A_74] : memref<1664xi32, #tpu.memory_space<vmem>> -> memref<128xi32, #tpu.memory_space<vmem>>
        %dma_wait3A_76 = tpu.memref_slice %arg3[%mul3A_51] : memref<640000xi32, #tpu.memory_space<hbm>> -> memref<128xi32, #tpu.memory_space<hbm>>
        tpu.wait_dma2 semaphore(%run_scoped3A : memref<!tpu.dma_semaphore, #tpu.memory_space<semaphore_mem>>) src(%dma_wait3A_76 : memref<128xi32, #tpu.memory_space<hbm>>) dst(%dma_wait3A_75 : memref<128xi32, #tpu.memory_space<vmem>>)
        tpu.yield
      }) : () -> ()
      %mul3A_52 = arith.constant 128 : i32
      %mul3A_53 = arith.muli %add3A_49, %mul3A_52 : i32
      %add3A_54 = arith.constant 320000 : i32
      %add3A_55 = arith.addi %add3A_54, %mul3A_53 : i32
      "tpu.region"() ({
        %run_scoped3A = tpu.sem_alloc : memref<!tpu.dma_semaphore, #tpu.memory_space<semaphore_mem>>
        %dma_start3A_65 = tpu.memref_slice %arg3[%add3A_55] : memref<640000xi32, #tpu.memory_space<hbm>> -> memref<128xi32, #tpu.memory_space<hbm>>
        %dma_start3A_66 = tpu.memref_slice %arg3[%add3A_55] : memref<640000xi32, #tpu.memory_space<hbm>> -> memref<128xi32, #tpu.memory_space<hbm>>
        tpu.enqueue_dma source(%dma_start3A_66 : memref<128xi32, #tpu.memory_space<hbm>>) target(%arg7 : memref<128xi32, #tpu.memory_space<vmem>>) target_semaphore(%run_scoped3A : memref<!tpu.dma_semaphore, #tpu.memory_space<semaphore_mem>>)
        %dma_wait3A_67 = tpu.memref_slice %arg3[%add3A_55] : memref<640000xi32, #tpu.memory_space<hbm>> -> memref<128xi32, #tpu.memory_space<hbm>>
        %dma_wait3A_68 = tpu.memref_slice %arg3[%add3A_55] : memref<640000xi32, #tpu.memory_space<hbm>> -> memref<128xi32, #tpu.memory_space<hbm>>
        tpu.wait_dma2 semaphore(%run_scoped3A : memref<!tpu.dma_semaphore, #tpu.memory_space<semaphore_mem>>) src(%dma_wait3A_68 : memref<128xi32, #tpu.memory_space<hbm>>) dst(%arg7 : memref<128xi32, #tpu.memory_space<vmem>>)
        tpu.yield
      }) : () -> ()
      %dma_start3A_56 = arith.constant 0 : i32
      %dma_start3A_57 = tpu.memref_slice %arg5[%dma_start3A_56] : memref<1664xi32, #tpu.memory_space<vmem>> -> memref<128xi32, #tpu.memory_space<vmem>>
      %dma_start3A_58 = arith.constant 0 : i32
      %dma_start3A_59 = arith.constant 0 : i32
      %dma_start3A_60 = tpu.memref_slice %arg2[%dma_start3A_58, %dma_start3A_59] : memref<10000x32xf32, #tpu.memory_space<hbm>> -> memref<10000x32xf32, #tpu.memory_space<hbm>>
      tpu.enqueue_indirect_dma source(%dma_start3A_60 : memref<10000x32xf32, #tpu.memory_space<hbm>>) target(%arg9 : memref<128x32xf32, #tpu.memory_space<vmem>>) offsets(%dma_start3A_57 : memref<128xi32, #tpu.memory_space<vmem>>) semaphore(%arg13 : memref<!tpu.dma_semaphore, #tpu.memory_space<semaphore_mem>>)
      %dma_wait3A = arith.constant 0 : i32
      %dma_wait3A_61 = tpu.memref_slice %arg5[%dma_wait3A] : memref<1664xi32, #tpu.memory_space<vmem>> -> memref<128xi32, #tpu.memory_space<vmem>>
      %dma_wait3A_62 = arith.constant 0 : i32
      %dma_wait3A_63 = arith.constant 0 : i32
      %dma_wait3A_64 = tpu.memref_slice %arg2[%dma_wait3A_62, %dma_wait3A_63] : memref<10000x32xf32, #tpu.memory_space<hbm>> -> memref<10000x32xf32, #tpu.memory_space<hbm>>
      tpu.wait_indirect_dma semaphore(%arg13 : memref<!tpu.dma_semaphore, #tpu.memory_space<semaphore_mem>>) src(%dma_wait3A_64 : memref<10000x32xf32, #tpu.memory_space<hbm>>) dst(%arg9 : memref<128x32xf32, #tpu.memory_space<vmem>>)
      "tpu.region"() ({
        %run_scoped3A = tpu.sem_alloc : memref<!tpu.dma_semaphore, #tpu.memory_space<semaphore_mem>>
        %dma_start3A_65 = arith.constant 0 : i32
        %dma_start3A_66 = arith.constant 0 : i32
        %dma_start3A_67 = tpu.memref_slice %arg12[%dma_start3A_65, %dma_start3A_66] : memref<10000x32xf32, #tpu.memory_space<vmem_shared>> -> memref<10000x32xf32, #tpu.memory_space<vmem_shared>>
        tpu.enqueue_indirect_dma source(%arg9 : memref<128x32xf32, #tpu.memory_space<vmem>>) target(%dma_start3A_67 : memref<10000x32xf32, #tpu.memory_space<vmem_shared>>) offsets(%arg7 : memref<128xi32, #tpu.memory_space<vmem>>) semaphore(%run_scoped3A : memref<!tpu.dma_semaphore, #tpu.memory_space<semaphore_mem>>) {add = true}
        %dma_wait3A_68 = arith.constant 0 : i32
        %dma_wait3A_69 = arith.constant 0 : i32
        %dma_wait3A_70 = tpu.memref_slice %arg12[%dma_wait3A_68, %dma_wait3A_69] : memref<10000x32xf32, #tpu.memory_space<vmem_shared>> -> memref<10000x32xf32, #tpu.memory_space<vmem_shared>>
        tpu.wait_indirect_dma semaphore(%run_scoped3A : memref<!tpu.dma_semaphore, #tpu.memory_space<semaphore_mem>>) src(%arg9 : memref<128x32xf32, #tpu.memory_space<vmem>>) dst(%dma_wait3A_70 : memref<10000x32xf32, #tpu.memory_space<vmem_shared>>)
        tpu.yield
      }) : () -> ()
    } else {
    }
    %barrier3A_38 = arith.constant 0 : index
    tpu.barrier barrier_id(%barrier3A_38)
    %lt3A_39 = arith.constant 2 : i32
    %lt3A_40 = arith.cmpi slt, %arg1, %lt3A_39 : i32
    %convert_element_type3A_41 = arith.extui %lt3A_40 : i1 to i32
    %cond3A_42 = arith.constant 0 : i32
    %cond3A_43 = arith.cmpi ne, %convert_element_type3A_41, %cond3A_42 : i32
    scf.if %cond3A_43 {
      "tpu.region"() ({
        %run_scoped3A = tpu.sem_alloc : memref<!tpu.dma_semaphore, #tpu.memory_space<semaphore_mem>>
        %dma_start3A_48 = arith.constant 0 : i32
        %dma_start3A_49 = tpu.memref_slice %arg4[%arg0, %mul3A_10, %dma_start3A_48] : memref<2x10000x32xf32, #tpu.memory_space<hbm>> -> memref<1x632x32xf32, #tpu.memory_space<hbm>>
        %dma_start3A_50 = tpu.memref_squeeze %dma_start3A_49 : memref<1x632x32xf32, #tpu.memory_space<hbm>> -> memref<632x32xf32, #tpu.memory_space<hbm>>
        %dma_start3A_51 = arith.constant 0 : i32
        %dma_start3A_52 = tpu.memref_slice %arg12[%mul3A_10, %dma_start3A_51] : memref<10000x32xf32, #tpu.memory_space<vmem_shared>> -> memref<632x32xf32, #tpu.memory_space<vmem_shared>>
        tpu.enqueue_dma source(%dma_start3A_52 : memref<632x32xf32, #tpu.memory_space<vmem_shared>>) target(%dma_start3A_50 : memref<632x32xf32, #tpu.memory_space<hbm>>) target_semaphore(%run_scoped3A : memref<!tpu.dma_semaphore, #tpu.memory_space<semaphore_mem>>)
        %dma_wait3A = arith.constant 0 : i32
        %dma_wait3A_53 = tpu.memref_slice %arg4[%arg0, %mul3A_10, %dma_wait3A] : memref<2x10000x32xf32, #tpu.memory_space<hbm>> -> memref<1x632x32xf32, #tpu.memory_space<hbm>>
        %dma_wait3A_54 = tpu.memref_squeeze %dma_wait3A_53 : memref<1x632x32xf32, #tpu.memory_space<hbm>> -> memref<632x32xf32, #tpu.memory_space<hbm>>
        %dma_wait3A_55 = arith.constant 0 : i32
        %dma_wait3A_56 = tpu.memref_slice %arg12[%mul3A_10, %dma_wait3A_55] : memref<10000x32xf32, #tpu.memory_space<vmem_shared>> -> memref<632x32xf32, #tpu.memory_space<vmem_shared>>
        tpu.wait_dma2 semaphore(%run_scoped3A : memref<!tpu.dma_semaphore, #tpu.memory_space<semaphore_mem>>) src(%dma_wait3A_56 : memref<632x32xf32, #tpu.memory_space<vmem_shared>>) dst(%dma_wait3A_54 : memref<632x32xf32, #tpu.memory_space<hbm>>)
        tpu.yield
      }) : () -> ()
    } else {
    }
    %ge3A = arith.constant 2 : i32
    %ge3A_44 = arith.cmpi sge, %arg1, %ge3A : i32
    %convert_element_type3A_45 = arith.extui %ge3A_44 : i1 to i32
    %cond3A_46 = arith.constant 0 : i32
    %cond3A_47 = arith.cmpi ne, %convert_element_type3A_45, %cond3A_46 : i32
    scf.if %cond3A_47 {
      "tpu.region"() ({
        %run_scoped3A = tpu.sem_alloc : memref<!tpu.dma_semaphore, #tpu.memory_space<semaphore_mem>>
        %dma_start3A_48 = arith.constant 0 : i32
        %dma_start3A_49 = tpu.memref_slice %arg4[%arg0, %mul3A_10, %dma_start3A_48] : memref<2x10000x32xf32, #tpu.memory_space<hbm>> -> memref<1x624x32xf32, #tpu.memory_space<hbm>>
        %dma_start3A_50 = tpu.memref_squeeze %dma_start3A_49 : memref<1x624x32xf32, #tpu.memory_space<hbm>> -> memref<624x32xf32, #tpu.memory_space<hbm>>
        %dma_start3A_51 = arith.constant 0 : i32
        %dma_start3A_52 = tpu.memref_slice %arg12[%mul3A_10, %dma_start3A_51] : memref<10000x32xf32, #tpu.memory_space<vmem_shared>> -> memref<624x32xf32, #tpu.memory_space<vmem_shared>>
        tpu.enqueue_dma source(%dma_start3A_52 : memref<624x32xf32, #tpu.memory_space<vmem_shared>>) target(%dma_start3A_50 : memref<624x32xf32, #tpu.memory_space<hbm>>) target_semaphore(%run_scoped3A : memref<!tpu.dma_semaphore, #tpu.memory_space<semaphore_mem>>)
        %dma_wait3A = arith.constant 0 : i32
        %dma_wait3A_53 = tpu.memref_slice %arg4[%arg0, %mul3A_10, %dma_wait3A] : memref<2x10000x32xf32, #tpu.memory_space<hbm>> -> memref<1x624x32xf32, #tpu.memory_space<hbm>>
        %dma_wait3A_54 = tpu.memref_squeeze %dma_wait3A_53 : memref<1x624x32xf32, #tpu.memory_space<hbm>> -> memref<624x32xf32, #tpu.memory_space<hbm>>
        %dma_wait3A_55 = arith.constant 0 : i32
        %dma_wait3A_56 = tpu.memref_slice %arg12[%mul3A_10, %dma_wait3A_55] : memref<10000x32xf32, #tpu.memory_space<vmem_shared>> -> memref<624x32xf32, #tpu.memory_space<vmem_shared>>
        tpu.wait_dma2 semaphore(%run_scoped3A : memref<!tpu.dma_semaphore, #tpu.memory_space<semaphore_mem>>) src(%dma_wait3A_56 : memref<624x32xf32, #tpu.memory_space<vmem_shared>>) dst(%dma_wait3A_54 : memref<624x32xf32, #tpu.memory_space<hbm>>)
        tpu.yield
      }) : () -> ()
    } else {
    }
    return
  }
}

module attributes {stable_mosaic.version = 14 : i64} {
  func.func @body(%arg0: i32, %arg1: memref<2x1000x128xf32, #tpu.memory_space<vmem>>, %arg2: memref<1x100xf32, #tpu.memory_space<vmem>>, %arg3: memref<100x20xf32, #tpu.memory_space<vmem>>, %arg4: memref<1000x32xf32, #tpu.memory_space<vmem>>) attributes {dimension_semantics = [#tpu.dimension_semantics<arbitrary>], iteration_bounds = array<i64: 10>, scalar_prefetch = 0 : i64, scratch_operands = 0 : i64, tpu.core_type = #tpu.core_type<tc>, window_params = [{transform_indices = @transform_0, window_bounds = array<i64: 2, 1000, 128>}, {pipeline_mode = #tpu.pipeline_mode<synchronous>, transform_indices = @transform_1, window_bounds = array<i64: 1, 100>}, {pipeline_mode = #tpu.pipeline_mode<synchronous>, transform_indices = @transform_2, window_bounds = array<i64: 100, 20>}, {transform_indices = @transform_3, window_bounds = array<i64: 1000, 32>}]} {
    %get3A = arith.constant 0 : index
    %get3A_0 = arith.constant 0 : index
    %get3A_1 = arith.constant 0 : index
    %get3A_2 = vector.load %arg1[%get3A, %get3A_0, %get3A_1] : memref<2x1000x128xf32, #tpu.memory_space<vmem>>, vector<1x1000x128xf32>
    %get3A_3 = vector.shape_cast %get3A_2 : vector<1x1000x128xf32> to vector<1000x128xf32>
    %get3A_4 = arith.constant 1 : index
    %get3A_5 = arith.constant 0 : index
    %get3A_6 = arith.constant 0 : index
    %get3A_7 = vector.load %arg1[%get3A_4, %get3A_5, %get3A_6] : memref<2x1000x128xf32, #tpu.memory_space<vmem>>, vector<1x1000x128xf32>
    %get3A_8 = vector.shape_cast %get3A_7 : vector<1x1000x128xf32> to vector<1000x128xf32>
    %add3A = arith.addf %get3A_3, %get3A_8 : vector<1000x128xf32>
    %slice3A = vector.extract_strided_slice %add3A {offsets = [0, 0], sizes = [1000, 1], strides = [1, 1]} : vector<1000x128xf32> to vector<1000x1xf32>
    %max3A = arith.constant 1.000000e+00 : f32
    %max3A_9 = vector.broadcast %max3A : f32 to vector<1000x1xf32>
    %max3A_10 = arith.maximumf %slice3A, %max3A_9 : vector<1000x1xf32>
    %slice3A_11 = vector.extract_strided_slice %add3A {offsets = [0, 1], sizes = [1000, 100], strides = [1, 1]} : vector<1000x128xf32> to vector<1000x100xf32>
    %div3A = vector.broadcast %max3A_10 : vector<1000x1xf32> to vector<1000x100xf32>
    %div3A_12 = arith.divf %slice3A_11, %div3A : vector<1000x100xf32>
    %get3A_13 = arith.constant 0 : index
    %get3A_14 = arith.constant 0 : index
    %get3A_15 = vector.load %arg2[%get3A_13, %get3A_14] : memref<1x100xf32, #tpu.memory_space<vmem>>, vector<1x100xf32>
    %add3A_16 = vector.broadcast %get3A_15 : vector<1x100xf32> to vector<1000x100xf32>
    %add3A_17 = arith.addf %div3A_12, %add3A_16 : vector<1000x100xf32>
    %max3A_18 = arith.constant 0.000000e+00 : f32
    %max3A_19 = vector.broadcast %max3A_18 : f32 to vector<1000x100xf32>
    %max3A_20 = arith.maximumf %add3A_17, %max3A_19 : vector<1000x100xf32>
    %get3A_21 = arith.constant 0 : index
    %get3A_22 = arith.constant 0 : index
    %get3A_23 = vector.load %arg3[%get3A_21, %get3A_22] : memref<100x20xf32, #tpu.memory_space<vmem>>, vector<100x20xf32>
    %dot_general3A = arith.constant dense<0.000000e+00> : vector<1000x20xf32>
    %dot_general3A_24 = tpu.matmul %max3A_20, %get3A_23, %dot_general3A {dimension_numbers = #tpu.dot_dimension_numbers<[1], [0], [0], [1], [0, 0, 1, 1], [], []>, transpose_lhs_hint = false} : vector<1000x100xf32>, vector<100x20xf32>, vector<1000x20xf32> -> vector<1000x20xf32>
    %broadcast_in_dim3A = arith.constant 1.000000e+00 : f32
    %broadcast_in_dim3A_25 = vector.broadcast %broadcast_in_dim3A : f32 to vector<1000x1xf32>
    %broadcast_in_dim3A_26 = arith.constant 0.000000e+00 : f32
    %broadcast_in_dim3A_27 = vector.broadcast %broadcast_in_dim3A_26 : f32 to vector<1000x11xf32>
    %concatenate3A = tpu.concatenate %broadcast_in_dim3A_25, %dot_general3A_24, %broadcast_in_dim3A_27 in 1 : vector<1000x1xf32>, vector<1000x20xf32>, vector<1000x11xf32> -> vector<1000x32xf32>
    %swap3A = arith.constant 0 : index
    %swap3A_28 = arith.constant 0 : index
    %swap3A_29 = vector.load %arg4[%swap3A, %swap3A_28] : memref<1000x32xf32, #tpu.memory_space<vmem>>, vector<1000x32xf32>
    tpu.vector_store %arg4[%swap3A, %swap3A_28], %concatenate3A {strides = array<i32>} : memref<1000x32xf32, #tpu.memory_space<vmem>>, vector<1000x32xf32>,
    return
  }
  func.func @transform_0(%arg0: i32) -> (i32, i32, i32) {
    %c0_i32 = arith.constant 0 : i32
    %c0_i32_0 = arith.constant 0 : i32
    %c0_i32_1 = arith.constant 0 : i32
    return %c0_i32, %arg0, %c0_i32_0 : i32, i32, i32
  }
  func.func @transform_1(%arg0: i32) -> (i32, i32) {
    %c0_i32 = arith.constant 0 : i32
    %c0_i32_0 = arith.constant 0 : i32
    %c0_i32_1 = arith.constant 0 : i32
    return %c0_i32, %c0_i32_0 : i32, i32
  }
  func.func @transform_2(%arg0: i32) -> (i32, i32) {
    %c0_i32 = arith.constant 0 : i32
    %c0_i32_0 = arith.constant 0 : i32
    %c0_i32_1 = arith.constant 0 : i32
    return %c0_i32, %c0_i32_0 : i32, i32
  }
  func.func @transform_3(%arg0: i32) -> (i32, i32) {
    %c0_i32 = arith.constant 0 : i32
    %c0_i32_0 = arith.constant 0 : i32
    return %arg0, %c0_i32 : i32, i32
  }
}

module attributes {stable_mosaic.version = 14 : i64} {
  func.func @body(%arg0: i32, %arg1: memref<1000x128xf32, #tpu.memory_space<vmem>>, %arg2: memref<128x100xf32, #tpu.memory_space<vmem>>, %arg3: memref<1000x128xf32, #tpu.memory_space<vmem>>) attributes {dimension_semantics = [#tpu.dimension_semantics<arbitrary>], iteration_bounds = array<i64: 10>, scalar_prefetch = 0 : i64, scratch_operands = 0 : i64, tpu.core_type = #tpu.core_type<tc>, window_params = [{transform_indices = @transform_0, window_bounds = array<i64: 1000, 128>}, {pipeline_mode = #tpu.pipeline_mode<synchronous>, transform_indices = @transform_1, window_bounds = array<i64: 128, 100>}, {transform_indices = @transform_2, window_bounds = array<i64: 1000, 128>}]} {
    %get3A = arith.constant 0 : index
    %get3A_0 = arith.constant 0 : index
    %get3A_1 = vector.load %arg1[%get3A, %get3A_0] : memref<1000x128xf32, #tpu.memory_space<vmem>>, vector<1000x128xf32>
    %get3A_2 = arith.constant 0 : index
    %get3A_3 = arith.constant 0 : index
    %get3A_4 = vector.load %arg2[%get3A_2, %get3A_3] : memref<128x100xf32, #tpu.memory_space<vmem>>, vector<128x100xf32>
    %dot_general3A = arith.constant dense<0.000000e+00> : vector<1000x100xf32>
    %dot_general3A_5 = tpu.matmul %get3A_1, %get3A_4, %dot_general3A {dimension_numbers = #tpu.dot_dimension_numbers<[1], [0], [0], [1], [0, 0, 1, 1], [], []>, transpose_lhs_hint = false} : vector<1000x128xf32>, vector<128x100xf32>, vector<1000x100xf32> -> vector<1000x100xf32>
    %broadcast_in_dim3A = arith.constant 1.000000e+00 : f32
    %broadcast_in_dim3A_6 = vector.broadcast %broadcast_in_dim3A : f32 to vector<1000x1xf32>
    %broadcast_in_dim3A_7 = arith.constant 0.000000e+00 : f32
    %broadcast_in_dim3A_8 = vector.broadcast %broadcast_in_dim3A_7 : f32 to vector<1000x27xf32>
    %concatenate3A = tpu.concatenate %broadcast_in_dim3A_6, %dot_general3A_5, %broadcast_in_dim3A_8 in 1 : vector<1000x1xf32>, vector<1000x100xf32>, vector<1000x27xf32> -> vector<1000x128xf32>
    %swap3A = arith.constant 0 : index
    %swap3A_9 = arith.constant 0 : index
    %swap3A_10 = vector.load %arg3[%swap3A, %swap3A_9] : memref<1000x128xf32, #tpu.memory_space<vmem>>, vector<1000x128xf32>
    tpu.vector_store %arg3[%swap3A, %swap3A_9], %concatenate3A {strides = array<i32>} : memref<1000x128xf32, #tpu.memory_space<vmem>>, vector<1000x128xf32>,
    return
  }
  func.func @transform_0(%arg0: i32) -> (i32, i32) {
    %c0_i32 = arith.constant 0 : i32
    %c0_i32_0 = arith.constant 0 : i32
    return %arg0, %c0_i32 : i32, i32
  }
  func.func @transform_1(%arg0: i32) -> (i32, i32) {
    %c0_i32 = arith.constant 0 : i32
    %c0_i32_0 = arith.constant 0 : i32
    %c0_i32_1 = arith.constant 0 : i32
    return %c0_i32, %c0_i32_0 : i32, i32
  }
  func.func @transform_2(%arg0: i32) -> (i32, i32) {
    %c0_i32 = arith.constant 0 : i32
    %c0_i32_0 = arith.constant 0 : i32
    return %arg0, %c0_i32 : i32, i32
  }
}

module attributes {stable_mosaic.version = 14 : i64} {
  func.func @body(%arg0: i32, %arg1: memref<2x1000x32xf32, #tpu.memory_space<vmem>>, %arg2: memref<1x1x1000xi32, #tpu.memory_space<vmem>>, %arg3: memref<1x20xf32, #tpu.memory_space<vmem>>, %arg4: memref<64x16xf32, #tpu.memory_space<vmem>>, %arg5: memref<36x256xf32, #tpu.memory_space<vmem>>, %arg6: memref<1x256xf32, #tpu.memory_space<vmem>>, %arg7: memref<1x256xf32, #tpu.memory_space<vmem>>, %arg8: memref<1x256xf32, #tpu.memory_space<vmem>>, %arg9: memref<272x32xf32, #tpu.memory_space<vmem>>, %arg10: memref<1x32xf32, #tpu.memory_space<vmem>>, %arg11: memref<1x32xf32, #tpu.memory_space<vmem>>, %arg12: memref<1x32xf32, #tpu.memory_space<vmem>>, %arg13: memref<32x10xf32, #tpu.memory_space<vmem>>, %arg14: memref<1x10xf32, #tpu.memory_space<vmem>>, %arg15: memref<64x10xf32, #tpu.memory_space<vmem>>, %arg16: memref<64x21xf32, #tpu.memory_space<vmem>>) attributes {dimension_semantics = [#tpu.dimension_semantics<arbitrary>], iteration_bounds = array<i64: 10>, scalar_prefetch = 0 : i64, scratch_operands = 1 : i64, tpu.core_type = #tpu.core_type<tc>, window_params = [{transform_indices = @transform_0, window_bounds = array<i64: 2, 1000, 32>}, {transform_indices = @transform_1, window_bounds = array<i64: 1, 1, 1000>}, {pipeline_mode = #tpu.pipeline_mode<synchronous>, transform_indices = @transform_2, window_bounds = array<i64: 1, 20>}, {pipeline_mode = #tpu.pipeline_mode<synchronous>, transform_indices = @transform_3, window_bounds = array<i64: 64, 16>}, {pipeline_mode = #tpu.pipeline_mode<synchronous>, transform_indices = @transform_4, window_bounds = array<i64: 36, 256>}, {pipeline_mode = #tpu.pipeline_mode<synchronous>, transform_indices = @transform_5, window_bounds = array<i64: 1, 256>}, {pipeline_mode = #tpu.pipeline_mode<synchronous>, transform_indices = @transform_6, window_bounds = array<i64: 1, 256>}, {pipeline_mode = #tpu.pipeline_mode<synchronous>, transform_indices = @transform_7, window_bounds = array<i64: 1, 256>}, {pipeline_mode = #tpu.pipeline_mode<synchronous>, transform_indices = @transform_8, window_bounds = array<i64: 272, 32>}, {pipeline_mode = #tpu.pipeline_mode<synchronous>, transform_indices = @transform_9, window_bounds = array<i64: 1, 32>}, {pipeline_mode = #tpu.pipeline_mode<synchronous>, transform_indices = @transform_10, window_bounds = array<i64: 1, 32>}, {pipeline_mode = #tpu.pipeline_mode<synchronous>, transform_indices = @transform_11, window_bounds = array<i64: 1, 32>}, {pipeline_mode = #tpu.pipeline_mode<synchronous>, transform_indices = @transform_12, window_bounds = array<i64: 32, 10>}, {pipeline_mode = #tpu.pipeline_mode<synchronous>, transform_indices = @transform_13, window_bounds = array<i64: 1, 10>}, {pipeline_mode = #tpu.pipeline_mode<synchronous>, transform_indices = @transform_14, window_bounds = array<i64: 64, 10>}]} {
    %eq3A = arith.constant 0 : i32
    %eq3A_0 = arith.cmpi eq, %arg0, %eq3A : i32
    %convert_element_type3A = arith.extui %eq3A_0 : i1 to i32
    %cond3A = arith.constant 0 : i32
    %cond3A_1 = arith.cmpi ne, %convert_element_type3A, %cond3A : i32
    scf.if %cond3A_1 {
      %broadcast_in_dim3A_45 = arith.constant 0.000000e+00 : f32
      %broadcast_in_dim3A_46 = vector.broadcast %broadcast_in_dim3A_45 : f32 to vector<64x21xf32>
      %swap3A_47 = arith.constant 0 : index
      %swap3A_48 = arith.constant 0 : index
      %swap3A_49 = vector.load %arg16[%swap3A_47, %swap3A_48] : memref<64x21xf32, #tpu.memory_space<vmem>>, vector<64x21xf32>
      tpu.vector_store %arg16[%swap3A_47, %swap3A_48], %broadcast_in_dim3A_46 {strides = array<i32>} : memref<64x21xf32, #tpu.memory_space<vmem>>, vector<64x21xf32>,
    } else {
    }
    %get3A = arith.constant 0 : index
    %get3A_2 = arith.constant 0 : index
    %get3A_3 = arith.constant 0 : index
    %get3A_4 = vector.load %arg1[%get3A, %get3A_2, %get3A_3] : memref<2x1000x32xf32, #tpu.memory_space<vmem>>, vector<1x1000x32xf32>
    %get3A_5 = vector.shape_cast %get3A_4 : vector<1x1000x32xf32> to vector<1000x32xf32>
    %get3A_6 = arith.constant 1 : index
    %get3A_7 = arith.constant 0 : index
    %get3A_8 = arith.constant 0 : index
    %get3A_9 = vector.load %arg1[%get3A_6, %get3A_7, %get3A_8] : memref<2x1000x32xf32, #tpu.memory_space<vmem>>, vector<1x1000x32xf32>
    %get3A_10 = vector.shape_cast %get3A_9 : vector<1x1000x32xf32> to vector<1000x32xf32>
    %add3A = arith.addf %get3A_5, %get3A_10 : vector<1000x32xf32>
    %slice3A = vector.extract_strided_slice %add3A {offsets = [0, 0], sizes = [1000, 1], strides = [1, 1]} : vector<1000x32xf32> to vector<1000x1xf32>
    %max3A = arith.constant 1.000000e+00 : f32
    %max3A_11 = vector.broadcast %max3A : f32 to vector<1000x1xf32>
    %max3A_12 = arith.maximumf %slice3A, %max3A_11 : vector<1000x1xf32>
    %slice3A_13 = vector.extract_strided_slice %add3A {offsets = [0, 1], sizes = [1000, 20], strides = [1, 1]} : vector<1000x32xf32> to vector<1000x20xf32>
    %div3A = vector.broadcast %max3A_12 : vector<1000x1xf32> to vector<1000x20xf32>
    %div3A_14 = arith.divf %slice3A_13, %div3A : vector<1000x20xf32>
    %get3A_15 = arith.constant 0 : index
    %get3A_16 = arith.constant 0 : index
    %get3A_17 = vector.load %arg3[%get3A_15, %get3A_16] : memref<1x20xf32, #tpu.memory_space<vmem>>, vector<1x20xf32>
    %add3A_18 = vector.broadcast %get3A_17 : vector<1x20xf32> to vector<1000x20xf32>
    %add3A_19 = arith.addf %div3A_14, %add3A_18 : vector<1000x20xf32>
    %max3A_20 = arith.constant 0.000000e+00 : f32
    %max3A_21 = vector.broadcast %max3A_20 : f32 to vector<1000x20xf32>
    %max3A_22 = arith.maximumf %add3A_19, %max3A_21 : vector<1000x20xf32>
    %broadcast_in_dim3A = arith.constant 1.000000e+00 : f32
    %broadcast_in_dim3A_23 = vector.broadcast %broadcast_in_dim3A : f32 to vector<1000x1xf32>
    %concatenate3A = tpu.concatenate %broadcast_in_dim3A_23, %max3A_22 in 1 : vector<1000x1xf32>, vector<1000x20xf32> -> vector<1000x21xf32>
    %iota3A = tpu.iota {dimensions = array<i32: 0>} : vector<64x1000xi32>
    %get3A_24 = arith.constant 0 : index
    %get3A_25 = arith.constant 0 : index
    %get3A_26 = arith.constant 0 : index
    %get3A_27 = vector.load %arg2[%get3A_24, %get3A_25, %get3A_26] : memref<1x1x1000xi32, #tpu.memory_space<vmem>>, vector<1x1x1000xi32>
    %get3A_28 = vector.shape_cast %get3A_27 : vector<1x1x1000xi32> to vector<1x1000xi32>
    %eq3A_29 = vector.broadcast %get3A_28 : vector<1x1000xi32> to vector<64x1000xi32>
    %eq3A_30 = arith.cmpi eq, %eq3A_29, %iota3A : vector<64x1000xi32>
    %convert_element_type3A_31 = arith.extui %eq3A_30 : vector<64x1000xi1> to vector<64x1000xi32>
    %convert_element_type3A_32 = arith.sitofp %convert_element_type3A_31 : vector<64x1000xi32> to vector<64x1000xf32>
    %get3A_33 = arith.constant 0 : index
    %get3A_34 = arith.constant 0 : index
    %get3A_35 = vector.load %arg16[%get3A_33, %get3A_34] : memref<64x21xf32, #tpu.memory_space<vmem>>, vector<64x21xf32>
    %dot_general3A = arith.constant dense<0.000000e+00> : vector<64x21xf32>
    %dot_general3A_36 = tpu.matmul %convert_element_type3A_32, %concatenate3A, %dot_general3A {dimension_numbers = #tpu.dot_dimension_numbers<[1], [0], [0], [1], [0, 0, 1, 1], [], []>, transpose_lhs_hint = false} : vector<64x1000xf32>, vector<1000x21xf32>, vector<64x21xf32> -> vector<64x21xf32>
    %add3A_37 = arith.addf %get3A_35, %dot_general3A_36 : vector<64x21xf32>
    %swap3A = arith.constant 0 : index
    %swap3A_38 = arith.constant 0 : index
    %swap3A_39 = vector.load %arg16[%swap3A, %swap3A_38] : memref<64x21xf32, #tpu.memory_space<vmem>>, vector<64x21xf32>
    tpu.vector_store %arg16[%swap3A, %swap3A_38], %add3A_37 {strides = array<i32>} : memref<64x21xf32, #tpu.memory_space<vmem>>, vector<64x21xf32>,
    %eq3A_40 = arith.constant 9 : i32
    %eq3A_41 = arith.cmpi eq, %arg0, %eq3A_40 : i32
    %convert_element_type3A_42 = arith.extui %eq3A_41 : i1 to i32
    %cond3A_43 = arith.constant 0 : i32
    %cond3A_44 = arith.cmpi ne, %convert_element_type3A_42, %cond3A_43 : i32
    scf.if %cond3A_44 {
      %get3A_45 = arith.constant 0 : index
      %get3A_46 = arith.constant 0 : index
      %get3A_47 = vector.load %arg16[%get3A_45, %get3A_46] : memref<64x21xf32, #tpu.memory_space<vmem>>, vector<64x21xf32>
      %slice3A_48 = vector.extract_strided_slice %get3A_47 {offsets = [0, 0], sizes = [64, 1], strides = [1, 1]} : vector<64x21xf32> to vector<64x1xf32>
      %max3A_49 = arith.constant 1.000000e+00 : f32
      %max3A_50 = vector.broadcast %max3A_49 : f32 to vector<64x1xf32>
      %max3A_51 = arith.maximumf %slice3A_48, %max3A_50 : vector<64x1xf32>
      %slice3A_52 = vector.extract_strided_slice %get3A_47 {offsets = [0, 1], sizes = [64, 20], strides = [1, 1]} : vector<64x21xf32> to vector<64x20xf32>
      %div3A_53 = vector.broadcast %max3A_51 : vector<64x1xf32> to vector<64x20xf32>
      %div3A_54 = arith.divf %slice3A_52, %div3A_53 : vector<64x20xf32>
      %get3A_55 = arith.constant 0 : index
      %get3A_56 = arith.constant 0 : index
      %get3A_57 = vector.load %arg4[%get3A_55, %get3A_56] : memref<64x16xf32, #tpu.memory_space<vmem>>, vector<64x16xf32>
      %concatenate3A_58 = tpu.concatenate %div3A_54, %get3A_57 in 1 : vector<64x20xf32>, vector<64x16xf32> -> vector<64x36xf32>
      %get3A_59 = arith.constant 0 : index
      %get3A_60 = arith.constant 0 : index
      %get3A_61 = vector.load %arg5[%get3A_59, %get3A_60] : memref<36x256xf32, #tpu.memory_space<vmem>>, vector<36x256xf32>
      %dot_general3A_62 = arith.constant dense<0.000000e+00> : vector<64x256xf32>
      %dot_general3A_63 = tpu.matmul %concatenate3A_58, %get3A_61, %dot_general3A_62 {dimension_numbers = #tpu.dot_dimension_numbers<[1], [0], [0], [1], [0, 0, 1, 1], [], []>, transpose_lhs_hint = false} : vector<64x36xf32>, vector<36x256xf32>, vector<64x256xf32> -> vector<64x256xf32>
      %get3A_64 = arith.constant 0 : index
      %get3A_65 = arith.constant 0 : index
      %get3A_66 = vector.load %arg6[%get3A_64, %get3A_65] : memref<1x256xf32, #tpu.memory_space<vmem>>, vector<1x256xf32>
      %add3A_67 = vector.broadcast %get3A_66 : vector<1x256xf32> to vector<64x256xf32>
      %add3A_68 = arith.addf %dot_general3A_63, %add3A_67 : vector<64x256xf32>
      %get3A_69 = arith.constant 0 : index
      %get3A_70 = arith.constant 0 : index
      %get3A_71 = vector.load %arg7[%get3A_69, %get3A_70] : memref<1x256xf32, #tpu.memory_space<vmem>>, vector<1x256xf32>
      %get3A_72 = arith.constant 0 : index
      %get3A_73 = arith.constant 0 : index
      %get3A_74 = vector.load %arg8[%get3A_72, %get3A_73] : memref<1x256xf32, #tpu.memory_space<vmem>>, vector<1x256xf32>
      %reduce_sum3A = arith.constant dense<0.000000e+00> : vector<256xf32>
      %reduce_sum3A_75 = vector.multi_reduction <add>, %add3A_68, %reduce_sum3A [0] : vector<64x256xf32> to vector<256xf32>
      %broadcast_in_dim3A_76 = vector.shape_cast %reduce_sum3A_75 : vector<256xf32> to vector<1x256xf32>
      %div3A_77 = arith.constant 6.400000e+01 : f32
      %div3A_78 = vector.broadcast %div3A_77 : f32 to vector<1x256xf32>
      %div3A_79 = arith.divf %broadcast_in_dim3A_76, %div3A_78 : vector<1x256xf32>
      %sub3A = vector.broadcast %div3A_79 : vector<1x256xf32> to vector<64x256xf32>
      %sub3A_80 = arith.subf %add3A_68, %sub3A : vector<64x256xf32>
      %integer_pow3A = arith.mulf %sub3A_80, %sub3A_80 : vector<64x256xf32>
      %reduce_sum3A_81 = arith.constant dense<0.000000e+00> : vector<256xf32>
      %reduce_sum3A_82 = vector.multi_reduction <add>, %integer_pow3A, %reduce_sum3A_81 [0] : vector<64x256xf32> to vector<256xf32>
      %broadcast_in_dim3A_83 = vector.shape_cast %reduce_sum3A_82 : vector<256xf32> to vector<1x256xf32>
      %div3A_84 = arith.constant 6.400000e+01 : f32
      %div3A_85 = vector.broadcast %div3A_84 : f32 to vector<1x256xf32>
      %div3A_86 = arith.divf %broadcast_in_dim3A_83, %div3A_85 : vector<1x256xf32>
      %sub3A_87 = vector.broadcast %div3A_79 : vector<1x256xf32> to vector<64x256xf32>
      %sub3A_88 = arith.subf %add3A_68, %sub3A_87 : vector<64x256xf32>
      %mul3A = vector.broadcast %get3A_71 : vector<1x256xf32> to vector<64x256xf32>
      %mul3A_89 = arith.mulf %mul3A, %sub3A_88 : vector<64x256xf32>
      %add3A_90 = arith.constant 9.99999974E-6 : f32
      %add3A_91 = vector.broadcast %add3A_90 : f32 to vector<1x256xf32>
      %add3A_92 = arith.addf %div3A_86, %add3A_91 : vector<1x256xf32>
      %sqrt3A = math.sqrt %add3A_92 : vector<1x256xf32>
      %div3A_93 = vector.broadcast %sqrt3A : vector<1x256xf32> to vector<64x256xf32>
      %div3A_94 = arith.divf %mul3A_89, %div3A_93 : vector<64x256xf32>
      %add3A_95 = vector.broadcast %get3A_74 : vector<1x256xf32> to vector<64x256xf32>
      %add3A_96 = arith.addf %div3A_94, %add3A_95 : vector<64x256xf32>
      %max3A_97 = arith.constant 0.000000e+00 : f32
      %max3A_98 = vector.broadcast %max3A_97 : f32 to vector<64x256xf32>
      %max3A_99 = arith.maximumf %add3A_96, %max3A_98 : vector<64x256xf32>
      %get3A_100 = arith.constant 0 : index
      %get3A_101 = arith.constant 0 : index
      %get3A_102 = vector.load %arg4[%get3A_100, %get3A_101] : memref<64x16xf32, #tpu.memory_space<vmem>>, vector<64x16xf32>
      %concatenate3A_103 = tpu.concatenate %max3A_99, %get3A_102 in 1 : vector<64x256xf32>, vector<64x16xf32> -> vector<64x272xf32>
      %get3A_104 = arith.constant 0 : index
      %get3A_105 = arith.constant 0 : index
      %get3A_106 = vector.load %arg9[%get3A_104, %get3A_105] : memref<272x32xf32, #tpu.memory_space<vmem>>, vector<272x32xf32>
      %dot_general3A_107 = arith.constant dense<0.000000e+00> : vector<64x32xf32>
      %dot_general3A_108 = tpu.matmul %concatenate3A_103, %get3A_106, %dot_general3A_107 {dimension_numbers = #tpu.dot_dimension_numbers<[1], [0], [0], [1], [0, 0, 1, 1], [], []>, transpose_lhs_hint = false} : vector<64x272xf32>, vector<272x32xf32>, vector<64x32xf32> -> vector<64x32xf32>
      %get3A_109 = arith.constant 0 : index
      %get3A_110 = arith.constant 0 : index
      %get3A_111 = vector.load %arg10[%get3A_109, %get3A_110] : memref<1x32xf32, #tpu.memory_space<vmem>>, vector<1x32xf32>
      %add3A_112 = vector.broadcast %get3A_111 : vector<1x32xf32> to vector<64x32xf32>
      %add3A_113 = arith.addf %dot_general3A_108, %add3A_112 : vector<64x32xf32>
      %get3A_114 = arith.constant 0 : index
      %get3A_115 = arith.constant 0 : index
      %get3A_116 = vector.load %arg11[%get3A_114, %get3A_115] : memref<1x32xf32, #tpu.memory_space<vmem>>, vector<1x32xf32>
      %get3A_117 = arith.constant 0 : index
      %get3A_118 = arith.constant 0 : index
      %get3A_119 = vector.load %arg12[%get3A_117, %get3A_118] : memref<1x32xf32, #tpu.memory_space<vmem>>, vector<1x32xf32>
      %reduce_sum3A_120 = arith.constant dense<0.000000e+00> : vector<32xf32>
      %reduce_sum3A_121 = vector.multi_reduction <add>, %add3A_113, %reduce_sum3A_120 [0] : vector<64x32xf32> to vector<32xf32>
      %broadcast_in_dim3A_122 = vector.shape_cast %reduce_sum3A_121 : vector<32xf32> to vector<1x32xf32>
      %div3A_123 = arith.constant 6.400000e+01 : f32
      %div3A_124 = vector.broadcast %div3A_123 : f32 to vector<1x32xf32>
      %div3A_125 = arith.divf %broadcast_in_dim3A_122, %div3A_124 : vector<1x32xf32>
      %sub3A_126 = vector.broadcast %div3A_125 : vector<1x32xf32> to vector<64x32xf32>
      %sub3A_127 = arith.subf %add3A_113, %sub3A_126 : vector<64x32xf32>
      %integer_pow3A_128 = arith.mulf %sub3A_127, %sub3A_127 : vector<64x32xf32>
      %reduce_sum3A_129 = arith.constant dense<0.000000e+00> : vector<32xf32>
      %reduce_sum3A_130 = vector.multi_reduction <add>, %integer_pow3A_128, %reduce_sum3A_129 [0] : vector<64x32xf32> to vector<32xf32>
      %broadcast_in_dim3A_131 = vector.shape_cast %reduce_sum3A_130 : vector<32xf32> to vector<1x32xf32>
      %div3A_132 = arith.constant 6.400000e+01 : f32
      %div3A_133 = vector.broadcast %div3A_132 : f32 to vector<1x32xf32>
      %div3A_134 = arith.divf %broadcast_in_dim3A_131, %div3A_133 : vector<1x32xf32>
      %sub3A_135 = vector.broadcast %div3A_125 : vector<1x32xf32> to vector<64x32xf32>
      %sub3A_136 = arith.subf %add3A_113, %sub3A_135 : vector<64x32xf32>
      %mul3A_137 = vector.broadcast %get3A_116 : vector<1x32xf32> to vector<64x32xf32>
      %mul3A_138 = arith.mulf %mul3A_137, %sub3A_136 : vector<64x32xf32>
      %add3A_139 = arith.constant 9.99999974E-6 : f32
      %add3A_140 = vector.broadcast %add3A_139 : f32 to vector<1x32xf32>
      %add3A_141 = arith.addf %div3A_134, %add3A_140 : vector<1x32xf32>
      %sqrt3A_142 = math.sqrt %add3A_141 : vector<1x32xf32>
      %div3A_143 = vector.broadcast %sqrt3A_142 : vector<1x32xf32> to vector<64x32xf32>
      %div3A_144 = arith.divf %mul3A_138, %div3A_143 : vector<64x32xf32>
      %add3A_145 = vector.broadcast %get3A_119 : vector<1x32xf32> to vector<64x32xf32>
      %add3A_146 = arith.addf %div3A_144, %add3A_145 : vector<64x32xf32>
      %max3A_147 = arith.constant 0.000000e+00 : f32
      %max3A_148 = vector.broadcast %max3A_147 : f32 to vector<64x32xf32>
      %max3A_149 = arith.maximumf %add3A_146, %max3A_148 : vector<64x32xf32>
      %get3A_150 = arith.constant 0 : index
      %get3A_151 = arith.constant 0 : index
      %get3A_152 = vector.load %arg13[%get3A_150, %get3A_151] : memref<32x10xf32, #tpu.memory_space<vmem>>, vector<32x10xf32>
      %dot_general3A_153 = arith.constant dense<0.000000e+00> : vector<64x10xf32>
      %dot_general3A_154 = tpu.matmul %max3A_149, %get3A_152, %dot_general3A_153 {dimension_numbers = #tpu.dot_dimension_numbers<[1], [0], [0], [1], [0, 0, 1, 1], [], []>, transpose_lhs_hint = false} : vector<64x32xf32>, vector<32x10xf32>, vector<64x10xf32> -> vector<64x10xf32>
      %get3A_155 = arith.constant 0 : index
      %get3A_156 = arith.constant 0 : index
      %get3A_157 = vector.load %arg14[%get3A_155, %get3A_156] : memref<1x10xf32, #tpu.memory_space<vmem>>, vector<1x10xf32>
      %add3A_158 = vector.broadcast %get3A_157 : vector<1x10xf32> to vector<64x10xf32>
      %add3A_159 = arith.addf %dot_general3A_154, %add3A_158 : vector<64x10xf32>
      %swap3A_160 = arith.constant 0 : index
      %swap3A_161 = arith.constant 0 : index
      %swap3A_162 = vector.load %arg15[%swap3A_160, %swap3A_161] : memref<64x10xf32, #tpu.memory_space<vmem>>, vector<64x10xf32>
      tpu.vector_store %arg15[%swap3A_160, %swap3A_161], %add3A_159 {strides = array<i32>} : memref<64x10xf32, #tpu.memory_space<vmem>>, vector<64x10xf32>,
    } else {
    }
    return
  }
  func.func @transform_0(%arg0: i32) -> (i32, i32, i32) {
    %c0_i32 = arith.constant 0 : i32
    %c0_i32_0 = arith.constant 0 : i32
    %c0_i32_1 = arith.constant 0 : i32
    return %c0_i32, %arg0, %c0_i32_0 : i32, i32, i32
  }
  func.func @transform_1(%arg0: i32) -> (i32, i32, i32) {
    %c0_i32 = arith.constant 0 : i32
    %c0_i32_0 = arith.constant 0 : i32
    %c0_i32_1 = arith.constant 0 : i32
    return %arg0, %c0_i32, %c0_i32_0 : i32, i32, i32
  }
  func.func @transform_2(%arg0: i32) -> (i32, i32) {
    %c0_i32 = arith.constant 0 : i32
    %c0_i32_0 = arith.constant 0 : i32
    %c0_i32_1 = arith.constant 0 : i32
    return %c0_i32, %c0_i32_0 : i32, i32
  }
  func.func @transform_3(%arg0: i32) -> (i32, i32) {
    %c0_i32 = arith.constant 0 : i32
    %c0_i32_0 = arith.constant 0 : i32
    %c0_i32_1 = arith.constant 0 : i32
    return %c0_i32, %c0_i32_0 : i32, i32
  }
  func.func @transform_4(%arg0: i32) -> (i32, i32) {
    %c0_i32 = arith.constant 0 : i32
    %c0_i32_0 = arith.constant 0 : i32
    %c0_i32_1 = arith.constant 0 : i32
    return %c0_i32, %c0_i32_0 : i32, i32
  }
  func.func @transform_5(%arg0: i32) -> (i32, i32) {
    %c0_i32 = arith.constant 0 : i32
    %c0_i32_0 = arith.constant 0 : i32
    %c0_i32_1 = arith.constant 0 : i32
    return %c0_i32, %c0_i32_0 : i32, i32
  }
  func.func @transform_6(%arg0: i32) -> (i32, i32) {
    %c0_i32 = arith.constant 0 : i32
    %c0_i32_0 = arith.constant 0 : i32
    %c0_i32_1 = arith.constant 0 : i32
    return %c0_i32, %c0_i32_0 : i32, i32
  }
  func.func @transform_7(%arg0: i32) -> (i32, i32) {
    %c0_i32 = arith.constant 0 : i32
    %c0_i32_0 = arith.constant 0 : i32
    %c0_i32_1 = arith.constant 0 : i32
    return %c0_i32, %c0_i32_0 : i32, i32
  }
  func.func @transform_8(%arg0: i32) -> (i32, i32) {
    %c0_i32 = arith.constant 0 : i32
    %c0_i32_0 = arith.constant 0 : i32
    %c0_i32_1 = arith.constant 0 : i32
    return %c0_i32, %c0_i32_0 : i32, i32
  }
  func.func @transform_9(%arg0: i32) -> (i32, i32) {
    %c0_i32 = arith.constant 0 : i32
    %c0_i32_0 = arith.constant 0 : i32
    %c0_i32_1 = arith.constant 0 : i32
    return %c0_i32, %c0_i32_0 : i32, i32
  }
  func.func @transform_10(%arg0: i32) -> (i32, i32) {
    %c0_i32 = arith.constant 0 : i32
    %c0_i32_0 = arith.constant 0 : i32
    %c0_i32_1 = arith.constant 0 : i32
    return %c0_i32, %c0_i32_0 : i32, i32
  }
  func.func @transform_11(%arg0: i32) -> (i32, i32) {
    %c0_i32 = arith.constant 0 : i32
    %c0_i32_0 = arith.constant 0 : i32
    %c0_i32_1 = arith.constant 0 : i32
    return %c0_i32, %c0_i32_0 : i32, i32
  }
  func.func @transform_12(%arg0: i32) -> (i32, i32) {
    %c0_i32 = arith.constant 0 : i32
    %c0_i32_0 = arith.constant 0 : i32
    %c0_i32_1 = arith.constant 0 : i32
    return %c0_i32, %c0_i32_0 : i32, i32
  }
  func.func @transform_13(%arg0: i32) -> (i32, i32) {
    %c0_i32 = arith.constant 0 : i32
    %c0_i32_0 = arith.constant 0 : i32
    %c0_i32_1 = arith.constant 0 : i32
    return %c0_i32, %c0_i32_0 : i32, i32
  }
  func.func @transform_14(%arg0: i32) -> (i32, i32) {
    %c0_i32 = arith.constant 0 : i32
    %c0_i32_0 = arith.constant 0 : i32
    %c0_i32_1 = arith.constant 0 : i32
    return %c0_i32, %c0_i32_0 : i32, i32
  }
}

</mosaic_0001>

<sc_bundles>
// kernel: kernel.10.cloned.1.call-start
scs
__scs_entry_jumppad:
0x0: {  	(pc) =	sbr.rel $0x88, $3  }
0x1: {  	(tag) =	ssettag $0x0;
	lr =	simm.s32 $0x1  }
0x2: {  	[smem:$0x3F8F] =	sst lr;
	_ =	strace $0xD0000000  }
0x3: {  	_ = 	snop  }
0x4: {  	_ = 	snop  }
0x5: {  	_ = 	snop  }
0x6: {  	_ = 	snop  }
0x7: {  	_ = 	snop  }
__scs_overlays_trampoline_lowered:
0x8: {  	[smem:$0x3F9E] =	sst s0  }
0x9: {  	[smem:$0x3F9F] =	sst s1  }
0xa: {  	[smem:$0x3FA0] =	sst s2  }
0xb: {  	[smem:$0x3FA1] =	sst s3  }
0xc: {  	[smem:$0x3FA2] =	sst s4  }
0xd: {  	[smem:$0x3FA3] =	sst s5  }
0xe: {  	[smem:$0x3FA4] =	sst s6  }
0xf: {  	[smem:$0x3FA5] =	sst s7  }
0x10: {  	[smem:$0x3FA6] =	sst s8  }
0x11: {  	[smem:$0x3FA7] =	sst s9;
	s0 =	simm.s32 @!p0 $0x0  }
0x12: {  	s1 =	sld [smem:$0x3F8D];
	s0 =	simm.s32 @p0 $0x1  }
0x13: {  	[smem:$0x3FA8] =	sst s0;
	s0 =	simm.s32 @!p1 $0x0  }
0x14: {  	s2 =	sld [smem:$0x3F8C];
	s0 =	simm.s32 @p1 $0x1  }
0x15: {  	[smem:$0x3FA9] =	sst s0;
	s0 =	simm.s32 @!p2 $0x0  }
0x16: {  	s3 =	sld [smem:$0x3FDB];
	s0 =	simm.s32 @p2 $0x1  }
0x17: {  	s4 =	simm.s32 $0x1BF5;
	[smem:$0x3FAB] =	sst s0  }
0x18: {  	s0 =	sld [smem:$0x3F8E];
	_ =	swait.ge [sflag:s4], $0x0  }
0x19: {  	s7 =	sld [smem:$0x3F8F]  }
0x1a: {  	s8 =	sadd.s32 $0xFFFFE003, lr  }
0x1b: {  	s9 =	sadd.s32 $0xFFFFFEF7, lr;
	s5 =	simm.s32 $0xFFFFFFFF;
	p2 =	slt.u32 s8, $0xFFFFF086  }
0x1c: {  	p1 =	slt.u32 s9, $0xF7A;
	s5 =	simm.s32 @!p2 $0x0  }
0x1d: {  	s5 =	simm.s32 @p1 $0x1;
	p0 =	seq.s32 s7, s2  }
0x1e: {  	s7 =	smul.u32 @!p0 $0xF7A, s2;
	p2 =	seq.s32 @!p0 s5, $0x0  }
0x1f: {  	s9 =	smul.u32 $0xF7A, s1;
	s8 =	simm.s32 @!p0 $0x1BF5;
	p2 =	por !p2, p0  }
0x20: {  	[sflag:s8] =	ssyncset.s32 @!p0 $0xFFFFF086;
	s6 =	sadd.s32 @!p0 s3, s7;
	s7 =	simm.s32 @!p0 $0x108  }
0x21: {  	s3 =	sadd.s32 s3, s9;
	s6 =	sadd.s32 @!p0 $0x88, s6;
	s7 =	simm.s32 @p2 $0x1082  }
0x22: {  	[simem:s7], [sflag:s8] =	dma.local @!p0 [hbm:s6], $0xF7A  }
0x23: {  	s9 =	sor.u32 $0xD0000000, s2;
	s6 =	simm.s32 $0x108;
	_ =	swait.ge @!p0 [sflag:s8], $0x0  }
0x24: {  	s3 =	sadd.s32 $0x88, s3;
	s6 =	simm.s32 @!p1 $0x1082;
	[sflag:s4] =	ssyncset.s32 $0xFFFFF086  }
0x25: {  	[simem:s6], [sflag:s4] =	dma.local [hbm:s3], $0xF7A  }
0x26: {  	[smem:$0x3F8F] =	sst s1;
	(tag) =	ssettag s2;
	_ =	strace s9  }
0x27: {  	s1 =	sld [smem:$0x3F9F]  }
0x28: {  	s2 =	sld [smem:$0x3FA0]  }
0x29: {  	s4 =	sld [smem:$0x3FA2]  }
0x2a: {  	p0 =	seq.s32 s5, $0x0;
	s5 =	sld [smem:$0x3FA3]  }
0x2b: {  	s6 =	sld [smem:$0x3FA4]  }
0x2c: {  	s7 =	sld [smem:$0x3FA5]  }
0x2d: {  	s3 =	simm.s32 $0x108;
	s8 =	sld [smem:$0x3FA6]  }
0x2e: {  	s3 =	simm.s32 @!p0 $0x1082;
	s9 =	sld [smem:$0x3FA7]  }
0x2f: {  	lr =	sadd.s32 s0, s3;
	s0 =	sld [smem:$0x3F9E]  }
0x30: {  	s3 =	sld [smem:$0x3FA1]  }
0x31: {  	[smem:$0x3FAA] =	sst s10  }
0x32: {  	s10 =	sld [smem:$0x3FA8];
	_ =	sdelay $0x3  }
0x33: {  	p0 =	seq.s32 s10, $0x1;
	s10 =	sld [smem:$0x3FAA];
	_ =	sdelay $0x3  }
0x34: {  	[smem:$0x3FAA] =	sst s10  }
0x35: {  	s10 =	sld [smem:$0x3FA9];
	_ =	sdelay $0x3  }
0x36: {  	p1 =	seq.s32 s10, $0x1;
	s10 =	sld [smem:$0x3FAA];
	_ =	sdelay $0x3  }
0x37: {  	[smem:$0x3FAA] =	sst s10  }
0x38: {  	s10 =	sld [smem:$0x3FAB]  }
0x39: {  	_ = 	snop;
	(pc) =	sbr.ind lr, $3  }
0x3a: {  	_ = 	snop  }
0x3b: {  	_ = 	snop  }
0x3c: {  	p2 =	seq.s32 s10, $0x1;
	s10 =	sld [smem:$0x3FAA]  }
0x3d: {  	_ =	shalt  }
0x3e: {  	_ =	shalt  }
0x3f: {  	_ =	shalt  }
0x40: {  	_ =	shalt  }
0x41: {  	_ =	shalt  }
0x42: {  	_ =	shalt  }
0x43: {  	_ =	shalt  }
0x44: {  	_ =	shalt  }
0x45: {  	_ =	shalt  }
0x46: {  	_ =	shalt  }
0x47: {  	_ =	shalt  }
0x48: {  	_ =	shalt  }
0x49: {  	_ =	shalt  }
0x4a: {  	_ =	shalt  }
0x4b: {  	_ =	shalt  }
0x4c: {  	_ =	shalt  }
0x4d: {  	_ =	shalt  }
0x4e: {  	_ =	shalt  }
0x4f: {  	_ =	shalt  }
0x50: {  	_ =	shalt  }
0x51: {  	_ =	shalt  }
0x52: {  	_ =	shalt  }
0x53: {  	_ =	shalt  }
0x54: {  	_ =	shalt  }
0x55: {  	_ =	shalt  }
0x56: {  	_ =	shalt  }
0x57: {  	_ =	shalt  }
0x58: {  	_ =	shalt  }
0x59: {  	_ =	shalt  }
0x5a: {  	_ =	shalt  }
0x5b: {  	_ =	shalt  }
0x5c: {  	_ =	shalt  }
0x5d: {  	_ =	shalt  }
0x5e: {  	_ =	shalt  }
0x5f: {  	_ =	shalt  }
0x60: {  	_ =	shalt  }
0x61: {  	_ =	shalt  }
0x62: {  	_ =	shalt  }
0x63: {  	_ =	shalt  }
0x64: {  	_ =	shalt  }
0x65: {  	_ =	shalt  }
0x66: {  	_ =	shalt  }
0x67: {  	_ =	shalt  }
0x68: {  	_ =	shalt  }
0x69: {  	_ =	shalt  }
0x6a: {  	_ =	shalt  }
0x6b: {  	_ =	shalt  }
0x6c: {  	_ =	shalt  }
0x6d: {  	_ =	shalt  }
0x6e: {  	_ =	shalt  }
0x6f: {  	_ =	shalt  }
0x70: {  	_ =	shalt  }
0x71: {  	_ =	shalt  }
0x72: {  	_ =	shalt  }
0x73: {  	_ =	shalt  }
0x74: {  	_ =	shalt  }
0x75: {  	_ =	shalt  }
0x76: {  	_ =	shalt  }
0x77: {  	_ =	shalt  }
0x78: {  	_ =	shalt  }
0x79: {  	_ =	shalt  }
0x7a: {  	_ =	shalt  }
0x7b: {  	_ =	shalt  }
0x7c: {  	_ =	shalt  }
0x7d: {  	_ =	shalt  }
0x7e: {  	_ =	shalt  }
0x7f: {  	_ =	shalt  }
0x80: {  	_ =	shalt  }
0x81: {  	_ =	shalt  }
0x82: {  	_ =	shalt  }
0x83: {  	_ =	shalt  }
0x84: {  	_ =	shalt  }
0x85: {  	_ =	shalt  }
0x86: {  	_ =	shalt  }
0x87: {  	_ =	shalt  }
.Lfunc_end0:
.L_simem_size_0:
called_computation.1_lowered:
.L_overlay_start_0:
0x88: {  	s2 =	sld [smem:$0x3FD9]  }
0x89: {  	s3 =	sld [smem:$0x3FFE];
	_ =	sdelay $0x1  }
0x8a: {  	s1 =	srdreg.scid  }
0x8b: {  	s0 =	sand.u32 $0x1, s1  }
0x8c: {  	s16 =	sshll.u32 s0, $0xA;
	s2 =	sadd.s32 s3, s2  }
0x8d: {  	s2 =	sadd.s32 s2, s16  }
0x8e: {  	[smem:$0x3FB6] =	sst s2  }
0x8f: {  	_ = 	snop  }
0x90: {  	(tm) =	ssettm $0x1  }
0x91: {  	s17 =	sld [smem:$0x3FFB];
	_ =	sdelay $0x3  }
0x92: {  	_ =	strace s17  }
0x93: {  	s2 =	sld [smem:$0x3FFC];
	_ =	sdelay $0x3  }
0x94: {  	_ =	strace s2  }
0x95: {  	s2 =	sld [smem:$0x3FFD];
	_ =	sdelay $0x3  }
0x96: {  	_ =	strace s2  }
0x97: {  	_ =	strace $0x8FFFFFFF  }
0x98: {  	s18 =	sld [smem:$0x3FDB];
	_ =	sdelay $0x1  }
0x99: {  	s19 =	simm.s32 $_scs_section_size  }
0x9a: {  	s4 =	simm.s32 $_size__tile_overlayer_lowered;
	s5 =	simm.s32 $_tile_overlayer_lowered  }
0x9b: {  	s22 =	simm.s32 $0x1BFF;
	s21 =	sshll.u32 s5, $0x1;
	s2 =	sadd.s32 s19, s18  }
0x9c: {  	s6 =	simm.s32 $0x0;
	s20 =	sshll.u32 s4, $0x1;
	s4 =	sadd.s32 s21, s2  }
0x9d: {  	[timem:s6], [sflag:s22] =	dma.local [hbm:s4], s20  }
0x9e: {  	_ =	swait.ge [sflag:s22], s20  }
0x9f: {  	s3 =	ssub.s32 $0x0, s20;
	[sflag:s22] =	ssyncset.done $0x0  }
0xa0: {  	[sflag:s22] =	ssyncadd.s32 s3;
	_ =	sdelay $0x1  }
0xa1: {  	s23 =	simm.s32 $0x1B8B  }
0xa2: {  	_ =	swait.ge [sflag:s23], $0x1  }
0xa3: {  	[sflag:s23] =	ssyncset.done $0x0  }
0xa4: {  	s25 =	simm.s32 $0x1B8E;
	s24 =	sld [smem:$0x3FFE];
	[sflag:s23] =	ssyncadd.s32 $0xFFFFFFFF  }
0xa5: {  	s26 =	simm.s32 $execute0_lowered;
	[smem:$0x3FD2] =	sst s25  }
0xa6: {  	s4 =	sshll.u32 s26, $0x1;
	_ =	strace $0x80000049;
	[dreg:$0x1] =	wrdreg $0xFFFFFFFF  }
0xa7: {  	s28 =	simm.s32 $_size_execute0_lowered;
	s2 =	sadd.s32 s2, s4;
	[dreg:$0x0] =	wrdreg $0x0  }
0xa8: {  	s4 =	sshll.u32 s28, $0x1;
	[dreg:$0x2] =	wrdreg s2  }
0xa9: {  	[dreg:$0x3] =	wrdreg s4  }
0xaa: {  	[dreg:$0x4] =	wrdreg $0xC0  }
0xab: {  	_ =	task [dreg:s6], $0x5FFFF  }
0xac: {  	[dreg:$0x1] =	wrdreg $0xFFFFFFFF  }
0xad: {  	[dreg:$0x0] =	wrdreg $0x60  }
0xae: {  	[dreg:$0x2] =	wrdreg s24  }
0xaf: {  	[dreg:$0x3] =	wrdreg $0x34000  }
0xb0: {  	[dreg:$0x4] =	wrdreg $0x9  }
0xb1: {  	_ =	task.clear_ibuf [dreg:s6], $0x5FFFF;
	_ =	strace $0x90000049  }
0xb2: {  	s29 =	simm.s32 $0x9;
	_ =	strace $0x8000004B  }
0xb3: {  	_ =	swait.ge [sflag:s29], $0x1  }
0xb4: {  	[sflag:s29] =	ssyncadd.s32 $0xFFFFFFFF  }
0xb5: {  	_ =	strace $0x9000004B  }
0xb6: {  	_ =	sfence  }
0xb7: {  	s30 =	sld [smem:$0x0];
	_ =	sdelay $0x2  }
0xb8: {  	s31 =	sshll.u32 s1, $0xD;
	s1 =	sshrl.u32 s1, $0x2  }
0xb9: {  	s3 =	sand.u32 $0x4000, s31;
	s1 =	sadd.s32 s1, s30  }
0xba: {  	s0 =	sor.u32 s3, s0;
	s1 =	sshll.u32 s1, $0x11  }
0xbb: {  	s0 =	sor.u32 s1, s0  }
0xbc: {  	s0 =	sadd.s32 $0x8F2B, s0  }
0xbd: {  	[sflag:s0] =	ssyncadd.remote.s32 $0x1  }
0xbe: {  	_ =	sfence.sel $0xFFFF  }
0xbf: {  	[dreg:$0x0] =	wrdreg $0xFFFFFFFF;
	(pc) =	sbr.abs _section_cstart, $3  }
0xc0: {  	[dreg:$0x1] =	wrdreg $0xFFFFFFFF  }
0xc1: {  	_ =	task.clear_ibuf [dreg:s6], $0x2FFFF;
	_ =	strace $0x9FFFFFFF  }
0xc2: {  	(tm) =	ssettm $0x7FFFFFFF  }
0xc3: {  	_ =	shalt  }
tec
execute0_lowered:
.L_overlay_start_1:
0x0: {  	(tag) =	ssettag $0x1  }
0x1: {  	s2 =	rddreg [dreg:$0x0]  }
0x2: {  	s1 =	rddreg [dreg:$0x1];
	s3 =	simm.s32 $0x0  }
0x3: {  	s0 =	srdreg.scid;
	s14 =	stileid.u32;
	s26 =	simm.s32 $0x100  }
0x4: {  	s16 =	simm.s32 $0x300;
	s17 =	simm.s32 $0x380;
	s18 =	simm.s32 $0x400  }
0x5: {  	s19 =	simm.s32 $0x480;
	s20 =	simm.s32 $0x500;
	s28 =	simm.s32 $0xD00  }
0x6: {  	s29 =	simm.s32 $0x80;
	s30 =	simm.s32 $0xE00;
	s31 =	simm.s32 $0xD80  }
0x7: {  	[smem:$0x7FF] =	sst s3;
	s4 =	sadd.s32 $0x16800, s2;
	s5 =	sand.u32 $0x1, s0  }
0x8: {  	s6 =	smul.u32 $0x4E, s14;
	_ =	strace $0x8000004A;
	[dreg:$0x6] =	wrdreg s26  }
0x9: {  	s7 =	sadd.s32 $0x2E00, s2;
	s13 =	smul.u32 $0x4E0, s14;
	[dreg:$0xa] =	wrdreg s16  }
0xa: {  	s21 =	smin.u32 s14, $0x2;
	s8 =	smul.u32 $0x4E200, s5;
	[dreg:$0xb] =	wrdreg s17  }
0xb: {  	p0 =	sgt.u32 s14, $0x1;
	s10 =	smul.u32 $0x4E0, s5;
	[dreg:$0xc] =	wrdreg s18  }
0xc: {  	s9 =	sshll.u32 s5, $0x4;
	s22 =	smul.u32 $0x4E00, s5;
	[dreg:$0xd] =	wrdreg s19  }
0xd: {  	s5 =	ssub.s32 $0x2, s5;
	[dreg:$0xe] =	wrdreg s20;
	s16 =	simm.s32 $0x900  }
0xe: {  	s18 =	simm.s32 $0x980;
	s20 =	simm.s32 $0xA00;
	[dreg:$0x15] =	wrdreg s16  }
0xf: {  	s0 =	sadd.s32 s21, s6;
	s25 =	sshrl.u32 s5, $0x1;
	[dreg:$0x16] =	wrdreg s18  }
0x10: {  	[dreg:$0x17] =	wrdreg s20;
	s11 =	sshll.u32 s0, $0x8;
	s0 =	sor.u32 s14, s9  }
0x11: {  	s6 =	sadd.s32 s6, s10;
	s9 =	sadd.s32 s22, s7;
	s10 =	simm.s32 $0x200  }
0x12: {  	s22 =	simm.s32 $0x580;
	s12 =	smin.u32 s0, $0x4;
	s8 =	sadd.s32 s8, s11  }
0x13: {  	s9 =	sadd.s32 s13, s9;
	[dreg:$0x8] =	wrdreg s10;
	s13 =	simm.s32 $0x280  }
0x14: {  	[dreg:$0xf] =	wrdreg s22;
	s22 =	simm.s32 $0xA80;
	p1 =	sgt.u32 s0, $0x3  }
0x15: {  	s6 =	sadd.s32 s12, s6;
	s23 =	sshll.u32 s12, $0x4;
	[dreg:$0x9] =	wrdreg s13  }
0x16: {  	s8 =	sshrl.u32 s8, $0x3;
	s13 =	simm.s32 $0x880;
	[dreg:$0x18] =	wrdreg s22  }
0x17: {  	s6 =	sshll.u32 s6, $0x4;
	s9 =	sadd.s32 s23, s9;
	[dreg:$0x14] =	wrdreg s13  }
0x18: {  	s2 =	sadd.s32 s8, s2;
	s23 =	simm.s32 $0x600;
	[dreg:$0x3] =	wrdreg s9  }
0x19: {  	s8 =	ssub.s32 s5, s25;
	s25 =	simm.s32 $0x700;
	[dreg:$0x10] =	wrdreg s23  }
0x1a: {  	s5 =	sadd.s32 s11, s1;
	s9 =	simm.s32 $0x180;
	[dreg:$0x11] =	wrdreg s25  }
0x1b: {  	s11 =	smul.u32 $0x4E, s0;
	s15 =	sadd.s32 $0x4E00, s5;
	[dreg:$0x7] =	wrdreg s9  }
0x1c: {  	s0 =	simm.s32 $0x1E00;
	s26 =	sadd.s32 $0x600, s5;
	[dreg:$0x1d] =	wrdreg s15  }
0x1d: {  	s6 =	sadd.s32 s6, s7;
	s17 =	sadd.s32 $0x1E00, s5;
	[smem:$0x7F7] =	sst s26  }
0x1e: {  	s10 =	sadd.s32 $0x20600, s2;
	s19 =	sadd.s32 $0x2400, s5;
	[smem:$0x7FB] =	sst s17  }
0x1f: {  	s23 =	simm.s32 $0xB00;
	s20 =	sadd.s32 $0x3600, s5;
	[smem:$0x7FC] =	sst s19  }
0x20: {  	s25 =	simm.s32 $0xC00;
	s22 =	sadd.s32 $0x4200, s5;
	[dreg:$0x19] =	wrdreg s23  }
0x21: {  	s2 =	simm.s32 $0x680;
	s24 =	sadd.s32 $0xD0, s6;
	[dreg:$0x1b] =	wrdreg s25  }
0x22: {  	s6 =	sadd.s32 $0x1A0, s6;
	s9 =	sadd.s32 s12, s11;
	[dreg:$0x4] =	wrdreg s24  }
0x23: {  	s11 =	simm.s32 $0x800;
	s12 =	sadd.s32 $0x1200, s5;
	[dreg:$0x5] =	wrdreg s6  }
0x24: {  	s15 =	sadd.s32 $0x1800, s5;
	s19 =	sadd.s32 $0x3000, s5;
	[smem:$0x7F9] =	sst s12  }
0x25: {  	s26 =	simm.s32 $0xC80;
	s23 =	sadd.s32 $0x4800, s5;
	[dreg:$0x13] =	wrdreg s11  }
0x26: {  	s25 =	simm.s32 $0x6;
	s9 =	sshll.u32 s9, $0x4;
	[smem:$0x7FA] =	sst s15  }
0x27: {  	s24 =	smax.u32 s8, $0x1;
	s8 =	simm.s32 $0x780;
	[dreg:$0x1c] =	wrdreg s26  }
0x28: {  	s26 =	simm.s32 $0x3;
	s6 =	simm.s32 $0x1;
	[smem:$0x7F6] =	sst s24  }
0x29: {  	s7 =	sadd.s32 s7, s9;
	[dreg:$0x12] =	wrdreg s8;
	s24 =	simm.s32 $0xB80  }
0x2a: {  	s11 =	simm.s32 $0x5;
	s9 =	sadd.s32 $0x4E0, s7;
	[dreg:$0x1a] =	wrdreg s24  }
0x2b: {  	s12 =	simm.s32 $0x0;
	s21 =	sadd.s32 $0xA120, s7;
	[dreg:$0x1e] =	wrdreg s9  }
0x2c: {  	s8 =	simm.s32 $0x4;
	[dreg:$0x1f] =	wrdreg s21;
	s9 =	sadd.s32 $0xC00, s5  }
0x2d: {  	s24 =	simm.s32 $0x2E00;
	s21 =	sadd.s32 $0x2A00, s5;
	[smem:$0x7F8] =	sst s9  }
0x2e: {  	v0 =	vimm.f32 $0.0e+00;
	[smem:$0x7FD] =	sst s21;
	s21 =	sadd.s32 $0x3C00, s5;
	s9 =	simm.s32 $0x2  }
.LBB2_1:
0x2f: {  	s13 =	simm.s32 $0x80;
	s14 =	simm.s32 $0x0  }
.LBB2_2:
0x30: {  	p2 =	sne.s32 s13, $0x1780;
	[tilespmem:s14+$0x2E00] =	vst v0;
	s15 =	smov.u32 s13;
	s13 =	sadd.s32 $0x80, s13  }
.Ltmp0:
0x31: {  	[tilespmem:s14+$0x2E10] =	vst v0;
	(pc) =	sbr.rel @p2 .LBB2_2-.Ltmp0, $2  }
0x32: {  	_ =	sdelay $0x2  }
0x33: {  	s14 =	sshra.s32 s15, $0x2  }
0x34: {  	[tilespmem:s14+$0x2E00] =	vst v0  }
0x35: {  	[tilespmem:s14+$0x2E10] =	vst v0  }
0x36: {  	[spmem:s5] =	stream.linear.scatter [tilespmem:s24], [sflag:$0x6], $0x600, $0x38;
	[tilespmem:$0x8220] =	vst v63  }
0x37: {  	_ =	swait.ge [sflag:s25], $0x600  }
0x38: {  	s13 =	sld [smem:$0x7F7]  }
0x39: {  	[sflag:s25] =	ssyncset.done $0x0  }
0x3a: {  	[sflag:s25] =	ssyncadd.s32 $0xFFFFFA00  }
0x3b: {  	[spmem:s13] =	stream.linear.scatter [tilespmem:s24], [sflag:$0x6], $0x600, $0x38;
	[tilespmem:$0x8220] =	vst v63  }
0x3c: {  	_ =	swait.ge [sflag:s25], $0x600  }
0x3d: {  	s18 =	sld [smem:$0x7F8]  }
0x3e: {  	[sflag:s25] =	ssyncset.done $0x0  }
0x3f: {  	[sflag:s25] =	ssyncadd.s32 $0xFFFFFA00  }
0x40: {  	[spmem:s18] =	stream.linear.scatter [tilespmem:s24], [sflag:$0x6], $0x600, $0x38;
	[tilespmem:$0x8220] =	vst v63  }
0x41: {  	_ =	swait.ge [sflag:s25], $0x600  }
0x42: {  	s14 =	sld [smem:$0x7F9]  }
0x43: {  	[sflag:s25] =	ssyncset.done $0x0  }
0x44: {  	[sflag:s25] =	ssyncadd.s32 $0xFFFFFA00  }
0x45: {  	[spmem:s14] =	stream.linear.scatter [tilespmem:s24], [sflag:$0x6], $0x600, $0x38;
	[tilespmem:$0x8220] =	vst v63  }
0x46: {  	_ =	swait.ge [sflag:s25], $0x600  }
0x47: {  	s15 =	sld [smem:$0x7FA]  }
0x48: {  	[sflag:s25] =	ssyncset.done $0x0  }
0x49: {  	[sflag:s25] =	ssyncadd.s32 $0xFFFFFA00  }
0x4a: {  	[spmem:s15] =	stream.linear.scatter [tilespmem:s24], [sflag:$0x6], $0x600, $0x38;
	[tilespmem:$0x8220] =	vst v63  }
0x4b: {  	_ =	swait.ge [sflag:s25], $0x600  }
0x4c: {  	s16 =	sld [smem:$0x7FB]  }
0x4d: {  	[sflag:s25] =	ssyncset.done $0x0  }
0x4e: {  	[sflag:s25] =	ssyncadd.s32 $0xFFFFFA00  }
0x4f: {  	[spmem:s16] =	stream.linear.scatter [tilespmem:s24], [sflag:$0x6], $0x600, $0x38;
	[tilespmem:$0x8220] =	vst v63  }
0x50: {  	_ =	swait.ge [sflag:s25], $0x600  }
0x51: {  	s17 =	sld [smem:$0x7FC]  }
0x52: {  	[sflag:s25] =	ssyncset.done $0x0  }
0x53: {  	[sflag:s25] =	ssyncadd.s32 $0xFFFFFA00  }
0x54: {  	[spmem:s17] =	stream.linear.scatter [tilespmem:s24], [sflag:$0x6], $0x600, $0x38;
	[tilespmem:$0x8220] =	vst v63  }
0x55: {  	_ =	swait.ge [sflag:s25], $0x600  }
0x56: {  	s18 =	sld [smem:$0x7FD]  }
0x57: {  	[sflag:s25] =	ssyncset.done $0x0  }
0x58: {  	[sflag:s25] =	ssyncadd.s32 $0xFFFFFA00  }
0x59: {  	[spmem:s18] =	stream.linear.scatter [tilespmem:s24], [sflag:$0x6], $0x600, $0x38;
	[tilespmem:$0x8220] =	vst v63  }
0x5a: {  	_ =	swait.ge [sflag:s25], $0x600  }
0x5b: {  	[sflag:s25] =	ssyncset.done $0x0  }
0x5c: {  	[sflag:s25] =	ssyncadd.s32 $0xFFFFFA00  }
0x5d: {  	[spmem:s19] =	stream.linear.scatter [tilespmem:s24], [sflag:$0x6], $0x600, $0x38;
	[tilespmem:$0x8220] =	vst v63  }
0x5e: {  	_ =	swait.ge [sflag:s25], $0x600  }
0x5f: {  	[sflag:s25] =	ssyncset.done $0x0  }
0x60: {  	[sflag:s25] =	ssyncadd.s32 $0xFFFFFA00  }
0x61: {  	[spmem:s20] =	stream.linear.scatter [tilespmem:s24], [sflag:$0x6], $0x600, $0x38;
	[tilespmem:$0x8220] =	vst v63  }
0x62: {  	_ =	swait.ge [sflag:s25], $0x600  }
0x63: {  	[sflag:s25] =	ssyncset.done $0x0  }
0x64: {  	[sflag:s25] =	ssyncadd.s32 $0xFFFFFA00  }
0x65: {  	[spmem:s21] =	stream.linear.scatter [tilespmem:s24], [sflag:$0x6], $0x600, $0x38;
	[tilespmem:$0x8220] =	vst v63  }
0x66: {  	_ =	swait.ge [sflag:s25], $0x600  }
0x67: {  	[sflag:s25] =	ssyncset.done $0x0  }
0x68: {  	[sflag:s25] =	ssyncadd.s32 $0xFFFFFA00  }
0x69: {  	[spmem:s22] =	stream.linear.scatter [tilespmem:s24], [sflag:$0x6], $0x600, $0x38;
	[tilespmem:$0x8220] =	vst v63  }
0x6a: {  	_ =	swait.ge [sflag:s25], $0x600  }
0x6b: {  	[sflag:s25] =	ssyncset.done $0x0  }
0x6c: {  	[sflag:s25] =	ssyncadd.s32 $0xFFFFFA00  }
0x6d: {  	[spmem:s23] =	stream.linear.scatter [tilespmem:s24], [sflag:$0x6], $0x600, $0x38;
	[tilespmem:$0x8220] =	vst v63  }
0x6e: {  	_ =	swait.ge [sflag:s25], $0x600  }
0x6f: {  	[sflag:s25] =	ssyncset.done $0x0  }
0x70: {  	s13 =	simm.s32 @!p0 $0x2E00;
	s14 =	rddreg [dreg:$0x1d];
	[sflag:s25] =	ssyncadd.s32 $0xFFFFFA00  }
0x71: {  	[spmem:s14] =	stream.linear.scatter @!p0 [tilespmem:s13], [sflag:$0x6], $0x100, $0x38;
	[tilespmem:$0x8220] =	vst v63  }
0x72: {  	s13 =	simm.s32 @!p0 $0x6  }
0x73: {  	_ =	swait.ge @!p0 [sflag:s13], $0x100  }
0x74: {  	[sflag:s13] =	ssyncset.done @!p0 $0x0  }
0x75: {  	[sflag:s13] =	ssyncadd.s32 @!p0 $0xFFFFFF00  }
0x76: {  	s14 =	simm.s32 $0x0;
	[bflag:$0x0] =	sbarrier.arrive $0xFFFF  }
0x77: {  	[tilespmem:s14], [sflag:$0x3] =	stream.linear.gather [hbm4b:s7+s14], $0x680, $0x38;
	[tilespmem:$0x8220] =	vst v63  }
0x78: {  	_ =	swait.ge [sflag:s26], $0x680  }
0x79: {  	s15 =	rddreg [dreg:$0x3]  }
0x7a: {  	[sflag:s26] =	ssyncset.done $0x0;
	s13 =	sadd.s32 $0x0, s15  }
0x7b: {  	[sflag:s26] =	ssyncadd.s32 $0xFFFFF980;
	s16 =	sadd.s32 $0x9C40, s13  }
0x7c: {  	[tilespmem:s28], [sflag:$0x4] =	stream.linear.gather [hbm4b:s16+s3], $0x80, $0x38;
	[tilespmem:$0x8220] =	vst v63  }
0x7d: {  	_ = 	snop  }
0x7e: {  	[tilespmem:s30], [sflag:$0x1] =	stream.indirect.gather [hbm4b:s4+s29], $0x20, s3, s29, $0xb8;
	[tilespmem:$0x8220] =	vst v63  }
0x7f: {  	s17 =	sadd.s32 $0x9C50, s13  }
0x80: {  	[tilespmem:s31], [sflag:$0x5] =	stream.linear.gather [hbm4b:s17+s3], $0x80, $0x38;
	[tilespmem:$0x8220] =	vst v63  }
0x81: {  	s15 =	rddreg [dreg:$0x4]  }
0x82: {  	[tilespmem:s0], [sflag:$0x2] =	stream.indirect.gather [hbm4b:s4+s29], $0x20, s29, s29, $0xb8;
	[tilespmem:$0x8220] =	vst v63  }
0x83: {  	s18 =	sadd.s32 $0x0, s15  }
0x84: {  	[tilespmem:s2], [sflag:$0x3] =	stream.linear.gather [hbm4b:s18+s3], $0x680, $0x38;
	[tilespmem:$0x8220] =	vst v63  }
0x85: {  	_ =	swait.ge [sflag:s6], $0x1000  }
0x86: {  	[sflag:s6] =	ssyncset.done $0x0  }
0x87: {  	[sflag:s6] =	ssyncadd.s32 $0xFFFFF000  }
0x88: {  	_ =	swait.ge [sflag:s8], $0x80  }
0x89: {  	[sflag:s8] =	ssyncset.done $0x0  }
0x8a: {  	[sflag:s8] =	ssyncadd.s32 $0xFFFFFF80  }
0x8b: {  	[spmem:s1] =	stream.indirect.scatter.add.f32 [tilespmem:s30], [sflag:$0x6], $0x20, s28, s29, $0xb8;
	[tilespmem:$0x8220] =	vst v63  }
0x8c: {  	_ =	swait.ge [sflag:s25], $0x1000  }
0x8d: {  	[sflag:s25] =	ssyncset.done $0x0  }
0x8e: {  	s15 =	sadd.s32 $0x9C60, s13;
	[sflag:s25] =	ssyncadd.s32 $0xFFFFF000  }
0x8f: {  	[tilespmem:s28], [sflag:$0x4] =	stream.linear.gather [hbm4b:s15+s3], $0x80, $0x38;
	[tilespmem:$0x8220] =	vst v63  }
0x90: {  	s16 =	rddreg [dreg:$0x6]  }
0x91: {  	[tilespmem:s30], [sflag:$0x1] =	stream.indirect.gather [hbm4b:s4+s29], $0x20, s16, s29, $0xb8;
	[tilespmem:$0x8220] =	vst v63  }
0x92: {  	_ =	swait.ge [sflag:s9], $0x1000  }
0x93: {  	[sflag:s9] =	ssyncset.done $0x0  }
0x94: {  	[sflag:s9] =	ssyncadd.s32 $0xFFFFF000  }
0x95: {  	_ =	swait.ge [sflag:s11], $0x80  }
0x96: {  	[sflag:s11] =	ssyncset.done $0x0  }
0x97: {  	[sflag:s11] =	ssyncadd.s32 $0xFFFFFF80  }
0x98: {  	[spmem:s1] =	stream.indirect.scatter.add.f32 [tilespmem:s0], [sflag:$0x6], $0x20, s31, s29, $0xb8;
	[tilespmem:$0x8220] =	vst v63  }
0x99: {  	_ =	swait.ge [sflag:s25], $0x1000  }
0x9a: {  	[sflag:s25] =	ssyncset.done $0x0  }
0x9b: {  	s17 =	sadd.s32 $0x9C70, s13;
	[sflag:s25] =	ssyncadd.s32 $0xFFFFF000  }
0x9c: {  	[tilespmem:s31], [sflag:$0x5] =	stream.linear.gather [hbm4b:s17+s3], $0x80, $0x38;
	[tilespmem:$0x8220] =	vst v63  }
0x9d: {  	s18 =	rddreg [dreg:$0x7]  }
0x9e: {  	[tilespmem:s0], [sflag:$0x2] =	stream.indirect.gather [hbm4b:s4+s29], $0x20, s18, s29, $0xb8;
	[tilespmem:$0x8220] =	vst v63  }
0x9f: {  	_ =	swait.ge [sflag:s6], $0x1000  }
0xa0: {  	[sflag:s6] =	ssyncset.done $0x0  }
0xa1: {  	[sflag:s6] =	ssyncadd.s32 $0xFFFFF000  }
0xa2: {  	_ =	swait.ge [sflag:s8], $0x80  }
0xa3: {  	[sflag:s8] =	ssyncset.done $0x0  }
0xa4: {  	[sflag:s8] =	ssyncadd.s32 $0xFFFFFF80  }
0xa5: {  	[spmem:s1] =	stream.indirect.scatter.add.f32 [tilespmem:s30], [sflag:$0x6], $0x20, s28, s29, $0xb8;
	[tilespmem:$0x8220] =	vst v63  }
0xa6: {  	_ =	swait.ge [sflag:s25], $0x1000  }
0xa7: {  	[sflag:s25] =	ssyncset.done $0x0  }
0xa8: {  	s15 =	sadd.s32 $0x9C80, s13;
	[sflag:s25] =	ssyncadd.s32 $0xFFFFF000  }
0xa9: {  	[tilespmem:s28], [sflag:$0x4] =	stream.linear.gather [hbm4b:s15+s3], $0x80, $0x38;
	[tilespmem:$0x8220] =	vst v63  }
0xaa: {  	s16 =	rddreg [dreg:$0x8]  }
0xab: {  	[tilespmem:s30], [sflag:$0x1] =	stream.indirect.gather [hbm4b:s4+s29], $0x20, s16, s29, $0xb8;
	[tilespmem:$0x8220] =	vst v63  }
0xac: {  	_ =	swait.ge [sflag:s9], $0x1000  }
0xad: {  	[sflag:s9] =	ssyncset.done $0x0  }
0xae: {  	[sflag:s9] =	ssyncadd.s32 $0xFFFFF000  }
0xaf: {  	_ =	swait.ge [sflag:s11], $0x80  }
0xb0: {  	[sflag:s11] =	ssyncset.done $0x0  }
0xb1: {  	[sflag:s11] =	ssyncadd.s32 $0xFFFFFF80  }
0xb2: {  	[spmem:s1] =	stream.indirect.scatter.add.f32 [tilespmem:s0], [sflag:$0x6], $0x20, s31, s29, $0xb8;
	[tilespmem:$0x8220] =	vst v63  }
0xb3: {  	_ =	swait.ge [sflag:s25], $0x1000  }
0xb4: {  	[sflag:s25] =	ssyncset.done $0x0  }
0xb5: {  	s17 =	sadd.s32 $0x9C90, s13;
	[sflag:s25] =	ssyncadd.s32 $0xFFFFF000  }
0xb6: {  	[tilespmem:s31], [sflag:$0x5] =	stream.linear.gather [hbm4b:s17+s3], $0x80, $0x38;
	[tilespmem:$0x8220] =	vst v63  }
0xb7: {  	s18 =	rddreg [dreg:$0x9]  }
0xb8: {  	[tilespmem:s0], [sflag:$0x2] =	stream.indirect.gather [hbm4b:s4+s29], $0x20, s18, s29, $0xb8;
	[tilespmem:$0x8220] =	vst v63  }
0xb9: {  	_ =	swait.ge [sflag:s6], $0x1000  }
0xba: {  	[sflag:s6] =	ssyncset.done $0x0  }
0xbb: {  	[sflag:s6] =	ssyncadd.s32 $0xFFFFF000  }
0xbc: {  	_ =	swait.ge [sflag:s8], $0x80  }
0xbd: {  	[sflag:s8] =	ssyncset.done $0x0  }
0xbe: {  	[sflag:s8] =	ssyncadd.s32 $0xFFFFFF80  }
0xbf: {  	[spmem:s1] =	stream.indirect.scatter.add.f32 [tilespmem:s30], [sflag:$0x6], $0x20, s28, s29, $0xb8;
	[tilespmem:$0x8220] =	vst v63  }
0xc0: {  	_ =	swait.ge [sflag:s25], $0x1000  }
0xc1: {  	[sflag:s25] =	ssyncset.done $0x0  }
0xc2: {  	s15 =	sadd.s32 $0x9CA0, s13;
	[sflag:s25] =	ssyncadd.s32 $0xFFFFF000  }
0xc3: {  	[tilespmem:s28], [sflag:$0x4] =	stream.linear.gather [hbm4b:s15+s3], $0x80, $0x38;
	[tilespmem:$0x8220] =	vst v63  }
0xc4: {  	s16 =	rddreg [dreg:$0xa]  }
0xc5: {  	[tilespmem:s30], [sflag:$0x1] =	stream.indirect.gather [hbm4b:s4+s29], $0x20, s16, s29, $0xb8;
	[tilespmem:$0x8220] =	vst v63  }
0xc6: {  	_ =	swait.ge [sflag:s9], $0x1000  }
0xc7: {  	[sflag:s9] =	ssyncset.done $0x0  }
0xc8: {  	[sflag:s9] =	ssyncadd.s32 $0xFFFFF000  }
0xc9: {  	_ =	swait.ge [sflag:s11], $0x80  }
0xca: {  	[sflag:s11] =	ssyncset.done $0x0  }
0xcb: {  	[sflag:s11] =	ssyncadd.s32 $0xFFFFFF80  }
0xcc: {  	[spmem:s1] =	stream.indirect.scatter.add.f32 [tilespmem:s0], [sflag:$0x6], $0x20, s31, s29, $0xb8;
	[tilespmem:$0x8220] =	vst v63  }
0xcd: {  	_ =	swait.ge [sflag:s25], $0x1000  }
0xce: {  	[sflag:s25] =	ssyncset.done $0x0  }
0xcf: {  	s17 =	sadd.s32 $0x9CB0, s13;
	[sflag:s25] =	ssyncadd.s32 $0xFFFFF000  }
0xd0: {  	[tilespmem:s31], [sflag:$0x5] =	stream.linear.gather [hbm4b:s17+s3], $0x80, $0x38;
	[tilespmem:$0x8220] =	vst v63  }
0xd1: {  	s18 =	rddreg [dreg:$0xb]  }
0xd2: {  	[tilespmem:s0], [sflag:$0x2] =	stream.indirect.gather [hbm4b:s4+s29], $0x20, s18, s29, $0xb8;
	[tilespmem:$0x8220] =	vst v63  }
0xd3: {  	_ =	swait.ge [sflag:s6], $0x1000  }
0xd4: {  	[sflag:s6] =	ssyncset.done $0x0  }
0xd5: {  	[sflag:s6] =	ssyncadd.s32 $0xFFFFF000  }
0xd6: {  	_ =	swait.ge [sflag:s8], $0x80  }
0xd7: {  	[sflag:s8] =	ssyncset.done $0x0  }
0xd8: {  	[sflag:s8] =	ssyncadd.s32 $0xFFFFFF80  }
0xd9: {  	[spmem:s1] =	stream.indirect.scatter.add.f32 [tilespmem:s30], [sflag:$0x6], $0x20, s28, s29, $0xb8;
	[tilespmem:$0x8220] =	vst v63  }
0xda: {  	_ =	swait.ge [sflag:s25], $0x1000  }
0xdb: {  	[sflag:s25] =	ssyncset.done $0x0  }
0xdc: {  	s15 =	sadd.s32 $0x9CC0, s13;
	[sflag:s25] =	ssyncadd.s32 $0xFFFFF000  }
0xdd: {  	[tilespmem:s28], [sflag:$0x4] =	stream.linear.gather [hbm4b:s15+s3], $0x80, $0x38;
	[tilespmem:$0x8220] =	vst v63  }
0xde: {  	s16 =	rddreg [dreg:$0xc]  }
0xdf: {  	[tilespmem:s30], [sflag:$0x1] =	stream.indirect.gather [hbm4b:s4+s29], $0x20, s16, s29, $0xb8;
	[tilespmem:$0x8220] =	vst v63  }
0xe0: {  	_ =	swait.ge [sflag:s9], $0x1000  }
0xe1: {  	[sflag:s9] =	ssyncset.done $0x0  }
0xe2: {  	[sflag:s9] =	ssyncadd.s32 $0xFFFFF000  }
0xe3: {  	_ =	swait.ge [sflag:s11], $0x80  }
0xe4: {  	[sflag:s11] =	ssyncset.done $0x0  }
0xe5: {  	[sflag:s11] =	ssyncadd.s32 $0xFFFFFF80  }
0xe6: {  	[spmem:s1] =	stream.indirect.scatter.add.f32 [tilespmem:s0], [sflag:$0x6], $0x20, s31, s29, $0xb8;
	[tilespmem:$0x8220] =	vst v63  }
0xe7: {  	_ =	swait.ge [sflag:s25], $0x1000  }
0xe8: {  	[sflag:s25] =	ssyncset.done $0x0  }
0xe9: {  	s17 =	sadd.s32 $0x9CD0, s13;
	[sflag:s25] =	ssyncadd.s32 $0xFFFFF000  }
0xea: {  	[tilespmem:s31], [sflag:$0x5] =	stream.linear.gather [hbm4b:s17+s3], $0x80, $0x38;
	[tilespmem:$0x8220] =	vst v63  }
0xeb: {  	s18 =	rddreg [dreg:$0xd]  }
0xec: {  	[tilespmem:s0], [sflag:$0x2] =	stream.indirect.gather [hbm4b:s4+s29], $0x20, s18, s29, $0xb8;
	[tilespmem:$0x8220] =	vst v63  }
0xed: {  	_ =	swait.ge [sflag:s6], $0x1000  }
0xee: {  	[sflag:s6] =	ssyncset.done $0x0  }
0xef: {  	[sflag:s6] =	ssyncadd.s32 $0xFFFFF000  }
0xf0: {  	_ =	swait.ge [sflag:s8], $0x80  }
0xf1: {  	[sflag:s8] =	ssyncset.done $0x0  }
0xf2: {  	[sflag:s8] =	ssyncadd.s32 $0xFFFFFF80  }
0xf3: {  	[spmem:s1] =	stream.indirect.scatter.add.f32 [tilespmem:s30], [sflag:$0x6], $0x20, s28, s29, $0xb8;
	[tilespmem:$0x8220] =	vst v63  }
0xf4: {  	_ =	swait.ge [sflag:s25], $0x1000  }
0xf5: {  	[sflag:s25] =	ssyncset.done $0x0  }
0xf6: {  	s15 =	sadd.s32 $0x9CE0, s13;
	[sflag:s25] =	ssyncadd.s32 $0xFFFFF000  }
0xf7: {  	[tilespmem:s28], [sflag:$0x4] =	stream.linear.gather [hbm4b:s15+s3], $0x80, $0x38;
	[tilespmem:$0x8220] =	vst v63  }
0xf8: {  	s16 =	rddreg [dreg:$0xe]  }
0xf9: {  	[tilespmem:s30], [sflag:$0x1] =	stream.indirect.gather [hbm4b:s4+s29], $0x20, s16, s29, $0xb8;
	[tilespmem:$0x8220] =	vst v63  }
0xfa: {  	_ =	swait.ge [sflag:s9], $0x1000  }
0xfb: {  	[sflag:s9] =	ssyncset.done $0x0  }
0xfc: {  	[sflag:s9] =	ssyncadd.s32 $0xFFFFF000  }
0xfd: {  	_ =	swait.ge [sflag:s11], $0x80  }
0xfe: {  	[sflag:s11] =	ssyncset.done $0x0  }
0xff: {  	[sflag:s11] =	ssyncadd.s32 $0xFFFFFF80  }
0x100: {  	[spmem:s1] =	stream.indirect.scatter.add.f32 [tilespmem:s0], [sflag:$0x6], $0x20, s31, s29, $0xb8;
	[tilespmem:$0x8220] =	vst v63  }
0x101: {  	_ =	swait.ge [sflag:s25], $0x1000  }
0x102: {  	[sflag:s25] =	ssyncset.done $0x0  }
0x103: {  	s17 =	sadd.s32 $0x9CF0, s13;
	[sflag:s25] =	ssyncadd.s32 $0xFFFFF000  }
0x104: {  	[tilespmem:s31], [sflag:$0x5] =	stream.linear.gather [hbm4b:s17+s3], $0x80, $0x38;
	[tilespmem:$0x8220] =	vst v63  }
0x105: {  	s18 =	rddreg [dreg:$0xf]  }
0x106: {  	[tilespmem:s0], [sflag:$0x2] =	stream.indirect.gather [hbm4b:s4+s29], $0x20, s18, s29, $0xb8;
	[tilespmem:$0x8220] =	vst v63  }
0x107: {  	_ =	swait.ge [sflag:s6], $0x1000  }
0x108: {  	[sflag:s6] =	ssyncset.done $0x0  }
0x109: {  	[sflag:s6] =	ssyncadd.s32 $0xFFFFF000  }
0x10a: {  	_ =	swait.ge [sflag:s8], $0x80  }
0x10b: {  	[sflag:s8] =	ssyncset.done $0x0  }
0x10c: {  	[sflag:s8] =	ssyncadd.s32 $0xFFFFFF80  }
0x10d: {  	[spmem:s1] =	stream.indirect.scatter.add.f32 [tilespmem:s30], [sflag:$0x6], $0x20, s28, s29, $0xb8;
	[tilespmem:$0x8220] =	vst v63  }
0x10e: {  	_ =	swait.ge [sflag:s25], $0x1000  }
0x10f: {  	[sflag:s25] =	ssyncset.done $0x0  }
0x110: {  	s16 =	sadd.s32 $0x9D00, s13;
	[sflag:s25] =	ssyncadd.s32 $0xFFFFF000  }
0x111: {  	[tilespmem:s28], [sflag:$0x4] =	stream.linear.gather [hbm4b:s16+s3], $0x80, $0x38;
	[tilespmem:$0x8220] =	vst v63  }
0x112: {  	s17 =	rddreg [dreg:$0x10]  }
0x113: {  	[tilespmem:s30], [sflag:$0x1] =	stream.indirect.gather [hbm4b:s4+s29], $0x20, s17, s29, $0xb8;
	[tilespmem:$0x8220] =	vst v63  }
0x114: {  	_ =	swait.ge [sflag:s9], $0x1000  }
0x115: {  	[sflag:s9] =	ssyncset.done $0x0  }
0x116: {  	[sflag:s9] =	ssyncadd.s32 $0xFFFFF000  }
0x117: {  	_ =	swait.ge [sflag:s11], $0x80  }
0x118: {  	[sflag:s11] =	ssyncset.done $0x0  }
0x119: {  	[sflag:s11] =	ssyncadd.s32 $0xFFFFFF80  }
0x11a: {  	[spmem:s1] =	stream.indirect.scatter.add.f32 [tilespmem:s0], [sflag:$0x6], $0x20, s31, s29, $0xb8;
	[tilespmem:$0x8220] =	vst v63  }
0x11b: {  	_ =	swait.ge [sflag:s25], $0x1000  }
0x11c: {  	[sflag:s25] =	ssyncset.done $0x0  }
0x11d: {  	[sflag:s25] =	ssyncadd.s32 $0xFFFFF000  }
0x11e: {  	_ =	swait.ge [sflag:s6], $0x1000  }
0x11f: {  	[sflag:s6] =	ssyncset.done $0x0  }
0x120: {  	[sflag:s6] =	ssyncadd.s32 $0xFFFFF000  }
0x121: {  	_ =	swait.ge [sflag:s8], $0x80  }
0x122: {  	[sflag:s8] =	ssyncset.done $0x0  }
0x123: {  	[sflag:s8] =	ssyncadd.s32 $0xFFFFFF80  }
0x124: {  	[spmem:s1] =	stream.indirect.scatter.add.f32 [tilespmem:s30], [sflag:$0x6], $0x20, s28, s29, $0xb8;
	[tilespmem:$0x8220] =	vst v63  }
0x125: {  	_ =	swait.ge [sflag:s25], $0x1000  }
0x126: {  	[sflag:s25] =	ssyncset.done $0x0  }
0x127: {  	[sflag:s25] =	ssyncadd.s32 $0xFFFFF000  }
0x128: {  	_ =	swait.ge [sflag:s26], $0x680  }
0x129: {  	[sflag:s26] =	ssyncset.done $0x0  }
0x12a: {  	s18 =	sadd.s32 $0x9D10, s13;
	[sflag:s26] =	ssyncadd.s32 $0xFFFFF980  }
0x12b: {  	[tilespmem:s28], [sflag:$0x4] =	stream.linear.gather [hbm4b:s18+s3], $0x80, $0x38;
	[tilespmem:$0x8220] =	vst v63  }
0x12c: {  	_ = 	snop  }
0x12d: {  	[tilespmem:s30], [sflag:$0x1] =	stream.indirect.gather [hbm4b:s4+s29], $0x20, s2, s29, $0xb8;
	[tilespmem:$0x8220] =	vst v63  }
0x12e: {  	s15 =	sadd.s32 $0x9D20, s13;
	s16 =	rddreg [dreg:$0x11]  }
0x12f: {  	[tilespmem:s31], [sflag:$0x5] =	stream.linear.gather [hbm4b:s15+s3], $0x80, $0x38;
	[tilespmem:$0x8220] =	vst v63  }
0x130: {  	p2 =	por $0x0, $0x0;
	s14 =	rddreg [dreg:$0x5]  }
0x131: {  	[tilespmem:s0], [sflag:$0x2] =	stream.indirect.gather [hbm4b:s4+s29], $0x20, s16, s29, $0xb8;
	[tilespmem:$0x8220] =	vst v63  }
0x132: {  	s14 =	sadd.s32 @!p2 $0x0, s14;
	s15 =	simm.s32 @!p2 $0x0  }
0x133: {  	[tilespmem:s15], [sflag:$0x3] =	stream.linear.gather @!p2 [hbm4b:s14+s15], $0x680, $0x38;
	[tilespmem:$0x8220] =	vst v63  }
0x134: {  	_ =	swait.ge [sflag:s6], $0x1000  }
0x135: {  	[sflag:s6] =	ssyncset.done $0x0  }
0x136: {  	[sflag:s6] =	ssyncadd.s32 $0xFFFFF000  }
0x137: {  	_ =	swait.ge [sflag:s8], $0x80  }
0x138: {  	[sflag:s8] =	ssyncset.done $0x0  }
0x139: {  	[sflag:s8] =	ssyncadd.s32 $0xFFFFFF80  }
0x13a: {  	[spmem:s1] =	stream.indirect.scatter.add.f32 [tilespmem:s30], [sflag:$0x6], $0x20, s28, s29, $0xb8;
	[tilespmem:$0x8220] =	vst v63  }
0x13b: {  	_ =	swait.ge [sflag:s25], $0x1000  }
0x13c: {  	[sflag:s25] =	ssyncset.done $0x0  }
0x13d: {  	s17 =	sadd.s32 $0x9D30, s13;
	[sflag:s25] =	ssyncadd.s32 $0xFFFFF000  }
0x13e: {  	[tilespmem:s28], [sflag:$0x4] =	stream.linear.gather [hbm4b:s17+s3], $0x80, $0x38;
	[tilespmem:$0x8220] =	vst v63  }
0x13f: {  	s18 =	rddreg [dreg:$0x12]  }
0x140: {  	[tilespmem:s30], [sflag:$0x1] =	stream.indirect.gather [hbm4b:s4+s29], $0x20, s18, s29, $0xb8;
	[tilespmem:$0x8220] =	vst v63  }
0x141: {  	_ =	swait.ge [sflag:s9], $0x1000  }
0x142: {  	[sflag:s9] =	ssyncset.done $0x0  }
0x143: {  	[sflag:s9] =	ssyncadd.s32 $0xFFFFF000  }
0x144: {  	_ =	swait.ge [sflag:s11], $0x80  }
0x145: {  	[sflag:s11] =	ssyncset.done $0x0  }
0x146: {  	[sflag:s11] =	ssyncadd.s32 $0xFFFFFF80  }
0x147: {  	[spmem:s1] =	stream.indirect.scatter.add.f32 [tilespmem:s0], [sflag:$0x6], $0x20, s31, s29, $0xb8;
	[tilespmem:$0x8220] =	vst v63  }
0x148: {  	_ =	swait.ge [sflag:s25], $0x1000  }
0x149: {  	[sflag:s25] =	ssyncset.done $0x0  }
0x14a: {  	s15 =	sadd.s32 $0x9D40, s13;
	[sflag:s25] =	ssyncadd.s32 $0xFFFFF000  }
0x14b: {  	[tilespmem:s31], [sflag:$0x5] =	stream.linear.gather [hbm4b:s15+s3], $0x80, $0x38;
	[tilespmem:$0x8220] =	vst v63  }
0x14c: {  	s16 =	rddreg [dreg:$0x13]  }
0x14d: {  	[tilespmem:s0], [sflag:$0x2] =	stream.indirect.gather [hbm4b:s4+s29], $0x20, s16, s29, $0xb8;
	[tilespmem:$0x8220] =	vst v63  }
0x14e: {  	_ =	swait.ge [sflag:s6], $0x1000  }
0x14f: {  	[sflag:s6] =	ssyncset.done $0x0  }
0x150: {  	[sflag:s6] =	ssyncadd.s32 $0xFFFFF000  }
0x151: {  	_ =	swait.ge [sflag:s8], $0x80  }
0x152: {  	[sflag:s8] =	ssyncset.done $0x0  }
0x153: {  	[sflag:s8] =	ssyncadd.s32 $0xFFFFFF80  }
0x154: {  	[spmem:s1] =	stream.indirect.scatter.add.f32 [tilespmem:s30], [sflag:$0x6], $0x20, s28, s29, $0xb8;
	[tilespmem:$0x8220] =	vst v63  }
0x155: {  	_ =	swait.ge [sflag:s25], $0x1000  }
0x156: {  	[sflag:s25] =	ssyncset.done $0x0  }
0x157: {  	s17 =	sadd.s32 $0x9D50, s13;
	[sflag:s25] =	ssyncadd.s32 $0xFFFFF000  }
0x158: {  	[tilespmem:s28], [sflag:$0x4] =	stream.linear.gather [hbm4b:s17+s3], $0x80, $0x38;
	[tilespmem:$0x8220] =	vst v63  }
0x159: {  	s18 =	rddreg [dreg:$0x14]  }
0x15a: {  	[tilespmem:s30], [sflag:$0x1] =	stream.indirect.gather [hbm4b:s4+s29], $0x20, s18, s29, $0xb8;
	[tilespmem:$0x8220] =	vst v63  }
0x15b: {  	_ =	swait.ge [sflag:s9], $0x1000  }
0x15c: {  	[sflag:s9] =	ssyncset.done $0x0  }
0x15d: {  	[sflag:s9] =	ssyncadd.s32 $0xFFFFF000  }
0x15e: {  	_ =	swait.ge [sflag:s11], $0x80  }
0x15f: {  	[sflag:s11] =	ssyncset.done $0x0  }
0x160: {  	[sflag:s11] =	ssyncadd.s32 $0xFFFFFF80  }
0x161: {  	[spmem:s1] =	stream.indirect.scatter.add.f32 [tilespmem:s0], [sflag:$0x6], $0x20, s31, s29, $0xb8;
	[tilespmem:$0x8220] =	vst v63  }
0x162: {  	_ =	swait.ge [sflag:s25], $0x1000  }
0x163: {  	[sflag:s25] =	ssyncset.done $0x0  }
0x164: {  	s15 =	sadd.s32 $0x9D60, s13;
	[sflag:s25] =	ssyncadd.s32 $0xFFFFF000  }
0x165: {  	[tilespmem:s31], [sflag:$0x5] =	stream.linear.gather [hbm4b:s15+s3], $0x80, $0x38;
	[tilespmem:$0x8220] =	vst v63  }
0x166: {  	s16 =	rddreg [dreg:$0x15]  }
0x167: {  	[tilespmem:s0], [sflag:$0x2] =	stream.indirect.gather [hbm4b:s4+s29], $0x20, s16, s29, $0xb8;
	[tilespmem:$0x8220] =	vst v63  }
0x168: {  	_ =	swait.ge [sflag:s6], $0x1000  }
0x169: {  	[sflag:s6] =	ssyncset.done $0x0  }
0x16a: {  	[sflag:s6] =	ssyncadd.s32 $0xFFFFF000  }
0x16b: {  	_ =	swait.ge [sflag:s8], $0x80  }
0x16c: {  	[sflag:s8] =	ssyncset.done $0x0  }
0x16d: {  	[sflag:s8] =	ssyncadd.s32 $0xFFFFFF80  }
0x16e: {  	[spmem:s1] =	stream.indirect.scatter.add.f32 [tilespmem:s30], [sflag:$0x6], $0x20, s28, s29, $0xb8;
	[tilespmem:$0x8220] =	vst v63  }
0x16f: {  	_ =	swait.ge [sflag:s25], $0x1000  }
0x170: {  	[sflag:s25] =	ssyncset.done $0x0  }
0x171: {  	s17 =	sadd.s32 $0x9D70, s13;
	[sflag:s25] =	ssyncadd.s32 $0xFFFFF000  }
0x172: {  	[tilespmem:s28], [sflag:$0x4] =	stream.linear.gather [hbm4b:s17+s3], $0x80, $0x38;
	[tilespmem:$0x8220] =	vst v63  }
0x173: {  	s18 =	rddreg [dreg:$0x16]  }
0x174: {  	[tilespmem:s30], [sflag:$0x1] =	stream.indirect.gather [hbm4b:s4+s29], $0x20, s18, s29, $0xb8;
	[tilespmem:$0x8220] =	vst v63  }
0x175: {  	_ =	swait.ge [sflag:s9], $0x1000  }
0x176: {  	[sflag:s9] =	ssyncset.done $0x0  }
0x177: {  	[sflag:s9] =	ssyncadd.s32 $0xFFFFF000  }
0x178: {  	_ =	swait.ge [sflag:s11], $0x80  }
0x179: {  	[sflag:s11] =	ssyncset.done $0x0  }
0x17a: {  	[sflag:s11] =	ssyncadd.s32 $0xFFFFFF80  }
0x17b: {  	[spmem:s1] =	stream.indirect.scatter.add.f32 [tilespmem:s0], [sflag:$0x6], $0x20, s31, s29, $0xb8;
	[tilespmem:$0x8220] =	vst v63  }
0x17c: {  	_ =	swait.ge [sflag:s25], $0x1000  }
0x17d: {  	[sflag:s25] =	ssyncset.done $0x0  }
0x17e: {  	s15 =	sadd.s32 $0x9D80, s13;
	[sflag:s25] =	ssyncadd.s32 $0xFFFFF000  }
0x17f: {  	[tilespmem:s31], [sflag:$0x5] =	stream.linear.gather [hbm4b:s15+s3], $0x80, $0x38;
	[tilespmem:$0x8220] =	vst v63  }
0x180: {  	s16 =	rddreg [dreg:$0x17]  }
0x181: {  	[tilespmem:s0], [sflag:$0x2] =	stream.indirect.gather [hbm4b:s4+s29], $0x20, s16, s29, $0xb8;
	[tilespmem:$0x8220] =	vst v63  }
0x182: {  	_ =	swait.ge [sflag:s6], $0x1000  }
0x183: {  	[sflag:s6] =	ssyncset.done $0x0  }
0x184: {  	[sflag:s6] =	ssyncadd.s32 $0xFFFFF000  }
0x185: {  	_ =	swait.ge [sflag:s8], $0x80  }
0x186: {  	[sflag:s8] =	ssyncset.done $0x0  }
0x187: {  	[sflag:s8] =	ssyncadd.s32 $0xFFFFFF80  }
0x188: {  	[spmem:s1] =	stream.indirect.scatter.add.f32 [tilespmem:s30], [sflag:$0x6], $0x20, s28, s29, $0xb8;
	[tilespmem:$0x8220] =	vst v63  }
0x189: {  	_ =	swait.ge [sflag:s25], $0x1000  }
0x18a: {  	[sflag:s25] =	ssyncset.done $0x0  }
0x18b: {  	s17 =	sadd.s32 $0x9D90, s13;
	[sflag:s25] =	ssyncadd.s32 $0xFFFFF000  }
0x18c: {  	[tilespmem:s28], [sflag:$0x4] =	stream.linear.gather [hbm4b:s17+s3], $0x80, $0x38;
	[tilespmem:$0x8220] =	vst v63  }
0x18d: {  	s18 =	rddreg [dreg:$0x18]  }
0x18e: {  	[tilespmem:s30], [sflag:$0x1] =	stream.indirect.gather [hbm4b:s4+s29], $0x20, s18, s29, $0xb8;
	[tilespmem:$0x8220] =	vst v63  }
0x18f: {  	_ =	swait.ge [sflag:s9], $0x1000  }
0x190: {  	[sflag:s9] =	ssyncset.done $0x0  }
0x191: {  	[sflag:s9] =	ssyncadd.s32 $0xFFFFF000  }
0x192: {  	_ =	swait.ge [sflag:s11], $0x80  }
0x193: {  	[sflag:s11] =	ssyncset.done $0x0  }
0x194: {  	[sflag:s11] =	ssyncadd.s32 $0xFFFFFF80  }
0x195: {  	[spmem:s1] =	stream.indirect.scatter.add.f32 [tilespmem:s0], [sflag:$0x6], $0x20, s31, s29, $0xb8;
	[tilespmem:$0x8220] =	vst v63  }
0x196: {  	_ =	swait.ge [sflag:s25], $0x1000  }
0x197: {  	[sflag:s25] =	ssyncset.done $0x0  }
0x198: {  	s15 =	sadd.s32 $0x9DA0, s13;
	[sflag:s25] =	ssyncadd.s32 $0xFFFFF000  }
0x199: {  	[tilespmem:s31], [sflag:$0x5] =	stream.linear.gather [hbm4b:s15+s3], $0x80, $0x38;
	[tilespmem:$0x8220] =	vst v63  }
0x19a: {  	s16 =	rddreg [dreg:$0x19]  }
0x19b: {  	[tilespmem:s0], [sflag:$0x2] =	stream.indirect.gather [hbm4b:s4+s29], $0x20, s16, s29, $0xb8;
	[tilespmem:$0x8220] =	vst v63  }
0x19c: {  	_ =	swait.ge [sflag:s6], $0x1000  }
0x19d: {  	[sflag:s6] =	ssyncset.done $0x0  }
0x19e: {  	[sflag:s6] =	ssyncadd.s32 $0xFFFFF000  }
0x19f: {  	_ =	swait.ge [sflag:s8], $0x80  }
0x1a0: {  	[sflag:s8] =	ssyncset.done $0x0  }
0x1a1: {  	[sflag:s8] =	ssyncadd.s32 $0xFFFFFF80  }
0x1a2: {  	[spmem:s1] =	stream.indirect.scatter.add.f32 [tilespmem:s30], [sflag:$0x6], $0x20, s28, s29, $0xb8;
	[tilespmem:$0x8220] =	vst v63  }
0x1a3: {  	_ =	swait.ge [sflag:s25], $0x1000  }
0x1a4: {  	[sflag:s25] =	ssyncset.done $0x0  }
0x1a5: {  	s17 =	sadd.s32 $0x9DB0, s13;
	[sflag:s25] =	ssyncadd.s32 $0xFFFFF000  }
0x1a6: {  	[tilespmem:s28], [sflag:$0x4] =	stream.linear.gather [hbm4b:s17+s3], $0x80, $0x38;
	[tilespmem:$0x8220] =	vst v63  }
0x1a7: {  	s18 =	rddreg [dreg:$0x1a]  }
0x1a8: {  	[tilespmem:s30], [sflag:$0x1] =	stream.indirect.gather [hbm4b:s4+s29], $0x20, s18, s29, $0xb8;
	[tilespmem:$0x8220] =	vst v63  }
0x1a9: {  	_ =	swait.ge [sflag:s9], $0x1000  }
0x1aa: {  	[sflag:s9] =	ssyncset.done $0x0  }
0x1ab: {  	[sflag:s9] =	ssyncadd.s32 $0xFFFFF000  }
0x1ac: {  	_ =	swait.ge [sflag:s11], $0x80  }
0x1ad: {  	[sflag:s11] =	ssyncset.done $0x0  }
0x1ae: {  	[sflag:s11] =	ssyncadd.s32 $0xFFFFFF80  }
0x1af: {  	[spmem:s1] =	stream.indirect.scatter.add.f32 [tilespmem:s0], [sflag:$0x6], $0x20, s31, s29, $0xb8;
	[tilespmem:$0x8220] =	vst v63  }
0x1b0: {  	_ =	swait.ge [sflag:s25], $0x1000  }
0x1b1: {  	[sflag:s25] =	ssyncset.done $0x0  }
0x1b2: {  	s16 =	sadd.s32 $0x9DC0, s13;
	[sflag:s25] =	ssyncadd.s32 $0xFFFFF000  }
0x1b3: {  	[tilespmem:s31], [sflag:$0x5] =	stream.linear.gather [hbm4b:s16+s3], $0x80, $0x38;
	[tilespmem:$0x8220] =	vst v63  }
0x1b4: {  	s17 =	rddreg [dreg:$0x1b]  }
0x1b5: {  	[tilespmem:s0], [sflag:$0x2] =	stream.indirect.gather [hbm4b:s4+s29], $0x20, s17, s29, $0xb8;
	[tilespmem:$0x8220] =	vst v63  }
0x1b6: {  	_ =	swait.ge [sflag:s6], $0x1000  }
0x1b7: {  	[sflag:s6] =	ssyncset.done $0x0  }
0x1b8: {  	[sflag:s6] =	ssyncadd.s32 $0xFFFFF000  }
0x1b9: {  	_ =	swait.ge [sflag:s8], $0x80  }
0x1ba: {  	[sflag:s8] =	ssyncset.done $0x0  }
0x1bb: {  	[sflag:s8] =	ssyncadd.s32 $0xFFFFFF80  }
0x1bc: {  	[spmem:s1] =	stream.indirect.scatter.add.f32 [tilespmem:s30], [sflag:$0x6], $0x20, s28, s29, $0xb8;
	[tilespmem:$0x8220] =	vst v63  }
0x1bd: {  	_ =	swait.ge [sflag:s25], $0x1000  }
0x1be: {  	[sflag:s25] =	ssyncset.done $0x0  }
0x1bf: {  	s13 =	sadd.s32 $0x9DD0, s13;
	[sflag:s25] =	ssyncadd.s32 $0xFFFFF000  }
0x1c0: {  	[tilespmem:s28], [sflag:$0x4] =	stream.linear.gather [hbm4b:s13+s3], $0x80, $0x38;
	[tilespmem:$0x8220] =	vst v63  }
0x1c1: {  	s18 =	rddreg [dreg:$0x1c]  }
0x1c2: {  	[tilespmem:s30], [sflag:$0x1] =	stream.indirect.gather [hbm4b:s4+s29], $0x20, s18, s29, $0xb8;
	[tilespmem:$0x8220] =	vst v63  }
0x1c3: {  	_ =	swait.ge [sflag:s9], $0x1000  }
0x1c4: {  	[sflag:s9] =	ssyncset.done $0x0  }
0x1c5: {  	[sflag:s9] =	ssyncadd.s32 $0xFFFFF000  }
0x1c6: {  	_ =	swait.ge [sflag:s11], $0x80  }
0x1c7: {  	[sflag:s11] =	ssyncset.done $0x0  }
0x1c8: {  	[sflag:s11] =	ssyncadd.s32 $0xFFFFFF80  }
0x1c9: {  	[spmem:s1] =	stream.indirect.scatter.add.f32 [tilespmem:s0], [sflag:$0x6], $0x20, s31, s29, $0xb8;
	[tilespmem:$0x8220] =	vst v63  }
0x1ca: {  	_ =	swait.ge [sflag:s25], $0x1000  }
0x1cb: {  	[sflag:s25] =	ssyncset.done $0x0  }
0x1cc: {  	[sflag:s25] =	ssyncadd.s32 $0xFFFFF000  }
0x1cd: {  	_ =	swait.ge [sflag:s6], $0x1000  }
0x1ce: {  	[sflag:s6] =	ssyncset.done $0x0  }
0x1cf: {  	[sflag:s6] =	ssyncadd.s32 $0xFFFFF000  }
0x1d0: {  	_ =	swait.ge [sflag:s8], $0x80  }
0x1d1: {  	[sflag:s8] =	ssyncset.done $0x0  }
0x1d2: {  	[sflag:s8] =	ssyncadd.s32 $0xFFFFFF80  }
0x1d3: {  	[spmem:s1] =	stream.indirect.scatter.add.f32 [tilespmem:s30], [sflag:$0x6], $0x20, s28, s29, $0xb8;
	[tilespmem:$0x8220] =	vst v63  }
0x1d4: {  	_ =	swait.ge [sflag:s25], $0x1000  }
0x1d5: {  	s13 =	simm.s32 $0x1A0;
	[sflag:s25] =	ssyncset.done $0x0  }
.LBB2_4:
0x1d6: {  	[sflag:s25] =	ssyncadd.s32 $0xFFFFF000  }
0x1d7: {  	_ =	swait.ge [sflag:s26], $0x680  }
0x1d8: {  	s15 =	smov.u32 s13;
	s14 =	rddreg [dreg:$0x3]  }
0x1d9: {  	[sflag:s26] =	ssyncset.done $0x0;
	s14 =	sadd.s32 s15, s14  }
0x1da: {  	[sflag:s26] =	ssyncadd.s32 $0xFFFFF980;
	s16 =	sadd.s32 $0x9C40, s14  }
0x1db: {  	[tilespmem:s28], [sflag:$0x4] =	stream.linear.gather [hbm4b:s16+s3], $0x80, $0x38;
	[tilespmem:$0x8220] =	vst v63  }
0x1dc: {  	_ = 	snop  }
0x1dd: {  	[tilespmem:s30], [sflag:$0x1] =	stream.indirect.gather [hbm4b:s4+s29], $0x20, s3, s29, $0xb8;
	[tilespmem:$0x8220] =	vst v63  }
0x1de: {  	s18 =	sadd.s32 $0x9C50, s14  }
0x1df: {  	[tilespmem:s31], [sflag:$0x5] =	stream.linear.gather [hbm4b:s18+s3], $0x80, $0x38;
	[tilespmem:$0x8220] =	vst v63  }
0x1e0: {  	s17 =	rddreg [dreg:$0x4]  }
0x1e1: {  	[tilespmem:s0], [sflag:$0x2] =	stream.indirect.gather [hbm4b:s4+s29], $0x20, s29, s29, $0xb8;
	[tilespmem:$0x8220] =	vst v63  }
0x1e2: {  	s18 =	sadd.s32 s15, s17  }
0x1e3: {  	[tilespmem:s2], [sflag:$0x3] =	stream.linear.gather [hbm4b:s18+s3], $0x680, $0x38;
	[tilespmem:$0x8220] =	vst v63  }
0x1e4: {  	_ =	swait.ge [sflag:s6], $0x1000  }
0x1e5: {  	[sflag:s6] =	ssyncset.done $0x0  }
0x1e6: {  	[sflag:s6] =	ssyncadd.s32 $0xFFFFF000  }
0x1e7: {  	_ =	swait.ge [sflag:s8], $0x80  }
0x1e8: {  	[sflag:s8] =	ssyncset.done $0x0  }
0x1e9: {  	[sflag:s8] =	ssyncadd.s32 $0xFFFFFF80  }
0x1ea: {  	[spmem:s1] =	stream.indirect.scatter.add.f32 [tilespmem:s30], [sflag:$0x6], $0x20, s28, s29, $0xb8;
	[tilespmem:$0x8220] =	vst v63  }
0x1eb: {  	_ =	swait.ge [sflag:s25], $0x1000  }
0x1ec: {  	[sflag:s25] =	ssyncset.done $0x0  }
0x1ed: {  	s17 =	sadd.s32 $0x9C60, s14;
	[sflag:s25] =	ssyncadd.s32 $0xFFFFF000  }
0x1ee: {  	[tilespmem:s28], [sflag:$0x4] =	stream.linear.gather [hbm4b:s17+s3], $0x80, $0x38;
	[tilespmem:$0x8220] =	vst v63  }
0x1ef: {  	s18 =	rddreg [dreg:$0x6]  }
0x1f0: {  	[tilespmem:s30], [sflag:$0x1] =	stream.indirect.gather [hbm4b:s4+s29], $0x20, s18, s29, $0xb8;
	[tilespmem:$0x8220] =	vst v63  }
0x1f1: {  	_ =	swait.ge [sflag:s9], $0x1000  }
0x1f2: {  	[sflag:s9] =	ssyncset.done $0x0  }
0x1f3: {  	[sflag:s9] =	ssyncadd.s32 $0xFFFFF000  }
0x1f4: {  	_ =	swait.ge [sflag:s11], $0x80  }
0x1f5: {  	[sflag:s11] =	ssyncset.done $0x0  }
0x1f6: {  	[sflag:s11] =	ssyncadd.s32 $0xFFFFFF80  }
0x1f7: {  	[spmem:s1] =	stream.indirect.scatter.add.f32 [tilespmem:s0], [sflag:$0x6], $0x20, s31, s29, $0xb8;
	[tilespmem:$0x8220] =	vst v63  }
0x1f8: {  	_ =	swait.ge [sflag:s25], $0x1000  }
0x1f9: {  	[sflag:s25] =	ssyncset.done $0x0  }
0x1fa: {  	s17 =	sadd.s32 $0x9C70, s14;
	[sflag:s25] =	ssyncadd.s32 $0xFFFFF000  }
0x1fb: {  	[tilespmem:s31], [sflag:$0x5] =	stream.linear.gather [hbm4b:s17+s3], $0x80, $0x38;
	[tilespmem:$0x8220] =	vst v63  }
0x1fc: {  	s18 =	rddreg [dreg:$0x7]  }
0x1fd: {  	[tilespmem:s0], [sflag:$0x2] =	stream.indirect.gather [hbm4b:s4+s29], $0x20, s18, s29, $0xb8;
	[tilespmem:$0x8220] =	vst v63  }
0x1fe: {  	_ =	swait.ge [sflag:s6], $0x1000  }
0x1ff: {  	[sflag:s6] =	ssyncset.done $0x0  }
0x200: {  	[sflag:s6] =	ssyncadd.s32 $0xFFFFF000  }
0x201: {  	_ =	swait.ge [sflag:s8], $0x80  }
0x202: {  	[sflag:s8] =	ssyncset.done $0x0  }
0x203: {  	[sflag:s8] =	ssyncadd.s32 $0xFFFFFF80  }
0x204: {  	[spmem:s1] =	stream.indirect.scatter.add.f32 [tilespmem:s30], [sflag:$0x6], $0x20, s28, s29, $0xb8;
	[tilespmem:$0x8220] =	vst v63  }
0x205: {  	_ =	swait.ge [sflag:s25], $0x1000  }
0x206: {  	[sflag:s25] =	ssyncset.done $0x0  }
0x207: {  	s17 =	sadd.s32 $0x9C80, s14;
	[sflag:s25] =	ssyncadd.s32 $0xFFFFF000  }
0x208: {  	[tilespmem:s28], [sflag:$0x4] =	stream.linear.gather [hbm4b:s17+s3], $0x80, $0x38;
	[tilespmem:$0x8220] =	vst v63  }
0x209: {  	s18 =	rddreg [dreg:$0x8]  }
0x20a: {  	[tilespmem:s30], [sflag:$0x1] =	stream.indirect.gather [hbm4b:s4+s29], $0x20, s18, s29, $0xb8;
	[tilespmem:$0x8220] =	vst v63  }
0x20b: {  	_ =	swait.ge [sflag:s9], $0x1000  }
0x20c: {  	[sflag:s9] =	ssyncset.done $0x0  }
0x20d: {  	[sflag:s9] =	ssyncadd.s32 $0xFFFFF000  }
0x20e: {  	_ =	swait.ge [sflag:s11], $0x80  }
0x20f: {  	[sflag:s11] =	ssyncset.done $0x0  }
0x210: {  	[sflag:s11] =	ssyncadd.s32 $0xFFFFFF80  }
0x211: {  	[spmem:s1] =	stream.indirect.scatter.add.f32 [tilespmem:s0], [sflag:$0x6], $0x20, s31, s29, $0xb8;
	[tilespmem:$0x8220] =	vst v63  }
0x212: {  	_ =	swait.ge [sflag:s25], $0x1000  }
0x213: {  	[sflag:s25] =	ssyncset.done $0x0  }
0x214: {  	s17 =	sadd.s32 $0x9C90, s14;
	[sflag:s25] =	ssyncadd.s32 $0xFFFFF000  }
0x215: {  	[tilespmem:s31], [sflag:$0x5] =	stream.linear.gather [hbm4b:s17+s3], $0x80, $0x38;
	[tilespmem:$0x8220] =	vst v63  }
0x216: {  	s18 =	rddreg [dreg:$0x9]  }
0x217: {  	[tilespmem:s0], [sflag:$0x2] =	stream.indirect.gather [hbm4b:s4+s29], $0x20, s18, s29, $0xb8;
	[tilespmem:$0x8220] =	vst v63  }
0x218: {  	_ =	swait.ge [sflag:s6], $0x1000  }
0x219: {  	[sflag:s6] =	ssyncset.done $0x0  }
0x21a: {  	[sflag:s6] =	ssyncadd.s32 $0xFFFFF000  }
0x21b: {  	_ =	swait.ge [sflag:s8], $0x80  }
0x21c: {  	[sflag:s8] =	ssyncset.done $0x0  }
0x21d: {  	[sflag:s8] =	ssyncadd.s32 $0xFFFFFF80  }
0x21e: {  	[spmem:s1] =	stream.indirect.scatter.add.f32 [tilespmem:s30], [sflag:$0x6], $0x20, s28, s29, $0xb8;
	[tilespmem:$0x8220] =	vst v63  }
0x21f: {  	_ =	swait.ge [sflag:s25], $0x1000  }
0x220: {  	[sflag:s25] =	ssyncset.done $0x0  }
0x221: {  	s17 =	sadd.s32 $0x9CA0, s14;
	[sflag:s25] =	ssyncadd.s32 $0xFFFFF000  }
0x222: {  	[tilespmem:s28], [sflag:$0x4] =	stream.linear.gather [hbm4b:s17+s3], $0x80, $0x38;
	[tilespmem:$0x8220] =	vst v63  }
0x223: {  	s18 =	rddreg [dreg:$0xa]  }
0x224: {  	[tilespmem:s30], [sflag:$0x1] =	stream.indirect.gather [hbm4b:s4+s29], $0x20, s18, s29, $0xb8;
	[tilespmem:$0x8220] =	vst v63  }
0x225: {  	_ =	swait.ge [sflag:s9], $0x1000  }
0x226: {  	[sflag:s9] =	ssyncset.done $0x0  }
0x227: {  	[sflag:s9] =	ssyncadd.s32 $0xFFFFF000  }
0x228: {  	_ =	swait.ge [sflag:s11], $0x80  }
0x229: {  	[sflag:s11] =	ssyncset.done $0x0  }
0x22a: {  	[sflag:s11] =	ssyncadd.s32 $0xFFFFFF80  }
0x22b: {  	[spmem:s1] =	stream.indirect.scatter.add.f32 [tilespmem:s0], [sflag:$0x6], $0x20, s31, s29, $0xb8;
	[tilespmem:$0x8220] =	vst v63  }
0x22c: {  	_ =	swait.ge [sflag:s25], $0x1000  }
0x22d: {  	[sflag:s25] =	ssyncset.done $0x0  }
0x22e: {  	s17 =	sadd.s32 $0x9CB0, s14;
	[sflag:s25] =	ssyncadd.s32 $0xFFFFF000  }
0x22f: {  	[tilespmem:s31], [sflag:$0x5] =	stream.linear.gather [hbm4b:s17+s3], $0x80, $0x38;
	[tilespmem:$0x8220] =	vst v63  }
0x230: {  	s18 =	rddreg [dreg:$0xb]  }
0x231: {  	[tilespmem:s0], [sflag:$0x2] =	stream.indirect.gather [hbm4b:s4+s29], $0x20, s18, s29, $0xb8;
	[tilespmem:$0x8220] =	vst v63  }
0x232: {  	_ =	swait.ge [sflag:s6], $0x1000  }
0x233: {  	[sflag:s6] =	ssyncset.done $0x0  }
0x234: {  	[sflag:s6] =	ssyncadd.s32 $0xFFFFF000  }
0x235: {  	_ =	swait.ge [sflag:s8], $0x80  }
0x236: {  	[sflag:s8] =	ssyncset.done $0x0  }
0x237: {  	[sflag:s8] =	ssyncadd.s32 $0xFFFFFF80  }
0x238: {  	[spmem:s1] =	stream.indirect.scatter.add.f32 [tilespmem:s30], [sflag:$0x6], $0x20, s28, s29, $0xb8;
	[tilespmem:$0x8220] =	vst v63  }
0x239: {  	_ =	swait.ge [sflag:s25], $0x1000  }
0x23a: {  	[sflag:s25] =	ssyncset.done $0x0  }
0x23b: {  	s17 =	sadd.s32 $0x9CC0, s14;
	[sflag:s25] =	ssyncadd.s32 $0xFFFFF000  }
0x23c: {  	[tilespmem:s28], [sflag:$0x4] =	stream.linear.gather [hbm4b:s17+s3], $0x80, $0x38;
	[tilespmem:$0x8220] =	vst v63  }
0x23d: {  	s18 =	rddreg [dreg:$0xc]  }
0x23e: {  	[tilespmem:s30], [sflag:$0x1] =	stream.indirect.gather [hbm4b:s4+s29], $0x20, s18, s29, $0xb8;
	[tilespmem:$0x8220] =	vst v63  }
0x23f: {  	_ =	swait.ge [sflag:s9], $0x1000  }
0x240: {  	[sflag:s9] =	ssyncset.done $0x0  }
0x241: {  	[sflag:s9] =	ssyncadd.s32 $0xFFFFF000  }
0x242: {  	_ =	swait.ge [sflag:s11], $0x80  }
0x243: {  	[sflag:s11] =	ssyncset.done $0x0  }
0x244: {  	[sflag:s11] =	ssyncadd.s32 $0xFFFFFF80  }
0x245: {  	[spmem:s1] =	stream.indirect.scatter.add.f32 [tilespmem:s0], [sflag:$0x6], $0x20, s31, s29, $0xb8;
	[tilespmem:$0x8220] =	vst v63  }
0x246: {  	_ =	swait.ge [sflag:s25], $0x1000  }
0x247: {  	[sflag:s25] =	ssyncset.done $0x0  }
0x248: {  	s17 =	sadd.s32 $0x9CD0, s14;
	[sflag:s25] =	ssyncadd.s32 $0xFFFFF000  }
0x249: {  	[tilespmem:s31], [sflag:$0x5] =	stream.linear.gather [hbm4b:s17+s3], $0x80, $0x38;
	[tilespmem:$0x8220] =	vst v63  }
0x24a: {  	s18 =	rddreg [dreg:$0xd]  }
0x24b: {  	[tilespmem:s0], [sflag:$0x2] =	stream.indirect.gather [hbm4b:s4+s29], $0x20, s18, s29, $0xb8;
	[tilespmem:$0x8220] =	vst v63  }
0x24c: {  	_ =	swait.ge [sflag:s6], $0x1000  }
0x24d: {  	[sflag:s6] =	ssyncset.done $0x0  }
0x24e: {  	[sflag:s6] =	ssyncadd.s32 $0xFFFFF000  }
0x24f: {  	_ =	swait.ge [sflag:s8], $0x80  }
0x250: {  	[sflag:s8] =	ssyncset.done $0x0  }
0x251: {  	[sflag:s8] =	ssyncadd.s32 $0xFFFFFF80  }
0x252: {  	[spmem:s1] =	stream.indirect.scatter.add.f32 [tilespmem:s30], [sflag:$0x6], $0x20, s28, s29, $0xb8;
	[tilespmem:$0x8220] =	vst v63  }
0x253: {  	_ =	swait.ge [sflag:s25], $0x1000  }
0x254: {  	[sflag:s25] =	ssyncset.done $0x0  }
0x255: {  	s17 =	sadd.s32 $0x9CE0, s14;
	[sflag:s25] =	ssyncadd.s32 $0xFFFFF000  }
0x256: {  	[tilespmem:s28], [sflag:$0x4] =	stream.linear.gather [hbm4b:s17+s3], $0x80, $0x38;
	[tilespmem:$0x8220] =	vst v63  }
0x257: {  	s18 =	rddreg [dreg:$0xe]  }
0x258: {  	[tilespmem:s30], [sflag:$0x1] =	stream.indirect.gather [hbm4b:s4+s29], $0x20, s18, s29, $0xb8;
	[tilespmem:$0x8220] =	vst v63  }
0x259: {  	_ =	swait.ge [sflag:s9], $0x1000  }
0x25a: {  	[sflag:s9] =	ssyncset.done $0x0  }
0x25b: {  	[sflag:s9] =	ssyncadd.s32 $0xFFFFF000  }
0x25c: {  	_ =	swait.ge [sflag:s11], $0x80  }
0x25d: {  	[sflag:s11] =	ssyncset.done $0x0  }
0x25e: {  	[sflag:s11] =	ssyncadd.s32 $0xFFFFFF80  }
0x25f: {  	[spmem:s1] =	stream.indirect.scatter.add.f32 [tilespmem:s0], [sflag:$0x6], $0x20, s31, s29, $0xb8;
	[tilespmem:$0x8220] =	vst v63  }
0x260: {  	_ =	swait.ge [sflag:s25], $0x1000  }
0x261: {  	[sflag:s25] =	ssyncset.done $0x0  }
0x262: {  	s17 =	sadd.s32 $0x9CF0, s14;
	[sflag:s25] =	ssyncadd.s32 $0xFFFFF000  }
0x263: {  	[tilespmem:s31], [sflag:$0x5] =	stream.linear.gather [hbm4b:s17+s3], $0x80, $0x38;
	[tilespmem:$0x8220] =	vst v63  }
0x264: {  	s18 =	rddreg [dreg:$0xf]  }
0x265: {  	[tilespmem:s0], [sflag:$0x2] =	stream.indirect.gather [hbm4b:s4+s29], $0x20, s18, s29, $0xb8;
	[tilespmem:$0x8220] =	vst v63  }
0x266: {  	_ =	swait.ge [sflag:s6], $0x1000  }
0x267: {  	[sflag:s6] =	ssyncset.done $0x0  }
0x268: {  	[sflag:s6] =	ssyncadd.s32 $0xFFFFF000  }
0x269: {  	_ =	swait.ge [sflag:s8], $0x80  }
0x26a: {  	[sflag:s8] =	ssyncset.done $0x0  }
0x26b: {  	[sflag:s8] =	ssyncadd.s32 $0xFFFFFF80  }
0x26c: {  	[spmem:s1] =	stream.indirect.scatter.add.f32 [tilespmem:s30], [sflag:$0x6], $0x20, s28, s29, $0xb8;
	[tilespmem:$0x8220] =	vst v63  }
0x26d: {  	_ =	swait.ge [sflag:s25], $0x1000  }
0x26e: {  	[sflag:s25] =	ssyncset.done $0x0  }
0x26f: {  	s17 =	sadd.s32 $0x9D00, s14;
	[sflag:s25] =	ssyncadd.s32 $0xFFFFF000  }
0x270: {  	[tilespmem:s28], [sflag:$0x4] =	stream.linear.gather [hbm4b:s17+s3], $0x80, $0x38;
	[tilespmem:$0x8220] =	vst v63  }
0x271: {  	s18 =	rddreg [dreg:$0x10]  }
0x272: {  	[tilespmem:s30], [sflag:$0x1] =	stream.indirect.gather [hbm4b:s4+s29], $0x20, s18, s29, $0xb8;
	[tilespmem:$0x8220] =	vst v63  }
0x273: {  	_ =	swait.ge [sflag:s9], $0x1000  }
0x274: {  	[sflag:s9] =	ssyncset.done $0x0  }
0x275: {  	[sflag:s9] =	ssyncadd.s32 $0xFFFFF000  }
0x276: {  	_ =	swait.ge [sflag:s11], $0x80  }
0x277: {  	[sflag:s11] =	ssyncset.done $0x0  }
0x278: {  	[sflag:s11] =	ssyncadd.s32 $0xFFFFFF80  }
0x279: {  	[spmem:s1] =	stream.indirect.scatter.add.f32 [tilespmem:s0], [sflag:$0x6], $0x20, s31, s29, $0xb8;
	[tilespmem:$0x8220] =	vst v63  }
0x27a: {  	_ =	swait.ge [sflag:s25], $0x1000  }
0x27b: {  	[sflag:s25] =	ssyncset.done $0x0  }
0x27c: {  	[sflag:s25] =	ssyncadd.s32 $0xFFFFF000  }
0x27d: {  	_ =	swait.ge [sflag:s6], $0x1000  }
0x27e: {  	[sflag:s6] =	ssyncset.done $0x0  }
0x27f: {  	[sflag:s6] =	ssyncadd.s32 $0xFFFFF000  }
0x280: {  	_ =	swait.ge [sflag:s8], $0x80  }
0x281: {  	[sflag:s8] =	ssyncset.done $0x0  }
0x282: {  	[sflag:s8] =	ssyncadd.s32 $0xFFFFFF80  }
0x283: {  	[spmem:s1] =	stream.indirect.scatter.add.f32 [tilespmem:s30], [sflag:$0x6], $0x20, s28, s29, $0xb8;
	[tilespmem:$0x8220] =	vst v63  }
0x284: {  	_ =	swait.ge [sflag:s25], $0x1000  }
0x285: {  	[sflag:s25] =	ssyncset.done $0x0  }
0x286: {  	[sflag:s25] =	ssyncadd.s32 $0xFFFFF000  }
0x287: {  	_ =	swait.ge [sflag:s26], $0x680  }
0x288: {  	[sflag:s26] =	ssyncset.done $0x0  }
0x289: {  	s18 =	sadd.s32 $0x9D10, s14;
	[sflag:s26] =	ssyncadd.s32 $0xFFFFF980  }
0x28a: {  	[tilespmem:s28], [sflag:$0x4] =	stream.linear.gather [hbm4b:s18+s3], $0x80, $0x38;
	[tilespmem:$0x8220] =	vst v63  }
0x28b: {  	_ = 	snop  }
0x28c: {  	[tilespmem:s30], [sflag:$0x1] =	stream.indirect.gather [hbm4b:s4+s29], $0x20, s2, s29, $0xb8;
	[tilespmem:$0x8220] =	vst v63  }
0x28d: {  	s17 =	sadd.s32 $0x9D20, s14;
	s16 =	rddreg [dreg:$0x5]  }
0x28e: {  	[tilespmem:s31], [sflag:$0x5] =	stream.linear.gather [hbm4b:s17+s3], $0x80, $0x38;
	[tilespmem:$0x8220] =	vst v63  }
0x28f: {  	p3 =	seq.s32 s15, $0x340;
	s18 =	rddreg [dreg:$0x11]  }
0x290: {  	[tilespmem:s0], [sflag:$0x2] =	stream.indirect.gather [hbm4b:s4+s29], $0x20, s18, s29, $0xb8;
	[tilespmem:$0x8220] =	vst v63  }
0x291: {  	s15 =	sadd.s32 @!p3 s15, s16;
	s16 =	simm.s32 @!p3 $0x0  }
0x292: {  	[tilespmem:s16], [sflag:$0x3] =	stream.linear.gather @!p3 [hbm4b:s15+s16], $0x680, $0x38;
	[tilespmem:$0x8220] =	vst v63  }
0x293: {  	_ =	swait.ge [sflag:s6], $0x1000  }
0x294: {  	[sflag:s6] =	ssyncset.done $0x0  }
0x295: {  	[sflag:s6] =	ssyncadd.s32 $0xFFFFF000  }
0x296: {  	_ =	swait.ge [sflag:s8], $0x80  }
0x297: {  	[sflag:s8] =	ssyncset.done $0x0  }
0x298: {  	[sflag:s8] =	ssyncadd.s32 $0xFFFFFF80  }
0x299: {  	[spmem:s1] =	stream.indirect.scatter.add.f32 [tilespmem:s30], [sflag:$0x6], $0x20, s28, s29, $0xb8;
	[tilespmem:$0x8220] =	vst v63  }
0x29a: {  	_ =	swait.ge [sflag:s25], $0x1000  }
0x29b: {  	[sflag:s25] =	ssyncset.done $0x0  }
0x29c: {  	s17 =	sadd.s32 $0x9D30, s14;
	[sflag:s25] =	ssyncadd.s32 $0xFFFFF000  }
0x29d: {  	[tilespmem:s28], [sflag:$0x4] =	stream.linear.gather [hbm4b:s17+s3], $0x80, $0x38;
	[tilespmem:$0x8220] =	vst v63  }
0x29e: {  	s18 =	rddreg [dreg:$0x12]  }
0x29f: {  	[tilespmem:s30], [sflag:$0x1] =	stream.indirect.gather [hbm4b:s4+s29], $0x20, s18, s29, $0xb8;
	[tilespmem:$0x8220] =	vst v63  }
0x2a0: {  	_ =	swait.ge [sflag:s9], $0x1000  }
0x2a1: {  	[sflag:s9] =	ssyncset.done $0x0  }
0x2a2: {  	[sflag:s9] =	ssyncadd.s32 $0xFFFFF000  }
0x2a3: {  	_ =	swait.ge [sflag:s11], $0x80  }
0x2a4: {  	[sflag:s11] =	ssyncset.done $0x0  }
0x2a5: {  	[sflag:s11] =	ssyncadd.s32 $0xFFFFFF80  }
0x2a6: {  	[spmem:s1] =	stream.indirect.scatter.add.f32 [tilespmem:s0], [sflag:$0x6], $0x20, s31, s29, $0xb8;
	[tilespmem:$0x8220] =	vst v63  }
0x2a7: {  	_ =	swait.ge [sflag:s25], $0x1000  }
0x2a8: {  	[sflag:s25] =	ssyncset.done $0x0  }
0x2a9: {  	s17 =	sadd.s32 $0x9D40, s14;
	[sflag:s25] =	ssyncadd.s32 $0xFFFFF000  }
0x2aa: {  	[tilespmem:s31], [sflag:$0x5] =	stream.linear.gather [hbm4b:s17+s3], $0x80, $0x38;
	[tilespmem:$0x8220] =	vst v63  }
0x2ab: {  	s18 =	rddreg [dreg:$0x13]  }
0x2ac: {  	[tilespmem:s0], [sflag:$0x2] =	stream.indirect.gather [hbm4b:s4+s29], $0x20, s18, s29, $0xb8;
	[tilespmem:$0x8220] =	vst v63  }
0x2ad: {  	_ =	swait.ge [sflag:s6], $0x1000  }
0x2ae: {  	[sflag:s6] =	ssyncset.done $0x0  }
0x2af: {  	[sflag:s6] =	ssyncadd.s32 $0xFFFFF000  }
0x2b0: {  	_ =	swait.ge [sflag:s8], $0x80  }
0x2b1: {  	[sflag:s8] =	ssyncset.done $0x0  }
0x2b2: {  	[sflag:s8] =	ssyncadd.s32 $0xFFFFFF80  }
0x2b3: {  	[spmem:s1] =	stream.indirect.scatter.add.f32 [tilespmem:s30], [sflag:$0x6], $0x20, s28, s29, $0xb8;
	[tilespmem:$0x8220] =	vst v63  }
0x2b4: {  	_ =	swait.ge [sflag:s25], $0x1000  }
0x2b5: {  	[sflag:s25] =	ssyncset.done $0x0  }
0x2b6: {  	s17 =	sadd.s32 $0x9D50, s14;
	[sflag:s25] =	ssyncadd.s32 $0xFFFFF000  }
0x2b7: {  	[tilespmem:s28], [sflag:$0x4] =	stream.linear.gather [hbm4b:s17+s3], $0x80, $0x38;
	[tilespmem:$0x8220] =	vst v63  }
0x2b8: {  	s18 =	rddreg [dreg:$0x14]  }
0x2b9: {  	[tilespmem:s30], [sflag:$0x1] =	stream.indirect.gather [hbm4b:s4+s29], $0x20, s18, s29, $0xb8;
	[tilespmem:$0x8220] =	vst v63  }
0x2ba: {  	_ =	swait.ge [sflag:s9], $0x1000  }
0x2bb: {  	[sflag:s9] =	ssyncset.done $0x0  }
0x2bc: {  	[sflag:s9] =	ssyncadd.s32 $0xFFFFF000  }
0x2bd: {  	_ =	swait.ge [sflag:s11], $0x80  }
0x2be: {  	[sflag:s11] =	ssyncset.done $0x0  }
0x2bf: {  	[sflag:s11] =	ssyncadd.s32 $0xFFFFFF80  }
0x2c0: {  	[spmem:s1] =	stream.indirect.scatter.add.f32 [tilespmem:s0], [sflag:$0x6], $0x20, s31, s29, $0xb8;
	[tilespmem:$0x8220] =	vst v63  }
0x2c1: {  	_ =	swait.ge [sflag:s25], $0x1000  }
0x2c2: {  	[sflag:s25] =	ssyncset.done $0x0  }
0x2c3: {  	s17 =	sadd.s32 $0x9D60, s14;
	[sflag:s25] =	ssyncadd.s32 $0xFFFFF000  }
0x2c4: {  	[tilespmem:s31], [sflag:$0x5] =	stream.linear.gather [hbm4b:s17+s3], $0x80, $0x38;
	[tilespmem:$0x8220] =	vst v63  }
0x2c5: {  	s18 =	rddreg [dreg:$0x15]  }
0x2c6: {  	[tilespmem:s0], [sflag:$0x2] =	stream.indirect.gather [hbm4b:s4+s29], $0x20, s18, s29, $0xb8;
	[tilespmem:$0x8220] =	vst v63  }
0x2c7: {  	_ =	swait.ge [sflag:s6], $0x1000  }
0x2c8: {  	[sflag:s6] =	ssyncset.done $0x0  }
0x2c9: {  	[sflag:s6] =	ssyncadd.s32 $0xFFFFF000  }
0x2ca: {  	_ =	swait.ge [sflag:s8], $0x80  }
0x2cb: {  	[sflag:s8] =	ssyncset.done $0x0  }
0x2cc: {  	[sflag:s8] =	ssyncadd.s32 $0xFFFFFF80  }
0x2cd: {  	[spmem:s1] =	stream.indirect.scatter.add.f32 [tilespmem:s30], [sflag:$0x6], $0x20, s28, s29, $0xb8;
	[tilespmem:$0x8220] =	vst v63  }
0x2ce: {  	_ =	swait.ge [sflag:s25], $0x1000  }
0x2cf: {  	[sflag:s25] =	ssyncset.done $0x0  }
0x2d0: {  	s17 =	sadd.s32 $0x9D70, s14;
	[sflag:s25] =	ssyncadd.s32 $0xFFFFF000  }
0x2d1: {  	[tilespmem:s28], [sflag:$0x4] =	stream.linear.gather [hbm4b:s17+s3], $0x80, $0x38;
	[tilespmem:$0x8220] =	vst v63  }
0x2d2: {  	s18 =	rddreg [dreg:$0x16]  }
0x2d3: {  	[tilespmem:s30], [sflag:$0x1] =	stream.indirect.gather [hbm4b:s4+s29], $0x20, s18, s29, $0xb8;
	[tilespmem:$0x8220] =	vst v63  }
0x2d4: {  	_ =	swait.ge [sflag:s9], $0x1000  }
0x2d5: {  	[sflag:s9] =	ssyncset.done $0x0  }
0x2d6: {  	[sflag:s9] =	ssyncadd.s32 $0xFFFFF000  }
0x2d7: {  	_ =	swait.ge [sflag:s11], $0x80  }
0x2d8: {  	[sflag:s11] =	ssyncset.done $0x0  }
0x2d9: {  	[sflag:s11] =	ssyncadd.s32 $0xFFFFFF80  }
0x2da: {  	[spmem:s1] =	stream.indirect.scatter.add.f32 [tilespmem:s0], [sflag:$0x6], $0x20, s31, s29, $0xb8;
	[tilespmem:$0x8220] =	vst v63  }
0x2db: {  	_ =	swait.ge [sflag:s25], $0x1000  }
0x2dc: {  	[sflag:s25] =	ssyncset.done $0x0  }
0x2dd: {  	s17 =	sadd.s32 $0x9D80, s14;
	[sflag:s25] =	ssyncadd.s32 $0xFFFFF000  }
0x2de: {  	[tilespmem:s31], [sflag:$0x5] =	stream.linear.gather [hbm4b:s17+s3], $0x80, $0x38;
	[tilespmem:$0x8220] =	vst v63  }
0x2df: {  	s18 =	rddreg [dreg:$0x17]  }
0x2e0: {  	[tilespmem:s0], [sflag:$0x2] =	stream.indirect.gather [hbm4b:s4+s29], $0x20, s18, s29, $0xb8;
	[tilespmem:$0x8220] =	vst v63  }
0x2e1: {  	_ =	swait.ge [sflag:s6], $0x1000  }
0x2e2: {  	[sflag:s6] =	ssyncset.done $0x0  }
0x2e3: {  	[sflag:s6] =	ssyncadd.s32 $0xFFFFF000  }
0x2e4: {  	_ =	swait.ge [sflag:s8], $0x80  }
0x2e5: {  	[sflag:s8] =	ssyncset.done $0x0  }
0x2e6: {  	[sflag:s8] =	ssyncadd.s32 $0xFFFFFF80  }
0x2e7: {  	[spmem:s1] =	stream.indirect.scatter.add.f32 [tilespmem:s30], [sflag:$0x6], $0x20, s28, s29, $0xb8;
	[tilespmem:$0x8220] =	vst v63  }
0x2e8: {  	_ =	swait.ge [sflag:s25], $0x1000  }
0x2e9: {  	[sflag:s25] =	ssyncset.done $0x0  }
0x2ea: {  	s17 =	sadd.s32 $0x9D90, s14;
	[sflag:s25] =	ssyncadd.s32 $0xFFFFF000  }
0x2eb: {  	[tilespmem:s28], [sflag:$0x4] =	stream.linear.gather [hbm4b:s17+s3], $0x80, $0x38;
	[tilespmem:$0x8220] =	vst v63  }
0x2ec: {  	s18 =	rddreg [dreg:$0x18]  }
0x2ed: {  	[tilespmem:s30], [sflag:$0x1] =	stream.indirect.gather [hbm4b:s4+s29], $0x20, s18, s29, $0xb8;
	[tilespmem:$0x8220] =	vst v63  }
0x2ee: {  	_ =	swait.ge [sflag:s9], $0x1000  }
0x2ef: {  	[sflag:s9] =	ssyncset.done $0x0  }
0x2f0: {  	[sflag:s9] =	ssyncadd.s32 $0xFFFFF000  }
0x2f1: {  	_ =	swait.ge [sflag:s11], $0x80  }
0x2f2: {  	[sflag:s11] =	ssyncset.done $0x0  }
0x2f3: {  	[sflag:s11] =	ssyncadd.s32 $0xFFFFFF80  }
0x2f4: {  	[spmem:s1] =	stream.indirect.scatter.add.f32 [tilespmem:s0], [sflag:$0x6], $0x20, s31, s29, $0xb8;
	[tilespmem:$0x8220] =	vst v63  }
0x2f5: {  	_ =	swait.ge [sflag:s25], $0x1000  }
0x2f6: {  	[sflag:s25] =	ssyncset.done $0x0  }
0x2f7: {  	s17 =	sadd.s32 $0x9DA0, s14;
	[sflag:s25] =	ssyncadd.s32 $0xFFFFF000  }
0x2f8: {  	[tilespmem:s31], [sflag:$0x5] =	stream.linear.gather [hbm4b:s17+s3], $0x80, $0x38;
	[tilespmem:$0x8220] =	vst v63  }
0x2f9: {  	s18 =	rddreg [dreg:$0x19]  }
0x2fa: {  	[tilespmem:s0], [sflag:$0x2] =	stream.indirect.gather [hbm4b:s4+s29], $0x20, s18, s29, $0xb8;
	[tilespmem:$0x8220] =	vst v63  }
0x2fb: {  	_ =	swait.ge [sflag:s6], $0x1000  }
0x2fc: {  	[sflag:s6] =	ssyncset.done $0x0  }
0x2fd: {  	[sflag:s6] =	ssyncadd.s32 $0xFFFFF000  }
0x2fe: {  	_ =	swait.ge [sflag:s8], $0x80  }
0x2ff: {  	[sflag:s8] =	ssyncset.done $0x0  }
0x300: {  	[sflag:s8] =	ssyncadd.s32 $0xFFFFFF80  }
0x301: {  	[spmem:s1] =	stream.indirect.scatter.add.f32 [tilespmem:s30], [sflag:$0x6], $0x20, s28, s29, $0xb8;
	[tilespmem:$0x8220] =	vst v63  }
0x302: {  	_ =	swait.ge [sflag:s25], $0x1000  }
0x303: {  	[sflag:s25] =	ssyncset.done $0x0  }
0x304: {  	s17 =	sadd.s32 $0x9DB0, s14;
	[sflag:s25] =	ssyncadd.s32 $0xFFFFF000  }
0x305: {  	[tilespmem:s28], [sflag:$0x4] =	stream.linear.gather [hbm4b:s17+s3], $0x80, $0x38;
	[tilespmem:$0x8220] =	vst v63  }
0x306: {  	s18 =	rddreg [dreg:$0x1a]  }
0x307: {  	[tilespmem:s30], [sflag:$0x1] =	stream.indirect.gather [hbm4b:s4+s29], $0x20, s18, s29, $0xb8;
	[tilespmem:$0x8220] =	vst v63  }
0x308: {  	_ =	swait.ge [sflag:s9], $0x1000  }
0x309: {  	[sflag:s9] =	ssyncset.done $0x0  }
0x30a: {  	[sflag:s9] =	ssyncadd.s32 $0xFFFFF000  }
0x30b: {  	_ =	swait.ge [sflag:s11], $0x80  }
0x30c: {  	[sflag:s11] =	ssyncset.done $0x0  }
0x30d: {  	[sflag:s11] =	ssyncadd.s32 $0xFFFFFF80  }
0x30e: {  	[spmem:s1] =	stream.indirect.scatter.add.f32 [tilespmem:s0], [sflag:$0x6], $0x20, s31, s29, $0xb8;
	[tilespmem:$0x8220] =	vst v63  }
0x30f: {  	_ =	swait.ge [sflag:s25], $0x1000  }
0x310: {  	[sflag:s25] =	ssyncset.done $0x0  }
0x311: {  	s16 =	sadd.s32 $0x9DC0, s14;
	[sflag:s25] =	ssyncadd.s32 $0xFFFFF000  }
0x312: {  	[tilespmem:s31], [sflag:$0x5] =	stream.linear.gather [hbm4b:s16+s3], $0x80, $0x38;
	[tilespmem:$0x8220] =	vst v63  }
0x313: {  	s17 =	rddreg [dreg:$0x1b]  }
0x314: {  	[tilespmem:s0], [sflag:$0x2] =	stream.indirect.gather [hbm4b:s4+s29], $0x20, s17, s29, $0xb8;
	[tilespmem:$0x8220] =	vst v63  }
0x315: {  	_ =	swait.ge [sflag:s6], $0x1000  }
0x316: {  	[sflag:s6] =	ssyncset.done $0x0  }
0x317: {  	[sflag:s6] =	ssyncadd.s32 $0xFFFFF000  }
0x318: {  	_ =	swait.ge [sflag:s8], $0x80  }
0x319: {  	[sflag:s8] =	ssyncset.done $0x0  }
0x31a: {  	[sflag:s8] =	ssyncadd.s32 $0xFFFFFF80  }
0x31b: {  	[spmem:s1] =	stream.indirect.scatter.add.f32 [tilespmem:s30], [sflag:$0x6], $0x20, s28, s29, $0xb8;
	[tilespmem:$0x8220] =	vst v63  }
0x31c: {  	_ =	swait.ge [sflag:s25], $0x1000  }
0x31d: {  	[sflag:s25] =	ssyncset.done $0x0  }
0x31e: {  	s14 =	sadd.s32 $0x9DD0, s14;
	[sflag:s25] =	ssyncadd.s32 $0xFFFFF000  }
0x31f: {  	[tilespmem:s28], [sflag:$0x4] =	stream.linear.gather [hbm4b:s14+s3], $0x80, $0x38;
	[tilespmem:$0x8220] =	vst v63  }
0x320: {  	s18 =	rddreg [dreg:$0x1c]  }
0x321: {  	[tilespmem:s30], [sflag:$0x1] =	stream.indirect.gather [hbm4b:s4+s29], $0x20, s18, s29, $0xb8;
	[tilespmem:$0x8220] =	vst v63  }
0x322: {  	_ =	swait.ge [sflag:s9], $0x1000  }
0x323: {  	[sflag:s9] =	ssyncset.done $0x0  }
0x324: {  	[sflag:s9] =	ssyncadd.s32 $0xFFFFF000  }
0x325: {  	_ =	swait.ge [sflag:s11], $0x80  }
0x326: {  	[sflag:s11] =	ssyncset.done $0x0  }
0x327: {  	[sflag:s11] =	ssyncadd.s32 $0xFFFFFF80  }
0x328: {  	[spmem:s1] =	stream.indirect.scatter.add.f32 [tilespmem:s0], [sflag:$0x6], $0x20, s31, s29, $0xb8;
	[tilespmem:$0x8220] =	vst v63  }
0x329: {  	_ =	swait.ge [sflag:s25], $0x1000  }
0x32a: {  	[sflag:s25] =	ssyncset.done $0x0  }
0x32b: {  	[sflag:s25] =	ssyncadd.s32 $0xFFFFF000  }
0x32c: {  	_ =	swait.ge [sflag:s6], $0x1000  }
0x32d: {  	[sflag:s6] =	ssyncset.done $0x0  }
0x32e: {  	s13 =	sadd.s32 $0x1A0, s13;
	[sflag:s6] =	ssyncadd.s32 $0xFFFFF000  }
0x32f: {  	p2 =	sne.s32 s13, $0x4E0;
	_ =	swait.ge [sflag:s8], $0x80  }
.Ltmp1:
0x330: {  	[sflag:s8] =	ssyncset.done $0x0;
	(pc) =	sbr.rel @p2 .LBB2_4-.Ltmp1, $4  }
0x331: {  	[sflag:s8] =	ssyncadd.s32 $0xFFFFFF80  }
0x332: {  	[spmem:s1] =	stream.indirect.scatter.add.f32 [tilespmem:s30], [sflag:$0x6], $0x20, s28, s29, $0xb8;
	[tilespmem:$0x8220] =	vst v63  }
0x333: {  	_ =	swait.ge [sflag:s25], $0x1000  }
0x334: {  	[sflag:s25] =	ssyncset.done $0x0  }
0x335: {  	[sflag:s25] =	ssyncadd.s32 $0xFFFFF000;
	s13 =	simm.s32 @!p1 $0x0;
	s14 =	rddreg [dreg:$0x1e]  }
0x336: {  	[tilespmem:s13], [sflag:$0x6] =	stream.linear.gather @!p1 [hbm4b:s14+s13], $0x80, $0x38;
	[tilespmem:$0x8220] =	vst v63  }
0x337: {  	s14 =	simm.s32 @!p1 $0x6  }
0x338: {  	_ =	swait.ge @!p1 [sflag:s14], $0x80  }
0x339: {  	[sflag:s14] =	ssyncset.done @!p1 $0x0  }
0x33a: {  	s15 =	simm.s32 @!p1 $0xD00;
	s16 =	rddreg [dreg:$0x1f];
	[sflag:s14] =	ssyncadd.s32 @!p1 $0xFFFFFF80  }
0x33b: {  	[tilespmem:s15], [sflag:$0x6] =	stream.linear.gather @!p1 [hbm4b:s16+s13], $0x80, $0x38;
	[tilespmem:$0x8220] =	vst v63  }
0x33c: {  	_ =	swait.ge @!p1 [sflag:s14], $0x80  }
0x33d: {  	[sflag:s14] =	ssyncset.done @!p1 $0x0  }
0x33e: {  	s17 =	simm.s32 @!p1 $0xE00;
	s16 =	simm.s32 @!p1 $0x80;
	[sflag:s14] =	ssyncadd.s32 @!p1 $0xFFFFFF80  }
0x33f: {  	[tilespmem:s17], [sflag:$0x1] =	stream.indirect.gather @!p1 [hbm4b:s4+s16], $0x20, s13, s16, $0xb8;
	[tilespmem:$0x8220] =	vst v63  }
0x340: {  	s13 =	simm.s32 @!p1 $0x1  }
0x341: {  	_ =	swait.ge @!p1 [sflag:s13], $0x1000  }
0x342: {  	[sflag:s13] =	ssyncset.done @!p1 $0x0  }
0x343: {  	[sflag:s13] =	ssyncadd.s32 @!p1 $0xFFFFF000  }
0x344: {  	[spmem:s1] =	stream.indirect.scatter.add.f32 @!p1 [tilespmem:s17], [sflag:$0x6], $0x20, s15, s16, $0xb8;
	[tilespmem:$0x8220] =	vst v63  }
0x345: {  	_ =	swait.ge @!p1 [sflag:s14], $0x1000  }
0x346: {  	s17 =	stileid.u32;
	[sflag:s14] =	ssyncset.done @!p1 $0x0  }
0x347: {  	s13 =	sshll.u32 s17, $0x6;
	[sflag:s14] =	ssyncadd.s32 @!p1 $0xFFFFF000  }
0x348: {  	s13 =	sor.u32 $0x1C06, s13;
	s14 =	sshrl.u32 @p0 s5, $0x3;
	[bflag:$0x0] =	sbarrier.arrive $0xFFFF  }
0x349: {  	[hbm:s10], [sflag:s13] =	dma.local @p0 [spmem:s14], $0x9C0  }
0x34a: {  	s14 =	simm.s32 @p0 $0x6  }
0x34b: {  	_ =	swait.ge @p0 [sflag:s14], $0x9C0  }
0x34c: {  	[sflag:s14] =	ssyncset.done @p0 $0x0  }
0x34d: {  	[sflag:s14] =	ssyncadd.s32 @p0 $0xFFFFF640;
	s14 =	sshrl.u32 @!p0 s5, $0x3  }
0x34e: {  	[hbm:s10], [sflag:s13] =	dma.local @!p0 [spmem:s14], $0x9E0  }
0x34f: {  	s13 =	simm.s32 @!p0 $0x6  }
0x350: {  	_ =	swait.ge @!p0 [sflag:s13], $0x9E0  }
0x351: {  	s18 =	sld [smem:$0x7F6];
	_ =	sdelay $0x1  }
0x352: {  	s12 =	sadd.s32 $0x1, s12  }
0x353: {  	p2 =	sne.s32 s12, s18  }
.Ltmp2:
0x354: {  	_ = 	snop;
	(pc) =	sbr.rel @p2 .LBB2_1-.Ltmp2, $3  }
0x355: {  	_ =	sdelay $0x1  }
0x356: {  	[sflag:s13] =	ssyncset.done @!p0 $0x0  }
0x357: {  	[sflag:s13] =	ssyncadd.s32 @!p0 $0xFFFFF620  }
0x358: {  	_ =	sfence.sel $0x180000  }
0x359: {  	[bflag:$0x0] =	sbarrier.arrive $0xFFFF  }
0x35a: {  	_ =	strace $0x9000004A  }
0x35b: {  	s0 =	stileid.u32;
	[bflag:$0x2] =	sbarrier.arrive $0xFFFF  }
0x35c: {  	p0 =	sne.s32 s0, $0x0;
	s0 =	rddreg [dreg:$0x2]  }
0x35d: {  	s0 =	sadd.s32 @!p0 $0x100000, s0  }
0x35e: {  	[sflag:s0] =	ssyncadd.tile.s32 @!p0 $0x1;
	_ =	shalt  }
.Lfunc_end2:
_tile_overlayer_lowered:
.L_overlay_start_2:
0x35f: {  	(tag) =	ssettag $0x2  }
0x360: {  	s0 =	rddreg [dreg:$0x0];
	s2 =	stileid.u32  }
0x361: {  	s1 =	rddreg [dreg:$0x1];
	p0 =	sne.s32 s2, $0x0  }
0x362: {  	s3 =	rddreg [dreg:$0x2];
	[bflag:$0x3] =	sbarrier.arrive $0xFFFF;
	s2 =	simm.s32 @!p0 $0x1C06  }
0x363: {  	[timem:s3], [sflag:s2] =	dma.local @!p0 [hbm:s0], s1  }
0x364: {  	s0 =	simm.s32 @!p0 $0x6  }
0x365: {  	_ =	swait.ge @!p0 [sflag:s0], s1  }
0x366: {  	s1 =	ssub.s32 @!p0 $0x0, s1;
	[sflag:s0] =	ssyncset.done @!p0 $0x0  }
0x367: {  	[sflag:s0] =	ssyncadd.s32 @!p0 s1  }
0x368: {  	[bflag:$0x3] =	sbarrier.arrive $0xFFFF  }
0x369: {  	_ =	shalt  }

// kernel: kernel.7.cloned.1.call-start
scs
__scs_entry_jumppad:
0x0: {  	(pc) =	sbr.rel $0x88, $3  }
0x1: {  	(tag) =	ssettag $0x0;
	lr =	simm.s32 $0x1  }
0x2: {  	[smem:$0x3F8F] =	sst lr;
	_ =	strace $0xD0000000  }
0x3: {  	_ = 	snop  }
0x4: {  	_ = 	snop  }
0x5: {  	_ = 	snop  }
0x6: {  	_ = 	snop  }
0x7: {  	_ = 	snop  }
__scs_overlays_trampoline_lowered:
0x8: {  	[smem:$0x3F9E] =	sst s0  }
0x9: {  	[smem:$0x3F9F] =	sst s1  }
0xa: {  	[smem:$0x3FA0] =	sst s2  }
0xb: {  	[smem:$0x3FA1] =	sst s3  }
0xc: {  	[smem:$0x3FA2] =	sst s4  }
0xd: {  	[smem:$0x3FA3] =	sst s5  }
0xe: {  	[smem:$0x3FA4] =	sst s6  }
0xf: {  	[smem:$0x3FA5] =	sst s7  }
0x10: {  	[smem:$0x3FA6] =	sst s8  }
0x11: {  	[smem:$0x3FA7] =	sst s9;
	s0 =	simm.s32 @!p0 $0x0  }
0x12: {  	s1 =	sld [smem:$0x3F8D];
	s0 =	simm.s32 @p0 $0x1  }
0x13: {  	[smem:$0x3FA8] =	sst s0;
	s0 =	simm.s32 @!p1 $0x0  }
0x14: {  	s2 =	sld [smem:$0x3F8C];
	s0 =	simm.s32 @p1 $0x1  }
0x15: {  	[smem:$0x3FA9] =	sst s0;
	s0 =	simm.s32 @!p2 $0x0  }
0x16: {  	s3 =	sld [smem:$0x3FDB];
	s0 =	simm.s32 @p2 $0x1  }
0x17: {  	s4 =	simm.s32 $0x1BF5;
	[smem:$0x3FAB] =	sst s0  }
0x18: {  	s0 =	sld [smem:$0x3F8E];
	_ =	swait.ge [sflag:s4], $0x0  }
0x19: {  	s7 =	sld [smem:$0x3F8F]  }
0x1a: {  	s8 =	sadd.s32 $0xFFFFE003, lr  }
0x1b: {  	s9 =	sadd.s32 $0xFFFFFEF7, lr;
	s5 =	simm.s32 $0xFFFFFFFF;
	p2 =	slt.u32 s8, $0xFFFFF086  }
0x1c: {  	p1 =	slt.u32 s9, $0xF7A;
	s5 =	simm.s32 @!p2 $0x0  }
0x1d: {  	s5 =	simm.s32 @p1 $0x1;
	p0 =	seq.s32 s7, s2  }
0x1e: {  	s7 =	smul.u32 @!p0 $0xF7A, s2;
	p2 =	seq.s32 @!p0 s5, $0x0  }
0x1f: {  	s9 =	smul.u32 $0xF7A, s1;
	s8 =	simm.s32 @!p0 $0x1BF5;
	p2 =	por !p2, p0  }
0x20: {  	[sflag:s8] =	ssyncset.s32 @!p0 $0xFFFFF086;
	s6 =	sadd.s32 @!p0 s3, s7;
	s7 =	simm.s32 @!p0 $0x108  }
0x21: {  	s3 =	sadd.s32 s3, s9;
	s6 =	sadd.s32 @!p0 $0x88, s6;
	s7 =	simm.s32 @p2 $0x1082  }
0x22: {  	[simem:s7], [sflag:s8] =	dma.local @!p0 [hbm:s6], $0xF7A  }
0x23: {  	s9 =	sor.u32 $0xD0000000, s2;
	s6 =	simm.s32 $0x108;
	_ =	swait.ge @!p0 [sflag:s8], $0x0  }
0x24: {  	s3 =	sadd.s32 $0x88, s3;
	s6 =	simm.s32 @!p1 $0x1082;
	[sflag:s4] =	ssyncset.s32 $0xFFFFF086  }
0x25: {  	[simem:s6], [sflag:s4] =	dma.local [hbm:s3], $0xF7A  }
0x26: {  	[smem:$0x3F8F] =	sst s1;
	(tag) =	ssettag s2;
	_ =	strace s9  }
0x27: {  	s1 =	sld [smem:$0x3F9F]  }
0x28: {  	s2 =	sld [smem:$0x3FA0]  }
0x29: {  	s4 =	sld [smem:$0x3FA2]  }
0x2a: {  	p0 =	seq.s32 s5, $0x0;
	s5 =	sld [smem:$0x3FA3]  }
0x2b: {  	s6 =	sld [smem:$0x3FA4]  }
0x2c: {  	s7 =	sld [smem:$0x3FA5]  }
0x2d: {  	s3 =	simm.s32 $0x108;
	s8 =	sld [smem:$0x3FA6]  }
0x2e: {  	s3 =	simm.s32 @!p0 $0x1082;
	s9 =	sld [smem:$0x3FA7]  }
0x2f: {  	lr =	sadd.s32 s0, s3;
	s0 =	sld [smem:$0x3F9E]  }
0x30: {  	s3 =	sld [smem:$0x3FA1]  }
0x31: {  	[smem:$0x3FAA] =	sst s10  }
0x32: {  	s10 =	sld [smem:$0x3FA8];
	_ =	sdelay $0x3  }
0x33: {  	p0 =	seq.s32 s10, $0x1;
	s10 =	sld [smem:$0x3FAA];
	_ =	sdelay $0x3  }
0x34: {  	[smem:$0x3FAA] =	sst s10  }
0x35: {  	s10 =	sld [smem:$0x3FA9];
	_ =	sdelay $0x3  }
0x36: {  	p1 =	seq.s32 s10, $0x1;
	s10 =	sld [smem:$0x3FAA];
	_ =	sdelay $0x3  }
0x37: {  	[smem:$0x3FAA] =	sst s10  }
0x38: {  	s10 =	sld [smem:$0x3FAB]  }
0x39: {  	_ = 	snop;
	(pc) =	sbr.ind lr, $3  }
0x3a: {  	_ = 	snop  }
0x3b: {  	_ = 	snop  }
0x3c: {  	p2 =	seq.s32 s10, $0x1;
	s10 =	sld [smem:$0x3FAA]  }
0x3d: {  	_ =	shalt  }
0x3e: {  	_ =	shalt  }
0x3f: {  	_ =	shalt  }
0x40: {  	_ =	shalt  }
0x41: {  	_ =	shalt  }
0x42: {  	_ =	shalt  }
0x43: {  	_ =	shalt  }
0x44: {  	_ =	shalt  }
0x45: {  	_ =	shalt  }
0x46: {  	_ =	shalt  }
0x47: {  	_ =	shalt  }
0x48: {  	_ =	shalt  }
0x49: {  	_ =	shalt  }
0x4a: {  	_ =	shalt  }
0x4b: {  	_ =	shalt  }
0x4c: {  	_ =	shalt  }
0x4d: {  	_ =	shalt  }
0x4e: {  	_ =	shalt  }
0x4f: {  	_ =	shalt  }
0x50: {  	_ =	shalt  }
0x51: {  	_ =	shalt  }
0x52: {  	_ =	shalt  }
0x53: {  	_ =	shalt  }
0x54: {  	_ =	shalt  }
0x55: {  	_ =	shalt  }
0x56: {  	_ =	shalt  }
0x57: {  	_ =	shalt  }
0x58: {  	_ =	shalt  }
0x59: {  	_ =	shalt  }
0x5a: {  	_ =	shalt  }
0x5b: {  	_ =	shalt  }
0x5c: {  	_ =	shalt  }
0x5d: {  	_ =	shalt  }
0x5e: {  	_ =	shalt  }
0x5f: {  	_ =	shalt  }
0x60: {  	_ =	shalt  }
0x61: {  	_ =	shalt  }
0x62: {  	_ =	shalt  }
0x63: {  	_ =	shalt  }
0x64: {  	_ =	shalt  }
0x65: {  	_ =	shalt  }
0x66: {  	_ =	shalt  }
0x67: {  	_ =	shalt  }
0x68: {  	_ =	shalt  }
0x69: {  	_ =	shalt  }
0x6a: {  	_ =	shalt  }
0x6b: {  	_ =	shalt  }
0x6c: {  	_ =	shalt  }
0x6d: {  	_ =	shalt  }
0x6e: {  	_ =	shalt  }
0x6f: {  	_ =	shalt  }
0x70: {  	_ =	shalt  }
0x71: {  	_ =	shalt  }
0x72: {  	_ =	shalt  }
0x73: {  	_ =	shalt  }
0x74: {  	_ =	shalt  }
0x75: {  	_ =	shalt  }
0x76: {  	_ =	shalt  }
0x77: {  	_ =	shalt  }
0x78: {  	_ =	shalt  }
0x79: {  	_ =	shalt  }
0x7a: {  	_ =	shalt  }
0x7b: {  	_ =	shalt  }
0x7c: {  	_ =	shalt  }
0x7d: {  	_ =	shalt  }
0x7e: {  	_ =	shalt  }
0x7f: {  	_ =	shalt  }
0x80: {  	_ =	shalt  }
0x81: {  	_ =	shalt  }
0x82: {  	_ =	shalt  }
0x83: {  	_ =	shalt  }
0x84: {  	_ =	shalt  }
0x85: {  	_ =	shalt  }
0x86: {  	_ =	shalt  }
0x87: {  	_ =	shalt  }
.Lfunc_end0:
.L_simem_size_0:
called_computation_lowered:
.L_overlay_start_0:
0x88: {  	s2 =	sld [smem:$0x3FD9]  }
0x89: {  	s3 =	sld [smem:$0x3FFE];
	_ =	sdelay $0x1  }
0x8a: {  	s1 =	srdreg.scid  }
0x8b: {  	s0 =	sand.u32 $0x1, s1  }
0x8c: {  	s16 =	sshll.u32 s0, $0xA;
	s2 =	sadd.s32 s3, s2  }
0x8d: {  	s2 =	sadd.s32 s2, s16  }
0x8e: {  	[smem:$0x3FB6] =	sst s2  }
0x8f: {  	_ = 	snop  }
0x90: {  	(tm) =	ssettm $0x1  }
0x91: {  	s17 =	sld [smem:$0x3FFB];
	_ =	sdelay $0x3  }
0x92: {  	_ =	strace s17  }
0x93: {  	s2 =	sld [smem:$0x3FFC];
	_ =	sdelay $0x3  }
0x94: {  	_ =	strace s2  }
0x95: {  	s2 =	sld [smem:$0x3FFD];
	_ =	sdelay $0x3  }
0x96: {  	_ =	strace s2  }
0x97: {  	_ =	strace $0x8FFFFFFF  }
0x98: {  	s18 =	sld [smem:$0x3FDB];
	_ =	sdelay $0x1  }
0x99: {  	s19 =	simm.s32 $_scs_section_size  }
0x9a: {  	s4 =	simm.s32 $_size__tile_overlayer_lowered;
	s5 =	simm.s32 $_tile_overlayer_lowered  }
0x9b: {  	s22 =	simm.s32 $0x1BFF;
	s21 =	sshll.u32 s5, $0x1;
	s2 =	sadd.s32 s19, s18  }
0x9c: {  	s6 =	simm.s32 $0x0;
	s20 =	sshll.u32 s4, $0x1;
	s4 =	sadd.s32 s21, s2  }
0x9d: {  	[timem:s6], [sflag:s22] =	dma.local [hbm:s4], s20  }
0x9e: {  	_ =	swait.ge [sflag:s22], s20  }
0x9f: {  	s3 =	ssub.s32 $0x0, s20;
	[sflag:s22] =	ssyncset.done $0x0  }
0xa0: {  	[sflag:s22] =	ssyncadd.s32 s3;
	_ =	sdelay $0x1  }
0xa1: {  	s23 =	simm.s32 $0x1B8B  }
0xa2: {  	_ =	swait.ge [sflag:s23], $0x1  }
0xa3: {  	[sflag:s23] =	ssyncset.done $0x0  }
0xa4: {  	s25 =	simm.s32 $0x1B8E;
	s24 =	sld [smem:$0x3FFE];
	[sflag:s23] =	ssyncadd.s32 $0xFFFFFFFF  }
0xa5: {  	s26 =	simm.s32 $execute0_lowered;
	[smem:$0x3FD2] =	sst s25  }
0xa6: {  	s4 =	sshll.u32 s26, $0x1;
	_ =	strace $0x80000046;
	[dreg:$0x1] =	wrdreg $0xFFFFFFFF  }
0xa7: {  	s28 =	simm.s32 $_size_execute0_lowered;
	s2 =	sadd.s32 s2, s4;
	[dreg:$0x0] =	wrdreg $0x0  }
0xa8: {  	s4 =	sshll.u32 s28, $0x1;
	[dreg:$0x2] =	wrdreg s2  }
0xa9: {  	[dreg:$0x3] =	wrdreg s4  }
0xaa: {  	[dreg:$0x4] =	wrdreg $0xC0  }
0xab: {  	_ =	task [dreg:s6], $0x5FFFF  }
0xac: {  	[dreg:$0x1] =	wrdreg $0xFFFFFFFF  }
0xad: {  	[dreg:$0x0] =	wrdreg $0x60  }
0xae: {  	[dreg:$0x2] =	wrdreg s24  }
0xaf: {  	[dreg:$0x3] =	wrdreg $0xA6000  }
0xb0: {  	[dreg:$0x4] =	wrdreg $0x9  }
0xb1: {  	_ =	task.clear_ibuf [dreg:s6], $0x5FFFF;
	_ =	strace $0x90000046  }
0xb2: {  	s29 =	simm.s32 $0x9;
	_ =	strace $0x80000048  }
0xb3: {  	_ =	swait.ge [sflag:s29], $0x1  }
0xb4: {  	[sflag:s29] =	ssyncadd.s32 $0xFFFFFFFF  }
0xb5: {  	_ =	strace $0x90000048  }
0xb6: {  	_ =	sfence  }
0xb7: {  	s30 =	sld [smem:$0x0];
	_ =	sdelay $0x2  }
0xb8: {  	s31 =	sshll.u32 s1, $0xD;
	s1 =	sshrl.u32 s1, $0x2  }
0xb9: {  	s3 =	sand.u32 $0x4000, s31;
	s1 =	sadd.s32 s1, s30  }
0xba: {  	s0 =	sor.u32 s3, s0;
	s1 =	sshll.u32 s1, $0x11  }
0xbb: {  	s0 =	sor.u32 s1, s0  }
0xbc: {  	s0 =	sadd.s32 $0x8F2B, s0  }
0xbd: {  	[sflag:s0] =	ssyncadd.remote.s32 $0x1  }
0xbe: {  	_ =	sfence.sel $0xFFFF  }
0xbf: {  	[dreg:$0x0] =	wrdreg $0xFFFFFFFF;
	(pc) =	sbr.abs _section_cstart, $3  }
0xc0: {  	[dreg:$0x1] =	wrdreg $0xFFFFFFFF  }
0xc1: {  	_ =	task.clear_ibuf [dreg:s6], $0x2FFFF;
	_ =	strace $0x9FFFFFFF  }
0xc2: {  	(tm) =	ssettm $0x7FFFFFFF  }
0xc3: {  	_ =	shalt  }
tec
execute0_lowered:
.L_overlay_start_1:
0x0: {  	(tag) =	ssettag $0x1  }
0x1: {  	s2 =	rddreg [dreg:$0x0]  }
0x2: {  	s1 =	rddreg [dreg:$0x1];
	s3 =	simm.s32 $0x0  }
0x3: {  	s0 =	srdreg.scid;
	s14 =	stileid.u32;
	s26 =	simm.s32 $0x100  }
0x4: {  	s16 =	simm.s32 $0x300;
	s17 =	simm.s32 $0x380;
	s18 =	simm.s32 $0x400  }
0x5: {  	s19 =	simm.s32 $0x480;
	s20 =	simm.s32 $0x500;
	s28 =	simm.s32 $0xD00  }
0x6: {  	s29 =	simm.s32 $0x80;
	s30 =	simm.s32 $0xE00;
	s31 =	simm.s32 $0xD80  }
0x7: {  	[smem:$0x7FF] =	sst s3;
	s4 =	sadd.s32 $0x16800, s2;
	s5 =	sand.u32 $0x1, s0  }
0x8: {  	s6 =	smul.u32 $0x4E, s14;
	_ =	strace $0x80000047;
	[dreg:$0x6] =	wrdreg s26  }
0x9: {  	s7 =	sadd.s32 $0x2E00, s2;
	s13 =	smul.u32 $0x4E0, s14;
	[dreg:$0xa] =	wrdreg s16  }
0xa: {  	s21 =	smin.u32 s14, $0x2;
	s8 =	smul.u32 $0x138800, s5;
	[dreg:$0xb] =	wrdreg s17  }
0xb: {  	p0 =	sgt.u32 s14, $0x1;
	s10 =	smul.u32 $0x4E0, s5;
	[dreg:$0xc] =	wrdreg s18  }
0xc: {  	s9 =	sshll.u32 s5, $0x4;
	s22 =	smul.u32 $0x4E00, s5;
	[dreg:$0xd] =	wrdreg s19  }
0xd: {  	s5 =	ssub.s32 $0x2, s5;
	[dreg:$0xe] =	wrdreg s20;
	s16 =	simm.s32 $0x900  }
0xe: {  	s18 =	simm.s32 $0x980;
	s20 =	simm.s32 $0xA00;
	[dreg:$0x15] =	wrdreg s16  }
0xf: {  	s0 =	sadd.s32 s21, s6;
	s25 =	sshrl.u32 s5, $0x1;
	[dreg:$0x16] =	wrdreg s18  }
0x10: {  	[dreg:$0x17] =	wrdreg s20;
	s11 =	sshll.u32 s0, $0xA;
	s0 =	sor.u32 s14, s9  }
0x11: {  	s6 =	sadd.s32 s6, s10;
	s9 =	sadd.s32 s22, s7;
	s10 =	simm.s32 $0x200  }
0x12: {  	s22 =	simm.s32 $0x580;
	s12 =	smin.u32 s0, $0x4;
	s8 =	sadd.s32 s8, s11  }
0x13: {  	s9 =	sadd.s32 s13, s9;
	[dreg:$0x8] =	wrdreg s10;
	s13 =	simm.s32 $0x280  }
0x14: {  	[dreg:$0xf] =	wrdreg s22;
	s22 =	simm.s32 $0xA80;
	p1 =	sgt.u32 s0, $0x3  }
0x15: {  	s6 =	sadd.s32 s12, s6;
	s23 =	sshll.u32 s12, $0x4;
	[dreg:$0x9] =	wrdreg s13  }
0x16: {  	s8 =	sshrl.u32 s8, $0x3;
	s13 =	simm.s32 $0x880;
	[dreg:$0x18] =	wrdreg s22  }
0x17: {  	s6 =	sshll.u32 s6, $0x4;
	s9 =	sadd.s32 s23, s9;
	[dreg:$0x14] =	wrdreg s13  }
0x18: {  	s2 =	sadd.s32 s8, s2;
	s23 =	simm.s32 $0x600;
	[dreg:$0x3] =	wrdreg s9  }
0x19: {  	s8 =	ssub.s32 s5, s25;
	s25 =	simm.s32 $0x700;
	[dreg:$0x10] =	wrdreg s23  }
0x1a: {  	s5 =	sadd.s32 s11, s1;
	s9 =	simm.s32 $0x180;
	[dreg:$0x11] =	wrdreg s25  }
0x1b: {  	s11 =	smul.u32 $0x4E, s0;
	s15 =	sadd.s32 $0x13800, s5;
	[dreg:$0x7] =	wrdreg s9  }
0x1c: {  	s0 =	simm.s32 $0x4E00;
	s26 =	sadd.s32 $0x1800, s5;
	[dreg:$0x1d] =	wrdreg s15  }
0x1d: {  	s6 =	sadd.s32 s6, s7;
	s17 =	sadd.s32 $0x7800, s5;
	[smem:$0x7F7] =	sst s26  }
0x1e: {  	s10 =	sadd.s32 $0x3DA00, s2;
	s19 =	sadd.s32 $0x9000, s5;
	[smem:$0x7FB] =	sst s17  }
0x1f: {  	s23 =	simm.s32 $0xB00;
	s20 =	sadd.s32 $0xD800, s5;
	[smem:$0x7FC] =	sst s19  }
0x20: {  	s25 =	simm.s32 $0xC00;
	s22 =	sadd.s32 $0x10800, s5;
	[dreg:$0x19] =	wrdreg s23  }
0x21: {  	s2 =	simm.s32 $0x680;
	s24 =	sadd.s32 $0xD0, s6;
	[dreg:$0x1b] =	wrdreg s25  }
0x22: {  	s6 =	sadd.s32 $0x1A0, s6;
	s9 =	sadd.s32 s12, s11;
	[dreg:$0x4] =	wrdreg s24  }
0x23: {  	s11 =	simm.s32 $0x800;
	s12 =	sadd.s32 $0x4800, s5;
	[dreg:$0x5] =	wrdreg s6  }
0x24: {  	s15 =	sadd.s32 $0x6000, s5;
	s19 =	sadd.s32 $0xC000, s5;
	[smem:$0x7F9] =	sst s12  }
0x25: {  	s26 =	simm.s32 $0xC80;
	s23 =	sadd.s32 $0x12000, s5;
	[dreg:$0x13] =	wrdreg s11  }
0x26: {  	s25 =	simm.s32 $0x6;
	s9 =	sshll.u32 s9, $0x4;
	[smem:$0x7FA] =	sst s15  }
0x27: {  	s24 =	smax.u32 s8, $0x1;
	s8 =	simm.s32 $0x780;
	[dreg:$0x1c] =	wrdreg s26  }
0x28: {  	s26 =	simm.s32 $0x3;
	s6 =	simm.s32 $0x1;
	[smem:$0x7F6] =	sst s24  }
0x29: {  	s7 =	sadd.s32 s7, s9;
	[dreg:$0x12] =	wrdreg s8;
	s24 =	simm.s32 $0xB80  }
0x2a: {  	s11 =	simm.s32 $0x5;
	s9 =	sadd.s32 $0x4E0, s7;
	[dreg:$0x1a] =	wrdreg s24  }
0x2b: {  	s12 =	simm.s32 $0x0;
	s21 =	sadd.s32 $0xA120, s7;
	[dreg:$0x1e] =	wrdreg s9  }
0x2c: {  	s8 =	simm.s32 $0x4;
	[dreg:$0x1f] =	wrdreg s21;
	s9 =	sadd.s32 $0x3000, s5  }
0x2d: {  	s24 =	simm.s32 $0x8E00;
	s21 =	sadd.s32 $0xA800, s5;
	[smem:$0x7F8] =	sst s9  }
0x2e: {  	v0 =	vimm.f32 $0.0e+00;
	[smem:$0x7FD] =	sst s21;
	s21 =	sadd.s32 $0xF000, s5;
	s9 =	simm.s32 $0x2  }
.LBB2_1:
0x2f: {  	s13 =	simm.s32 $0x0;
	s14 =	simm.s32 $0x200  }
.LBB2_2:
0x30: {  	p2 =	sne.s32 s14, $0x5E00;
	[tilespmem:s13+$0x8E70] =	vst v0  }
0x31: {  	[tilespmem:s13+$0x8E00] =	vst v0  }
0x32: {  	[tilespmem:s13+$0x8E10] =	vst v0  }
.Ltmp0:
0x33: {  	[tilespmem:s13+$0x8E20] =	vst v0;
	(pc) =	sbr.rel @p2 .LBB2_2-.Ltmp0, $4  }
0x34: {  	[tilespmem:s13+$0x8E30] =	vst v0  }
0x35: {  	[tilespmem:s13+$0x8E40] =	vst v0  }
0x36: {  	[tilespmem:s13+$0x8E50] =	vst v0  }
0x37: {  	[tilespmem:s13+$0x8E60] =	vst v0;
	s13 =	sshra.s32 s14, $0x2;
	s14 =	sadd.s32 $0x200, s14  }
0x38: {  	[tilespmem:s13+$0x8E70] =	vst v0  }
0x39: {  	[tilespmem:s13+$0x8E00] =	vst v0  }
0x3a: {  	[tilespmem:s13+$0x8E10] =	vst v0  }
0x3b: {  	[tilespmem:s13+$0x8E20] =	vst v0  }
0x3c: {  	[tilespmem:s13+$0x8E30] =	vst v0  }
0x3d: {  	[tilespmem:s13+$0x8E40] =	vst v0  }
0x3e: {  	[tilespmem:s13+$0x8E50] =	vst v0  }
0x3f: {  	[tilespmem:s13+$0x8E60] =	vst v0  }
0x40: {  	[spmem:s5] =	stream.linear.scatter [tilespmem:s24], [sflag:$0x6], $0x1800, $0x38;
	[tilespmem:$0x1DE80] =	vst v63  }
0x41: {  	_ =	swait.ge [sflag:s25], $0x1800  }
0x42: {  	s17 =	sld [smem:$0x7F7]  }
0x43: {  	[sflag:s25] =	ssyncset.done $0x0  }
0x44: {  	[sflag:s25] =	ssyncadd.s32 $0xFFFFE800  }
0x45: {  	[spmem:s17] =	stream.linear.scatter [tilespmem:s24], [sflag:$0x6], $0x1800, $0x38;
	[tilespmem:$0x1DE80] =	vst v63  }
0x46: {  	_ =	swait.ge [sflag:s25], $0x1800  }
0x47: {  	s18 =	sld [smem:$0x7F8]  }
0x48: {  	[sflag:s25] =	ssyncset.done $0x0  }
0x49: {  	[sflag:s25] =	ssyncadd.s32 $0xFFFFE800  }
0x4a: {  	[spmem:s18] =	stream.linear.scatter [tilespmem:s24], [sflag:$0x6], $0x1800, $0x38;
	[tilespmem:$0x1DE80] =	vst v63  }
0x4b: {  	_ =	swait.ge [sflag:s25], $0x1800  }
0x4c: {  	s14 =	sld [smem:$0x7F9]  }
0x4d: {  	[sflag:s25] =	ssyncset.done $0x0  }
0x4e: {  	[sflag:s25] =	ssyncadd.s32 $0xFFFFE800  }
0x4f: {  	[spmem:s14] =	stream.linear.scatter [tilespmem:s24], [sflag:$0x6], $0x1800, $0x38;
	[tilespmem:$0x1DE80] =	vst v63  }
0x50: {  	_ =	swait.ge [sflag:s25], $0x1800  }
0x51: {  	s15 =	sld [smem:$0x7FA]  }
0x52: {  	[sflag:s25] =	ssyncset.done $0x0  }
0x53: {  	[sflag:s25] =	ssyncadd.s32 $0xFFFFE800  }
0x54: {  	[spmem:s15] =	stream.linear.scatter [tilespmem:s24], [sflag:$0x6], $0x1800, $0x38;
	[tilespmem:$0x1DE80] =	vst v63  }
0x55: {  	_ =	swait.ge [sflag:s25], $0x1800  }
0x56: {  	s16 =	sld [smem:$0x7FB]  }
0x57: {  	[sflag:s25] =	ssyncset.done $0x0  }
0x58: {  	[sflag:s25] =	ssyncadd.s32 $0xFFFFE800  }
0x59: {  	[spmem:s16] =	stream.linear.scatter [tilespmem:s24], [sflag:$0x6], $0x1800, $0x38;
	[tilespmem:$0x1DE80] =	vst v63  }
0x5a: {  	_ =	swait.ge [sflag:s25], $0x1800  }
0x5b: {  	s17 =	sld [smem:$0x7FC]  }
0x5c: {  	[sflag:s25] =	ssyncset.done $0x0  }
0x5d: {  	[sflag:s25] =	ssyncadd.s32 $0xFFFFE800  }
0x5e: {  	[spmem:s17] =	stream.linear.scatter [tilespmem:s24], [sflag:$0x6], $0x1800, $0x38;
	[tilespmem:$0x1DE80] =	vst v63  }
0x5f: {  	_ =	swait.ge [sflag:s25], $0x1800  }
0x60: {  	s18 =	sld [smem:$0x7FD]  }
0x61: {  	[sflag:s25] =	ssyncset.done $0x0  }
0x62: {  	[sflag:s25] =	ssyncadd.s32 $0xFFFFE800  }
0x63: {  	[spmem:s18] =	stream.linear.scatter [tilespmem:s24], [sflag:$0x6], $0x1800, $0x38;
	[tilespmem:$0x1DE80] =	vst v63  }
0x64: {  	_ =	swait.ge [sflag:s25], $0x1800  }
0x65: {  	[sflag:s25] =	ssyncset.done $0x0  }
0x66: {  	[sflag:s25] =	ssyncadd.s32 $0xFFFFE800  }
0x67: {  	[spmem:s19] =	stream.linear.scatter [tilespmem:s24], [sflag:$0x6], $0x1800, $0x38;
	[tilespmem:$0x1DE80] =	vst v63  }
0x68: {  	_ =	swait.ge [sflag:s25], $0x1800  }
0x69: {  	[sflag:s25] =	ssyncset.done $0x0  }
0x6a: {  	[sflag:s25] =	ssyncadd.s32 $0xFFFFE800  }
0x6b: {  	[spmem:s20] =	stream.linear.scatter [tilespmem:s24], [sflag:$0x6], $0x1800, $0x38;
	[tilespmem:$0x1DE80] =	vst v63  }
0x6c: {  	_ =	swait.ge [sflag:s25], $0x1800  }
0x6d: {  	[sflag:s25] =	ssyncset.done $0x0  }
0x6e: {  	[sflag:s25] =	ssyncadd.s32 $0xFFFFE800  }
0x6f: {  	[spmem:s21] =	stream.linear.scatter [tilespmem:s24], [sflag:$0x6], $0x1800, $0x38;
	[tilespmem:$0x1DE80] =	vst v63  }
0x70: {  	_ =	swait.ge [sflag:s25], $0x1800  }
0x71: {  	[sflag:s25] =	ssyncset.done $0x0  }
0x72: {  	[sflag:s25] =	ssyncadd.s32 $0xFFFFE800  }
0x73: {  	[spmem:s22] =	stream.linear.scatter [tilespmem:s24], [sflag:$0x6], $0x1800, $0x38;
	[tilespmem:$0x1DE80] =	vst v63  }
0x74: {  	_ =	swait.ge [sflag:s25], $0x1800  }
0x75: {  	[sflag:s25] =	ssyncset.done $0x0  }
0x76: {  	[sflag:s25] =	ssyncadd.s32 $0xFFFFE800  }
0x77: {  	[spmem:s23] =	stream.linear.scatter [tilespmem:s24], [sflag:$0x6], $0x1800, $0x38;
	[tilespmem:$0x1DE80] =	vst v63  }
0x78: {  	_ =	swait.ge [sflag:s25], $0x1800  }
0x79: {  	[sflag:s25] =	ssyncset.done $0x0  }
0x7a: {  	s13 =	simm.s32 @!p0 $0x8E00;
	s14 =	rddreg [dreg:$0x1d];
	[sflag:s25] =	ssyncadd.s32 $0xFFFFE800  }
0x7b: {  	[spmem:s14] =	stream.linear.scatter @!p0 [tilespmem:s13], [sflag:$0x6], $0x400, $0x38;
	[tilespmem:$0x1DE80] =	vst v63  }
0x7c: {  	s13 =	simm.s32 @!p0 $0x6  }
0x7d: {  	_ =	swait.ge @!p0 [sflag:s13], $0x400  }
0x7e: {  	[sflag:s13] =	ssyncset.done @!p0 $0x0  }
0x7f: {  	[sflag:s13] =	ssyncadd.s32 @!p0 $0xFFFFFC00  }
0x80: {  	s14 =	simm.s32 $0x0;
	[bflag:$0x0] =	sbarrier.arrive $0xFFFF  }
0x81: {  	[tilespmem:s14], [sflag:$0x3] =	stream.linear.gather [hbm4b:s7+s14], $0x680, $0x38;
	[tilespmem:$0x1DE80] =	vst v63  }
0x82: {  	_ =	swait.ge [sflag:s26], $0x680  }
0x83: {  	s15 =	rddreg [dreg:$0x3]  }
0x84: {  	[sflag:s26] =	ssyncset.done $0x0;
	s13 =	sadd.s32 $0x0, s15  }
0x85: {  	[sflag:s26] =	ssyncadd.s32 $0xFFFFF980;
	s16 =	sadd.s32 $0x9C40, s13  }
0x86: {  	[tilespmem:s28], [sflag:$0x4] =	stream.linear.gather [hbm4b:s16+s3], $0x80, $0x38;
	[tilespmem:$0x1DE80] =	vst v63  }
0x87: {  	_ = 	snop  }
0x88: {  	[tilespmem:s30], [sflag:$0x1] =	stream.indirect.gather [hbm4b:s4+s29], $0x80, s3, s29, $0xb8;
	[tilespmem:$0x1DE80] =	vst v63  }
0x89: {  	s17 =	sadd.s32 $0x9C50, s13  }
0x8a: {  	[tilespmem:s31], [sflag:$0x5] =	stream.linear.gather [hbm4b:s17+s3], $0x80, $0x38;
	[tilespmem:$0x1DE80] =	vst v63  }
0x8b: {  	s15 =	rddreg [dreg:$0x4]  }
0x8c: {  	[tilespmem:s0], [sflag:$0x2] =	stream.indirect.gather [hbm4b:s4+s29], $0x80, s29, s29, $0xb8;
	[tilespmem:$0x1DE80] =	vst v63  }
0x8d: {  	s18 =	sadd.s32 $0x0, s15  }
0x8e: {  	[tilespmem:s2], [sflag:$0x3] =	stream.linear.gather [hbm4b:s18+s3], $0x680, $0x38;
	[tilespmem:$0x1DE80] =	vst v63  }
0x8f: {  	_ =	swait.ge [sflag:s6], $0x4000  }
0x90: {  	[sflag:s6] =	ssyncset.done $0x0  }
0x91: {  	[sflag:s6] =	ssyncadd.s32 $0xFFFFC000  }
0x92: {  	_ =	swait.ge [sflag:s8], $0x80  }
0x93: {  	[sflag:s8] =	ssyncset.done $0x0  }
0x94: {  	[sflag:s8] =	ssyncadd.s32 $0xFFFFFF80  }
0x95: {  	[spmem:s1] =	stream.indirect.scatter.add.f32 [tilespmem:s30], [sflag:$0x6], $0x80, s28, s29, $0xb8;
	[tilespmem:$0x1DE80] =	vst v63  }
0x96: {  	_ =	swait.ge [sflag:s25], $0x4000  }
0x97: {  	[sflag:s25] =	ssyncset.done $0x0  }
0x98: {  	s15 =	sadd.s32 $0x9C60, s13;
	[sflag:s25] =	ssyncadd.s32 $0xFFFFC000  }
0x99: {  	[tilespmem:s28], [sflag:$0x4] =	stream.linear.gather [hbm4b:s15+s3], $0x80, $0x38;
	[tilespmem:$0x1DE80] =	vst v63  }
0x9a: {  	s16 =	rddreg [dreg:$0x6]  }
0x9b: {  	[tilespmem:s30], [sflag:$0x1] =	stream.indirect.gather [hbm4b:s4+s29], $0x80, s16, s29, $0xb8;
	[tilespmem:$0x1DE80] =	vst v63  }
0x9c: {  	_ =	swait.ge [sflag:s9], $0x4000  }
0x9d: {  	[sflag:s9] =	ssyncset.done $0x0  }
0x9e: {  	[sflag:s9] =	ssyncadd.s32 $0xFFFFC000  }
0x9f: {  	_ =	swait.ge [sflag:s11], $0x80  }
0xa0: {  	[sflag:s11] =	ssyncset.done $0x0  }
0xa1: {  	[sflag:s11] =	ssyncadd.s32 $0xFFFFFF80  }
0xa2: {  	[spmem:s1] =	stream.indirect.scatter.add.f32 [tilespmem:s0], [sflag:$0x6], $0x80, s31, s29, $0xb8;
	[tilespmem:$0x1DE80] =	vst v63  }
0xa3: {  	_ =	swait.ge [sflag:s25], $0x4000  }
0xa4: {  	[sflag:s25] =	ssyncset.done $0x0  }
0xa5: {  	s17 =	sadd.s32 $0x9C70, s13;
	[sflag:s25] =	ssyncadd.s32 $0xFFFFC000  }
0xa6: {  	[tilespmem:s31], [sflag:$0x5] =	stream.linear.gather [hbm4b:s17+s3], $0x80, $0x38;
	[tilespmem:$0x1DE80] =	vst v63  }
0xa7: {  	s18 =	rddreg [dreg:$0x7]  }
0xa8: {  	[tilespmem:s0], [sflag:$0x2] =	stream.indirect.gather [hbm4b:s4+s29], $0x80, s18, s29, $0xb8;
	[tilespmem:$0x1DE80] =	vst v63  }
0xa9: {  	_ =	swait.ge [sflag:s6], $0x4000  }
0xaa: {  	[sflag:s6] =	ssyncset.done $0x0  }
0xab: {  	[sflag:s6] =	ssyncadd.s32 $0xFFFFC000  }
0xac: {  	_ =	swait.ge [sflag:s8], $0x80  }
0xad: {  	[sflag:s8] =	ssyncset.done $0x0  }
0xae: {  	[sflag:s8] =	ssyncadd.s32 $0xFFFFFF80  }
0xaf: {  	[spmem:s1] =	stream.indirect.scatter.add.f32 [tilespmem:s30], [sflag:$0x6], $0x80, s28, s29, $0xb8;
	[tilespmem:$0x1DE80] =	vst v63  }
0xb0: {  	_ =	swait.ge [sflag:s25], $0x4000  }
0xb1: {  	[sflag:s25] =	ssyncset.done $0x0  }
0xb2: {  	s15 =	sadd.s32 $0x9C80, s13;
	[sflag:s25] =	ssyncadd.s32 $0xFFFFC000  }
0xb3: {  	[tilespmem:s28], [sflag:$0x4] =	stream.linear.gather [hbm4b:s15+s3], $0x80, $0x38;
	[tilespmem:$0x1DE80] =	vst v63  }
0xb4: {  	s16 =	rddreg [dreg:$0x8]  }
0xb5: {  	[tilespmem:s30], [sflag:$0x1] =	stream.indirect.gather [hbm4b:s4+s29], $0x80, s16, s29, $0xb8;
	[tilespmem:$0x1DE80] =	vst v63  }
0xb6: {  	_ =	swait.ge [sflag:s9], $0x4000  }
0xb7: {  	[sflag:s9] =	ssyncset.done $0x0  }
0xb8: {  	[sflag:s9] =	ssyncadd.s32 $0xFFFFC000  }
0xb9: {  	_ =	swait.ge [sflag:s11], $0x80  }
0xba: {  	[sflag:s11] =	ssyncset.done $0x0  }
0xbb: {  	[sflag:s11] =	ssyncadd.s32 $0xFFFFFF80  }
0xbc: {  	[spmem:s1] =	stream.indirect.scatter.add.f32 [tilespmem:s0], [sflag:$0x6], $0x80, s31, s29, $0xb8;
	[tilespmem:$0x1DE80] =	vst v63  }
0xbd: {  	_ =	swait.ge [sflag:s25], $0x4000  }
0xbe: {  	[sflag:s25] =	ssyncset.done $0x0  }
0xbf: {  	s17 =	sadd.s32 $0x9C90, s13;
	[sflag:s25] =	ssyncadd.s32 $0xFFFFC000  }
0xc0: {  	[tilespmem:s31], [sflag:$0x5] =	stream.linear.gather [hbm4b:s17+s3], $0x80, $0x38;
	[tilespmem:$0x1DE80] =	vst v63  }
0xc1: {  	s18 =	rddreg [dreg:$0x9]  }
0xc2: {  	[tilespmem:s0], [sflag:$0x2] =	stream.indirect.gather [hbm4b:s4+s29], $0x80, s18, s29, $0xb8;
	[tilespmem:$0x1DE80] =	vst v63  }
0xc3: {  	_ =	swait.ge [sflag:s6], $0x4000  }
0xc4: {  	[sflag:s6] =	ssyncset.done $0x0  }
0xc5: {  	[sflag:s6] =	ssyncadd.s32 $0xFFFFC000  }
0xc6: {  	_ =	swait.ge [sflag:s8], $0x80  }
0xc7: {  	[sflag:s8] =	ssyncset.done $0x0  }
0xc8: {  	[sflag:s8] =	ssyncadd.s32 $0xFFFFFF80  }
0xc9: {  	[spmem:s1] =	stream.indirect.scatter.add.f32 [tilespmem:s30], [sflag:$0x6], $0x80, s28, s29, $0xb8;
	[tilespmem:$0x1DE80] =	vst v63  }
0xca: {  	_ =	swait.ge [sflag:s25], $0x4000  }
0xcb: {  	[sflag:s25] =	ssyncset.done $0x0  }
0xcc: {  	s15 =	sadd.s32 $0x9CA0, s13;
	[sflag:s25] =	ssyncadd.s32 $0xFFFFC000  }
0xcd: {  	[tilespmem:s28], [sflag:$0x4] =	stream.linear.gather [hbm4b:s15+s3], $0x80, $0x38;
	[tilespmem:$0x1DE80] =	vst v63  }
0xce: {  	s16 =	rddreg [dreg:$0xa]  }
0xcf: {  	[tilespmem:s30], [sflag:$0x1] =	stream.indirect.gather [hbm4b:s4+s29], $0x80, s16, s29, $0xb8;
	[tilespmem:$0x1DE80] =	vst v63  }
0xd0: {  	_ =	swait.ge [sflag:s9], $0x4000  }
0xd1: {  	[sflag:s9] =	ssyncset.done $0x0  }
0xd2: {  	[sflag:s9] =	ssyncadd.s32 $0xFFFFC000  }
0xd3: {  	_ =	swait.ge [sflag:s11], $0x80  }
0xd4: {  	[sflag:s11] =	ssyncset.done $0x0  }
0xd5: {  	[sflag:s11] =	ssyncadd.s32 $0xFFFFFF80  }
0xd6: {  	[spmem:s1] =	stream.indirect.scatter.add.f32 [tilespmem:s0], [sflag:$0x6], $0x80, s31, s29, $0xb8;
	[tilespmem:$0x1DE80] =	vst v63  }
0xd7: {  	_ =	swait.ge [sflag:s25], $0x4000  }
0xd8: {  	[sflag:s25] =	ssyncset.done $0x0  }
0xd9: {  	s17 =	sadd.s32 $0x9CB0, s13;
	[sflag:s25] =	ssyncadd.s32 $0xFFFFC000  }
0xda: {  	[tilespmem:s31], [sflag:$0x5] =	stream.linear.gather [hbm4b:s17+s3], $0x80, $0x38;
	[tilespmem:$0x1DE80] =	vst v63  }
0xdb: {  	s18 =	rddreg [dreg:$0xb]  }
0xdc: {  	[tilespmem:s0], [sflag:$0x2] =	stream.indirect.gather [hbm4b:s4+s29], $0x80, s18, s29, $0xb8;
	[tilespmem:$0x1DE80] =	vst v63  }
0xdd: {  	_ =	swait.ge [sflag:s6], $0x4000  }
0xde: {  	[sflag:s6] =	ssyncset.done $0x0  }
0xdf: {  	[sflag:s6] =	ssyncadd.s32 $0xFFFFC000  }
0xe0: {  	_ =	swait.ge [sflag:s8], $0x80  }
0xe1: {  	[sflag:s8] =	ssyncset.done $0x0  }
0xe2: {  	[sflag:s8] =	ssyncadd.s32 $0xFFFFFF80  }
0xe3: {  	[spmem:s1] =	stream.indirect.scatter.add.f32 [tilespmem:s30], [sflag:$0x6], $0x80, s28, s29, $0xb8;
	[tilespmem:$0x1DE80] =	vst v63  }
0xe4: {  	_ =	swait.ge [sflag:s25], $0x4000  }
0xe5: {  	[sflag:s25] =	ssyncset.done $0x0  }
0xe6: {  	s15 =	sadd.s32 $0x9CC0, s13;
	[sflag:s25] =	ssyncadd.s32 $0xFFFFC000  }
0xe7: {  	[tilespmem:s28], [sflag:$0x4] =	stream.linear.gather [hbm4b:s15+s3], $0x80, $0x38;
	[tilespmem:$0x1DE80] =	vst v63  }
0xe8: {  	s16 =	rddreg [dreg:$0xc]  }
0xe9: {  	[tilespmem:s30], [sflag:$0x1] =	stream.indirect.gather [hbm4b:s4+s29], $0x80, s16, s29, $0xb8;
	[tilespmem:$0x1DE80] =	vst v63  }
0xea: {  	_ =	swait.ge [sflag:s9], $0x4000  }
0xeb: {  	[sflag:s9] =	ssyncset.done $0x0  }
0xec: {  	[sflag:s9] =	ssyncadd.s32 $0xFFFFC000  }
0xed: {  	_ =	swait.ge [sflag:s11], $0x80  }
0xee: {  	[sflag:s11] =	ssyncset.done $0x0  }
0xef: {  	[sflag:s11] =	ssyncadd.s32 $0xFFFFFF80  }
0xf0: {  	[spmem:s1] =	stream.indirect.scatter.add.f32 [tilespmem:s0], [sflag:$0x6], $0x80, s31, s29, $0xb8;
	[tilespmem:$0x1DE80] =	vst v63  }
0xf1: {  	_ =	swait.ge [sflag:s25], $0x4000  }
0xf2: {  	[sflag:s25] =	ssyncset.done $0x0  }
0xf3: {  	s17 =	sadd.s32 $0x9CD0, s13;
	[sflag:s25] =	ssyncadd.s32 $0xFFFFC000  }
0xf4: {  	[tilespmem:s31], [sflag:$0x5] =	stream.linear.gather [hbm4b:s17+s3], $0x80, $0x38;
	[tilespmem:$0x1DE80] =	vst v63  }
0xf5: {  	s18 =	rddreg [dreg:$0xd]  }
0xf6: {  	[tilespmem:s0], [sflag:$0x2] =	stream.indirect.gather [hbm4b:s4+s29], $0x80, s18, s29, $0xb8;
	[tilespmem:$0x1DE80] =	vst v63  }
0xf7: {  	_ =	swait.ge [sflag:s6], $0x4000  }
0xf8: {  	[sflag:s6] =	ssyncset.done $0x0  }
0xf9: {  	[sflag:s6] =	ssyncadd.s32 $0xFFFFC000  }
0xfa: {  	_ =	swait.ge [sflag:s8], $0x80  }
0xfb: {  	[sflag:s8] =	ssyncset.done $0x0  }
0xfc: {  	[sflag:s8] =	ssyncadd.s32 $0xFFFFFF80  }
0xfd: {  	[spmem:s1] =	stream.indirect.scatter.add.f32 [tilespmem:s30], [sflag:$0x6], $0x80, s28, s29, $0xb8;
	[tilespmem:$0x1DE80] =	vst v63  }
0xfe: {  	_ =	swait.ge [sflag:s25], $0x4000  }
0xff: {  	[sflag:s25] =	ssyncset.done $0x0  }
0x100: {  	s15 =	sadd.s32 $0x9CE0, s13;
	[sflag:s25] =	ssyncadd.s32 $0xFFFFC000  }
0x101: {  	[tilespmem:s28], [sflag:$0x4] =	stream.linear.gather [hbm4b:s15+s3], $0x80, $0x38;
	[tilespmem:$0x1DE80] =	vst v63  }
0x102: {  	s16 =	rddreg [dreg:$0xe]  }
0x103: {  	[tilespmem:s30], [sflag:$0x1] =	stream.indirect.gather [hbm4b:s4+s29], $0x80, s16, s29, $0xb8;
	[tilespmem:$0x1DE80] =	vst v63  }
0x104: {  	_ =	swait.ge [sflag:s9], $0x4000  }
0x105: {  	[sflag:s9] =	ssyncset.done $0x0  }
0x106: {  	[sflag:s9] =	ssyncadd.s32 $0xFFFFC000  }
0x107: {  	_ =	swait.ge [sflag:s11], $0x80  }
0x108: {  	[sflag:s11] =	ssyncset.done $0x0  }
0x109: {  	[sflag:s11] =	ssyncadd.s32 $0xFFFFFF80  }
0x10a: {  	[spmem:s1] =	stream.indirect.scatter.add.f32 [tilespmem:s0], [sflag:$0x6], $0x80, s31, s29, $0xb8;
	[tilespmem:$0x1DE80] =	vst v63  }
0x10b: {  	_ =	swait.ge [sflag:s25], $0x4000  }
0x10c: {  	[sflag:s25] =	ssyncset.done $0x0  }
0x10d: {  	s17 =	sadd.s32 $0x9CF0, s13;
	[sflag:s25] =	ssyncadd.s32 $0xFFFFC000  }
0x10e: {  	[tilespmem:s31], [sflag:$0x5] =	stream.linear.gather [hbm4b:s17+s3], $0x80, $0x38;
	[tilespmem:$0x1DE80] =	vst v63  }
0x10f: {  	s18 =	rddreg [dreg:$0xf]  }
0x110: {  	[tilespmem:s0], [sflag:$0x2] =	stream.indirect.gather [hbm4b:s4+s29], $0x80, s18, s29, $0xb8;
	[tilespmem:$0x1DE80] =	vst v63  }
0x111: {  	_ =	swait.ge [sflag:s6], $0x4000  }
0x112: {  	[sflag:s6] =	ssyncset.done $0x0  }
0x113: {  	[sflag:s6] =	ssyncadd.s32 $0xFFFFC000  }
0x114: {  	_ =	swait.ge [sflag:s8], $0x80  }
0x115: {  	[sflag:s8] =	ssyncset.done $0x0  }
0x116: {  	[sflag:s8] =	ssyncadd.s32 $0xFFFFFF80  }
0x117: {  	[spmem:s1] =	stream.indirect.scatter.add.f32 [tilespmem:s30], [sflag:$0x6], $0x80, s28, s29, $0xb8;
	[tilespmem:$0x1DE80] =	vst v63  }
0x118: {  	_ =	swait.ge [sflag:s25], $0x4000  }
0x119: {  	[sflag:s25] =	ssyncset.done $0x0  }
0x11a: {  	s16 =	sadd.s32 $0x9D00, s13;
	[sflag:s25] =	ssyncadd.s32 $0xFFFFC000  }
0x11b: {  	[tilespmem:s28], [sflag:$0x4] =	stream.linear.gather [hbm4b:s16+s3], $0x80, $0x38;
	[tilespmem:$0x1DE80] =	vst v63  }
0x11c: {  	s17 =	rddreg [dreg:$0x10]  }
0x11d: {  	[tilespmem:s30], [sflag:$0x1] =	stream.indirect.gather [hbm4b:s4+s29], $0x80, s17, s29, $0xb8;
	[tilespmem:$0x1DE80] =	vst v63  }
0x11e: {  	_ =	swait.ge [sflag:s9], $0x4000  }
0x11f: {  	[sflag:s9] =	ssyncset.done $0x0  }
0x120: {  	[sflag:s9] =	ssyncadd.s32 $0xFFFFC000  }
0x121: {  	_ =	swait.ge [sflag:s11], $0x80  }
0x122: {  	[sflag:s11] =	ssyncset.done $0x0  }
0x123: {  	[sflag:s11] =	ssyncadd.s32 $0xFFFFFF80  }
0x124: {  	[spmem:s1] =	stream.indirect.scatter.add.f32 [tilespmem:s0], [sflag:$0x6], $0x80, s31, s29, $0xb8;
	[tilespmem:$0x1DE80] =	vst v63  }
0x125: {  	_ =	swait.ge [sflag:s25], $0x4000  }
0x126: {  	[sflag:s25] =	ssyncset.done $0x0  }
0x127: {  	[sflag:s25] =	ssyncadd.s32 $0xFFFFC000  }
0x128: {  	_ =	swait.ge [sflag:s6], $0x4000  }
0x129: {  	[sflag:s6] =	ssyncset.done $0x0  }
0x12a: {  	[sflag:s6] =	ssyncadd.s32 $0xFFFFC000  }
0x12b: {  	_ =	swait.ge [sflag:s8], $0x80  }
0x12c: {  	[sflag:s8] =	ssyncset.done $0x0  }
0x12d: {  	[sflag:s8] =	ssyncadd.s32 $0xFFFFFF80  }
0x12e: {  	[spmem:s1] =	stream.indirect.scatter.add.f32 [tilespmem:s30], [sflag:$0x6], $0x80, s28, s29, $0xb8;
	[tilespmem:$0x1DE80] =	vst v63  }
0x12f: {  	_ =	swait.ge [sflag:s25], $0x4000  }
0x130: {  	[sflag:s25] =	ssyncset.done $0x0  }
0x131: {  	[sflag:s25] =	ssyncadd.s32 $0xFFFFC000  }
0x132: {  	_ =	swait.ge [sflag:s26], $0x680  }
0x133: {  	[sflag:s26] =	ssyncset.done $0x0  }
0x134: {  	s18 =	sadd.s32 $0x9D10, s13;
	[sflag:s26] =	ssyncadd.s32 $0xFFFFF980  }
0x135: {  	[tilespmem:s28], [sflag:$0x4] =	stream.linear.gather [hbm4b:s18+s3], $0x80, $0x38;
	[tilespmem:$0x1DE80] =	vst v63  }
0x136: {  	_ = 	snop  }
0x137: {  	[tilespmem:s30], [sflag:$0x1] =	stream.indirect.gather [hbm4b:s4+s29], $0x80, s2, s29, $0xb8;
	[tilespmem:$0x1DE80] =	vst v63  }
0x138: {  	s15 =	sadd.s32 $0x9D20, s13;
	s16 =	rddreg [dreg:$0x11]  }
0x139: {  	[tilespmem:s31], [sflag:$0x5] =	stream.linear.gather [hbm4b:s15+s3], $0x80, $0x38;
	[tilespmem:$0x1DE80] =	vst v63  }
0x13a: {  	p2 =	por $0x0, $0x0;
	s14 =	rddreg [dreg:$0x5]  }
0x13b: {  	[tilespmem:s0], [sflag:$0x2] =	stream.indirect.gather [hbm4b:s4+s29], $0x80, s16, s29, $0xb8;
	[tilespmem:$0x1DE80] =	vst v63  }
0x13c: {  	s14 =	sadd.s32 @!p2 $0x0, s14;
	s15 =	simm.s32 @!p2 $0x0  }
0x13d: {  	[tilespmem:s15], [sflag:$0x3] =	stream.linear.gather @!p2 [hbm4b:s14+s15], $0x680, $0x38;
	[tilespmem:$0x1DE80] =	vst v63  }
0x13e: {  	_ =	swait.ge [sflag:s6], $0x4000  }
0x13f: {  	[sflag:s6] =	ssyncset.done $0x0  }
0x140: {  	[sflag:s6] =	ssyncadd.s32 $0xFFFFC000  }
0x141: {  	_ =	swait.ge [sflag:s8], $0x80  }
0x142: {  	[sflag:s8] =	ssyncset.done $0x0  }
0x143: {  	[sflag:s8] =	ssyncadd.s32 $0xFFFFFF80  }
0x144: {  	[spmem:s1] =	stream.indirect.scatter.add.f32 [tilespmem:s30], [sflag:$0x6], $0x80, s28, s29, $0xb8;
	[tilespmem:$0x1DE80] =	vst v63  }
0x145: {  	_ =	swait.ge [sflag:s25], $0x4000  }
0x146: {  	[sflag:s25] =	ssyncset.done $0x0  }
0x147: {  	s17 =	sadd.s32 $0x9D30, s13;
	[sflag:s25] =	ssyncadd.s32 $0xFFFFC000  }
0x148: {  	[tilespmem:s28], [sflag:$0x4] =	stream.linear.gather [hbm4b:s17+s3], $0x80, $0x38;
	[tilespmem:$0x1DE80] =	vst v63  }
0x149: {  	s18 =	rddreg [dreg:$0x12]  }
0x14a: {  	[tilespmem:s30], [sflag:$0x1] =	stream.indirect.gather [hbm4b:s4+s29], $0x80, s18, s29, $0xb8;
	[tilespmem:$0x1DE80] =	vst v63  }
0x14b: {  	_ =	swait.ge [sflag:s9], $0x4000  }
0x14c: {  	[sflag:s9] =	ssyncset.done $0x0  }
0x14d: {  	[sflag:s9] =	ssyncadd.s32 $0xFFFFC000  }
0x14e: {  	_ =	swait.ge [sflag:s11], $0x80  }
0x14f: {  	[sflag:s11] =	ssyncset.done $0x0  }
0x150: {  	[sflag:s11] =	ssyncadd.s32 $0xFFFFFF80  }
0x151: {  	[spmem:s1] =	stream.indirect.scatter.add.f32 [tilespmem:s0], [sflag:$0x6], $0x80, s31, s29, $0xb8;
	[tilespmem:$0x1DE80] =	vst v63  }
0x152: {  	_ =	swait.ge [sflag:s25], $0x4000  }
0x153: {  	[sflag:s25] =	ssyncset.done $0x0  }
0x154: {  	s15 =	sadd.s32 $0x9D40, s13;
	[sflag:s25] =	ssyncadd.s32 $0xFFFFC000  }
0x155: {  	[tilespmem:s31], [sflag:$0x5] =	stream.linear.gather [hbm4b:s15+s3], $0x80, $0x38;
	[tilespmem:$0x1DE80] =	vst v63  }
0x156: {  	s16 =	rddreg [dreg:$0x13]  }
0x157: {  	[tilespmem:s0], [sflag:$0x2] =	stream.indirect.gather [hbm4b:s4+s29], $0x80, s16, s29, $0xb8;
	[tilespmem:$0x1DE80] =	vst v63  }
0x158: {  	_ =	swait.ge [sflag:s6], $0x4000  }
0x159: {  	[sflag:s6] =	ssyncset.done $0x0  }
0x15a: {  	[sflag:s6] =	ssyncadd.s32 $0xFFFFC000  }
0x15b: {  	_ =	swait.ge [sflag:s8], $0x80  }
0x15c: {  	[sflag:s8] =	ssyncset.done $0x0  }
0x15d: {  	[sflag:s8] =	ssyncadd.s32 $0xFFFFFF80  }
0x15e: {  	[spmem:s1] =	stream.indirect.scatter.add.f32 [tilespmem:s30], [sflag:$0x6], $0x80, s28, s29, $0xb8;
	[tilespmem:$0x1DE80] =	vst v63  }
0x15f: {  	_ =	swait.ge [sflag:s25], $0x4000  }
0x160: {  	[sflag:s25] =	ssyncset.done $0x0  }
0x161: {  	s17 =	sadd.s32 $0x9D50, s13;
	[sflag:s25] =	ssyncadd.s32 $0xFFFFC000  }
0x162: {  	[tilespmem:s28], [sflag:$0x4] =	stream.linear.gather [hbm4b:s17+s3], $0x80, $0x38;
	[tilespmem:$0x1DE80] =	vst v63  }
0x163: {  	s18 =	rddreg [dreg:$0x14]  }
0x164: {  	[tilespmem:s30], [sflag:$0x1] =	stream.indirect.gather [hbm4b:s4+s29], $0x80, s18, s29, $0xb8;
	[tilespmem:$0x1DE80] =	vst v63  }
0x165: {  	_ =	swait.ge [sflag:s9], $0x4000  }
0x166: {  	[sflag:s9] =	ssyncset.done $0x0  }
0x167: {  	[sflag:s9] =	ssyncadd.s32 $0xFFFFC000  }
0x168: {  	_ =	swait.ge [sflag:s11], $0x80  }
0x169: {  	[sflag:s11] =	ssyncset.done $0x0  }
0x16a: {  	[sflag:s11] =	ssyncadd.s32 $0xFFFFFF80  }
0x16b: {  	[spmem:s1] =	stream.indirect.scatter.add.f32 [tilespmem:s0], [sflag:$0x6], $0x80, s31, s29, $0xb8;
	[tilespmem:$0x1DE80] =	vst v63  }
0x16c: {  	_ =	swait.ge [sflag:s25], $0x4000  }
0x16d: {  	[sflag:s25] =	ssyncset.done $0x0  }
0x16e: {  	s15 =	sadd.s32 $0x9D60, s13;
	[sflag:s25] =	ssyncadd.s32 $0xFFFFC000  }
0x16f: {  	[tilespmem:s31], [sflag:$0x5] =	stream.linear.gather [hbm4b:s15+s3], $0x80, $0x38;
	[tilespmem:$0x1DE80] =	vst v63  }
0x170: {  	s16 =	rddreg [dreg:$0x15]  }
0x171: {  	[tilespmem:s0], [sflag:$0x2] =	stream.indirect.gather [hbm4b:s4+s29], $0x80, s16, s29, $0xb8;
	[tilespmem:$0x1DE80] =	vst v63  }
0x172: {  	_ =	swait.ge [sflag:s6], $0x4000  }
0x173: {  	[sflag:s6] =	ssyncset.done $0x0  }
0x174: {  	[sflag:s6] =	ssyncadd.s32 $0xFFFFC000  }
0x175: {  	_ =	swait.ge [sflag:s8], $0x80  }
0x176: {  	[sflag:s8] =	ssyncset.done $0x0  }
0x177: {  	[sflag:s8] =	ssyncadd.s32 $0xFFFFFF80  }
0x178: {  	[spmem:s1] =	stream.indirect.scatter.add.f32 [tilespmem:s30], [sflag:$0x6], $0x80, s28, s29, $0xb8;
	[tilespmem:$0x1DE80] =	vst v63  }
0x179: {  	_ =	swait.ge [sflag:s25], $0x4000  }
0x17a: {  	[sflag:s25] =	ssyncset.done $0x0  }
0x17b: {  	s17 =	sadd.s32 $0x9D70, s13;
	[sflag:s25] =	ssyncadd.s32 $0xFFFFC000  }
0x17c: {  	[tilespmem:s28], [sflag:$0x4] =	stream.linear.gather [hbm4b:s17+s3], $0x80, $0x38;
	[tilespmem:$0x1DE80] =	vst v63  }
0x17d: {  	s18 =	rddreg [dreg:$0x16]  }
0x17e: {  	[tilespmem:s30], [sflag:$0x1] =	stream.indirect.gather [hbm4b:s4+s29], $0x80, s18, s29, $0xb8;
	[tilespmem:$0x1DE80] =	vst v63  }
0x17f: {  	_ =	swait.ge [sflag:s9], $0x4000  }
0x180: {  	[sflag:s9] =	ssyncset.done $0x0  }
0x181: {  	[sflag:s9] =	ssyncadd.s32 $0xFFFFC000  }
0x182: {  	_ =	swait.ge [sflag:s11], $0x80  }
0x183: {  	[sflag:s11] =	ssyncset.done $0x0  }
0x184: {  	[sflag:s11] =	ssyncadd.s32 $0xFFFFFF80  }
0x185: {  	[spmem:s1] =	stream.indirect.scatter.add.f32 [tilespmem:s0], [sflag:$0x6], $0x80, s31, s29, $0xb8;
	[tilespmem:$0x1DE80] =	vst v63  }
0x186: {  	_ =	swait.ge [sflag:s25], $0x4000  }
0x187: {  	[sflag:s25] =	ssyncset.done $0x0  }
0x188: {  	s15 =	sadd.s32 $0x9D80, s13;
	[sflag:s25] =	ssyncadd.s32 $0xFFFFC000  }
0x189: {  	[tilespmem:s31], [sflag:$0x5] =	stream.linear.gather [hbm4b:s15+s3], $0x80, $0x38;
	[tilespmem:$0x1DE80] =	vst v63  }
0x18a: {  	s16 =	rddreg [dreg:$0x17]  }
0x18b: {  	[tilespmem:s0], [sflag:$0x2] =	stream.indirect.gather [hbm4b:s4+s29], $0x80, s16, s29, $0xb8;
	[tilespmem:$0x1DE80] =	vst v63  }
0x18c: {  	_ =	swait.ge [sflag:s6], $0x4000  }
0x18d: {  	[sflag:s6] =	ssyncset.done $0x0  }
0x18e: {  	[sflag:s6] =	ssyncadd.s32 $0xFFFFC000  }
0x18f: {  	_ =	swait.ge [sflag:s8], $0x80  }
0x190: {  	[sflag:s8] =	ssyncset.done $0x0  }
0x191: {  	[sflag:s8] =	ssyncadd.s32 $0xFFFFFF80  }
0x192: {  	[spmem:s1] =	stream.indirect.scatter.add.f32 [tilespmem:s30], [sflag:$0x6], $0x80, s28, s29, $0xb8;
	[tilespmem:$0x1DE80] =	vst v63  }
0x193: {  	_ =	swait.ge [sflag:s25], $0x4000  }
0x194: {  	[sflag:s25] =	ssyncset.done $0x0  }
0x195: {  	s17 =	sadd.s32 $0x9D90, s13;
	[sflag:s25] =	ssyncadd.s32 $0xFFFFC000  }
0x196: {  	[tilespmem:s28], [sflag:$0x4] =	stream.linear.gather [hbm4b:s17+s3], $0x80, $0x38;
	[tilespmem:$0x1DE80] =	vst v63  }
0x197: {  	s18 =	rddreg [dreg:$0x18]  }
0x198: {  	[tilespmem:s30], [sflag:$0x1] =	stream.indirect.gather [hbm4b:s4+s29], $0x80, s18, s29, $0xb8;
	[tilespmem:$0x1DE80] =	vst v63  }
0x199: {  	_ =	swait.ge [sflag:s9], $0x4000  }
0x19a: {  	[sflag:s9] =	ssyncset.done $0x0  }
0x19b: {  	[sflag:s9] =	ssyncadd.s32 $0xFFFFC000  }
0x19c: {  	_ =	swait.ge [sflag:s11], $0x80  }
0x19d: {  	[sflag:s11] =	ssyncset.done $0x0  }
0x19e: {  	[sflag:s11] =	ssyncadd.s32 $0xFFFFFF80  }
0x19f: {  	[spmem:s1] =	stream.indirect.scatter.add.f32 [tilespmem:s0], [sflag:$0x6], $0x80, s31, s29, $0xb8;
	[tilespmem:$0x1DE80] =	vst v63  }
0x1a0: {  	_ =	swait.ge [sflag:s25], $0x4000  }
0x1a1: {  	[sflag:s25] =	ssyncset.done $0x0  }
0x1a2: {  	s15 =	sadd.s32 $0x9DA0, s13;
	[sflag:s25] =	ssyncadd.s32 $0xFFFFC000  }
0x1a3: {  	[tilespmem:s31], [sflag:$0x5] =	stream.linear.gather [hbm4b:s15+s3], $0x80, $0x38;
	[tilespmem:$0x1DE80] =	vst v63  }
0x1a4: {  	s16 =	rddreg [dreg:$0x19]  }
0x1a5: {  	[tilespmem:s0], [sflag:$0x2] =	stream.indirect.gather [hbm4b:s4+s29], $0x80, s16, s29, $0xb8;
	[tilespmem:$0x1DE80] =	vst v63  }
0x1a6: {  	_ =	swait.ge [sflag:s6], $0x4000  }
0x1a7: {  	[sflag:s6] =	ssyncset.done $0x0  }
0x1a8: {  	[sflag:s6] =	ssyncadd.s32 $0xFFFFC000  }
0x1a9: {  	_ =	swait.ge [sflag:s8], $0x80  }
0x1aa: {  	[sflag:s8] =	ssyncset.done $0x0  }
0x1ab: {  	[sflag:s8] =	ssyncadd.s32 $0xFFFFFF80  }
0x1ac: {  	[spmem:s1] =	stream.indirect.scatter.add.f32 [tilespmem:s30], [sflag:$0x6], $0x80, s28, s29, $0xb8;
	[tilespmem:$0x1DE80] =	vst v63  }
0x1ad: {  	_ =	swait.ge [sflag:s25], $0x4000  }
0x1ae: {  	[sflag:s25] =	ssyncset.done $0x0  }
0x1af: {  	s17 =	sadd.s32 $0x9DB0, s13;
	[sflag:s25] =	ssyncadd.s32 $0xFFFFC000  }
0x1b0: {  	[tilespmem:s28], [sflag:$0x4] =	stream.linear.gather [hbm4b:s17+s3], $0x80, $0x38;
	[tilespmem:$0x1DE80] =	vst v63  }
0x1b1: {  	s18 =	rddreg [dreg:$0x1a]  }
0x1b2: {  	[tilespmem:s30], [sflag:$0x1] =	stream.indirect.gather [hbm4b:s4+s29], $0x80, s18, s29, $0xb8;
	[tilespmem:$0x1DE80] =	vst v63  }
0x1b3: {  	_ =	swait.ge [sflag:s9], $0x4000  }
0x1b4: {  	[sflag:s9] =	ssyncset.done $0x0  }
0x1b5: {  	[sflag:s9] =	ssyncadd.s32 $0xFFFFC000  }
0x1b6: {  	_ =	swait.ge [sflag:s11], $0x80  }
0x1b7: {  	[sflag:s11] =	ssyncset.done $0x0  }
0x1b8: {  	[sflag:s11] =	ssyncadd.s32 $0xFFFFFF80  }
0x1b9: {  	[spmem:s1] =	stream.indirect.scatter.add.f32 [tilespmem:s0], [sflag:$0x6], $0x80, s31, s29, $0xb8;
	[tilespmem:$0x1DE80] =	vst v63  }
0x1ba: {  	_ =	swait.ge [sflag:s25], $0x4000  }
0x1bb: {  	[sflag:s25] =	ssyncset.done $0x0  }
0x1bc: {  	s16 =	sadd.s32 $0x9DC0, s13;
	[sflag:s25] =	ssyncadd.s32 $0xFFFFC000  }
0x1bd: {  	[tilespmem:s31], [sflag:$0x5] =	stream.linear.gather [hbm4b:s16+s3], $0x80, $0x38;
	[tilespmem:$0x1DE80] =	vst v63  }
0x1be: {  	s17 =	rddreg [dreg:$0x1b]  }
0x1bf: {  	[tilespmem:s0], [sflag:$0x2] =	stream.indirect.gather [hbm4b:s4+s29], $0x80, s17, s29, $0xb8;
	[tilespmem:$0x1DE80] =	vst v63  }
0x1c0: {  	_ =	swait.ge [sflag:s6], $0x4000  }
0x1c1: {  	[sflag:s6] =	ssyncset.done $0x0  }
0x1c2: {  	[sflag:s6] =	ssyncadd.s32 $0xFFFFC000  }
0x1c3: {  	_ =	swait.ge [sflag:s8], $0x80  }
0x1c4: {  	[sflag:s8] =	ssyncset.done $0x0  }
0x1c5: {  	[sflag:s8] =	ssyncadd.s32 $0xFFFFFF80  }
0x1c6: {  	[spmem:s1] =	stream.indirect.scatter.add.f32 [tilespmem:s30], [sflag:$0x6], $0x80, s28, s29, $0xb8;
	[tilespmem:$0x1DE80] =	vst v63  }
0x1c7: {  	_ =	swait.ge [sflag:s25], $0x4000  }
0x1c8: {  	[sflag:s25] =	ssyncset.done $0x0  }
0x1c9: {  	s13 =	sadd.s32 $0x9DD0, s13;
	[sflag:s25] =	ssyncadd.s32 $0xFFFFC000  }
0x1ca: {  	[tilespmem:s28], [sflag:$0x4] =	stream.linear.gather [hbm4b:s13+s3], $0x80, $0x38;
	[tilespmem:$0x1DE80] =	vst v63  }
0x1cb: {  	s18 =	rddreg [dreg:$0x1c]  }
0x1cc: {  	[tilespmem:s30], [sflag:$0x1] =	stream.indirect.gather [hbm4b:s4+s29], $0x80, s18, s29, $0xb8;
	[tilespmem:$0x1DE80] =	vst v63  }
0x1cd: {  	_ =	swait.ge [sflag:s9], $0x4000  }
0x1ce: {  	[sflag:s9] =	ssyncset.done $0x0  }
0x1cf: {  	[sflag:s9] =	ssyncadd.s32 $0xFFFFC000  }
0x1d0: {  	_ =	swait.ge [sflag:s11], $0x80  }
0x1d1: {  	[sflag:s11] =	ssyncset.done $0x0  }
0x1d2: {  	[sflag:s11] =	ssyncadd.s32 $0xFFFFFF80  }
0x1d3: {  	[spmem:s1] =	stream.indirect.scatter.add.f32 [tilespmem:s0], [sflag:$0x6], $0x80, s31, s29, $0xb8;
	[tilespmem:$0x1DE80] =	vst v63  }
0x1d4: {  	_ =	swait.ge [sflag:s25], $0x4000  }
0x1d5: {  	[sflag:s25] =	ssyncset.done $0x0  }
0x1d6: {  	[sflag:s25] =	ssyncadd.s32 $0xFFFFC000  }
0x1d7: {  	_ =	swait.ge [sflag:s6], $0x4000  }
0x1d8: {  	[sflag:s6] =	ssyncset.done $0x0  }
0x1d9: {  	[sflag:s6] =	ssyncadd.s32 $0xFFFFC000  }
0x1da: {  	_ =	swait.ge [sflag:s8], $0x80  }
0x1db: {  	[sflag:s8] =	ssyncset.done $0x0  }
0x1dc: {  	[sflag:s8] =	ssyncadd.s32 $0xFFFFFF80  }
0x1dd: {  	[spmem:s1] =	stream.indirect.scatter.add.f32 [tilespmem:s30], [sflag:$0x6], $0x80, s28, s29, $0xb8;
	[tilespmem:$0x1DE80] =	vst v63  }
0x1de: {  	_ =	swait.ge [sflag:s25], $0x4000  }
0x1df: {  	s13 =	simm.s32 $0x1A0;
	[sflag:s25] =	ssyncset.done $0x0  }
.LBB2_4:
0x1e0: {  	[sflag:s25] =	ssyncadd.s32 $0xFFFFC000  }
0x1e1: {  	_ =	swait.ge [sflag:s26], $0x680  }
0x1e2: {  	s15 =	smov.u32 s13;
	s14 =	rddreg [dreg:$0x3]  }
0x1e3: {  	[sflag:s26] =	ssyncset.done $0x0;
	s14 =	sadd.s32 s15, s14  }
0x1e4: {  	[sflag:s26] =	ssyncadd.s32 $0xFFFFF980;
	s16 =	sadd.s32 $0x9C40, s14  }
0x1e5: {  	[tilespmem:s28], [sflag:$0x4] =	stream.linear.gather [hbm4b:s16+s3], $0x80, $0x38;
	[tilespmem:$0x1DE80] =	vst v63  }
0x1e6: {  	_ = 	snop  }
0x1e7: {  	[tilespmem:s30], [sflag:$0x1] =	stream.indirect.gather [hbm4b:s4+s29], $0x80, s3, s29, $0xb8;
	[tilespmem:$0x1DE80] =	vst v63  }
0x1e8: {  	s18 =	sadd.s32 $0x9C50, s14  }
0x1e9: {  	[tilespmem:s31], [sflag:$0x5] =	stream.linear.gather [hbm4b:s18+s3], $0x80, $0x38;
	[tilespmem:$0x1DE80] =	vst v63  }
0x1ea: {  	s17 =	rddreg [dreg:$0x4]  }
0x1eb: {  	[tilespmem:s0], [sflag:$0x2] =	stream.indirect.gather [hbm4b:s4+s29], $0x80, s29, s29, $0xb8;
	[tilespmem:$0x1DE80] =	vst v63  }
0x1ec: {  	s18 =	sadd.s32 s15, s17  }
0x1ed: {  	[tilespmem:s2], [sflag:$0x3] =	stream.linear.gather [hbm4b:s18+s3], $0x680, $0x38;
	[tilespmem:$0x1DE80] =	vst v63  }
0x1ee: {  	_ =	swait.ge [sflag:s6], $0x4000  }
0x1ef: {  	[sflag:s6] =	ssyncset.done $0x0  }
0x1f0: {  	[sflag:s6] =	ssyncadd.s32 $0xFFFFC000  }
0x1f1: {  	_ =	swait.ge [sflag:s8], $0x80  }
0x1f2: {  	[sflag:s8] =	ssyncset.done $0x0  }
0x1f3: {  	[sflag:s8] =	ssyncadd.s32 $0xFFFFFF80  }
0x1f4: {  	[spmem:s1] =	stream.indirect.scatter.add.f32 [tilespmem:s30], [sflag:$0x6], $0x80, s28, s29, $0xb8;
	[tilespmem:$0x1DE80] =	vst v63  }
0x1f5: {  	_ =	swait.ge [sflag:s25], $0x4000  }
0x1f6: {  	[sflag:s25] =	ssyncset.done $0x0  }
0x1f7: {  	s17 =	sadd.s32 $0x9C60, s14;
	[sflag:s25] =	ssyncadd.s32 $0xFFFFC000  }
0x1f8: {  	[tilespmem:s28], [sflag:$0x4] =	stream.linear.gather [hbm4b:s17+s3], $0x80, $0x38;
	[tilespmem:$0x1DE80] =	vst v63  }
0x1f9: {  	s18 =	rddreg [dreg:$0x6]  }
0x1fa: {  	[tilespmem:s30], [sflag:$0x1] =	stream.indirect.gather [hbm4b:s4+s29], $0x80, s18, s29, $0xb8;
	[tilespmem:$0x1DE80] =	vst v63  }
0x1fb: {  	_ =	swait.ge [sflag:s9], $0x4000  }
0x1fc: {  	[sflag:s9] =	ssyncset.done $0x0  }
0x1fd: {  	[sflag:s9] =	ssyncadd.s32 $0xFFFFC000  }
0x1fe: {  	_ =	swait.ge [sflag:s11], $0x80  }
0x1ff: {  	[sflag:s11] =	ssyncset.done $0x0  }
0x200: {  	[sflag:s11] =	ssyncadd.s32 $0xFFFFFF80  }
0x201: {  	[spmem:s1] =	stream.indirect.scatter.add.f32 [tilespmem:s0], [sflag:$0x6], $0x80, s31, s29, $0xb8;
	[tilespmem:$0x1DE80] =	vst v63  }
0x202: {  	_ =	swait.ge [sflag:s25], $0x4000  }
0x203: {  	[sflag:s25] =	ssyncset.done $0x0  }
0x204: {  	s17 =	sadd.s32 $0x9C70, s14;
	[sflag:s25] =	ssyncadd.s32 $0xFFFFC000  }
0x205: {  	[tilespmem:s31], [sflag:$0x5] =	stream.linear.gather [hbm4b:s17+s3], $0x80, $0x38;
	[tilespmem:$0x1DE80] =	vst v63  }
0x206: {  	s18 =	rddreg [dreg:$0x7]  }
0x207: {  	[tilespmem:s0], [sflag:$0x2] =	stream.indirect.gather [hbm4b:s4+s29], $0x80, s18, s29, $0xb8;
	[tilespmem:$0x1DE80] =	vst v63  }
0x208: {  	_ =	swait.ge [sflag:s6], $0x4000  }
0x209: {  	[sflag:s6] =	ssyncset.done $0x0  }
0x20a: {  	[sflag:s6] =	ssyncadd.s32 $0xFFFFC000  }
0x20b: {  	_ =	swait.ge [sflag:s8], $0x80  }
0x20c: {  	[sflag:s8] =	ssyncset.done $0x0  }
0x20d: {  	[sflag:s8] =	ssyncadd.s32 $0xFFFFFF80  }
0x20e: {  	[spmem:s1] =	stream.indirect.scatter.add.f32 [tilespmem:s30], [sflag:$0x6], $0x80, s28, s29, $0xb8;
	[tilespmem:$0x1DE80] =	vst v63  }
0x20f: {  	_ =	swait.ge [sflag:s25], $0x4000  }
0x210: {  	[sflag:s25] =	ssyncset.done $0x0  }
0x211: {  	s17 =	sadd.s32 $0x9C80, s14;
	[sflag:s25] =	ssyncadd.s32 $0xFFFFC000  }
0x212: {  	[tilespmem:s28], [sflag:$0x4] =	stream.linear.gather [hbm4b:s17+s3], $0x80, $0x38;
	[tilespmem:$0x1DE80] =	vst v63  }
0x213: {  	s18 =	rddreg [dreg:$0x8]  }
0x214: {  	[tilespmem:s30], [sflag:$0x1] =	stream.indirect.gather [hbm4b:s4+s29], $0x80, s18, s29, $0xb8;
	[tilespmem:$0x1DE80] =	vst v63  }
0x215: {  	_ =	swait.ge [sflag:s9], $0x4000  }
0x216: {  	[sflag:s9] =	ssyncset.done $0x0  }
0x217: {  	[sflag:s9] =	ssyncadd.s32 $0xFFFFC000  }
0x218: {  	_ =	swait.ge [sflag:s11], $0x80  }
0x219: {  	[sflag:s11] =	ssyncset.done $0x0  }
0x21a: {  	[sflag:s11] =	ssyncadd.s32 $0xFFFFFF80  }
0x21b: {  	[spmem:s1] =	stream.indirect.scatter.add.f32 [tilespmem:s0], [sflag:$0x6], $0x80, s31, s29, $0xb8;
	[tilespmem:$0x1DE80] =	vst v63  }
0x21c: {  	_ =	swait.ge [sflag:s25], $0x4000  }
0x21d: {  	[sflag:s25] =	ssyncset.done $0x0  }
0x21e: {  	s17 =	sadd.s32 $0x9C90, s14;
	[sflag:s25] =	ssyncadd.s32 $0xFFFFC000  }
0x21f: {  	[tilespmem:s31], [sflag:$0x5] =	stream.linear.gather [hbm4b:s17+s3], $0x80, $0x38;
	[tilespmem:$0x1DE80] =	vst v63  }
0x220: {  	s18 =	rddreg [dreg:$0x9]  }
0x221: {  	[tilespmem:s0], [sflag:$0x2] =	stream.indirect.gather [hbm4b:s4+s29], $0x80, s18, s29, $0xb8;
	[tilespmem:$0x1DE80] =	vst v63  }
0x222: {  	_ =	swait.ge [sflag:s6], $0x4000  }
0x223: {  	[sflag:s6] =	ssyncset.done $0x0  }
0x224: {  	[sflag:s6] =	ssyncadd.s32 $0xFFFFC000  }
0x225: {  	_ =	swait.ge [sflag:s8], $0x80  }
0x226: {  	[sflag:s8] =	ssyncset.done $0x0  }
0x227: {  	[sflag:s8] =	ssyncadd.s32 $0xFFFFFF80  }
0x228: {  	[spmem:s1] =	stream.indirect.scatter.add.f32 [tilespmem:s30], [sflag:$0x6], $0x80, s28, s29, $0xb8;
	[tilespmem:$0x1DE80] =	vst v63  }
0x229: {  	_ =	swait.ge [sflag:s25], $0x4000  }
0x22a: {  	[sflag:s25] =	ssyncset.done $0x0  }
0x22b: {  	s17 =	sadd.s32 $0x9CA0, s14;
	[sflag:s25] =	ssyncadd.s32 $0xFFFFC000  }
0x22c: {  	[tilespmem:s28], [sflag:$0x4] =	stream.linear.gather [hbm4b:s17+s3], $0x80, $0x38;
	[tilespmem:$0x1DE80] =	vst v63  }
0x22d: {  	s18 =	rddreg [dreg:$0xa]  }
0x22e: {  	[tilespmem:s30], [sflag:$0x1] =	stream.indirect.gather [hbm4b:s4+s29], $0x80, s18, s29, $0xb8;
	[tilespmem:$0x1DE80] =	vst v63  }
0x22f: {  	_ =	swait.ge [sflag:s9], $0x4000  }
0x230: {  	[sflag:s9] =	ssyncset.done $0x0  }
0x231: {  	[sflag:s9] =	ssyncadd.s32 $0xFFFFC000  }
0x232: {  	_ =	swait.ge [sflag:s11], $0x80  }
0x233: {  	[sflag:s11] =	ssyncset.done $0x0  }
0x234: {  	[sflag:s11] =	ssyncadd.s32 $0xFFFFFF80  }
0x235: {  	[spmem:s1] =	stream.indirect.scatter.add.f32 [tilespmem:s0], [sflag:$0x6], $0x80, s31, s29, $0xb8;
	[tilespmem:$0x1DE80] =	vst v63  }
0x236: {  	_ =	swait.ge [sflag:s25], $0x4000  }
0x237: {  	[sflag:s25] =	ssyncset.done $0x0  }
0x238: {  	s17 =	sadd.s32 $0x9CB0, s14;
	[sflag:s25] =	ssyncadd.s32 $0xFFFFC000  }
0x239: {  	[tilespmem:s31], [sflag:$0x5] =	stream.linear.gather [hbm4b:s17+s3], $0x80, $0x38;
	[tilespmem:$0x1DE80] =	vst v63  }
0x23a: {  	s18 =	rddreg [dreg:$0xb]  }
0x23b: {  	[tilespmem:s0], [sflag:$0x2] =	stream.indirect.gather [hbm4b:s4+s29], $0x80, s18, s29, $0xb8;
	[tilespmem:$0x1DE80] =	vst v63  }
0x23c: {  	_ =	swait.ge [sflag:s6], $0x4000  }
0x23d: {  	[sflag:s6] =	ssyncset.done $0x0  }
0x23e: {  	[sflag:s6] =	ssyncadd.s32 $0xFFFFC000  }
0x23f: {  	_ =	swait.ge [sflag:s8], $0x80  }
0x240: {  	[sflag:s8] =	ssyncset.done $0x0  }
0x241: {  	[sflag:s8] =	ssyncadd.s32 $0xFFFFFF80  }
0x242: {  	[spmem:s1] =	stream.indirect.scatter.add.f32 [tilespmem:s30], [sflag:$0x6], $0x80, s28, s29, $0xb8;
	[tilespmem:$0x1DE80] =	vst v63  }
0x243: {  	_ =	swait.ge [sflag:s25], $0x4000  }
0x244: {  	[sflag:s25] =	ssyncset.done $0x0  }
0x245: {  	s17 =	sadd.s32 $0x9CC0, s14;
	[sflag:s25] =	ssyncadd.s32 $0xFFFFC000  }
0x246: {  	[tilespmem:s28], [sflag:$0x4] =	stream.linear.gather [hbm4b:s17+s3], $0x80, $0x38;
	[tilespmem:$0x1DE80] =	vst v63  }
0x247: {  	s18 =	rddreg [dreg:$0xc]  }
0x248: {  	[tilespmem:s30], [sflag:$0x1] =	stream.indirect.gather [hbm4b:s4+s29], $0x80, s18, s29, $0xb8;
	[tilespmem:$0x1DE80] =	vst v63  }
0x249: {  	_ =	swait.ge [sflag:s9], $0x4000  }
0x24a: {  	[sflag:s9] =	ssyncset.done $0x0  }
0x24b: {  	[sflag:s9] =	ssyncadd.s32 $0xFFFFC000  }
0x24c: {  	_ =	swait.ge [sflag:s11], $0x80  }
0x24d: {  	[sflag:s11] =	ssyncset.done $0x0  }
0x24e: {  	[sflag:s11] =	ssyncadd.s32 $0xFFFFFF80  }
0x24f: {  	[spmem:s1] =	stream.indirect.scatter.add.f32 [tilespmem:s0], [sflag:$0x6], $0x80, s31, s29, $0xb8;
	[tilespmem:$0x1DE80] =	vst v63  }
0x250: {  	_ =	swait.ge [sflag:s25], $0x4000  }
0x251: {  	[sflag:s25] =	ssyncset.done $0x0  }
0x252: {  	s17 =	sadd.s32 $0x9CD0, s14;
	[sflag:s25] =	ssyncadd.s32 $0xFFFFC000  }
0x253: {  	[tilespmem:s31], [sflag:$0x5] =	stream.linear.gather [hbm4b:s17+s3], $0x80, $0x38;
	[tilespmem:$0x1DE80] =	vst v63  }
0x254: {  	s18 =	rddreg [dreg:$0xd]  }
0x255: {  	[tilespmem:s0], [sflag:$0x2] =	stream.indirect.gather [hbm4b:s4+s29], $0x80, s18, s29, $0xb8;
	[tilespmem:$0x1DE80] =	vst v63  }
0x256: {  	_ =	swait.ge [sflag:s6], $0x4000  }
0x257: {  	[sflag:s6] =	ssyncset.done $0x0  }
0x258: {  	[sflag:s6] =	ssyncadd.s32 $0xFFFFC000  }
0x259: {  	_ =	swait.ge [sflag:s8], $0x80  }
0x25a: {  	[sflag:s8] =	ssyncset.done $0x0  }
0x25b: {  	[sflag:s8] =	ssyncadd.s32 $0xFFFFFF80  }
0x25c: {  	[spmem:s1] =	stream.indirect.scatter.add.f32 [tilespmem:s30], [sflag:$0x6], $0x80, s28, s29, $0xb8;
	[tilespmem:$0x1DE80] =	vst v63  }
0x25d: {  	_ =	swait.ge [sflag:s25], $0x4000  }
0x25e: {  	[sflag:s25] =	ssyncset.done $0x0  }
0x25f: {  	s17 =	sadd.s32 $0x9CE0, s14;
	[sflag:s25] =	ssyncadd.s32 $0xFFFFC000  }
0x260: {  	[tilespmem:s28], [sflag:$0x4] =	stream.linear.gather [hbm4b:s17+s3], $0x80, $0x38;
	[tilespmem:$0x1DE80] =	vst v63  }
0x261: {  	s18 =	rddreg [dreg:$0xe]  }
0x262: {  	[tilespmem:s30], [sflag:$0x1] =	stream.indirect.gather [hbm4b:s4+s29], $0x80, s18, s29, $0xb8;
	[tilespmem:$0x1DE80] =	vst v63  }
0x263: {  	_ =	swait.ge [sflag:s9], $0x4000  }
0x264: {  	[sflag:s9] =	ssyncset.done $0x0  }
0x265: {  	[sflag:s9] =	ssyncadd.s32 $0xFFFFC000  }
0x266: {  	_ =	swait.ge [sflag:s11], $0x80  }
0x267: {  	[sflag:s11] =	ssyncset.done $0x0  }
0x268: {  	[sflag:s11] =	ssyncadd.s32 $0xFFFFFF80  }
0x269: {  	[spmem:s1] =	stream.indirect.scatter.add.f32 [tilespmem:s0], [sflag:$0x6], $0x80, s31, s29, $0xb8;
	[tilespmem:$0x1DE80] =	vst v63  }
0x26a: {  	_ =	swait.ge [sflag:s25], $0x4000  }
0x26b: {  	[sflag:s25] =	ssyncset.done $0x0  }
0x26c: {  	s17 =	sadd.s32 $0x9CF0, s14;
	[sflag:s25] =	ssyncadd.s32 $0xFFFFC000  }
0x26d: {  	[tilespmem:s31], [sflag:$0x5] =	stream.linear.gather [hbm4b:s17+s3], $0x80, $0x38;
	[tilespmem:$0x1DE80] =	vst v63  }
0x26e: {  	s18 =	rddreg [dreg:$0xf]  }
0x26f: {  	[tilespmem:s0], [sflag:$0x2] =	stream.indirect.gather [hbm4b:s4+s29], $0x80, s18, s29, $0xb8;
	[tilespmem:$0x1DE80] =	vst v63  }
0x270: {  	_ =	swait.ge [sflag:s6], $0x4000  }
0x271: {  	[sflag:s6] =	ssyncset.done $0x0  }
0x272: {  	[sflag:s6] =	ssyncadd.s32 $0xFFFFC000  }
0x273: {  	_ =	swait.ge [sflag:s8], $0x80  }
0x274: {  	[sflag:s8] =	ssyncset.done $0x0  }
0x275: {  	[sflag:s8] =	ssyncadd.s32 $0xFFFFFF80  }
0x276: {  	[spmem:s1] =	stream.indirect.scatter.add.f32 [tilespmem:s30], [sflag:$0x6], $0x80, s28, s29, $0xb8;
	[tilespmem:$0x1DE80] =	vst v63  }
0x277: {  	_ =	swait.ge [sflag:s25], $0x4000  }
0x278: {  	[sflag:s25] =	ssyncset.done $0x0  }
0x279: {  	s17 =	sadd.s32 $0x9D00, s14;
	[sflag:s25] =	ssyncadd.s32 $0xFFFFC000  }
0x27a: {  	[tilespmem:s28], [sflag:$0x4] =	stream.linear.gather [hbm4b:s17+s3], $0x80, $0x38;
	[tilespmem:$0x1DE80] =	vst v63  }
0x27b: {  	s18 =	rddreg [dreg:$0x10]  }
0x27c: {  	[tilespmem:s30], [sflag:$0x1] =	stream.indirect.gather [hbm4b:s4+s29], $0x80, s18, s29, $0xb8;
	[tilespmem:$0x1DE80] =	vst v63  }
0x27d: {  	_ =	swait.ge [sflag:s9], $0x4000  }
0x27e: {  	[sflag:s9] =	ssyncset.done $0x0  }
0x27f: {  	[sflag:s9] =	ssyncadd.s32 $0xFFFFC000  }
0x280: {  	_ =	swait.ge [sflag:s11], $0x80  }
0x281: {  	[sflag:s11] =	ssyncset.done $0x0  }
0x282: {  	[sflag:s11] =	ssyncadd.s32 $0xFFFFFF80  }
0x283: {  	[spmem:s1] =	stream.indirect.scatter.add.f32 [tilespmem:s0], [sflag:$0x6], $0x80, s31, s29, $0xb8;
	[tilespmem:$0x1DE80] =	vst v63  }
0x284: {  	_ =	swait.ge [sflag:s25], $0x4000  }
0x285: {  	[sflag:s25] =	ssyncset.done $0x0  }
0x286: {  	[sflag:s25] =	ssyncadd.s32 $0xFFFFC000  }
0x287: {  	_ =	swait.ge [sflag:s6], $0x4000  }
0x288: {  	[sflag:s6] =	ssyncset.done $0x0  }
0x289: {  	[sflag:s6] =	ssyncadd.s32 $0xFFFFC000  }
0x28a: {  	_ =	swait.ge [sflag:s8], $0x80  }
0x28b: {  	[sflag:s8] =	ssyncset.done $0x0  }
0x28c: {  	[sflag:s8] =	ssyncadd.s32 $0xFFFFFF80  }
0x28d: {  	[spmem:s1] =	stream.indirect.scatter.add.f32 [tilespmem:s30], [sflag:$0x6], $0x80, s28, s29, $0xb8;
	[tilespmem:$0x1DE80] =	vst v63  }
0x28e: {  	_ =	swait.ge [sflag:s25], $0x4000  }
0x28f: {  	[sflag:s25] =	ssyncset.done $0x0  }
0x290: {  	[sflag:s25] =	ssyncadd.s32 $0xFFFFC000  }
0x291: {  	_ =	swait.ge [sflag:s26], $0x680  }
0x292: {  	[sflag:s26] =	ssyncset.done $0x0  }
0x293: {  	s18 =	sadd.s32 $0x9D10, s14;
	[sflag:s26] =	ssyncadd.s32 $0xFFFFF980  }
0x294: {  	[tilespmem:s28], [sflag:$0x4] =	stream.linear.gather [hbm4b:s18+s3], $0x80, $0x38;
	[tilespmem:$0x1DE80] =	vst v63  }
0x295: {  	_ = 	snop  }
0x296: {  	[tilespmem:s30], [sflag:$0x1] =	stream.indirect.gather [hbm4b:s4+s29], $0x80, s2, s29, $0xb8;
	[tilespmem:$0x1DE80] =	vst v63  }
0x297: {  	s17 =	sadd.s32 $0x9D20, s14;
	s16 =	rddreg [dreg:$0x5]  }
0x298: {  	[tilespmem:s31], [sflag:$0x5] =	stream.linear.gather [hbm4b:s17+s3], $0x80, $0x38;
	[tilespmem:$0x1DE80] =	vst v63  }
0x299: {  	p3 =	seq.s32 s15, $0x340;
	s18 =	rddreg [dreg:$0x11]  }
0x29a: {  	[tilespmem:s0], [sflag:$0x2] =	stream.indirect.gather [hbm4b:s4+s29], $0x80, s18, s29, $0xb8;
	[tilespmem:$0x1DE80] =	vst v63  }
0x29b: {  	s15 =	sadd.s32 @!p3 s15, s16;
	s16 =	simm.s32 @!p3 $0x0  }
0x29c: {  	[tilespmem:s16], [sflag:$0x3] =	stream.linear.gather @!p3 [hbm4b:s15+s16], $0x680, $0x38;
	[tilespmem:$0x1DE80] =	vst v63  }
0x29d: {  	_ =	swait.ge [sflag:s6], $0x4000  }
0x29e: {  	[sflag:s6] =	ssyncset.done $0x0  }
0x29f: {  	[sflag:s6] =	ssyncadd.s32 $0xFFFFC000  }
0x2a0: {  	_ =	swait.ge [sflag:s8], $0x80  }
0x2a1: {  	[sflag:s8] =	ssyncset.done $0x0  }
0x2a2: {  	[sflag:s8] =	ssyncadd.s32 $0xFFFFFF80  }
0x2a3: {  	[spmem:s1] =	stream.indirect.scatter.add.f32 [tilespmem:s30], [sflag:$0x6], $0x80, s28, s29, $0xb8;
	[tilespmem:$0x1DE80] =	vst v63  }
0x2a4: {  	_ =	swait.ge [sflag:s25], $0x4000  }
0x2a5: {  	[sflag:s25] =	ssyncset.done $0x0  }
0x2a6: {  	s17 =	sadd.s32 $0x9D30, s14;
	[sflag:s25] =	ssyncadd.s32 $0xFFFFC000  }
0x2a7: {  	[tilespmem:s28], [sflag:$0x4] =	stream.linear.gather [hbm4b:s17+s3], $0x80, $0x38;
	[tilespmem:$0x1DE80] =	vst v63  }
0x2a8: {  	s18 =	rddreg [dreg:$0x12]  }
0x2a9: {  	[tilespmem:s30], [sflag:$0x1] =	stream.indirect.gather [hbm4b:s4+s29], $0x80, s18, s29, $0xb8;
	[tilespmem:$0x1DE80] =	vst v63  }
0x2aa: {  	_ =	swait.ge [sflag:s9], $0x4000  }
0x2ab: {  	[sflag:s9] =	ssyncset.done $0x0  }
0x2ac: {  	[sflag:s9] =	ssyncadd.s32 $0xFFFFC000  }
0x2ad: {  	_ =	swait.ge [sflag:s11], $0x80  }
0x2ae: {  	[sflag:s11] =	ssyncset.done $0x0  }
0x2af: {  	[sflag:s11] =	ssyncadd.s32 $0xFFFFFF80  }
0x2b0: {  	[spmem:s1] =	stream.indirect.scatter.add.f32 [tilespmem:s0], [sflag:$0x6], $0x80, s31, s29, $0xb8;
	[tilespmem:$0x1DE80] =	vst v63  }
0x2b1: {  	_ =	swait.ge [sflag:s25], $0x4000  }
0x2b2: {  	[sflag:s25] =	ssyncset.done $0x0  }
0x2b3: {  	s17 =	sadd.s32 $0x9D40, s14;
	[sflag:s25] =	ssyncadd.s32 $0xFFFFC000  }
0x2b4: {  	[tilespmem:s31], [sflag:$0x5] =	stream.linear.gather [hbm4b:s17+s3], $0x80, $0x38;
	[tilespmem:$0x1DE80] =	vst v63  }
0x2b5: {  	s18 =	rddreg [dreg:$0x13]  }
0x2b6: {  	[tilespmem:s0], [sflag:$0x2] =	stream.indirect.gather [hbm4b:s4+s29], $0x80, s18, s29, $0xb8;
	[tilespmem:$0x1DE80] =	vst v63  }
0x2b7: {  	_ =	swait.ge [sflag:s6], $0x4000  }
0x2b8: {  	[sflag:s6] =	ssyncset.done $0x0  }
0x2b9: {  	[sflag:s6] =	ssyncadd.s32 $0xFFFFC000  }
0x2ba: {  	_ =	swait.ge [sflag:s8], $0x80  }
0x2bb: {  	[sflag:s8] =	ssyncset.done $0x0  }
0x2bc: {  	[sflag:s8] =	ssyncadd.s32 $0xFFFFFF80  }
0x2bd: {  	[spmem:s1] =	stream.indirect.scatter.add.f32 [tilespmem:s30], [sflag:$0x6], $0x80, s28, s29, $0xb8;
	[tilespmem:$0x1DE80] =	vst v63  }
0x2be: {  	_ =	swait.ge [sflag:s25], $0x4000  }
0x2bf: {  	[sflag:s25] =	ssyncset.done $0x0  }
0x2c0: {  	s17 =	sadd.s32 $0x9D50, s14;
	[sflag:s25] =	ssyncadd.s32 $0xFFFFC000  }
0x2c1: {  	[tilespmem:s28], [sflag:$0x4] =	stream.linear.gather [hbm4b:s17+s3], $0x80, $0x38;
	[tilespmem:$0x1DE80] =	vst v63  }
0x2c2: {  	s18 =	rddreg [dreg:$0x14]  }
0x2c3: {  	[tilespmem:s30], [sflag:$0x1] =	stream.indirect.gather [hbm4b:s4+s29], $0x80, s18, s29, $0xb8;
	[tilespmem:$0x1DE80] =	vst v63  }
0x2c4: {  	_ =	swait.ge [sflag:s9], $0x4000  }
0x2c5: {  	[sflag:s9] =	ssyncset.done $0x0  }
0x2c6: {  	[sflag:s9] =	ssyncadd.s32 $0xFFFFC000  }
0x2c7: {  	_ =	swait.ge [sflag:s11], $0x80  }
0x2c8: {  	[sflag:s11] =	ssyncset.done $0x0  }
0x2c9: {  	[sflag:s11] =	ssyncadd.s32 $0xFFFFFF80  }
0x2ca: {  	[spmem:s1] =	stream.indirect.scatter.add.f32 [tilespmem:s0], [sflag:$0x6], $0x80, s31, s29, $0xb8;
	[tilespmem:$0x1DE80] =	vst v63  }
0x2cb: {  	_ =	swait.ge [sflag:s25], $0x4000  }
0x2cc: {  	[sflag:s25] =	ssyncset.done $0x0  }
0x2cd: {  	s17 =	sadd.s32 $0x9D60, s14;
	[sflag:s25] =	ssyncadd.s32 $0xFFFFC000  }
0x2ce: {  	[tilespmem:s31], [sflag:$0x5] =	stream.linear.gather [hbm4b:s17+s3], $0x80, $0x38;
	[tilespmem:$0x1DE80] =	vst v63  }
0x2cf: {  	s18 =	rddreg [dreg:$0x15]  }
0x2d0: {  	[tilespmem:s0], [sflag:$0x2] =	stream.indirect.gather [hbm4b:s4+s29], $0x80, s18, s29, $0xb8;
	[tilespmem:$0x1DE80] =	vst v63  }
0x2d1: {  	_ =	swait.ge [sflag:s6], $0x4000  }
0x2d2: {  	[sflag:s6] =	ssyncset.done $0x0  }
0x2d3: {  	[sflag:s6] =	ssyncadd.s32 $0xFFFFC000  }
0x2d4: {  	_ =	swait.ge [sflag:s8], $0x80  }
0x2d5: {  	[sflag:s8] =	ssyncset.done $0x0  }
0x2d6: {  	[sflag:s8] =	ssyncadd.s32 $0xFFFFFF80  }
0x2d7: {  	[spmem:s1] =	stream.indirect.scatter.add.f32 [tilespmem:s30], [sflag:$0x6], $0x80, s28, s29, $0xb8;
	[tilespmem:$0x1DE80] =	vst v63  }
0x2d8: {  	_ =	swait.ge [sflag:s25], $0x4000  }
0x2d9: {  	[sflag:s25] =	ssyncset.done $0x0  }
0x2da: {  	s17 =	sadd.s32 $0x9D70, s14;
	[sflag:s25] =	ssyncadd.s32 $0xFFFFC000  }
0x2db: {  	[tilespmem:s28], [sflag:$0x4] =	stream.linear.gather [hbm4b:s17+s3], $0x80, $0x38;
	[tilespmem:$0x1DE80] =	vst v63  }
0x2dc: {  	s18 =	rddreg [dreg:$0x16]  }
0x2dd: {  	[tilespmem:s30], [sflag:$0x1] =	stream.indirect.gather [hbm4b:s4+s29], $0x80, s18, s29, $0xb8;
	[tilespmem:$0x1DE80] =	vst v63  }
0x2de: {  	_ =	swait.ge [sflag:s9], $0x4000  }
0x2df: {  	[sflag:s9] =	ssyncset.done $0x0  }
0x2e0: {  	[sflag:s9] =	ssyncadd.s32 $0xFFFFC000  }
0x2e1: {  	_ =	swait.ge [sflag:s11], $0x80  }
0x2e2: {  	[sflag:s11] =	ssyncset.done $0x0  }
0x2e3: {  	[sflag:s11] =	ssyncadd.s32 $0xFFFFFF80  }
0x2e4: {  	[spmem:s1] =	stream.indirect.scatter.add.f32 [tilespmem:s0], [sflag:$0x6], $0x80, s31, s29, $0xb8;
	[tilespmem:$0x1DE80] =	vst v63  }
0x2e5: {  	_ =	swait.ge [sflag:s25], $0x4000  }
0x2e6: {  	[sflag:s25] =	ssyncset.done $0x0  }
0x2e7: {  	s17 =	sadd.s32 $0x9D80, s14;
	[sflag:s25] =	ssyncadd.s32 $0xFFFFC000  }
0x2e8: {  	[tilespmem:s31], [sflag:$0x5] =	stream.linear.gather [hbm4b:s17+s3], $0x80, $0x38;
	[tilespmem:$0x1DE80] =	vst v63  }
0x2e9: {  	s18 =	rddreg [dreg:$0x17]  }
0x2ea: {  	[tilespmem:s0], [sflag:$0x2] =	stream.indirect.gather [hbm4b:s4+s29], $0x80, s18, s29, $0xb8;
	[tilespmem:$0x1DE80] =	vst v63  }
0x2eb: {  	_ =	swait.ge [sflag:s6], $0x4000  }
0x2ec: {  	[sflag:s6] =	ssyncset.done $0x0  }
0x2ed: {  	[sflag:s6] =	ssyncadd.s32 $0xFFFFC000  }
0x2ee: {  	_ =	swait.ge [sflag:s8], $0x80  }
0x2ef: {  	[sflag:s8] =	ssyncset.done $0x0  }
0x2f0: {  	[sflag:s8] =	ssyncadd.s32 $0xFFFFFF80  }
0x2f1: {  	[spmem:s1] =	stream.indirect.scatter.add.f32 [tilespmem:s30], [sflag:$0x6], $0x80, s28, s29, $0xb8;
	[tilespmem:$0x1DE80] =	vst v63  }
0x2f2: {  	_ =	swait.ge [sflag:s25], $0x4000  }
0x2f3: {  	[sflag:s25] =	ssyncset.done $0x0  }
0x2f4: {  	s17 =	sadd.s32 $0x9D90, s14;
	[sflag:s25] =	ssyncadd.s32 $0xFFFFC000  }
0x2f5: {  	[tilespmem:s28], [sflag:$0x4] =	stream.linear.gather [hbm4b:s17+s3], $0x80, $0x38;
	[tilespmem:$0x1DE80] =	vst v63  }
0x2f6: {  	s18 =	rddreg [dreg:$0x18]  }
0x2f7: {  	[tilespmem:s30], [sflag:$0x1] =	stream.indirect.gather [hbm4b:s4+s29], $0x80, s18, s29, $0xb8;
	[tilespmem:$0x1DE80] =	vst v63  }
0x2f8: {  	_ =	swait.ge [sflag:s9], $0x4000  }
0x2f9: {  	[sflag:s9] =	ssyncset.done $0x0  }
0x2fa: {  	[sflag:s9] =	ssyncadd.s32 $0xFFFFC000  }
0x2fb: {  	_ =	swait.ge [sflag:s11], $0x80  }
0x2fc: {  	[sflag:s11] =	ssyncset.done $0x0  }
0x2fd: {  	[sflag:s11] =	ssyncadd.s32 $0xFFFFFF80  }
0x2fe: {  	[spmem:s1] =	stream.indirect.scatter.add.f32 [tilespmem:s0], [sflag:$0x6], $0x80, s31, s29, $0xb8;
	[tilespmem:$0x1DE80] =	vst v63  }
0x2ff: {  	_ =	swait.ge [sflag:s25], $0x4000  }
0x300: {  	[sflag:s25] =	ssyncset.done $0x0  }
0x301: {  	s17 =	sadd.s32 $0x9DA0, s14;
	[sflag:s25] =	ssyncadd.s32 $0xFFFFC000  }
0x302: {  	[tilespmem:s31], [sflag:$0x5] =	stream.linear.gather [hbm4b:s17+s3], $0x80, $0x38;
	[tilespmem:$0x1DE80] =	vst v63  }
0x303: {  	s18 =	rddreg [dreg:$0x19]  }
0x304: {  	[tilespmem:s0], [sflag:$0x2] =	stream.indirect.gather [hbm4b:s4+s29], $0x80, s18, s29, $0xb8;
	[tilespmem:$0x1DE80] =	vst v63  }
0x305: {  	_ =	swait.ge [sflag:s6], $0x4000  }
0x306: {  	[sflag:s6] =	ssyncset.done $0x0  }
0x307: {  	[sflag:s6] =	ssyncadd.s32 $0xFFFFC000  }
0x308: {  	_ =	swait.ge [sflag:s8], $0x80  }
0x309: {  	[sflag:s8] =	ssyncset.done $0x0  }
0x30a: {  	[sflag:s8] =	ssyncadd.s32 $0xFFFFFF80  }
0x30b: {  	[spmem:s1] =	stream.indirect.scatter.add.f32 [tilespmem:s30], [sflag:$0x6], $0x80, s28, s29, $0xb8;
	[tilespmem:$0x1DE80] =	vst v63  }
0x30c: {  	_ =	swait.ge [sflag:s25], $0x4000  }
0x30d: {  	[sflag:s25] =	ssyncset.done $0x0  }
0x30e: {  	s17 =	sadd.s32 $0x9DB0, s14;
	[sflag:s25] =	ssyncadd.s32 $0xFFFFC000  }
0x30f: {  	[tilespmem:s28], [sflag:$0x4] =	stream.linear.gather [hbm4b:s17+s3], $0x80, $0x38;
	[tilespmem:$0x1DE80] =	vst v63  }
0x310: {  	s18 =	rddreg [dreg:$0x1a]  }
0x311: {  	[tilespmem:s30], [sflag:$0x1] =	stream.indirect.gather [hbm4b:s4+s29], $0x80, s18, s29, $0xb8;
	[tilespmem:$0x1DE80] =	vst v63  }
0x312: {  	_ =	swait.ge [sflag:s9], $0x4000  }
0x313: {  	[sflag:s9] =	ssyncset.done $0x0  }
0x314: {  	[sflag:s9] =	ssyncadd.s32 $0xFFFFC000  }
0x315: {  	_ =	swait.ge [sflag:s11], $0x80  }
0x316: {  	[sflag:s11] =	ssyncset.done $0x0  }
0x317: {  	[sflag:s11] =	ssyncadd.s32 $0xFFFFFF80  }
0x318: {  	[spmem:s1] =	stream.indirect.scatter.add.f32 [tilespmem:s0], [sflag:$0x6], $0x80, s31, s29, $0xb8;
	[tilespmem:$0x1DE80] =	vst v63  }
0x319: {  	_ =	swait.ge [sflag:s25], $0x4000  }
0x31a: {  	[sflag:s25] =	ssyncset.done $0x0  }
0x31b: {  	s16 =	sadd.s32 $0x9DC0, s14;
	[sflag:s25] =	ssyncadd.s32 $0xFFFFC000  }
0x31c: {  	[tilespmem:s31], [sflag:$0x5] =	stream.linear.gather [hbm4b:s16+s3], $0x80, $0x38;
	[tilespmem:$0x1DE80] =	vst v63  }
0x31d: {  	s17 =	rddreg [dreg:$0x1b]  }
0x31e: {  	[tilespmem:s0], [sflag:$0x2] =	stream.indirect.gather [hbm4b:s4+s29], $0x80, s17, s29, $0xb8;
	[tilespmem:$0x1DE80] =	vst v63  }
0x31f: {  	_ =	swait.ge [sflag:s6], $0x4000  }
0x320: {  	[sflag:s6] =	ssyncset.done $0x0  }
0x321: {  	[sflag:s6] =	ssyncadd.s32 $0xFFFFC000  }
0x322: {  	_ =	swait.ge [sflag:s8], $0x80  }
0x323: {  	[sflag:s8] =	ssyncset.done $0x0  }
0x324: {  	[sflag:s8] =	ssyncadd.s32 $0xFFFFFF80  }
0x325: {  	[spmem:s1] =	stream.indirect.scatter.add.f32 [tilespmem:s30], [sflag:$0x6], $0x80, s28, s29, $0xb8;
	[tilespmem:$0x1DE80] =	vst v63  }
0x326: {  	_ =	swait.ge [sflag:s25], $0x4000  }
0x327: {  	[sflag:s25] =	ssyncset.done $0x0  }
0x328: {  	s14 =	sadd.s32 $0x9DD0, s14;
	[sflag:s25] =	ssyncadd.s32 $0xFFFFC000  }
0x329: {  	[tilespmem:s28], [sflag:$0x4] =	stream.linear.gather [hbm4b:s14+s3], $0x80, $0x38;
	[tilespmem:$0x1DE80] =	vst v63  }
0x32a: {  	s18 =	rddreg [dreg:$0x1c]  }
0x32b: {  	[tilespmem:s30], [sflag:$0x1] =	stream.indirect.gather [hbm4b:s4+s29], $0x80, s18, s29, $0xb8;
	[tilespmem:$0x1DE80] =	vst v63  }
0x32c: {  	_ =	swait.ge [sflag:s9], $0x4000  }
0x32d: {  	[sflag:s9] =	ssyncset.done $0x0  }
0x32e: {  	[sflag:s9] =	ssyncadd.s32 $0xFFFFC000  }
0x32f: {  	_ =	swait.ge [sflag:s11], $0x80  }
0x330: {  	[sflag:s11] =	ssyncset.done $0x0  }
0x331: {  	[sflag:s11] =	ssyncadd.s32 $0xFFFFFF80  }
0x332: {  	[spmem:s1] =	stream.indirect.scatter.add.f32 [tilespmem:s0], [sflag:$0x6], $0x80, s31, s29, $0xb8;
	[tilespmem:$0x1DE80] =	vst v63  }
0x333: {  	_ =	swait.ge [sflag:s25], $0x4000  }
0x334: {  	[sflag:s25] =	ssyncset.done $0x0  }
0x335: {  	[sflag:s25] =	ssyncadd.s32 $0xFFFFC000  }
0x336: {  	_ =	swait.ge [sflag:s6], $0x4000  }
0x337: {  	[sflag:s6] =	ssyncset.done $0x0  }
0x338: {  	s13 =	sadd.s32 $0x1A0, s13;
	[sflag:s6] =	ssyncadd.s32 $0xFFFFC000  }
0x339: {  	p2 =	sne.s32 s13, $0x4E0;
	_ =	swait.ge [sflag:s8], $0x80  }
.Ltmp1:
0x33a: {  	[sflag:s8] =	ssyncset.done $0x0;
	(pc) =	sbr.rel @p2 .LBB2_4-.Ltmp1, $4  }
0x33b: {  	[sflag:s8] =	ssyncadd.s32 $0xFFFFFF80  }
0x33c: {  	[spmem:s1] =	stream.indirect.scatter.add.f32 [tilespmem:s30], [sflag:$0x6], $0x80, s28, s29, $0xb8;
	[tilespmem:$0x1DE80] =	vst v63  }
0x33d: {  	_ =	swait.ge [sflag:s25], $0x4000  }
0x33e: {  	[sflag:s25] =	ssyncset.done $0x0  }
0x33f: {  	[sflag:s25] =	ssyncadd.s32 $0xFFFFC000;
	s13 =	simm.s32 @!p1 $0x0;
	s14 =	rddreg [dreg:$0x1e]  }
0x340: {  	[tilespmem:s13], [sflag:$0x6] =	stream.linear.gather @!p1 [hbm4b:s14+s13], $0x80, $0x38;
	[tilespmem:$0x1DE80] =	vst v63  }
0x341: {  	s14 =	simm.s32 @!p1 $0x6  }
0x342: {  	_ =	swait.ge @!p1 [sflag:s14], $0x80  }
0x343: {  	[sflag:s14] =	ssyncset.done @!p1 $0x0  }
0x344: {  	s15 =	simm.s32 @!p1 $0xD00;
	s16 =	rddreg [dreg:$0x1f];
	[sflag:s14] =	ssyncadd.s32 @!p1 $0xFFFFFF80  }
0x345: {  	[tilespmem:s15], [sflag:$0x6] =	stream.linear.gather @!p1 [hbm4b:s16+s13], $0x80, $0x38;
	[tilespmem:$0x1DE80] =	vst v63  }
0x346: {  	_ =	swait.ge @!p1 [sflag:s14], $0x80  }
0x347: {  	[sflag:s14] =	ssyncset.done @!p1 $0x0  }
0x348: {  	s17 =	simm.s32 @!p1 $0xE00;
	s16 =	simm.s32 @!p1 $0x80;
	[sflag:s14] =	ssyncadd.s32 @!p1 $0xFFFFFF80  }
0x349: {  	[tilespmem:s17], [sflag:$0x1] =	stream.indirect.gather @!p1 [hbm4b:s4+s16], $0x80, s13, s16, $0xb8;
	[tilespmem:$0x1DE80] =	vst v63  }
0x34a: {  	s13 =	simm.s32 @!p1 $0x1  }
0x34b: {  	_ =	swait.ge @!p1 [sflag:s13], $0x4000  }
0x34c: {  	[sflag:s13] =	ssyncset.done @!p1 $0x0  }
0x34d: {  	[sflag:s13] =	ssyncadd.s32 @!p1 $0xFFFFC000  }
0x34e: {  	[spmem:s1] =	stream.indirect.scatter.add.f32 @!p1 [tilespmem:s17], [sflag:$0x6], $0x80, s15, s16, $0xb8;
	[tilespmem:$0x1DE80] =	vst v63  }
0x34f: {  	_ =	swait.ge @!p1 [sflag:s14], $0x4000  }
0x350: {  	s17 =	stileid.u32;
	[sflag:s14] =	ssyncset.done @!p1 $0x0  }
0x351: {  	s13 =	sshll.u32 s17, $0x6;
	[sflag:s14] =	ssyncadd.s32 @!p1 $0xFFFFC000  }
0x352: {  	s13 =	sor.u32 $0x1C06, s13;
	s14 =	sshrl.u32 @p0 s5, $0x3;
	[bflag:$0x0] =	sbarrier.arrive $0xFFFF  }
0x353: {  	[hbm:s10], [sflag:s13] =	dma.local @p0 [spmem:s14], $0x2700  }
0x354: {  	s14 =	simm.s32 @p0 $0x6  }
0x355: {  	_ =	swait.ge @p0 [sflag:s14], $0x2700  }
0x356: {  	[sflag:s14] =	ssyncset.done @p0 $0x0  }
0x357: {  	[sflag:s14] =	ssyncadd.s32 @p0 $0xFFFFD900;
	s14 =	sshrl.u32 @!p0 s5, $0x3  }
0x358: {  	[hbm:s10], [sflag:s13] =	dma.local @!p0 [spmem:s14], $0x2780  }
0x359: {  	s13 =	simm.s32 @!p0 $0x6  }
0x35a: {  	_ =	swait.ge @!p0 [sflag:s13], $0x2780  }
0x35b: {  	s18 =	sld [smem:$0x7F6];
	_ =	sdelay $0x1  }
0x35c: {  	s12 =	sadd.s32 $0x1, s12  }
0x35d: {  	p2 =	sne.s32 s12, s18  }
.Ltmp2:
0x35e: {  	_ = 	snop;
	(pc) =	sbr.rel @p2 .LBB2_1-.Ltmp2, $3  }
0x35f: {  	_ =	sdelay $0x1  }
0x360: {  	[sflag:s13] =	ssyncset.done @!p0 $0x0  }
0x361: {  	[sflag:s13] =	ssyncadd.s32 @!p0 $0xFFFFD880  }
0x362: {  	_ =	sfence.sel $0x180000  }
0x363: {  	[bflag:$0x0] =	sbarrier.arrive $0xFFFF  }
0x364: {  	_ =	strace $0x90000047  }
0x365: {  	s0 =	stileid.u32;
	[bflag:$0x2] =	sbarrier.arrive $0xFFFF  }
0x366: {  	p0 =	sne.s32 s0, $0x0;
	s0 =	rddreg [dreg:$0x2]  }
0x367: {  	s0 =	sadd.s32 @!p0 $0x100000, s0  }
0x368: {  	[sflag:s0] =	ssyncadd.tile.s32 @!p0 $0x1;
	_ =	shalt  }
.Lfunc_end2:
_tile_overlayer_lowered:
.L_overlay_start_2:
0x369: {  	(tag) =	ssettag $0x2  }
0x36a: {  	s0 =	rddreg [dreg:$0x0];
	s2 =	stileid.u32  }
0x36b: {  	s1 =	rddreg [dreg:$0x1];
	p0 =	sne.s32 s2, $0x0  }
0x36c: {  	s3 =	rddreg [dreg:$0x2];
	[bflag:$0x3] =	sbarrier.arrive $0xFFFF;
	s2 =	simm.s32 @!p0 $0x1C06  }
0x36d: {  	[timem:s3], [sflag:s2] =	dma.local @!p0 [hbm:s0], s1  }
0x36e: {  	s0 =	simm.s32 @!p0 $0x6  }
0x36f: {  	_ =	swait.ge @!p0 [sflag:s0], s1  }
0x370: {  	s1 =	ssub.s32 @!p0 $0x0, s1;
	[sflag:s0] =	ssyncset.done @!p0 $0x0  }
0x371: {  	[sflag:s0] =	ssyncadd.s32 @!p0 s1  }
0x372: {  	[bflag:$0x3] =	sbarrier.arrive $0xFFFF  }
0x373: {  	_ =	shalt  }

</sc_bundles>
